<compile_context>
chip_gen: v7x
topology: tpu7x:2x2x1
jax: 0.10.2.dev20260603
libtpu: 0.0.44.dev20260713+nightly
codegen_flags: <defaults>
</compile_context>

<pallas_src>
import dataclasses
import functools

import jax
import jax.numpy as jnp
from jax import lax
from jax.experimental import pallas as pl
from jax.experimental.pallas import tpu as pltpu
from jax.experimental.pallas import tpu_sc as plsc

B = 1024
L = 512
D = 64
GENE_V = 100000
EXPR_V = 1000

NC = 2
NS = 16
NW = NC * NS
TOK = B * L
TPW = TOK // NW
CH = 64
NCHUNK = TPW // CH
CPB = L // CH
CPW = B // NW


def _premix_gene_body(g_ref, w_ref, o_ref):
    w1 = w_ref[...][:, :D]
    h = lax.dot_general(g_ref[...], w1, (((1,), (1,)), ((), ())),
                        preferred_element_type=jnp.float32)
    o_ref[...] = jnp.concatenate([h, jnp.zeros_like(h)], axis=1)


def _premix_small_body(e_ref, w_ref, b_ref, c_ref, l_ref, p_ref, beta_ref,
                       eo_ref, co_ref, lo_ref, po_ref):
    w2 = w_ref[...][:, D:]
    h = lax.dot_general(e_ref[...], w2, (((1,), (1,)), ((), ())),
                        preferred_element_type=jnp.float32) + b_ref[...]
    z = jnp.zeros_like(h)
    eo_ref[...] = jnp.concatenate([z, h], axis=1)
    co_ref[...] = jnp.concatenate([c_ref[...], z], axis=1)
    lo_ref[...] = jnp.concatenate([z, l_ref[...]], axis=1)
    po_ref[...] = p_ref[...] + beta_ref[...]


def _rsqrt_vec(v):
    i = lax.bitcast_convert_type(v, jnp.int32)
    i = jnp.int32(0x5F3759DF) - lax.shift_right_arithmetic(i, jnp.int32(1))
    y = lax.bitcast_convert_type(i, jnp.float32)
    for _ in range(2):
        y = y * (1.5 - 0.5 * v * y * y)
    return y


def _sc_gather_ln(gm_hbm, em_hbm, gi_hbm, ei_hbm, ct_hbm, lt_hbm, ci_hbm,
                  li_hbm, posb_hbm, gamma_hbm, out_hbm,
                  gidx_all, eidx_all, rows_g0, rows_g1, rows_e0, rows_e1,
                  rows_o0, rows_o1, posb_v, gamma_v, cidx_v, lidx_v, orow,
                  sem_g0, sem_g1, sem_e0, sem_e1, sem_w0, sem_w1, sem):
    wid = lax.axis_index("s") * NC + lax.axis_index("c")
    rows_g = (rows_g0, rows_g1)
    rows_e = (rows_e0, rows_e1)
    rows_o = (rows_o0, rows_o1)
    sem_w = (sem_w0, sem_w1)
    sem_g = (sem_g0, sem_g1)
    sem_e = (sem_e0, sem_e1)

    pltpu.sync_copy(posb_hbm, posb_v)
    pltpu.sync_copy(gamma_hbm, gamma_v)

    crow = rows_g0.at[pl.ds(0, CPW)]
    lrow = rows_e0.at[pl.ds(0, CPW)]
    cb = wid * CPW
    pltpu.sync_copy(ci_hbm.at[pl.ds(cb, CPW)], cidx_v)
    pltpu.sync_copy(li_hbm.at[pl.ds(cb, CPW)], lidx_v)
    pltpu.async_copy(ct_hbm.at[cidx_v], crow, sem).wait()
    pltpu.async_copy(lt_hbm.at[lidx_v], lrow, sem).wait()

    @pl.loop(0, CPW)
    def _(r):
        for i in range(D // 16):
            sl = pl.ds(i * 16, 16)
            sh = pl.ds(D + i * 16, 16)
            orow[r, sl] = rows_g0[r, sl] + rows_e0[r, sh]

    base0 = wid * TPW
    gvs = [gamma_v[pl.ds(i * 16, 16)] for i in range(D // 16)]

    NCH = NCHUNK // 4
    HTOK = TPW // 4

    def fire(c, b):
        sl = pl.ds(c * CH, CH)
        pltpu.async_copy(gm_hbm.at[gidx_all.at[sl]], rows_g[b], sem_g[b])
        pltpu.async_copy(em_hbm.at[eidx_all.at[sl]], rows_e[b], sem_e[b])

    def drain_w(b):
        pltpu.make_async_copy(rows_o[b], out_hbm.at[pl.ds(base0, CH)],
                              sem_w[b]).wait()

    def drain(c, b):
        sl = pl.ds(c * CH, CH)
        pltpu.make_async_copy(gm_hbm.at[gidx_all.at[sl]], rows_g[b],
                              sem_g[b]).wait()
        pltpu.make_async_copy(em_hbm.at[eidx_all.at[sl]], rows_e[b],
                              sem_e[b]).wait()

    def process(ch, b):
        rg, re, ro = rows_g[b], rows_e[b], rows_o[b]
        po = (ch % CPB) * CH

        @pl.loop(0, CH)
        def _(r):
            vs = []
            for i in range(D // 16):
                sl = pl.ds(i * 16, 16)
                sh = pl.ds(D + i * 16, 16)
                vs.append(jnp.maximum(rg[r, sl] + re[r, sh], 0.0))
            s1 = (vs[0] + vs[1]) + (vs[2] + vs[3])
            s2 = (vs[0] * vs[0] + vs[1] * vs[1]) + \
                 (vs[2] * vs[2] + vs[3] * vs[3])
            mean = jnp.sum(s1) * (1.0 / D)
            var = jnp.sum(s2) * (1.0 / D) - mean * mean + 1e-5
            rs = _rsqrt_vec(jnp.broadcast_to(var, (16,)))
            vmean = jnp.broadcast_to(mean, (16,))
            p = po + r
            for i in range(D // 16):
                sl = pl.ds(i * 16, 16)
                ro[r, sl] = (vs[i] - vmean) * (rs * gvs[i]) + posb_v[p, sl]

        @pl.when(ch % CPB == 0)
        def _():
            bl = ch // CPB
            for i in range(D // 16):
                sl = pl.ds(i * 16, 16)
                ro[0, sl] = ro[0, sl] + orow[bl, sl]

        pltpu.async_copy(ro, out_hbm.at[pl.ds(base0 + ch * CH, CH)],
                         sem_w[b])

    for h in range(4):
        hb = h * HTOK
        pltpu.sync_copy(gi_hbm.at[pl.ds(base0 + hb, HTOK)], gidx_all)
        pltpu.sync_copy(ei_hbm.at[pl.ds(base0 + hb, HTOK)], eidx_all)
        fire(0, 0)
        fire(1, 1)

        @pl.loop(0, NCH, step=2)
        def _(c):
            drain(c, 0)

            @pl.when(c >= 2)
            def _():
                drain_w(0)

            process(h * NCH + c, 0)

            @pl.when(c + 2 < NCH)
            def _():
                fire(c + 2, 0)

            drain(c + 1, 1)

            @pl.when(c >= 2)
            def _():
                drain_w(1)

            process(h * NCH + c + 1, 1)

            @pl.when(c + 3 < NCH)
            def _():
                fire(c + 3, 1)

        drain_w(0)
        drain_w(1)


@functools.cache
def _sc_gather_call():
    cp = pltpu.CompilerParams()
    if "needs_layout_passes" in pltpu.CompilerParams.__dataclass_fields__:
        cp = dataclasses.replace(cp, needs_layout_passes=False)
    return functools.partial(
        pl.kernel,
        out_type=jax.ShapeDtypeStruct((TOK, D), jnp.float32),
        compiler_params=cp,
        mesh=plsc.VectorSubcoreMesh(core_axis_name="c", subcore_axis_name="s"),
        scratch_types=[
            pltpu.VMEM((TPW // 4,), jnp.int32),
            pltpu.VMEM((TPW // 4,), jnp.int32),
            pltpu.VMEM((CH, 2 * D), jnp.float32),
            pltpu.VMEM((CH, 2 * D), jnp.float32),
            pltpu.VMEM((CH, 2 * D), jnp.float32),
            pltpu.VMEM((CH, 2 * D), jnp.float32),
            pltpu.VMEM((CH, D), jnp.float32),
            pltpu.VMEM((CH, D), jnp.float32),
            pltpu.VMEM((L, D), jnp.float32),
            pltpu.VMEM((D,), jnp.float32),
            pltpu.VMEM((CPW,), jnp.int32),
            pltpu.VMEM((CPW,), jnp.int32),
            pltpu.VMEM((CPW, D), jnp.float32),
            pltpu.SemaphoreType.DMA,
            pltpu.SemaphoreType.DMA,
            pltpu.SemaphoreType.DMA,
            pltpu.SemaphoreType.DMA,
            pltpu.SemaphoreType.DMA,
            pltpu.SemaphoreType.DMA,
            pltpu.SemaphoreType.DMA,
        ],
    )(_sc_gather_ln)


GBLK = 4000


def kernel(gene_ids, expression_tokens, condition_tokens, library_size,
           gene_table, expr_table, cond_table, lib_table, pos_table,
           W_mix, b_mix, ln_gamma, ln_beta):
    gi = jnp.asarray(gene_ids, jnp.int32).reshape(TOK)
    ei = jnp.asarray(expression_tokens, jnp.int32).reshape(TOK)
    ci = jnp.asarray(condition_tokens, jnp.int32)
    li = jnp.asarray(library_size, jnp.int32)

    gene_mixed = pl.pallas_call(
        _premix_gene_body,
        grid=(GENE_V // GBLK,),
        in_specs=[pl.BlockSpec((GBLK, D), lambda i: (i, 0)),
                  pl.BlockSpec((D, 2 * D), lambda i: (0, 0))],
        out_specs=pl.BlockSpec((GBLK, 2 * D), lambda i: (i, 0)),
        out_shape=jax.ShapeDtypeStruct((GENE_V, 2 * D), jnp.float32),
    )(gene_table, W_mix)

    expr_mixed, cond_wide, lib_wide, posb = pl.pallas_call(
        _premix_small_body,
        grid=(1,),
        in_specs=[pl.BlockSpec((EXPR_V, D), lambda i: (0, 0)),
                  pl.BlockSpec((D, 2 * D), lambda i: (0, 0)),
                  pl.BlockSpec((1, D), lambda i: (0, 0)),
                  pl.BlockSpec((EXPR_V, D), lambda i: (0, 0)),
                  pl.BlockSpec((EXPR_V, D), lambda i: (0, 0)),
                  pl.BlockSpec((L, D), lambda i: (0, 0)),
                  pl.BlockSpec((1, D), lambda i: (0, 0))],
        out_specs=[pl.BlockSpec((EXPR_V, 2 * D), lambda i: (0, 0)),
                   pl.BlockSpec((EXPR_V, 2 * D), lambda i: (0, 0)),
                   pl.BlockSpec((EXPR_V, 2 * D), lambda i: (0, 0)),
                   pl.BlockSpec((L, D), lambda i: (0, 0))],
        out_shape=[jax.ShapeDtypeStruct((EXPR_V, 2 * D), jnp.float32),
                   jax.ShapeDtypeStruct((EXPR_V, 2 * D), jnp.float32),
                   jax.ShapeDtypeStruct((EXPR_V, 2 * D), jnp.float32),
                   jax.ShapeDtypeStruct((L, D), jnp.float32)],
    )(expr_table, W_mix, b_mix.reshape(1, D), cond_table, lib_table,
      pos_table, ln_beta.reshape(1, D))

    out = _sc_gather_call()(gene_mixed, expr_mixed, gi, ei,
                            cond_wide, lib_wide, ci, li, posb, ln_gamma)

    return out.reshape(B, L, D)

# --- scband reference (transcript-rebuilt; emitter-appended) ---
"""Pipeline reference for scband-token-embedding-layer-43061342110132 (READ-ONLY COPY).

The authoritative reference and input builder live on the scoring server;
editing this copy changes nothing except your own understanding.
"""

import jax, jax.numpy as jnp
import numpy as np

B = 1024
L = 512
D = 64
GENE_V = 100000
EXPR_V = 1000
COND_V = 1000
LIB_V = 1000
PAD = 0
MAXLEN = 512


def setup_inputs(seed: int = 0) -> dict:
    key = jax.random.key(seed)
    ks = jax.random.split(key, 16)
    gene_ids = jax.random.randint(ks[0], (B, L), 0, GENE_V)
    expression_tokens = jax.random.randint(ks[1], (B, L), 0, EXPR_V)
    condition_tokens = jax.random.randint(ks[2], (B,), 0, COND_V)
    library_size = jax.random.randint(ks[3], (B,), 0, LIB_V)
    gene_table = jax.random.normal(ks[4], (GENE_V, D), dtype=jnp.float32) * 0.02
    gene_table = gene_table.at[PAD].set(0.0)  # padding_idx row is zero
    expr_table = jax.random.normal(ks[5], (EXPR_V, D), dtype=jnp.float32) * 0.02
    expr_table = expr_table.at[PAD].set(0.0)  # padding_idx row is zero
    cond_table = jax.random.normal(ks[6], (COND_V, D), dtype=jnp.float32) * 0.02
    lib_table = jax.random.normal(ks[7], (LIB_V, D), dtype=jnp.float32) * 0.02
    pos_table = jax.random.normal(ks[8], (MAXLEN, D), dtype=jnp.float32) * 0.02
    W_mix = jax.random.normal(ks[9], (D, 2 * D), dtype=jnp.float32) * 0.02
    b_mix = jnp.zeros((D,), dtype=jnp.float32)
    ln_gamma = jnp.ones((D,), dtype=jnp.float32)
    ln_beta = jnp.zeros((D,), dtype=jnp.float32)
    return {
        'gene_ids': gene_ids,
        'expression_tokens': expression_tokens,
        'condition_tokens': condition_tokens,
        'library_size': library_size,
        'gene_table': gene_table,
        'expr_table': expr_table,
        'cond_table': cond_table,
        'lib_table': lib_table,
        'pos_table': pos_table,
        'W_mix': W_mix,
        'b_mix': b_mix,
        'ln_gamma': ln_gamma,
        'ln_beta': ln_beta,
    }


def _layer_norm(x, gamma, beta, eps=1e-5):
    mean = jnp.mean(x, axis=-1, keepdims=True)
    var = jnp.mean(jnp.square(x - mean), axis=-1, keepdims=True)
    return (x - mean) / jnp.sqrt(var + eps) * gamma + beta


def reference(gene_ids, expression_tokens, condition_tokens, library_size,
              gene_table, expr_table, cond_table, lib_table, pos_table,
              W_mix, b_mix, ln_gamma, ln_beta):
    # embedding lookups (SparseCore gathers)
    gene_embed = jnp.take(gene_table, gene_ids, axis=0)          # [B, L, D]
    expr_embed = jnp.take(expr_table, expression_tokens, axis=0)  # [B, L, D]
    g_e_cat = jnp.concatenate([gene_embed, expr_embed], axis=-1)  # [B, L, 2D]
    # mix_layer: Linear -> ReLU -> Dropout(eval: identity) -> LayerNorm
    h = jnp.einsum('bld,od->blo', g_e_cat, W_mix) + b_mix
    h = jax.nn.relu(h)
    combined = _layer_norm(h, ln_gamma, ln_beta)
    # positional embeddings
    positions = jnp.arange(L)
    pos_embed = jnp.take(pos_table, positions, axis=0)[None, :, :]
    combined = combined + pos_embed
    # CLS token additions
    cls = combined[:, 0, :]
    cond_embed = jnp.take(cond_table, condition_tokens, axis=0)
    cls = cls + cond_embed
    lib_embed = jnp.take(lib_table, library_size, axis=0)
    cls = cls + lib_embed
    combined = jnp.concatenate([cls[:, None, :], combined[:, 1:, :]], axis=1)
    return combined

if __name__ == "__main__":
    import jax
    _d = setup_inputs()
    print(jax.jit(kernel)(*tuple(_d.values())))

</pallas_src>

<mosaic_0001>
#map = affine_map<(d0, d1) -> (0, 0)>
#map1 = affine_map<(d0, d1) -> (0)>
module attributes {stable_mosaic.version = 14 : i64} {
  func.func @_sc_gather_ln(%arg0: i32, %arg1: i32, %arg2: memref<100000x128xf32, #tpu.memory_space<hbm>>, %arg3: memref<1000x128xf32, #tpu.memory_space<hbm>>, %arg4: memref<524288xi32, #tpu.memory_space<hbm>>, %arg5: memref<524288xi32, #tpu.memory_space<hbm>>, %arg6: memref<1000x128xf32, #tpu.memory_space<hbm>>, %arg7: memref<1000x128xf32, #tpu.memory_space<hbm>>, %arg8: memref<1024xi32, #tpu.memory_space<hbm>>, %arg9: memref<1024xi32, #tpu.memory_space<hbm>>, %arg10: memref<512x64xf32, #tpu.memory_space<hbm>>, %arg11: memref<64xf32, #tpu.memory_space<hbm>>, %arg12: memref<524288x64xf32, #tpu.memory_space<hbm>>, %arg13: memref<4096xi32, #tpu.memory_space<vmem>>, %arg14: memref<4096xi32, #tpu.memory_space<vmem>>, %arg15: memref<64x128xf32, #tpu.memory_space<vmem>>, %arg16: memref<64x128xf32, #tpu.memory_space<vmem>>, %arg17: memref<64x128xf32, #tpu.memory_space<vmem>>, %arg18: memref<64x128xf32, #tpu.memory_space<vmem>>, %arg19: memref<64x64xf32, #tpu.memory_space<vmem>>, %arg20: memref<64x64xf32, #tpu.memory_space<vmem>>, %arg21: memref<512x64xf32, #tpu.memory_space<vmem>>, %arg22: memref<64xf32, #tpu.memory_space<vmem>>, %arg23: memref<32xi32, #tpu.memory_space<vmem>>, %arg24: memref<32xi32, #tpu.memory_space<vmem>>, %arg25: memref<32x64xf32, #tpu.memory_space<vmem>>, %arg26: memref<!tpu.dma_semaphore, #tpu.memory_space<semaphore_mem>>, %arg27: memref<!tpu.dma_semaphore, #tpu.memory_space<semaphore_mem>>, %arg28: memref<!tpu.dma_semaphore, #tpu.memory_space<semaphore_mem>>, %arg29: memref<!tpu.dma_semaphore, #tpu.memory_space<semaphore_mem>>, %arg30: memref<!tpu.dma_semaphore, #tpu.memory_space<semaphore_mem>>, %arg31: memref<!tpu.dma_semaphore, #tpu.memory_space<semaphore_mem>>, %arg32: memref<!tpu.dma_semaphore, #tpu.memory_space<semaphore_mem>>) attributes {dimension_semantics = [#tpu.dimension_semantics<core_parallel>, #tpu.dimension_semantics<subcore_parallel>], iteration_bounds = array<i64: 2, 16>, scalar_prefetch = 0 : i64, scratch_operands = 20 : i64, tpu.core_type = #tpu.core_type<sc_vector_subcore>, window_params = [{transform_indices = #map}, {transform_indices = #map}, {transform_indices = #map1}, {transform_indices = #map1}, {transform_indices = #map}, {transform_indices = #map}, {transform_indices = #map1}, {transform_indices = #map1}, {transform_indices = #map}, {transform_indices = #map1}, {transform_indices = #map}]} {
    %mul3A = arith.constant 2 : i32
    %mul3A_0 = arith.muli %arg1, %mul3A : i32
    %add3A = arith.addi %mul3A_0, %arg0 : i32
    "tpu.region"() ({
      %run_scoped3A = tpu.sem_alloc : memref<!tpu.dma_semaphore, #tpu.memory_space<semaphore_mem>>
      tpu.enqueue_dma source(%arg10 : memref<512x64xf32, #tpu.memory_space<hbm>>) target(%arg21 : memref<512x64xf32, #tpu.memory_space<vmem>>) target_semaphore(%run_scoped3A : memref<!tpu.dma_semaphore, #tpu.memory_space<semaphore_mem>>)
      tpu.wait_dma2 semaphore(%run_scoped3A : memref<!tpu.dma_semaphore, #tpu.memory_space<semaphore_mem>>) src(%arg10 : memref<512x64xf32, #tpu.memory_space<hbm>>) dst(%arg21 : memref<512x64xf32, #tpu.memory_space<vmem>>)
      tpu.yield
    }) : () -> ()
    "tpu.region"() ({
      %run_scoped3A = tpu.sem_alloc : memref<!tpu.dma_semaphore, #tpu.memory_space<semaphore_mem>>
      tpu.enqueue_dma source(%arg11 : memref<64xf32, #tpu.memory_space<hbm>>) target(%arg22 : memref<64xf32, #tpu.memory_space<vmem>>) target_semaphore(%run_scoped3A : memref<!tpu.dma_semaphore, #tpu.memory_space<semaphore_mem>>)
      tpu.wait_dma2 semaphore(%run_scoped3A : memref<!tpu.dma_semaphore, #tpu.memory_space<semaphore_mem>>) src(%arg11 : memref<64xf32, #tpu.memory_space<hbm>>) dst(%arg22 : memref<64xf32, #tpu.memory_space<vmem>>)
      tpu.yield
    }) : () -> ()
    %mul3A_1 = arith.constant 32 : i32
    %mul3A_2 = arith.muli %add3A, %mul3A_1 : i32
    "tpu.region"() ({
      %run_scoped3A = tpu.sem_alloc : memref<!tpu.dma_semaphore, #tpu.memory_space<semaphore_mem>>
      %dma_start3A_186 = tpu.memref_slice %arg8[%mul3A_2] : memref<1024xi32, #tpu.memory_space<hbm>> -> memref<32xi32, #tpu.memory_space<hbm>>
      %dma_start3A_187 = tpu.memref_slice %arg8[%mul3A_2] : memref<1024xi32, #tpu.memory_space<hbm>> -> memref<32xi32, #tpu.memory_space<hbm>>
      tpu.enqueue_dma source(%dma_start3A_187 : memref<32xi32, #tpu.memory_space<hbm>>) target(%arg23 : memref<32xi32, #tpu.memory_space<vmem>>) target_semaphore(%run_scoped3A : memref<!tpu.dma_semaphore, #tpu.memory_space<semaphore_mem>>)
      %dma_wait3A_188 = tpu.memref_slice %arg8[%mul3A_2] : memref<1024xi32, #tpu.memory_space<hbm>> -> memref<32xi32, #tpu.memory_space<hbm>>
      %dma_wait3A_189 = tpu.memref_slice %arg8[%mul3A_2] : memref<1024xi32, #tpu.memory_space<hbm>> -> memref<32xi32, #tpu.memory_space<hbm>>
      tpu.wait_dma2 semaphore(%run_scoped3A : memref<!tpu.dma_semaphore, #tpu.memory_space<semaphore_mem>>) src(%dma_wait3A_189 : memref<32xi32, #tpu.memory_space<hbm>>) dst(%arg23 : memref<32xi32, #tpu.memory_space<vmem>>)
      tpu.yield
    }) : () -> ()
    "tpu.region"() ({
      %run_scoped3A = tpu.sem_alloc : memref<!tpu.dma_semaphore, #tpu.memory_space<semaphore_mem>>
      %dma_start3A_186 = tpu.memref_slice %arg9[%mul3A_2] : memref<1024xi32, #tpu.memory_space<hbm>> -> memref<32xi32, #tpu.memory_space<hbm>>
      %dma_start3A_187 = tpu.memref_slice %arg9[%mul3A_2] : memref<1024xi32, #tpu.memory_space<hbm>> -> memref<32xi32, #tpu.memory_space<hbm>>
      tpu.enqueue_dma source(%dma_start3A_187 : memref<32xi32, #tpu.memory_space<hbm>>) target(%arg24 : memref<32xi32, #tpu.memory_space<vmem>>) target_semaphore(%run_scoped3A : memref<!tpu.dma_semaphore, #tpu.memory_space<semaphore_mem>>)
      %dma_wait3A_188 = tpu.memref_slice %arg9[%mul3A_2] : memref<1024xi32, #tpu.memory_space<hbm>> -> memref<32xi32, #tpu.memory_space<hbm>>
      %dma_wait3A_189 = tpu.memref_slice %arg9[%mul3A_2] : memref<1024xi32, #tpu.memory_space<hbm>> -> memref<32xi32, #tpu.memory_space<hbm>>
      tpu.wait_dma2 semaphore(%run_scoped3A : memref<!tpu.dma_semaphore, #tpu.memory_space<semaphore_mem>>) src(%dma_wait3A_189 : memref<32xi32, #tpu.memory_space<hbm>>) dst(%arg24 : memref<32xi32, #tpu.memory_space<vmem>>)
      tpu.yield
    }) : () -> ()
    %dma_start3A = arith.constant 0 : i32
    %dma_start3A_3 = arith.constant 0 : i32
    %dma_start3A_4 = tpu.memref_slice %arg15[%dma_start3A, %dma_start3A_3] : memref<64x128xf32, #tpu.memory_space<vmem>> -> memref<32x128xf32, #tpu.memory_space<vmem>>
    %dma_start3A_5 = arith.constant 0 : i32
    %dma_start3A_6 = arith.constant 0 : i32
    %dma_start3A_7 = tpu.memref_slice %arg6[%dma_start3A_5, %dma_start3A_6] : memref<1000x128xf32, #tpu.memory_space<hbm>> -> memref<1000x128xf32, #tpu.memory_space<hbm>>
    tpu.enqueue_indirect_dma source(%dma_start3A_7 : memref<1000x128xf32, #tpu.memory_space<hbm>>) target(%dma_start3A_4 : memref<32x128xf32, #tpu.memory_space<vmem>>) offsets(%arg23 : memref<32xi32, #tpu.memory_space<vmem>>) semaphore(%arg32 : memref<!tpu.dma_semaphore, #tpu.memory_space<semaphore_mem>>)
    %dma_wait3A = arith.constant 0 : i32
    %dma_wait3A_8 = arith.constant 0 : i32
    %dma_wait3A_9 = tpu.memref_slice %arg15[%dma_wait3A, %dma_wait3A_8] : memref<64x128xf32, #tpu.memory_space<vmem>> -> memref<32x128xf32, #tpu.memory_space<vmem>>
    %dma_wait3A_10 = arith.constant 0 : i32
    %dma_wait3A_11 = arith.constant 0 : i32
    %dma_wait3A_12 = tpu.memref_slice %arg6[%dma_wait3A_10, %dma_wait3A_11] : memref<1000x128xf32, #tpu.memory_space<hbm>> -> memref<1000x128xf32, #tpu.memory_space<hbm>>
    tpu.wait_indirect_dma semaphore(%arg32 : memref<!tpu.dma_semaphore, #tpu.memory_space<semaphore_mem>>) src(%dma_wait3A_12 : memref<1000x128xf32, #tpu.memory_space<hbm>>) dst(%dma_wait3A_9 : memref<32x128xf32, #tpu.memory_space<vmem>>)
    %dma_start3A_13 = arith.constant 0 : i32
    %dma_start3A_14 = arith.constant 0 : i32
    %dma_start3A_15 = tpu.memref_slice %arg17[%dma_start3A_13, %dma_start3A_14] : memref<64x128xf32, #tpu.memory_space<vmem>> -> memref<32x128xf32, #tpu.memory_space<vmem>>
    %dma_start3A_16 = arith.constant 0 : i32
    %dma_start3A_17 = arith.constant 0 : i32
    %dma_start3A_18 = tpu.memref_slice %arg7[%dma_start3A_16, %dma_start3A_17] : memref<1000x128xf32, #tpu.memory_space<hbm>> -> memref<1000x128xf32, #tpu.memory_space<hbm>>
    tpu.enqueue_indirect_dma source(%dma_start3A_18 : memref<1000x128xf32, #tpu.memory_space<hbm>>) target(%dma_start3A_15 : memref<32x128xf32, #tpu.memory_space<vmem>>) offsets(%arg24 : memref<32xi32, #tpu.memory_space<vmem>>) semaphore(%arg32 : memref<!tpu.dma_semaphore, #tpu.memory_space<semaphore_mem>>)
    %dma_wait3A_19 = arith.constant 0 : i32
    %dma_wait3A_20 = arith.constant 0 : i32
    %dma_wait3A_21 = tpu.memref_slice %arg17[%dma_wait3A_19, %dma_wait3A_20] : memref<64x128xf32, #tpu.memory_space<vmem>> -> memref<32x128xf32, #tpu.memory_space<vmem>>
    %dma_wait3A_22 = arith.constant 0 : i32
    %dma_wait3A_23 = arith.constant 0 : i32
    %dma_wait3A_24 = tpu.memref_slice %arg7[%dma_wait3A_22, %dma_wait3A_23] : memref<1000x128xf32, #tpu.memory_space<hbm>> -> memref<1000x128xf32, #tpu.memory_space<hbm>>
    tpu.wait_indirect_dma semaphore(%arg32 : memref<!tpu.dma_semaphore, #tpu.memory_space<semaphore_mem>>) src(%dma_wait3A_24 : memref<1000x128xf32, #tpu.memory_space<hbm>>) dst(%dma_wait3A_21 : memref<32x128xf32, #tpu.memory_space<vmem>>)
    %scan3A = arith.constant 0 : i32
    %scan3A_25 = arith.constant 32 : i32
    %scan3A_26 = arith.addi %scan3A, %scan3A_25 : i32
    %scan3A_27 = arith.constant 1 : i32
    scf.for %scan3A_186 = %scan3A to %scan3A_26 step %scan3A_27  : i32 {
      %mul3A_187 = arith.constant 1 : i32
      %mul3A_188 = arith.muli %scan3A_186, %mul3A_187 : i32
      %add3A_189 = arith.constant 0 : i32
      %add3A_190 = arith.addi %add3A_189, %mul3A_188 : i32
      %get3A_191 = arith.index_cast %add3A_190 : i32 to index
      %get3A_192 = arith.constant 0 : index
      %get3A_193 = tpu.vector_load %arg15[%get3A_191, %get3A_192] {strides = array<i32>} : memref<64x128xf32, #tpu.memory_space<vmem>>, vector<16xf32>,
      %get3A_194 = arith.index_cast %add3A_190 : i32 to index
      %get3A_195 = arith.constant 64 : index
      %get3A_196 = tpu.vector_load %arg17[%get3A_194, %get3A_195] {strides = array<i32>} : memref<64x128xf32, #tpu.memory_space<vmem>>, vector<16xf32>,
      %add3A_197 = arith.addf %get3A_193, %get3A_196 : vector<16xf32>
      %swap3A = arith.index_cast %add3A_190 : i32 to index
      %swap3A_198 = arith.constant 0 : index
      %swap3A_199 = tpu.vector_load %arg25[%swap3A, %swap3A_198] {strides = array<i32>} : memref<32x64xf32, #tpu.memory_space<vmem>>, vector<16xf32>,
      tpu.vector_store %arg25[%swap3A, %swap3A_198], %add3A_197 {strides = array<i32>} : memref<32x64xf32, #tpu.memory_space<vmem>>, vector<16xf32>,
      %get3A_200 = arith.index_cast %add3A_190 : i32 to index
      %get3A_201 = arith.constant 16 : index
      %get3A_202 = tpu.vector_load %arg15[%get3A_200, %get3A_201] {strides = array<i32>} : memref<64x128xf32, #tpu.memory_space<vmem>>, vector<16xf32>,
      %get3A_203 = arith.index_cast %add3A_190 : i32 to index
      %get3A_204 = arith.constant 80 : index
      %get3A_205 = tpu.vector_load %arg17[%get3A_203, %get3A_204] {strides = array<i32>} : memref<64x128xf32, #tpu.memory_space<vmem>>, vector<16xf32>,
      %add3A_206 = arith.addf %get3A_202, %get3A_205 : vector<16xf32>
      %swap3A_207 = arith.index_cast %add3A_190 : i32 to index
      %swap3A_208 = arith.constant 16 : index
      %swap3A_209 = tpu.vector_load %arg25[%swap3A_207, %swap3A_208] {strides = array<i32>} : memref<32x64xf32, #tpu.memory_space<vmem>>, vector<16xf32>,
      tpu.vector_store %arg25[%swap3A_207, %swap3A_208], %add3A_206 {strides = array<i32>} : memref<32x64xf32, #tpu.memory_space<vmem>>, vector<16xf32>,
      %get3A_210 = arith.index_cast %add3A_190 : i32 to index
      %get3A_211 = arith.constant 32 : index
      %get3A_212 = tpu.vector_load %arg15[%get3A_210, %get3A_211] {strides = array<i32>} : memref<64x128xf32, #tpu.memory_space<vmem>>, vector<16xf32>,
      %get3A_213 = arith.index_cast %add3A_190 : i32 to index
      %get3A_214 = arith.constant 96 : index
      %get3A_215 = tpu.vector_load %arg17[%get3A_213, %get3A_214] {strides = array<i32>} : memref<64x128xf32, #tpu.memory_space<vmem>>, vector<16xf32>,
      %add3A_216 = arith.addf %get3A_212, %get3A_215 : vector<16xf32>
      %swap3A_217 = arith.index_cast %add3A_190 : i32 to index
      %swap3A_218 = arith.constant 32 : index
      %swap3A_219 = tpu.vector_load %arg25[%swap3A_217, %swap3A_218] {strides = array<i32>} : memref<32x64xf32, #tpu.memory_space<vmem>>, vector<16xf32>,
      tpu.vector_store %arg25[%swap3A_217, %swap3A_218], %add3A_216 {strides = array<i32>} : memref<32x64xf32, #tpu.memory_space<vmem>>, vector<16xf32>,
      %get3A_220 = arith.index_cast %add3A_190 : i32 to index
      %get3A_221 = arith.constant 48 : index
      %get3A_222 = tpu.vector_load %arg15[%get3A_220, %get3A_221] {strides = array<i32>} : memref<64x128xf32, #tpu.memory_space<vmem>>, vector<16xf32>,
      %get3A_223 = arith.index_cast %add3A_190 : i32 to index
      %get3A_224 = arith.constant 112 : index
      %get3A_225 = tpu.vector_load %arg17[%get3A_223, %get3A_224] {strides = array<i32>} : memref<64x128xf32, #tpu.memory_space<vmem>>, vector<16xf32>,
      %add3A_226 = arith.addf %get3A_222, %get3A_225 : vector<16xf32>
      %swap3A_227 = arith.index_cast %add3A_190 : i32 to index
      %swap3A_228 = arith.constant 48 : index
      %swap3A_229 = tpu.vector_load %arg25[%swap3A_227, %swap3A_228] {strides = array<i32>} : memref<32x64xf32, #tpu.memory_space<vmem>>, vector<16xf32>,
      tpu.vector_store %arg25[%swap3A_227, %swap3A_228], %add3A_226 {strides = array<i32>} : memref<32x64xf32, #tpu.memory_space<vmem>>, vector<16xf32>,
    }
    %scan3A_28 = arith.constant 32 : i32
    %mul3A_29 = arith.constant 16384 : i32
    %mul3A_30 = arith.muli %add3A, %mul3A_29 : i32
    %get3A = arith.constant 0 : index
    %get3A_31 = tpu.vector_load %arg22[%get3A] {strides = array<i32>} : memref<64xf32, #tpu.memory_space<vmem>>, vector<16xf32>,
    %get3A_32 = arith.constant 16 : index
    %get3A_33 = tpu.vector_load %arg22[%get3A_32] {strides = array<i32>} : memref<64xf32, #tpu.memory_space<vmem>>, vector<16xf32>,
    %get3A_34 = arith.constant 32 : index
    %get3A_35 = tpu.vector_load %arg22[%get3A_34] {strides = array<i32>} : memref<64xf32, #tpu.memory_space<vmem>>, vector<16xf32>,
    %get3A_36 = arith.constant 48 : index
    %get3A_37 = tpu.vector_load %arg22[%get3A_36] {strides = array<i32>} : memref<64xf32, #tpu.memory_space<vmem>>, vector<16xf32>,
    %add3A_38 = arith.constant 0 : i32
    %add3A_39 = arith.addi %mul3A_30, %add3A_38 : i32
    "tpu.region"() ({
      %run_scoped3A = tpu.sem_alloc : memref<!tpu.dma_semaphore, #tpu.memory_space<semaphore_mem>>
      %dma_start3A_186 = tpu.memref_slice %arg4[%add3A_39] : memref<524288xi32, #tpu.memory_space<hbm>> -> memref<4096xi32, #tpu.memory_space<hbm>>
      %dma_start3A_187 = tpu.memref_slice %arg4[%add3A_39] : memref<524288xi32, #tpu.memory_space<hbm>> -> memref<4096xi32, #tpu.memory_space<hbm>>
      tpu.enqueue_dma source(%dma_start3A_187 : memref<4096xi32, #tpu.memory_space<hbm>>) target(%arg13 : memref<4096xi32, #tpu.memory_space<vmem>>) target_semaphore(%run_scoped3A : memref<!tpu.dma_semaphore, #tpu.memory_space<semaphore_mem>>)
      %dma_wait3A_188 = tpu.memref_slice %arg4[%add3A_39] : memref<524288xi32, #tpu.memory_space<hbm>> -> memref<4096xi32, #tpu.memory_space<hbm>>
      %dma_wait3A_189 = tpu.memref_slice %arg4[%add3A_39] : memref<524288xi32, #tpu.memory_space<hbm>> -> memref<4096xi32, #tpu.memory_space<hbm>>
      tpu.wait_dma2 semaphore(%run_scoped3A : memref<!tpu.dma_semaphore, #tpu.memory_space<semaphore_mem>>) src(%dma_wait3A_189 : memref<4096xi32, #tpu.memory_space<hbm>>) dst(%arg13 : memref<4096xi32, #tpu.memory_space<vmem>>)
      tpu.yield
    }) : () -> ()
    %add3A_40 = arith.constant 0 : i32
    %add3A_41 = arith.addi %mul3A_30, %add3A_40 : i32
    "tpu.region"() ({
      %run_scoped3A = tpu.sem_alloc : memref<!tpu.dma_semaphore, #tpu.memory_space<semaphore_mem>>
      %dma_start3A_186 = tpu.memref_slice %arg5[%add3A_41] : memref<524288xi32, #tpu.memory_space<hbm>> -> memref<4096xi32, #tpu.memory_space<hbm>>
      %dma_start3A_187 = tpu.memref_slice %arg5[%add3A_41] : memref<524288xi32, #tpu.memory_space<hbm>> -> memref<4096xi32, #tpu.memory_space<hbm>>
      tpu.enqueue_dma source(%dma_start3A_187 : memref<4096xi32, #tpu.memory_space<hbm>>) target(%arg14 : memref<4096xi32, #tpu.memory_space<vmem>>) target_semaphore(%run_scoped3A : memref<!tpu.dma_semaphore, #tpu.memory_space<semaphore_mem>>)
      %dma_wait3A_188 = tpu.memref_slice %arg5[%add3A_41] : memref<524288xi32, #tpu.memory_space<hbm>> -> memref<4096xi32, #tpu.memory_space<hbm>>
      %dma_wait3A_189 = tpu.memref_slice %arg5[%add3A_41] : memref<524288xi32, #tpu.memory_space<hbm>> -> memref<4096xi32, #tpu.memory_space<hbm>>
      tpu.wait_dma2 semaphore(%run_scoped3A : memref<!tpu.dma_semaphore, #tpu.memory_space<semaphore_mem>>) src(%dma_wait3A_189 : memref<4096xi32, #tpu.memory_space<hbm>>) dst(%arg14 : memref<4096xi32, #tpu.memory_space<vmem>>)
      tpu.yield
    }) : () -> ()
    %dma_start3A_42 = arith.constant 0 : i32
    %dma_start3A_43 = tpu.memref_slice %arg13[%dma_start3A_42] : memref<4096xi32, #tpu.memory_space<vmem>> -> memref<64xi32, #tpu.memory_space<vmem>>
    %dma_start3A_44 = arith.constant 0 : i32
    %dma_start3A_45 = arith.constant 0 : i32
    %dma_start3A_46 = tpu.memref_slice %arg2[%dma_start3A_44, %dma_start3A_45] : memref<100000x128xf32, #tpu.memory_space<hbm>> -> memref<100000x128xf32, #tpu.memory_space<hbm>>
    tpu.enqueue_indirect_dma source(%dma_start3A_46 : memref<100000x128xf32, #tpu.memory_space<hbm>>) target(%arg15 : memref<64x128xf32, #tpu.memory_space<vmem>>) offsets(%dma_start3A_43 : memref<64xi32, #tpu.memory_space<vmem>>) semaphore(%arg26 : memref<!tpu.dma_semaphore, #tpu.memory_space<semaphore_mem>>)
    %dma_start3A_47 = arith.constant 0 : i32
    %dma_start3A_48 = tpu.memref_slice %arg14[%dma_start3A_47] : memref<4096xi32, #tpu.memory_space<vmem>> -> memref<64xi32, #tpu.memory_space<vmem>>
    %dma_start3A_49 = arith.constant 0 : i32
    %dma_start3A_50 = arith.constant 0 : i32
    %dma_start3A_51 = tpu.memref_slice %arg3[%dma_start3A_49, %dma_start3A_50] : memref<1000x128xf32, #tpu.memory_space<hbm>> -> memref<1000x128xf32, #tpu.memory_space<hbm>>
    tpu.enqueue_indirect_dma source(%dma_start3A_51 : memref<1000x128xf32, #tpu.memory_space<hbm>>) target(%arg17 : memref<64x128xf32, #tpu.memory_space<vmem>>) offsets(%dma_start3A_48 : memref<64xi32, #tpu.memory_space<vmem>>) semaphore(%arg28 : memref<!tpu.dma_semaphore, #tpu.memory_space<semaphore_mem>>)
    %dma_start3A_52 = arith.constant 64 : i32
    %dma_start3A_53 = tpu.memref_slice %arg13[%dma_start3A_52] : memref<4096xi32, #tpu.memory_space<vmem>> -> memref<64xi32, #tpu.memory_space<vmem>>
    %dma_start3A_54 = arith.constant 0 : i32
    %dma_start3A_55 = arith.constant 0 : i32
    %dma_start3A_56 = tpu.memref_slice %arg2[%dma_start3A_54, %dma_start3A_55] : memref<100000x128xf32, #tpu.memory_space<hbm>> -> memref<100000x128xf32, #tpu.memory_space<hbm>>
    tpu.enqueue_indirect_dma source(%dma_start3A_56 : memref<100000x128xf32, #tpu.memory_space<hbm>>) target(%arg16 : memref<64x128xf32, #tpu.memory_space<vmem>>) offsets(%dma_start3A_53 : memref<64xi32, #tpu.memory_space<vmem>>) semaphore(%arg27 : memref<!tpu.dma_semaphore, #tpu.memory_space<semaphore_mem>>)
    %dma_start3A_57 = arith.constant 64 : i32
    %dma_start3A_58 = tpu.memref_slice %arg14[%dma_start3A_57] : memref<4096xi32, #tpu.memory_space<vmem>> -> memref<64xi32, #tpu.memory_space<vmem>>
    %dma_start3A_59 = arith.constant 0 : i32
    %dma_start3A_60 = arith.constant 0 : i32
    %dma_start3A_61 = tpu.memref_slice %arg3[%dma_start3A_59, %dma_start3A_60] : memref<1000x128xf32, #tpu.memory_space<hbm>> -> memref<1000x128xf32, #tpu.memory_space<hbm>>
    tpu.enqueue_indirect_dma source(%dma_start3A_61 : memref<1000x128xf32, #tpu.memory_space<hbm>>) target(%arg18 : memref<64x128xf32, #tpu.memory_space<vmem>>) offsets(%dma_start3A_58 : memref<64xi32, #tpu.memory_space<vmem>>) semaphore(%arg29 : memref<!tpu.dma_semaphore, #tpu.memory_space<semaphore_mem>>)
    %scan3A_62 = arith.constant 0 : i32
    %scan3A_63 = arith.constant 32 : i32
    %scan3A_64 = arith.addi %scan3A_62, %scan3A_63 : i32
    %scan3A_65 = arith.constant 1 : i32
    scf.for %scan3A_186 = %scan3A_62 to %scan3A_64 step %scan3A_65  : i32 {
      %mul3A_187 = arith.constant 2 : i32
      %mul3A_188 = arith.muli %scan3A_186, %mul3A_187 : i32
      %add3A_189 = arith.constant 0 : i32
      %add3A_190 = arith.addi %add3A_189, %mul3A_188 : i32
      %mul3A_191 = arith.constant 64 : i32
      %mul3A_192 = arith.muli %add3A_190, %mul3A_191 : i32
      %dma_wait3A_193 = tpu.memref_slice %arg13[%mul3A_192] : memref<4096xi32, #tpu.memory_space<vmem>> -> memref<64xi32, #tpu.memory_space<vmem>>
      %dma_wait3A_194 = arith.constant 0 : i32
      %dma_wait3A_195 = arith.constant 0 : i32
      %dma_wait3A_196 = tpu.memref_slice %arg2[%dma_wait3A_194, %dma_wait3A_195] : memref<100000x128xf32, #tpu.memory_space<hbm>> -> memref<100000x128xf32, #tpu.memory_space<hbm>>
      tpu.wait_indirect_dma semaphore(%arg26 : memref<!tpu.dma_semaphore, #tpu.memory_space<semaphore_mem>>) src(%dma_wait3A_196 : memref<100000x128xf32, #tpu.memory_space<hbm>>) dst(%arg15 : memref<64x128xf32, #tpu.memory_space<vmem>>)
      %dma_wait3A_197 = tpu.memref_slice %arg14[%mul3A_192] : memref<4096xi32, #tpu.memory_space<vmem>> -> memref<64xi32, #tpu.memory_space<vmem>>
      %dma_wait3A_198 = arith.constant 0 : i32
      %dma_wait3A_199 = arith.constant 0 : i32
      %dma_wait3A_200 = tpu.memref_slice %arg3[%dma_wait3A_198, %dma_wait3A_199] : memref<1000x128xf32, #tpu.memory_space<hbm>> -> memref<1000x128xf32, #tpu.memory_space<hbm>>
      tpu.wait_indirect_dma semaphore(%arg28 : memref<!tpu.dma_semaphore, #tpu.memory_space<semaphore_mem>>) src(%dma_wait3A_200 : memref<1000x128xf32, #tpu.memory_space<hbm>>) dst(%arg17 : memref<64x128xf32, #tpu.memory_space<vmem>>)
      %ge3A = arith.constant 2 : i32
      %ge3A_201 = arith.cmpi sge, %add3A_190, %ge3A : i32
      %convert_element_type3A = arith.extui %ge3A_201 : i1 to i32
      %cond3A = arith.constant 0 : i32
      %cond3A_202 = arith.cmpi ne, %convert_element_type3A, %cond3A : i32
      scf.if %cond3A_202 {
        %dma_wait3A_335 = arith.constant 0 : i32
        %dma_wait3A_336 = tpu.memref_slice %arg12[%mul3A_30, %dma_wait3A_335] : memref<524288x64xf32, #tpu.memory_space<hbm>> -> memref<64x64xf32, #tpu.memory_space<hbm>>
        %dma_wait3A_337 = arith.constant 0 : i32
        %dma_wait3A_338 = tpu.memref_slice %arg12[%mul3A_30, %dma_wait3A_337] : memref<524288x64xf32, #tpu.memory_space<hbm>> -> memref<64x64xf32, #tpu.memory_space<hbm>>
        tpu.wait_dma2 semaphore(%arg30 : memref<!tpu.dma_semaphore, #tpu.memory_space<semaphore_mem>>) src(%arg19 : memref<64x64xf32, #tpu.memory_space<vmem>>) dst(%dma_wait3A_338 : memref<64x64xf32, #tpu.memory_space<hbm>>)
      } else {
      }
      %add3A_203 = arith.constant 0 : i32
      %add3A_204 = arith.addi %add3A_203, %add3A_190 : i32
      %jit3A = arith.constant 8 : i32
      %eq3A = arith.constant 0 : i32
      %eq3A_205 = arith.cmpi eq, %jit3A, %eq3A : i32
      %jit3A_206 = arith.constant 1 : i32
      %select_n3A = arith.select %eq3A_205, %jit3A_206, %jit3A : i32
      %rem3A = arith.remsi %add3A_204, %select_n3A : i32
      %ne3A = arith.constant 0 : i32
      %ne3A_207 = arith.cmpi ne, %rem3A, %ne3A : i32
      %lt3A = arith.constant 0 : i32
      %lt3A_208 = arith.cmpi slt, %rem3A, %lt3A : i32
      %lt3A_209 = arith.constant 0 : i32
      %lt3A_210 = arith.cmpi slt, %select_n3A, %lt3A_209 : i32
      %ne3A_211 = arith.xori %lt3A_208, %lt3A_210 : i1
      %and3A = arith.andi %ne3A_211, %ne3A_207 : i1
      %add3A_212 = arith.addi %rem3A, %select_n3A : i32
      %select_n3A_213 = arith.select %and3A, %add3A_212, %rem3A : i32
      %mul3A_214 = arith.constant 64 : i32
      %mul3A_215 = arith.muli %select_n3A_213, %mul3A_214 : i32
      %scan3A_216 = arith.constant 0 : i32
      %scan3A_217 = arith.constant 64 : i32
      %scan3A_218 = arith.addi %scan3A_216, %scan3A_217 : i32
      %scan3A_219 = arith.constant 1 : i32
      scf.for %scan3A_335 = %scan3A_216 to %scan3A_218 step %scan3A_219  : i32 {
        %mul3A_336 = arith.constant 1 : i32
        %mul3A_337 = arith.muli %scan3A_335, %mul3A_336 : i32
        %add3A_338 = arith.constant 0 : i32
        %add3A_339 = arith.addi %add3A_338, %mul3A_337 : i32
        %get3A_340 = arith.index_cast %add3A_339 : i32 to index
        %get3A_341 = arith.constant 0 : index
        %get3A_342 = tpu.vector_load %arg15[%get3A_340, %get3A_341] {strides = array<i32>} : memref<64x128xf32, #tpu.memory_space<vmem>>, vector<16xf32>,
        %get3A_343 = arith.index_cast %add3A_339 : i32 to index
        %get3A_344 = arith.constant 64 : index
        %get3A_345 = tpu.vector_load %arg17[%get3A_343, %get3A_344] {strides = array<i32>} : memref<64x128xf32, #tpu.memory_space<vmem>>, vector<16xf32>,
        %add3A_346 = arith.addf %get3A_342, %get3A_345 : vector<16xf32>
        %max3A = arith.constant 0.000000e+00 : f32
        %max3A_347 = vector.broadcast %max3A : f32 to vector<16xf32>
        %max3A_348 = arith.maximumf %add3A_346, %max3A_347 : vector<16xf32>
        %get3A_349 = arith.index_cast %add3A_339 : i32 to index
        %get3A_350 = arith.constant 16 : index
        %get3A_351 = tpu.vector_load %arg15[%get3A_349, %get3A_350] {strides = array<i32>} : memref<64x128xf32, #tpu.memory_space<vmem>>, vector<16xf32>,
        %get3A_352 = arith.index_cast %add3A_339 : i32 to index
        %get3A_353 = arith.constant 80 : index
        %get3A_354 = tpu.vector_load %arg17[%get3A_352, %get3A_353] {strides = array<i32>} : memref<64x128xf32, #tpu.memory_space<vmem>>, vector<16xf32>,
        %add3A_355 = arith.addf %get3A_351, %get3A_354 : vector<16xf32>
        %max3A_356 = arith.constant 0.000000e+00 : f32
        %max3A_357 = vector.broadcast %max3A_356 : f32 to vector<16xf32>
        %max3A_358 = arith.maximumf %add3A_355, %max3A_357 : vector<16xf32>
        %get3A_359 = arith.index_cast %add3A_339 : i32 to index
        %get3A_360 = arith.constant 32 : index
        %get3A_361 = tpu.vector_load %arg15[%get3A_359, %get3A_360] {strides = array<i32>} : memref<64x128xf32, #tpu.memory_space<vmem>>, vector<16xf32>,
        %get3A_362 = arith.index_cast %add3A_339 : i32 to index
        %get3A_363 = arith.constant 96 : index
        %get3A_364 = tpu.vector_load %arg17[%get3A_362, %get3A_363] {strides = array<i32>} : memref<64x128xf32, #tpu.memory_space<vmem>>, vector<16xf32>,
        %add3A_365 = arith.addf %get3A_361, %get3A_364 : vector<16xf32>
        %max3A_366 = arith.constant 0.000000e+00 : f32
        %max3A_367 = vector.broadcast %max3A_366 : f32 to vector<16xf32>
        %max3A_368 = arith.maximumf %add3A_365, %max3A_367 : vector<16xf32>
        %get3A_369 = arith.index_cast %add3A_339 : i32 to index
        %get3A_370 = arith.constant 48 : index
        %get3A_371 = tpu.vector_load %arg15[%get3A_369, %get3A_370] {strides = array<i32>} : memref<64x128xf32, #tpu.memory_space<vmem>>, vector<16xf32>,
        %get3A_372 = arith.index_cast %add3A_339 : i32 to index
        %get3A_373 = arith.constant 112 : index
        %get3A_374 = tpu.vector_load %arg17[%get3A_372, %get3A_373] {strides = array<i32>} : memref<64x128xf32, #tpu.memory_space<vmem>>, vector<16xf32>,
        %add3A_375 = arith.addf %get3A_371, %get3A_374 : vector<16xf32>
        %max3A_376 = arith.constant 0.000000e+00 : f32
        %max3A_377 = vector.broadcast %max3A_376 : f32 to vector<16xf32>
        %max3A_378 = arith.maximumf %add3A_375, %max3A_377 : vector<16xf32>
        %add3A_379 = arith.addf %max3A_348, %max3A_358 : vector<16xf32>
        %add3A_380 = arith.addf %max3A_368, %max3A_378 : vector<16xf32>
        %add3A_381 = arith.addf %add3A_379, %add3A_380 : vector<16xf32>
        %mul3A_382 = arith.mulf %max3A_348, %max3A_348 : vector<16xf32>
        %mul3A_383 = arith.mulf %max3A_358, %max3A_358 : vector<16xf32>
        %add3A_384 = arith.addf %mul3A_382, %mul3A_383 : vector<16xf32>
        %mul3A_385 = arith.mulf %max3A_368, %max3A_368 : vector<16xf32>
        %mul3A_386 = arith.mulf %max3A_378, %max3A_378 : vector<16xf32>
        %add3A_387 = arith.addf %mul3A_385, %mul3A_386 : vector<16xf32>
        %add3A_388 = arith.addf %add3A_384, %add3A_387 : vector<16xf32>
        %reduce_sum3A = arith.constant true
        %reduce_sum3A_389 = vector.broadcast %reduce_sum3A : i1 to vector<16xi1>
        %reduce_sum3A_390 = tpu.scan <sum>, %add3A_381 masked %reduce_sum3A_389 : vector<16xf32>, vector<16xi1> -> vector<16xf32>
        %reduce_sum3A_391 = vector.extract %reduce_sum3A_390[15] : f32 from vector<16xf32>
        %mul3A_392 = arith.constant 1.562500e-02 : f32
        %mul3A_393 = arith.mulf %reduce_sum3A_391, %mul3A_392 : f32
        %reduce_sum3A_394 = arith.constant true
        %reduce_sum3A_395 = vector.broadcast %reduce_sum3A_394 : i1 to vector<16xi1>
        %reduce_sum3A_396 = tpu.scan <sum>, %add3A_388 masked %reduce_sum3A_395 : vector<16xf32>, vector<16xi1> -> vector<16xf32>
        %reduce_sum3A_397 = vector.extract %reduce_sum3A_396[15] : f32 from vector<16xf32>
        %mul3A_398 = arith.constant 1.562500e-02 : f32
        %mul3A_399 = arith.mulf %reduce_sum3A_397, %mul3A_398 : f32
        %mul3A_400 = arith.mulf %mul3A_393, %mul3A_393 : f32
        %sub3A = arith.subf %mul3A_399, %mul3A_400 : f32
        %add3A_401 = arith.constant 9.99999974E-6 : f32
        %add3A_402 = arith.addf %sub3A, %add3A_401 : f32
        %broadcast_in_dim3A = vector.broadcast %add3A_402 : f32 to vector<16xf32>
        %bitcast_convert_type3A = tpu.bitcast %broadcast_in_dim3A : vector<16xf32> -> vector<16xi32>
        %shift_right_arithmetic3A = arith.constant 1 : i32
        %shift_right_arithmetic3A_403 = vector.broadcast %shift_right_arithmetic3A : i32 to vector<16xi32>
        %shift_right_arithmetic3A_404 = arith.shrsi %bitcast_convert_type3A, %shift_right_arithmetic3A_403 : vector<16xi32>
        %sub3A_405 = arith.constant 1597463007 : i32
        %sub3A_406 = vector.broadcast %sub3A_405 : i32 to vector<16xi32>
        %sub3A_407 = arith.subi %sub3A_406, %shift_right_arithmetic3A_404 : vector<16xi32>
        %bitcast_convert_type3A_408 = tpu.bitcast %sub3A_407 : vector<16xi32> -> vector<16xf32>
        %mul3A_409 = arith.constant 5.000000e-01 : f32
        %mul3A_410 = vector.broadcast %mul3A_409 : f32 to vector<16xf32>
        %mul3A_411 = arith.mulf %mul3A_410, %broadcast_in_dim3A : vector<16xf32>
        %mul3A_412 = arith.mulf %mul3A_411, %bitcast_convert_type3A_408 : vector<16xf32>
        %mul3A_413 = arith.mulf %mul3A_412, %bitcast_convert_type3A_408 : vector<16xf32>
        %sub3A_414 = arith.constant 1.500000e+00 : f32
        %sub3A_415 = vector.broadcast %sub3A_414 : f32 to vector<16xf32>
        %sub3A_416 = arith.subf %sub3A_415, %mul3A_413 : vector<16xf32>
        %mul3A_417 = arith.mulf %bitcast_convert_type3A_408, %sub3A_416 : vector<16xf32>
        %mul3A_418 = arith.constant 5.000000e-01 : f32
        %mul3A_419 = vector.broadcast %mul3A_418 : f32 to vector<16xf32>
        %mul3A_420 = arith.mulf %mul3A_419, %broadcast_in_dim3A : vector<16xf32>
        %mul3A_421 = arith.mulf %mul3A_420, %mul3A_417 : vector<16xf32>
        %mul3A_422 = arith.mulf %mul3A_421, %mul3A_417 : vector<16xf32>
        %sub3A_423 = arith.constant 1.500000e+00 : f32
        %sub3A_424 = vector.broadcast %sub3A_423 : f32 to vector<16xf32>
        %sub3A_425 = arith.subf %sub3A_424, %mul3A_422 : vector<16xf32>
        %mul3A_426 = arith.mulf %mul3A_417, %sub3A_425 : vector<16xf32>
        %broadcast_in_dim3A_427 = vector.broadcast %mul3A_393 : f32 to vector<16xf32>
        %add3A_428 = arith.addi %mul3A_215, %add3A_339 : i32
        %sub3A_429 = arith.subf %max3A_348, %broadcast_in_dim3A_427 : vector<16xf32>
        %mul3A_430 = arith.mulf %mul3A_426, %get3A_31 : vector<16xf32>
        %mul3A_431 = arith.mulf %sub3A_429, %mul3A_430 : vector<16xf32>
        %get3A_432 = arith.index_cast %add3A_428 : i32 to index
        %get3A_433 = arith.constant 0 : index
        %get3A_434 = tpu.vector_load %arg21[%get3A_432, %get3A_433] {strides = array<i32>} : memref<512x64xf32, #tpu.memory_space<vmem>>, vector<16xf32>,
        %add3A_435 = arith.addf %mul3A_431, %get3A_434 : vector<16xf32>
        %swap3A = arith.index_cast %add3A_339 : i32 to index
        %swap3A_436 = arith.constant 0 : index
        %swap3A_437 = tpu.vector_load %arg19[%swap3A, %swap3A_436] {strides = array<i32>} : memref<64x64xf32, #tpu.memory_space<vmem>>, vector<16xf32>,
        tpu.vector_store %arg19[%swap3A, %swap3A_436], %add3A_435 {strides = array<i32>} : memref<64x64xf32, #tpu.memory_space<vmem>>, vector<16xf32>,
        %sub3A_438 = arith.subf %max3A_358, %broadcast_in_dim3A_427 : vector<16xf32>
        %mul3A_439 = arith.mulf %mul3A_426, %get3A_33 : vector<16xf32>
        %mul3A_440 = arith.mulf %sub3A_438, %mul3A_439 : vector<16xf32>
        %get3A_441 = arith.index_cast %add3A_428 : i32 to index
        %get3A_442 = arith.constant 16 : index
        %get3A_443 = tpu.vector_load %arg21[%get3A_441, %get3A_442] {strides = array<i32>} : memref<512x64xf32, #tpu.memory_space<vmem>>, vector<16xf32>,
        %add3A_444 = arith.addf %mul3A_440, %get3A_443 : vector<16xf32>
        %swap3A_445 = arith.index_cast %add3A_339 : i32 to index
        %swap3A_446 = arith.constant 16 : index
        %swap3A_447 = tpu.vector_load %arg19[%swap3A_445, %swap3A_446] {strides = array<i32>} : memref<64x64xf32, #tpu.memory_space<vmem>>, vector<16xf32>,
        tpu.vector_store %arg19[%swap3A_445, %swap3A_446], %add3A_444 {strides = array<i32>} : memref<64x64xf32, #tpu.memory_space<vmem>>, vector<16xf32>,
        %sub3A_448 = arith.subf %max3A_368, %broadcast_in_dim3A_427 : vector<16xf32>
        %mul3A_449 = arith.mulf %mul3A_426, %get3A_35 : vector<16xf32>
        %mul3A_450 = arith.mulf %sub3A_448, %mul3A_449 : vector<16xf32>
        %get3A_451 = arith.index_cast %add3A_428 : i32 to index
        %get3A_452 = arith.constant 32 : index
        %get3A_453 = tpu.vector_load %arg21[%get3A_451, %get3A_452] {strides = array<i32>} : memref<512x64xf32, #tpu.memory_space<vmem>>, vector<16xf32>,
        %add3A_454 = arith.addf %mul3A_450, %get3A_453 : vector<16xf32>
        %swap3A_455 = arith.index_cast %add3A_339 : i32 to index
        %swap3A_456 = arith.constant 32 : index
        %swap3A_457 = tpu.vector_load %arg19[%swap3A_455, %swap3A_456] {strides = array<i32>} : memref<64x64xf32, #tpu.memory_space<vmem>>, vector<16xf32>,
        tpu.vector_store %arg19[%swap3A_455, %swap3A_456], %add3A_454 {strides = array<i32>} : memref<64x64xf32, #tpu.memory_space<vmem>>, vector<16xf32>,
        %sub3A_458 = arith.subf %max3A_378, %broadcast_in_dim3A_427 : vector<16xf32>
        %mul3A_459 = arith.mulf %mul3A_426, %get3A_37 : vector<16xf32>
        %mul3A_460 = arith.mulf %sub3A_458, %mul3A_459 : vector<16xf32>
        %get3A_461 = arith.index_cast %add3A_428 : i32 to index
        %get3A_462 = arith.constant 48 : index
        %get3A_463 = tpu.vector_load %arg21[%get3A_461, %get3A_462] {strides = array<i32>} : memref<512x64xf32, #tpu.memory_space<vmem>>, vector<16xf32>,
        %add3A_464 = arith.addf %mul3A_460, %get3A_463 : vector<16xf32>
        %swap3A_465 = arith.index_cast %add3A_339 : i32 to index
        %swap3A_466 = arith.constant 48 : index
        %swap3A_467 = tpu.vector_load %arg19[%swap3A_465, %swap3A_466] {strides = array<i32>} : memref<64x64xf32, #tpu.memory_space<vmem>>, vector<16xf32>,
        tpu.vector_store %arg19[%swap3A_465, %swap3A_466], %add3A_464 {strides = array<i32>} : memref<64x64xf32, #tpu.memory_space<vmem>>, vector<16xf32>,
      }
      %scan3A_220 = arith.constant 64 : i32
      %jit3A_221 = arith.constant 8 : i32
      %eq3A_222 = arith.constant 0 : i32
      %eq3A_223 = arith.cmpi eq, %jit3A_221, %eq3A_222 : i32
      %jit3A_224 = arith.constant 1 : i32
      %select_n3A_225 = arith.select %eq3A_223, %jit3A_224, %jit3A_221 : i32
      %rem3A_226 = arith.remsi %add3A_204, %select_n3A_225 : i32
      %ne3A_227 = arith.constant 0 : i32
      %ne3A_228 = arith.cmpi ne, %rem3A_226, %ne3A_227 : i32
      %lt3A_229 = arith.constant 0 : i32
      %lt3A_230 = arith.cmpi slt, %rem3A_226, %lt3A_229 : i32
      %lt3A_231 = arith.constant 0 : i32
      %lt3A_232 = arith.cmpi slt, %select_n3A_225, %lt3A_231 : i32
      %ne3A_233 = arith.xori %lt3A_230, %lt3A_232 : i1
      %and3A_234 = arith.andi %ne3A_233, %ne3A_228 : i1
      %add3A_235 = arith.addi %rem3A_226, %select_n3A_225 : i32
      %select_n3A_236 = arith.select %and3A_234, %add3A_235, %rem3A_226 : i32
      %eq3A_237 = arith.constant 0 : i32
      %eq3A_238 = arith.cmpi eq, %select_n3A_236, %eq3A_237 : i32
      %convert_element_type3A_239 = arith.extui %eq3A_238 : i1 to i32
      %cond3A_240 = arith.constant 0 : i32
      %cond3A_241 = arith.cmpi ne, %convert_element_type3A_239, %cond3A_240 : i32
      scf.if %cond3A_241 {
        %jit3A_335 = arith.constant 8 : i32
        %div3A = arith.divsi %add3A_204, %jit3A_335 : i32
        %sign3A = arith.constant 0 : i32
        %sign3A_336 = arith.cmpi sgt, %add3A_204, %sign3A : i32
        %sign3A_337 = arith.extui %sign3A_336 : i1 to i32
        %sign3A_338 = arith.constant 0 : i32
        %sign3A_339 = arith.cmpi slt, %add3A_204, %sign3A_338 : i32
        %sign3A_340 = arith.extui %sign3A_339 : i1 to i32
        %sign3A_341 = arith.subi %sign3A_337, %sign3A_340 : i32
        %sign3A_342 = arith.constant 0 : i32
        %sign3A_343 = arith.cmpi sgt, %jit3A_335, %sign3A_342 : i32
        %sign3A_344 = arith.extui %sign3A_343 : i1 to i32
        %sign3A_345 = arith.constant 0 : i32
        %sign3A_346 = arith.cmpi slt, %jit3A_335, %sign3A_345 : i32
        %sign3A_347 = arith.extui %sign3A_346 : i1 to i32
        %sign3A_348 = arith.subi %sign3A_344, %sign3A_347 : i32
        %ne3A_349 = arith.cmpi ne, %sign3A_341, %sign3A_348 : i32
        %rem3A_350 = arith.remsi %add3A_204, %jit3A_335 : i32
        %ne3A_351 = arith.constant 0 : i32
        %ne3A_352 = arith.cmpi ne, %rem3A_350, %ne3A_351 : i32
        %and3A_353 = arith.andi %ne3A_349, %ne3A_352 : i1
        %sub3A = arith.constant 1 : i32
        %sub3A_354 = arith.subi %div3A, %sub3A : i32
        %select_n3A_355 = arith.select %and3A_353, %sub3A_354, %div3A : i32
        %get3A_356 = arith.constant 0 : i32
        %get3A_357 = arith.index_cast %get3A_356 : i32 to index
        %get3A_358 = arith.constant 0 : index
        %get3A_359 = tpu.vector_load %arg19[%get3A_357, %get3A_358] {strides = array<i32>} : memref<64x64xf32, #tpu.memory_space<vmem>>, vector<16xf32>,
        %get3A_360 = arith.index_cast %select_n3A_355 : i32 to index
        %get3A_361 = arith.constant 0 : index
        %get3A_362 = tpu.vector_load %arg25[%get3A_360, %get3A_361] {strides = array<i32>} : memref<32x64xf32, #tpu.memory_space<vmem>>, vector<16xf32>,
        %add3A_363 = arith.addf %get3A_359, %get3A_362 : vector<16xf32>
        %swap3A = arith.constant 0 : i32
        %swap3A_364 = arith.index_cast %swap3A : i32 to index
        %swap3A_365 = arith.constant 0 : index
        %swap3A_366 = tpu.vector_load %arg19[%swap3A_364, %swap3A_365] {strides = array<i32>} : memref<64x64xf32, #tpu.memory_space<vmem>>, vector<16xf32>,
        tpu.vector_store %arg19[%swap3A_364, %swap3A_365], %add3A_363 {strides = array<i32>} : memref<64x64xf32, #tpu.memory_space<vmem>>, vector<16xf32>,
        %get3A_367 = arith.constant 0 : i32
        %get3A_368 = arith.index_cast %get3A_367 : i32 to index
        %get3A_369 = arith.constant 16 : index
        %get3A_370 = tpu.vector_load %arg19[%get3A_368, %get3A_369] {strides = array<i32>} : memref<64x64xf32, #tpu.memory_space<vmem>>, vector<16xf32>,
        %get3A_371 = arith.index_cast %select_n3A_355 : i32 to index
        %get3A_372 = arith.constant 16 : index
        %get3A_373 = tpu.vector_load %arg25[%get3A_371, %get3A_372] {strides = array<i32>} : memref<32x64xf32, #tpu.memory_space<vmem>>, vector<16xf32>,
        %add3A_374 = arith.addf %get3A_370, %get3A_373 : vector<16xf32>
        %swap3A_375 = arith.constant 0 : i32
        %swap3A_376 = arith.index_cast %swap3A_375 : i32 to index
        %swap3A_377 = arith.constant 16 : index
        %swap3A_378 = tpu.vector_load %arg19[%swap3A_376, %swap3A_377] {strides = array<i32>} : memref<64x64xf32, #tpu.memory_space<vmem>>, vector<16xf32>,
        tpu.vector_store %arg19[%swap3A_376, %swap3A_377], %add3A_374 {strides = array<i32>} : memref<64x64xf32, #tpu.memory_space<vmem>>, vector<16xf32>,
        %get3A_379 = arith.constant 0 : i32
        %get3A_380 = arith.index_cast %get3A_379 : i32 to index
        %get3A_381 = arith.constant 32 : index
        %get3A_382 = tpu.vector_load %arg19[%get3A_380, %get3A_381] {strides = array<i32>} : memref<64x64xf32, #tpu.memory_space<vmem>>, vector<16xf32>,
        %get3A_383 = arith.index_cast %select_n3A_355 : i32 to index
        %get3A_384 = arith.constant 32 : index
        %get3A_385 = tpu.vector_load %arg25[%get3A_383, %get3A_384] {strides = array<i32>} : memref<32x64xf32, #tpu.memory_space<vmem>>, vector<16xf32>,
        %add3A_386 = arith.addf %get3A_382, %get3A_385 : vector<16xf32>
        %swap3A_387 = arith.constant 0 : i32
        %swap3A_388 = arith.index_cast %swap3A_387 : i32 to index
        %swap3A_389 = arith.constant 32 : index
        %swap3A_390 = tpu.vector_load %arg19[%swap3A_388, %swap3A_389] {strides = array<i32>} : memref<64x64xf32, #tpu.memory_space<vmem>>, vector<16xf32>,
        tpu.vector_store %arg19[%swap3A_388, %swap3A_389], %add3A_386 {strides = array<i32>} : memref<64x64xf32, #tpu.memory_space<vmem>>, vector<16xf32>,
        %get3A_391 = arith.constant 0 : i32
        %get3A_392 = arith.index_cast %get3A_391 : i32 to index
        %get3A_393 = arith.constant 48 : index
        %get3A_394 = tpu.vector_load %arg19[%get3A_392, %get3A_393] {strides = array<i32>} : memref<64x64xf32, #tpu.memory_space<vmem>>, vector<16xf32>,
        %get3A_395 = arith.index_cast %select_n3A_355 : i32 to index
        %get3A_396 = arith.constant 48 : index
        %get3A_397 = tpu.vector_load %arg25[%get3A_395, %get3A_396] {strides = array<i32>} : memref<32x64xf32, #tpu.memory_space<vmem>>, vector<16xf32>,
        %add3A_398 = arith.addf %get3A_394, %get3A_397 : vector<16xf32>
        %swap3A_399 = arith.constant 0 : i32
        %swap3A_400 = arith.index_cast %swap3A_399 : i32 to index
        %swap3A_401 = arith.constant 48 : index
        %swap3A_402 = tpu.vector_load %arg19[%swap3A_400, %swap3A_401] {strides = array<i32>} : memref<64x64xf32, #tpu.memory_space<vmem>>, vector<16xf32>,
        tpu.vector_store %arg19[%swap3A_400, %swap3A_401], %add3A_398 {strides = array<i32>} : memref<64x64xf32, #tpu.memory_space<vmem>>, vector<16xf32>,
      } else {
      }
      %mul3A_242 = arith.constant 64 : i32
      %mul3A_243 = arith.muli %add3A_204, %mul3A_242 : i32
      %add3A_244 = arith.addi %mul3A_30, %mul3A_243 : i32
      %dma_start3A_245 = arith.constant 0 : i32
      %dma_start3A_246 = tpu.memref_slice %arg12[%add3A_244, %dma_start3A_245] : memref<524288x64xf32, #tpu.memory_space<hbm>> -> memref<64x64xf32, #tpu.memory_space<hbm>>
      %dma_start3A_247 = arith.constant 0 : i32
      %dma_start3A_248 = tpu.memref_slice %arg12[%add3A_244, %dma_start3A_247] : memref<524288x64xf32, #tpu.memory_space<hbm>> -> memref<64x64xf32, #tpu.memory_space<hbm>>
      tpu.enqueue_dma source(%arg19 : memref<64x64xf32, #tpu.memory_space<vmem>>) target(%dma_start3A_248 : memref<64x64xf32, #tpu.memory_space<hbm>>) target_semaphore(%arg30 : memref<!tpu.dma_semaphore, #tpu.memory_space<semaphore_mem>>)
      %add3A_249 = arith.constant 2 : i32
      %add3A_250 = arith.addi %add3A_190, %add3A_249 : i32
      %lt3A_251 = arith.constant 64 : i32
      %lt3A_252 = arith.cmpi slt, %add3A_250, %lt3A_251 : i32
      %convert_element_type3A_253 = arith.extui %lt3A_252 : i1 to i32
      %cond3A_254 = arith.constant 0 : i32
      %cond3A_255 = arith.cmpi ne, %convert_element_type3A_253, %cond3A_254 : i32
      scf.if %cond3A_255 {
        %add3A_335 = arith.constant 2 : i32
        %add3A_336 = arith.addi %add3A_190, %add3A_335 : i32
        %mul3A_337 = arith.constant 64 : i32
        %mul3A_338 = arith.muli %add3A_336, %mul3A_337 : i32
        %dma_start3A_339 = tpu.memref_slice %arg13[%mul3A_338] : memref<4096xi32, #tpu.memory_space<vmem>> -> memref<64xi32, #tpu.memory_space<vmem>>
        %dma_start3A_340 = arith.constant 0 : i32
        %dma_start3A_341 = arith.constant 0 : i32
        %dma_start3A_342 = tpu.memref_slice %arg2[%dma_start3A_340, %dma_start3A_341] : memref<100000x128xf32, #tpu.memory_space<hbm>> -> memref<100000x128xf32, #tpu.memory_space<hbm>>
        tpu.enqueue_indirect_dma source(%dma_start3A_342 : memref<100000x128xf32, #tpu.memory_space<hbm>>) target(%arg15 : memref<64x128xf32, #tpu.memory_space<vmem>>) offsets(%dma_start3A_339 : memref<64xi32, #tpu.memory_space<vmem>>) semaphore(%arg26 : memref<!tpu.dma_semaphore, #tpu.memory_space<semaphore_mem>>)
        %dma_start3A_343 = tpu.memref_slice %arg14[%mul3A_338] : memref<4096xi32, #tpu.memory_space<vmem>> -> memref<64xi32, #tpu.memory_space<vmem>>
        %dma_start3A_344 = arith.constant 0 : i32
        %dma_start3A_345 = arith.constant 0 : i32
        %dma_start3A_346 = tpu.memref_slice %arg3[%dma_start3A_344, %dma_start3A_345] : memref<1000x128xf32, #tpu.memory_space<hbm>> -> memref<1000x128xf32, #tpu.memory_space<hbm>>
        tpu.enqueue_indirect_dma source(%dma_start3A_346 : memref<1000x128xf32, #tpu.memory_space<hbm>>) target(%arg17 : memref<64x128xf32, #tpu.memory_space<vmem>>) offsets(%dma_start3A_343 : memref<64xi32, #tpu.memory_space<vmem>>) semaphore(%arg28 : memref<!tpu.dma_semaphore, #tpu.memory_space<semaphore_mem>>)
      } else {
      }
      %add3A_256 = arith.constant 1 : i32
      %add3A_257 = arith.addi %add3A_190, %add3A_256 : i32
      %mul3A_258 = arith.constant 64 : i32
      %mul3A_259 = arith.muli %add3A_257, %mul3A_258 : i32
      %dma_wait3A_260 = tpu.memref_slice %arg13[%mul3A_259] : memref<4096xi32, #tpu.memory_space<vmem>> -> memref<64xi32, #tpu.memory_space<vmem>>
      %dma_wait3A_261 = arith.constant 0 : i32
      %dma_wait3A_262 = arith.constant 0 : i32
      %dma_wait3A_263 = tpu.memref_slice %arg2[%dma_wait3A_261, %dma_wait3A_262] : memref<100000x128xf32, #tpu.memory_space<hbm>> -> memref<100000x128xf32, #tpu.memory_space<hbm>>
      tpu.wait_indirect_dma semaphore(%arg27 : memref<!tpu.dma_semaphore, #tpu.memory_space<semaphore_mem>>) src(%dma_wait3A_263 : memref<100000x128xf32, #tpu.memory_space<hbm>>) dst(%arg16 : memref<64x128xf32, #tpu.memory_space<vmem>>)
      %dma_wait3A_264 = tpu.memref_slice %arg14[%mul3A_259] : memref<4096xi32, #tpu.memory_space<vmem>> -> memref<64xi32, #tpu.memory_space<vmem>>
      %dma_wait3A_265 = arith.constant 0 : i32
      %dma_wait3A_266 = arith.constant 0 : i32
      %dma_wait3A_267 = tpu.memref_slice %arg3[%dma_wait3A_265, %dma_wait3A_266] : memref<1000x128xf32, #tpu.memory_space<hbm>> -> memref<1000x128xf32, #tpu.memory_space<hbm>>
      tpu.wait_indirect_dma semaphore(%arg29 : memref<!tpu.dma_semaphore, #tpu.memory_space<semaphore_mem>>) src(%dma_wait3A_267 : memref<1000x128xf32, #tpu.memory_space<hbm>>) dst(%arg18 : memref<64x128xf32, #tpu.memory_space<vmem>>)
      %ge3A_268 = arith.constant 2 : i32
      %ge3A_269 = arith.cmpi sge, %add3A_190, %ge3A_268 : i32
      %convert_element_type3A_270 = arith.extui %ge3A_269 : i1 to i32
      %cond3A_271 = arith.constant 0 : i32
      %cond3A_272 = arith.cmpi ne, %convert_element_type3A_270, %cond3A_271 : i32
      scf.if %cond3A_272 {
        %dma_wait3A_335 = arith.constant 0 : i32
        %dma_wait3A_336 = tpu.memref_slice %arg12[%mul3A_30, %dma_wait3A_335] : memref<524288x64xf32, #tpu.memory_space<hbm>> -> memref<64x64xf32, #tpu.memory_space<hbm>>
        %dma_wait3A_337 = arith.constant 0 : i32
        %dma_wait3A_338 = tpu.memref_slice %arg12[%mul3A_30, %dma_wait3A_337] : memref<524288x64xf32, #tpu.memory_space<hbm>> -> memref<64x64xf32, #tpu.memory_space<hbm>>
        tpu.wait_dma2 semaphore(%arg31 : memref<!tpu.dma_semaphore, #tpu.memory_space<semaphore_mem>>) src(%arg20 : memref<64x64xf32, #tpu.memory_space<vmem>>) dst(%dma_wait3A_338 : memref<64x64xf32, #tpu.memory_space<hbm>>)
      } else {
      }
      %add3A_273 = arith.constant 0 : i32
      %add3A_274 = arith.addi %add3A_273, %add3A_190 : i32
      %add3A_275 = arith.constant 1 : i32
      %add3A_276 = arith.addi %add3A_274, %add3A_275 : i32
      %jit3A_277 = arith.constant 8 : i32
      %eq3A_278 = arith.constant 0 : i32
      %eq3A_279 = arith.cmpi eq, %jit3A_277, %eq3A_278 : i32
      %jit3A_280 = arith.constant 1 : i32
      %select_n3A_281 = arith.select %eq3A_279, %jit3A_280, %jit3A_277 : i32
      %rem3A_282 = arith.remsi %add3A_276, %select_n3A_281 : i32
      %ne3A_283 = arith.constant 0 : i32
      %ne3A_284 = arith.cmpi ne, %rem3A_282, %ne3A_283 : i32
      %lt3A_285 = arith.constant 0 : i32
      %lt3A_286 = arith.cmpi slt, %rem3A_282, %lt3A_285 : i32
      %lt3A_287 = arith.constant 0 : i32
      %lt3A_288 = arith.cmpi slt, %select_n3A_281, %lt3A_287 : i32
      %ne3A_289 = arith.xori %lt3A_286, %lt3A_288 : i1
      %and3A_290 = arith.andi %ne3A_289, %ne3A_284 : i1
      %add3A_291 = arith.addi %rem3A_282, %select_n3A_281 : i32
      %select_n3A_292 = arith.select %and3A_290, %add3A_291, %rem3A_282 : i32
      %mul3A_293 = arith.constant 64 : i32
      %mul3A_294 = arith.muli %select_n3A_292, %mul3A_293 : i32
      %scan3A_295 = arith.constant 0 : i32
      %scan3A_296 = arith.constant 64 : i32
      %scan3A_297 = arith.addi %scan3A_295, %scan3A_296 : i32
      %scan3A_298 = arith.constant 1 : i32
      scf.for %scan3A_335 = %scan3A_295 to %scan3A_297 step %scan3A_298  : i32 {
        %mul3A_336 = arith.constant 1 : i32
        %mul3A_337 = arith.muli %scan3A_335, %mul3A_336 : i32
        %add3A_338 = arith.constant 0 : i32
        %add3A_339 = arith.addi %add3A_338, %mul3A_337 : i32
        %get3A_340 = arith.index_cast %add3A_339 : i32 to index
        %get3A_341 = arith.constant 0 : index
        %get3A_342 = tpu.vector_load %arg16[%get3A_340, %get3A_341] {strides = array<i32>} : memref<64x128xf32, #tpu.memory_space<vmem>>, vector<16xf32>,
        %get3A_343 = arith.index_cast %add3A_339 : i32 to index
        %get3A_344 = arith.constant 64 : index
        %get3A_345 = tpu.vector_load %arg18[%get3A_343, %get3A_344] {strides = array<i32>} : memref<64x128xf32, #tpu.memory_space<vmem>>, vector<16xf32>,
        %add3A_346 = arith.addf %get3A_342, %get3A_345 : vector<16xf32>
        %max3A = arith.constant 0.000000e+00 : f32
        %max3A_347 = vector.broadcast %max3A : f32 to vector<16xf32>
        %max3A_348 = arith.maximumf %add3A_346, %max3A_347 : vector<16xf32>
        %get3A_349 = arith.index_cast %add3A_339 : i32 to index
        %get3A_350 = arith.constant 16 : index
        %get3A_351 = tpu.vector_load %arg16[%get3A_349, %get3A_350] {strides = array<i32>} : memref<64x128xf32, #tpu.memory_space<vmem>>, vector<16xf32>,
        %get3A_352 = arith.index_cast %add3A_339 : i32 to index
        %get3A_353 = arith.constant 80 : index
        %get3A_354 = tpu.vector_load %arg18[%get3A_352, %get3A_353] {strides = array<i32>} : memref<64x128xf32, #tpu.memory_space<vmem>>, vector<16xf32>,
        %add3A_355 = arith.addf %get3A_351, %get3A_354 : vector<16xf32>
        %max3A_356 = arith.constant 0.000000e+00 : f32
        %max3A_357 = vector.broadcast %max3A_356 : f32 to vector<16xf32>
        %max3A_358 = arith.maximumf %add3A_355, %max3A_357 : vector<16xf32>
        %get3A_359 = arith.index_cast %add3A_339 : i32 to index
        %get3A_360 = arith.constant 32 : index
        %get3A_361 = tpu.vector_load %arg16[%get3A_359, %get3A_360] {strides = array<i32>} : memref<64x128xf32, #tpu.memory_space<vmem>>, vector<16xf32>,
        %get3A_362 = arith.index_cast %add3A_339 : i32 to index
        %get3A_363 = arith.constant 96 : index
        %get3A_364 = tpu.vector_load %arg18[%get3A_362, %get3A_363] {strides = array<i32>} : memref<64x128xf32, #tpu.memory_space<vmem>>, vector<16xf32>,
        %add3A_365 = arith.addf %get3A_361, %get3A_364 : vector<16xf32>
        %max3A_366 = arith.constant 0.000000e+00 : f32
        %max3A_367 = vector.broadcast %max3A_366 : f32 to vector<16xf32>
        %max3A_368 = arith.maximumf %add3A_365, %max3A_367 : vector<16xf32>
        %get3A_369 = arith.index_cast %add3A_339 : i32 to index
        %get3A_370 = arith.constant 48 : index
        %get3A_371 = tpu.vector_load %arg16[%get3A_369, %get3A_370] {strides = array<i32>} : memref<64x128xf32, #tpu.memory_space<vmem>>, vector<16xf32>,
        %get3A_372 = arith.index_cast %add3A_339 : i32 to index
        %get3A_373 = arith.constant 112 : index
        %get3A_374 = tpu.vector_load %arg18[%get3A_372, %get3A_373] {strides = array<i32>} : memref<64x128xf32, #tpu.memory_space<vmem>>, vector<16xf32>,
        %add3A_375 = arith.addf %get3A_371, %get3A_374 : vector<16xf32>
        %max3A_376 = arith.constant 0.000000e+00 : f32
        %max3A_377 = vector.broadcast %max3A_376 : f32 to vector<16xf32>
        %max3A_378 = arith.maximumf %add3A_375, %max3A_377 : vector<16xf32>
        %add3A_379 = arith.addf %max3A_348, %max3A_358 : vector<16xf32>
        %add3A_380 = arith.addf %max3A_368, %max3A_378 : vector<16xf32>
        %add3A_381 = arith.addf %add3A_379, %add3A_380 : vector<16xf32>
        %mul3A_382 = arith.mulf %max3A_348, %max3A_348 : vector<16xf32>
        %mul3A_383 = arith.mulf %max3A_358, %max3A_358 : vector<16xf32>
        %add3A_384 = arith.addf %mul3A_382, %mul3A_383 : vector<16xf32>
        %mul3A_385 = arith.mulf %max3A_368, %max3A_368 : vector<16xf32>
        %mul3A_386 = arith.mulf %max3A_378, %max3A_378 : vector<16xf32>
        %add3A_387 = arith.addf %mul3A_385, %mul3A_386 : vector<16xf32>
        %add3A_388 = arith.addf %add3A_384, %add3A_387 : vector<16xf32>
        %reduce_sum3A = arith.constant true
        %reduce_sum3A_389 = vector.broadcast %reduce_sum3A : i1 to vector<16xi1>
        %reduce_sum3A_390 = tpu.scan <sum>, %add3A_381 masked %reduce_sum3A_389 : vector<16xf32>, vector<16xi1> -> vector<16xf32>
        %reduce_sum3A_391 = vector.extract %reduce_sum3A_390[15] : f32 from vector<16xf32>
        %mul3A_392 = arith.constant 1.562500e-02 : f32
        %mul3A_393 = arith.mulf %reduce_sum3A_391, %mul3A_392 : f32
        %reduce_sum3A_394 = arith.constant true
        %reduce_sum3A_395 = vector.broadcast %reduce_sum3A_394 : i1 to vector<16xi1>
        %reduce_sum3A_396 = tpu.scan <sum>, %add3A_388 masked %reduce_sum3A_395 : vector<16xf32>, vector<16xi1> -> vector<16xf32>
        %reduce_sum3A_397 = vector.extract %reduce_sum3A_396[15] : f32 from vector<16xf32>
        %mul3A_398 = arith.constant 1.562500e-02 : f32
        %mul3A_399 = arith.mulf %reduce_sum3A_397, %mul3A_398 : f32
        %mul3A_400 = arith.mulf %mul3A_393, %mul3A_393 : f32
        %sub3A = arith.subf %mul3A_399, %mul3A_400 : f32
        %add3A_401 = arith.constant 9.99999974E-6 : f32
        %add3A_402 = arith.addf %sub3A, %add3A_401 : f32
        %broadcast_in_dim3A = vector.broadcast %add3A_402 : f32 to vector<16xf32>
        %bitcast_convert_type3A = tpu.bitcast %broadcast_in_dim3A : vector<16xf32> -> vector<16xi32>
        %shift_right_arithmetic3A = arith.constant 1 : i32
        %shift_right_arithmetic3A_403 = vector.broadcast %shift_right_arithmetic3A : i32 to vector<16xi32>
        %shift_right_arithmetic3A_404 = arith.shrsi %bitcast_convert_type3A, %shift_right_arithmetic3A_403 : vector<16xi32>
        %sub3A_405 = arith.constant 1597463007 : i32
        %sub3A_406 = vector.broadcast %sub3A_405 : i32 to vector<16xi32>
        %sub3A_407 = arith.subi %sub3A_406, %shift_right_arithmetic3A_404 : vector<16xi32>
        %bitcast_convert_type3A_408 = tpu.bitcast %sub3A_407 : vector<16xi32> -> vector<16xf32>
        %mul3A_409 = arith.constant 5.000000e-01 : f32
        %mul3A_410 = vector.broadcast %mul3A_409 : f32 to vector<16xf32>
        %mul3A_411 = arith.mulf %mul3A_410, %broadcast_in_dim3A : vector<16xf32>
        %mul3A_412 = arith.mulf %mul3A_411, %bitcast_convert_type3A_408 : vector<16xf32>
        %mul3A_413 = arith.mulf %mul3A_412, %bitcast_convert_type3A_408 : vector<16xf32>
        %sub3A_414 = arith.constant 1.500000e+00 : f32
        %sub3A_415 = vector.broadcast %sub3A_414 : f32 to vector<16xf32>
        %sub3A_416 = arith.subf %sub3A_415, %mul3A_413 : vector<16xf32>
        %mul3A_417 = arith.mulf %bitcast_convert_type3A_408, %sub3A_416 : vector<16xf32>
        %mul3A_418 = arith.constant 5.000000e-01 : f32
        %mul3A_419 = vector.broadcast %mul3A_418 : f32 to vector<16xf32>
        %mul3A_420 = arith.mulf %mul3A_419, %broadcast_in_dim3A : vector<16xf32>
        %mul3A_421 = arith.mulf %mul3A_420, %mul3A_417 : vector<16xf32>
        %mul3A_422 = arith.mulf %mul3A_421, %mul3A_417 : vector<16xf32>
        %sub3A_423 = arith.constant 1.500000e+00 : f32
        %sub3A_424 = vector.broadcast %sub3A_423 : f32 to vector<16xf32>
        %sub3A_425 = arith.subf %sub3A_424, %mul3A_422 : vector<16xf32>
        %mul3A_426 = arith.mulf %mul3A_417, %sub3A_425 : vector<16xf32>
        %broadcast_in_dim3A_427 = vector.broadcast %mul3A_393 : f32 to vector<16xf32>
        %add3A_428 = arith.addi %mul3A_294, %add3A_339 : i32
        %sub3A_429 = arith.subf %max3A_348, %broadcast_in_dim3A_427 : vector<16xf32>
        %mul3A_430 = arith.mulf %mul3A_426, %get3A_31 : vector<16xf32>
        %mul3A_431 = arith.mulf %sub3A_429, %mul3A_430 : vector<16xf32>
        %get3A_432 = arith.index_cast %add3A_428 : i32 to index
        %get3A_433 = arith.constant 0 : index
        %get3A_434 = tpu.vector_load %arg21[%get3A_432, %get3A_433] {strides = array<i32>} : memref<512x64xf32, #tpu.memory_space<vmem>>, vector<16xf32>,
        %add3A_435 = arith.addf %mul3A_431, %get3A_434 : vector<16xf32>
        %swap3A = arith.index_cast %add3A_339 : i32 to index
        %swap3A_436 = arith.constant 0 : index
        %swap3A_437 = tpu.vector_load %arg20[%swap3A, %swap3A_436] {strides = array<i32>} : memref<64x64xf32, #tpu.memory_space<vmem>>, vector<16xf32>,
        tpu.vector_store %arg20[%swap3A, %swap3A_436], %add3A_435 {strides = array<i32>} : memref<64x64xf32, #tpu.memory_space<vmem>>, vector<16xf32>,
        %sub3A_438 = arith.subf %max3A_358, %broadcast_in_dim3A_427 : vector<16xf32>
        %mul3A_439 = arith.mulf %mul3A_426, %get3A_33 : vector<16xf32>
        %mul3A_440 = arith.mulf %sub3A_438, %mul3A_439 : vector<16xf32>
        %get3A_441 = arith.index_cast %add3A_428 : i32 to index
        %get3A_442 = arith.constant 16 : index
        %get3A_443 = tpu.vector_load %arg21[%get3A_441, %get3A_442] {strides = array<i32>} : memref<512x64xf32, #tpu.memory_space<vmem>>, vector<16xf32>,
        %add3A_444 = arith.addf %mul3A_440, %get3A_443 : vector<16xf32>
        %swap3A_445 = arith.index_cast %add3A_339 : i32 to index
        %swap3A_446 = arith.constant 16 : index
        %swap3A_447 = tpu.vector_load %arg20[%swap3A_445, %swap3A_446] {strides = array<i32>} : memref<64x64xf32, #tpu.memory_space<vmem>>, vector<16xf32>,
        tpu.vector_store %arg20[%swap3A_445, %swap3A_446], %add3A_444 {strides = array<i32>} : memref<64x64xf32, #tpu.memory_space<vmem>>, vector<16xf32>,
        %sub3A_448 = arith.subf %max3A_368, %broadcast_in_dim3A_427 : vector<16xf32>
        %mul3A_449 = arith.mulf %mul3A_426, %get3A_35 : vector<16xf32>
        %mul3A_450 = arith.mulf %sub3A_448, %mul3A_449 : vector<16xf32>
        %get3A_451 = arith.index_cast %add3A_428 : i32 to index
        %get3A_452 = arith.constant 32 : index
        %get3A_453 = tpu.vector_load %arg21[%get3A_451, %get3A_452] {strides = array<i32>} : memref<512x64xf32, #tpu.memory_space<vmem>>, vector<16xf32>,
        %add3A_454 = arith.addf %mul3A_450, %get3A_453 : vector<16xf32>
        %swap3A_455 = arith.index_cast %add3A_339 : i32 to index
        %swap3A_456 = arith.constant 32 : index
        %swap3A_457 = tpu.vector_load %arg20[%swap3A_455, %swap3A_456] {strides = array<i32>} : memref<64x64xf32, #tpu.memory_space<vmem>>, vector<16xf32>,
        tpu.vector_store %arg20[%swap3A_455, %swap3A_456], %add3A_454 {strides = array<i32>} : memref<64x64xf32, #tpu.memory_space<vmem>>, vector<16xf32>,
        %sub3A_458 = arith.subf %max3A_378, %broadcast_in_dim3A_427 : vector<16xf32>
        %mul3A_459 = arith.mulf %mul3A_426, %get3A_37 : vector<16xf32>
        %mul3A_460 = arith.mulf %sub3A_458, %mul3A_459 : vector<16xf32>
        %get3A_461 = arith.index_cast %add3A_428 : i32 to index
        %get3A_462 = arith.constant 48 : index
        %get3A_463 = tpu.vector_load %arg21[%get3A_461, %get3A_462] {strides = array<i32>} : memref<512x64xf32, #tpu.memory_space<vmem>>, vector<16xf32>,
        %add3A_464 = arith.addf %mul3A_460, %get3A_463 : vector<16xf32>
        %swap3A_465 = arith.index_cast %add3A_339 : i32 to index
        %swap3A_466 = arith.constant 48 : index
        %swap3A_467 = tpu.vector_load %arg20[%swap3A_465, %swap3A_466] {strides = array<i32>} : memref<64x64xf32, #tpu.memory_space<vmem>>, vector<16xf32>,
        tpu.vector_store %arg20[%swap3A_465, %swap3A_466], %add3A_464 {strides = array<i32>} : memref<64x64xf32, #tpu.memory_space<vmem>>, vector<16xf32>,
      }
      %scan3A_299 = arith.constant 64 : i32
      %jit3A_300 = arith.constant 8 : i32
      %eq3A_301 = arith.constant 0 : i32
      %eq3A_302 = arith.cmpi eq, %jit3A_300, %eq3A_301 : i32
      %jit3A_303 = arith.constant 1 : i32
      %select_n3A_304 = arith.select %eq3A_302, %jit3A_303, %jit3A_300 : i32
      %rem3A_305 = arith.remsi %add3A_276, %select_n3A_304 : i32
      %ne3A_306 = arith.constant 0 : i32
      %ne3A_307 = arith.cmpi ne, %rem3A_305, %ne3A_306 : i32
      %lt3A_308 = arith.constant 0 : i32
      %lt3A_309 = arith.cmpi slt, %rem3A_305, %lt3A_308 : i32
      %lt3A_310 = arith.constant 0 : i32
      %lt3A_311 = arith.cmpi slt, %select_n3A_304, %lt3A_310 : i32
      %ne3A_312 = arith.xori %lt3A_309, %lt3A_311 : i1
      %and3A_313 = arith.andi %ne3A_312, %ne3A_307 : i1
      %add3A_314 = arith.addi %rem3A_305, %select_n3A_304 : i32
      %select_n3A_315 = arith.select %and3A_313, %add3A_314, %rem3A_305 : i32
      %eq3A_316 = arith.constant 0 : i32
      %eq3A_317 = arith.cmpi eq, %select_n3A_315, %eq3A_316 : i32
      %convert_element_type3A_318 = arith.extui %eq3A_317 : i1 to i32
      %cond3A_319 = arith.constant 0 : i32
      %cond3A_320 = arith.cmpi ne, %convert_element_type3A_318, %cond3A_319 : i32
      scf.if %cond3A_320 {
        %jit3A_335 = arith.constant 8 : i32
        %div3A = arith.divsi %add3A_276, %jit3A_335 : i32
        %sign3A = arith.constant 0 : i32
        %sign3A_336 = arith.cmpi sgt, %add3A_276, %sign3A : i32
        %sign3A_337 = arith.extui %sign3A_336 : i1 to i32
        %sign3A_338 = arith.constant 0 : i32
        %sign3A_339 = arith.cmpi slt, %add3A_276, %sign3A_338 : i32
        %sign3A_340 = arith.extui %sign3A_339 : i1 to i32
        %sign3A_341 = arith.subi %sign3A_337, %sign3A_340 : i32
        %sign3A_342 = arith.constant 0 : i32
        %sign3A_343 = arith.cmpi sgt, %jit3A_335, %sign3A_342 : i32
        %sign3A_344 = arith.extui %sign3A_343 : i1 to i32
        %sign3A_345 = arith.constant 0 : i32
        %sign3A_346 = arith.cmpi slt, %jit3A_335, %sign3A_345 : i32
        %sign3A_347 = arith.extui %sign3A_346 : i1 to i32
        %sign3A_348 = arith.subi %sign3A_344, %sign3A_347 : i32
        %ne3A_349 = arith.cmpi ne, %sign3A_341, %sign3A_348 : i32
        %rem3A_350 = arith.remsi %add3A_276, %jit3A_335 : i32
        %ne3A_351 = arith.constant 0 : i32
        %ne3A_352 = arith.cmpi ne, %rem3A_350, %ne3A_351 : i32
        %and3A_353 = arith.andi %ne3A_349, %ne3A_352 : i1
        %sub3A = arith.constant 1 : i32
        %sub3A_354 = arith.subi %div3A, %sub3A : i32
        %select_n3A_355 = arith.select %and3A_353, %sub3A_354, %div3A : i32
        %get3A_356 = arith.constant 0 : i32
        %get3A_357 = arith.index_cast %get3A_356 : i32 to index
        %get3A_358 = arith.constant 0 : index
        %get3A_359 = tpu.vector_load %arg20[%get3A_357, %get3A_358] {strides = array<i32>} : memref<64x64xf32, #tpu.memory_space<vmem>>, vector<16xf32>,
        %get3A_360 = arith.index_cast %select_n3A_355 : i32 to index
        %get3A_361 = arith.constant 0 : index
        %get3A_362 = tpu.vector_load %arg25[%get3A_360, %get3A_361] {strides = array<i32>} : memref<32x64xf32, #tpu.memory_space<vmem>>, vector<16xf32>,
        %add3A_363 = arith.addf %get3A_359, %get3A_362 : vector<16xf32>
        %swap3A = arith.constant 0 : i32
        %swap3A_364 = arith.index_cast %swap3A : i32 to index
        %swap3A_365 = arith.constant 0 : index
        %swap3A_366 = tpu.vector_load %arg20[%swap3A_364, %swap3A_365] {strides = array<i32>} : memref<64x64xf32, #tpu.memory_space<vmem>>, vector<16xf32>,
        tpu.vector_store %arg20[%swap3A_364, %swap3A_365], %add3A_363 {strides = array<i32>} : memref<64x64xf32, #tpu.memory_space<vmem>>, vector<16xf32>,
        %get3A_367 = arith.constant 0 : i32
        %get3A_368 = arith.index_cast %get3A_367 : i32 to index
        %get3A_369 = arith.constant 16 : index
        %get3A_370 = tpu.vector_load %arg20[%get3A_368, %get3A_369] {strides = array<i32>} : memref<64x64xf32, #tpu.memory_space<vmem>>, vector<16xf32>,
        %get3A_371 = arith.index_cast %select_n3A_355 : i32 to index
        %get3A_372 = arith.constant 16 : index
        %get3A_373 = tpu.vector_load %arg25[%get3A_371, %get3A_372] {strides = array<i32>} : memref<32x64xf32, #tpu.memory_space<vmem>>, vector<16xf32>,
        %add3A_374 = arith.addf %get3A_370, %get3A_373 : vector<16xf32>
        %swap3A_375 = arith.constant 0 : i32
        %swap3A_376 = arith.index_cast %swap3A_375 : i32 to index
        %swap3A_377 = arith.constant 16 : index
        %swap3A_378 = tpu.vector_load %arg20[%swap3A_376, %swap3A_377] {strides = array<i32>} : memref<64x64xf32, #tpu.memory_space<vmem>>, vector<16xf32>,
        tpu.vector_store %arg20[%swap3A_376, %swap3A_377], %add3A_374 {strides = array<i32>} : memref<64x64xf32, #tpu.memory_space<vmem>>, vector<16xf32>,
        %get3A_379 = arith.constant 0 : i32
        %get3A_380 = arith.index_cast %get3A_379 : i32 to index
        %get3A_381 = arith.constant 32 : index
        %get3A_382 = tpu.vector_load %arg20[%get3A_380, %get3A_381] {strides = array<i32>} : memref<64x64xf32, #tpu.memory_space<vmem>>, vector<16xf32>,
        %get3A_383 = arith.index_cast %select_n3A_355 : i32 to index
        %get3A_384 = arith.constant 32 : index
        %get3A_385 = tpu.vector_load %arg25[%get3A_383, %get3A_384] {strides = array<i32>} : memref<32x64xf32, #tpu.memory_space<vmem>>, vector<16xf32>,
        %add3A_386 = arith.addf %get3A_382, %get3A_385 : vector<16xf32>
        %swap3A_387 = arith.constant 0 : i32
        %swap3A_388 = arith.index_cast %swap3A_387 : i32 to index
        %swap3A_389 = arith.constant 32 : index
        %swap3A_390 = tpu.vector_load %arg20[%swap3A_388, %swap3A_389] {strides = array<i32>} : memref<64x64xf32, #tpu.memory_space<vmem>>, vector<16xf32>,
        tpu.vector_store %arg20[%swap3A_388, %swap3A_389], %add3A_386 {strides = array<i32>} : memref<64x64xf32, #tpu.memory_space<vmem>>, vector<16xf32>,
        %get3A_391 = arith.constant 0 : i32
        %get3A_392 = arith.index_cast %get3A_391 : i32 to index
        %get3A_393 = arith.constant 48 : index
        %get3A_394 = tpu.vector_load %arg20[%get3A_392, %get3A_393] {strides = array<i32>} : memref<64x64xf32, #tpu.memory_space<vmem>>, vector<16xf32>,
        %get3A_395 = arith.index_cast %select_n3A_355 : i32 to index
        %get3A_396 = arith.constant 48 : index
        %get3A_397 = tpu.vector_load %arg25[%get3A_395, %get3A_396] {strides = array<i32>} : memref<32x64xf32, #tpu.memory_space<vmem>>, vector<16xf32>,
        %add3A_398 = arith.addf %get3A_394, %get3A_397 : vector<16xf32>
        %swap3A_399 = arith.constant 0 : i32
        %swap3A_400 = arith.index_cast %swap3A_399 : i32 to index
        %swap3A_401 = arith.constant 48 : index
        %swap3A_402 = tpu.vector_load %arg20[%swap3A_400, %swap3A_401] {strides = array<i32>} : memref<64x64xf32, #tpu.memory_space<vmem>>, vector<16xf32>,
        tpu.vector_store %arg20[%swap3A_400, %swap3A_401], %add3A_398 {strides = array<i32>} : memref<64x64xf32, #tpu.memory_space<vmem>>, vector<16xf32>,
      } else {
      }
      %mul3A_321 = arith.constant 64 : i32
      %mul3A_322 = arith.muli %add3A_276, %mul3A_321 : i32
      %add3A_323 = arith.addi %mul3A_30, %mul3A_322 : i32
      %dma_start3A_324 = arith.constant 0 : i32
      %dma_start3A_325 = tpu.memref_slice %arg12[%add3A_323, %dma_start3A_324] : memref<524288x64xf32, #tpu.memory_space<hbm>> -> memref<64x64xf32, #tpu.memory_space<hbm>>
      %dma_start3A_326 = arith.constant 0 : i32
      %dma_start3A_327 = tpu.memref_slice %arg12[%add3A_323, %dma_start3A_326] : memref<524288x64xf32, #tpu.memory_space<hbm>> -> memref<64x64xf32, #tpu.memory_space<hbm>>
      tpu.enqueue_dma source(%arg20 : memref<64x64xf32, #tpu.memory_space<vmem>>) target(%dma_start3A_327 : memref<64x64xf32, #tpu.memory_space<hbm>>) target_semaphore(%arg31 : memref<!tpu.dma_semaphore, #tpu.memory_space<semaphore_mem>>)
      %add3A_328 = arith.constant 3 : i32
      %add3A_329 = arith.addi %add3A_190, %add3A_328 : i32
      %lt3A_330 = arith.constant 64 : i32
      %lt3A_331 = arith.cmpi slt, %add3A_329, %lt3A_330 : i32
      %convert_element_type3A_332 = arith.extui %lt3A_331 : i1 to i32
      %cond3A_333 = arith.constant 0 : i32
      %cond3A_334 = arith.cmpi ne, %convert_element_type3A_332, %cond3A_333 : i32
      scf.if %cond3A_334 {
        %add3A_335 = arith.constant 3 : i32
        %add3A_336 = arith.addi %add3A_190, %add3A_335 : i32
        %mul3A_337 = arith.constant 64 : i32
        %mul3A_338 = arith.muli %add3A_336, %mul3A_337 : i32
        %dma_start3A_339 = tpu.memref_slice %arg13[%mul3A_338] : memref<4096xi32, #tpu.memory_space<vmem>> -> memref<64xi32, #tpu.memory_space<vmem>>
        %dma_start3A_340 = arith.constant 0 : i32
        %dma_start3A_341 = arith.constant 0 : i32
        %dma_start3A_342 = tpu.memref_slice %arg2[%dma_start3A_340, %dma_start3A_341] : memref<100000x128xf32, #tpu.memory_space<hbm>> -> memref<100000x128xf32, #tpu.memory_space<hbm>>
        tpu.enqueue_indirect_dma source(%dma_start3A_342 : memref<100000x128xf32, #tpu.memory_space<hbm>>) target(%arg16 : memref<64x128xf32, #tpu.memory_space<vmem>>) offsets(%dma_start3A_339 : memref<64xi32, #tpu.memory_space<vmem>>) semaphore(%arg27 : memref<!tpu.dma_semaphore, #tpu.memory_space<semaphore_mem>>)
        %dma_start3A_343 = tpu.memref_slice %arg14[%mul3A_338] : memref<4096xi32, #tpu.memory_space<vmem>> -> memref<64xi32, #tpu.memory_space<vmem>>
        %dma_start3A_344 = arith.constant 0 : i32
        %dma_start3A_345 = arith.constant 0 : i32
        %dma_start3A_346 = tpu.memref_slice %arg3[%dma_start3A_344, %dma_start3A_345] : memref<1000x128xf32, #tpu.memory_space<hbm>> -> memref<1000x128xf32, #tpu.memory_space<hbm>>
        tpu.enqueue_indirect_dma source(%dma_start3A_346 : memref<1000x128xf32, #tpu.memory_space<hbm>>) target(%arg18 : memref<64x128xf32, #tpu.memory_space<vmem>>) offsets(%dma_start3A_343 : memref<64xi32, #tpu.memory_space<vmem>>) semaphore(%arg29 : memref<!tpu.dma_semaphore, #tpu.memory_space<semaphore_mem>>)
      } else {
      }
    }
    %scan3A_66 = arith.constant 32 : i32
    %dma_wait3A_67 = arith.constant 0 : i32
    %dma_wait3A_68 = tpu.memref_slice %arg12[%mul3A_30, %dma_wait3A_67] : memref<524288x64xf32, #tpu.memory_space<hbm>> -> memref<64x64xf32, #tpu.memory_space<hbm>>
    %dma_wait3A_69 = arith.constant 0 : i32
    %dma_wait3A_70 = tpu.memref_slice %arg12[%mul3A_30, %dma_wait3A_69] : memref<524288x64xf32, #tpu.memory_space<hbm>> -> memref<64x64xf32, #tpu.memory_space<hbm>>
    tpu.wait_dma2 semaphore(%arg30 : memref<!tpu.dma_semaphore, #tpu.memory_space<semaphore_mem>>) src(%arg19 : memref<64x64xf32, #tpu.memory_space<vmem>>) dst(%dma_wait3A_70 : memref<64x64xf32, #tpu.memory_space<hbm>>)
    %dma_wait3A_71 = arith.constant 0 : i32
    %dma_wait3A_72 = tpu.memref_slice %arg12[%mul3A_30, %dma_wait3A_71] : memref<524288x64xf32, #tpu.memory_space<hbm>> -> memref<64x64xf32, #tpu.memory_space<hbm>>
    %dma_wait3A_73 = arith.constant 0 : i32
    %dma_wait3A_74 = tpu.memref_slice %arg12[%mul3A_30, %dma_wait3A_73] : memref<524288x64xf32, #tpu.memory_space<hbm>> -> memref<64x64xf32, #tpu.memory_space<hbm>>
    tpu.wait_dma2 semaphore(%arg31 : memref<!tpu.dma_semaphore, #tpu.memory_space<semaphore_mem>>) src(%arg20 : memref<64x64xf32, #tpu.memory_space<vmem>>) dst(%dma_wait3A_74 : memref<64x64xf32, #tpu.memory_space<hbm>>)
    %add3A_75 = arith.constant 4096 : i32
    %add3A_76 = arith.addi %mul3A_30, %add3A_75 : i32
    "tpu.region"() ({
      %run_scoped3A = tpu.sem_alloc : memref<!tpu.dma_semaphore, #tpu.memory_space<semaphore_mem>>
      %dma_start3A_186 = tpu.memref_slice %arg4[%add3A_76] : memref<524288xi32, #tpu.memory_space<hbm>> -> memref<4096xi32, #tpu.memory_space<hbm>>
      %dma_start3A_187 = tpu.memref_slice %arg4[%add3A_76] : memref<524288xi32, #tpu.memory_space<hbm>> -> memref<4096xi32, #tpu.memory_space<hbm>>
      tpu.enqueue_dma source(%dma_start3A_187 : memref<4096xi32, #tpu.memory_space<hbm>>) target(%arg13 : memref<4096xi32, #tpu.memory_space<vmem>>) target_semaphore(%run_scoped3A : memref<!tpu.dma_semaphore, #tpu.memory_space<semaphore_mem>>)
      %dma_wait3A_188 = tpu.memref_slice %arg4[%add3A_76] : memref<524288xi32, #tpu.memory_space<hbm>> -> memref<4096xi32, #tpu.memory_space<hbm>>
      %dma_wait3A_189 = tpu.memref_slice %arg4[%add3A_76] : memref<524288xi32, #tpu.memory_space<hbm>> -> memref<4096xi32, #tpu.memory_space<hbm>>
      tpu.wait_dma2 semaphore(%run_scoped3A : memref<!tpu.dma_semaphore, #tpu.memory_space<semaphore_mem>>) src(%dma_wait3A_189 : memref<4096xi32, #tpu.memory_space<hbm>>) dst(%arg13 : memref<4096xi32, #tpu.memory_space<vmem>>)
      tpu.yield
    }) : () -> ()
    %add3A_77 = arith.constant 4096 : i32
    %add3A_78 = arith.addi %mul3A_30, %add3A_77 : i32
    "tpu.region"() ({
      %run_scoped3A = tpu.sem_alloc : memref<!tpu.dma_semaphore, #tpu.memory_space<semaphore_mem>>
      %dma_start3A_186 = tpu.memref_slice %arg5[%add3A_78] : memref<524288xi32, #tpu.memory_space<hbm>> -> memref<4096xi32, #tpu.memory_space<hbm>>
      %dma_start3A_187 = tpu.memref_slice %arg5[%add3A_78] : memref<524288xi32, #tpu.memory_space<hbm>> -> memref<4096xi32, #tpu.memory_space<hbm>>
      tpu.enqueue_dma source(%dma_start3A_187 : memref<4096xi32, #tpu.memory_space<hbm>>) target(%arg14 : memref<4096xi32, #tpu.memory_space<vmem>>) target_semaphore(%run_scoped3A : memref<!tpu.dma_semaphore, #tpu.memory_space<semaphore_mem>>)
      %dma_wait3A_188 = tpu.memref_slice %arg5[%add3A_78] : memref<524288xi32, #tpu.memory_space<hbm>> -> memref<4096xi32, #tpu.memory_space<hbm>>
      %dma_wait3A_189 = tpu.memref_slice %arg5[%add3A_78] : memref<524288xi32, #tpu.memory_space<hbm>> -> memref<4096xi32, #tpu.memory_space<hbm>>
      tpu.wait_dma2 semaphore(%run_scoped3A : memref<!tpu.dma_semaphore, #tpu.memory_space<semaphore_mem>>) src(%dma_wait3A_189 : memref<4096xi32, #tpu.memory_space<hbm>>) dst(%arg14 : memref<4096xi32, #tpu.memory_space<vmem>>)
      tpu.yield
    }) : () -> ()
    %dma_start3A_79 = arith.constant 0 : i32
    %dma_start3A_80 = tpu.memref_slice %arg13[%dma_start3A_79] : memref<4096xi32, #tpu.memory_space<vmem>> -> memref<64xi32, #tpu.memory_space<vmem>>
    %dma_start3A_81 = arith.constant 0 : i32
    %dma_start3A_82 = arith.constant 0 : i32
    %dma_start3A_83 = tpu.memref_slice %arg2[%dma_start3A_81, %dma_start3A_82] : memref<100000x128xf32, #tpu.memory_space<hbm>> -> memref<100000x128xf32, #tpu.memory_space<hbm>>
    tpu.enqueue_indirect_dma source(%dma_start3A_83 : memref<100000x128xf32, #tpu.memory_space<hbm>>) target(%arg15 : memref<64x128xf32, #tpu.memory_space<vmem>>) offsets(%dma_start3A_80 : memref<64xi32, #tpu.memory_space<vmem>>) semaphore(%arg26 : memref<!tpu.dma_semaphore, #tpu.memory_space<semaphore_mem>>)
    %dma_start3A_84 = arith.constant 0 : i32
    %dma_start3A_85 = tpu.memref_slice %arg14[%dma_start3A_84] : memref<4096xi32, #tpu.memory_space<vmem>> -> memref<64xi32, #tpu.memory_space<vmem>>
    %dma_start3A_86 = arith.constant 0 : i32
    %dma_start3A_87 = arith.constant 0 : i32
    %dma_start3A_88 = tpu.memref_slice %arg3[%dma_start3A_86, %dma_start3A_87] : memref<1000x128xf32, #tpu.memory_space<hbm>> -> memref<1000x128xf32, #tpu.memory_space<hbm>>
    tpu.enqueue_indirect_dma source(%dma_start3A_88 : memref<1000x128xf32, #tpu.memory_space<hbm>>) target(%arg17 : memref<64x128xf32, #tpu.memory_space<vmem>>) offsets(%dma_start3A_85 : memref<64xi32, #tpu.memory_space<vmem>>) semaphore(%arg28 : memref<!tpu.dma_semaphore, #tpu.memory_space<semaphore_mem>>)
    %dma_start3A_89 = arith.constant 64 : i32
    %dma_start3A_90 = tpu.memref_slice %arg13[%dma_start3A_89] : memref<4096xi32, #tpu.memory_space<vmem>> -> memref<64xi32, #tpu.memory_space<vmem>>
    %dma_start3A_91 = arith.constant 0 : i32
    %dma_start3A_92 = arith.constant 0 : i32
    %dma_start3A_93 = tpu.memref_slice %arg2[%dma_start3A_91, %dma_start3A_92] : memref<100000x128xf32, #tpu.memory_space<hbm>> -> memref<100000x128xf32, #tpu.memory_space<hbm>>
    tpu.enqueue_indirect_dma source(%dma_start3A_93 : memref<100000x128xf32, #tpu.memory_space<hbm>>) target(%arg16 : memref<64x128xf32, #tpu.memory_space<vmem>>) offsets(%dma_start3A_90 : memref<64xi32, #tpu.memory_space<vmem>>) semaphore(%arg27 : memref<!tpu.dma_semaphore, #tpu.memory_space<semaphore_mem>>)
    %dma_start3A_94 = arith.constant 64 : i32
    %dma_start3A_95 = tpu.memref_slice %arg14[%dma_start3A_94] : memref<4096xi32, #tpu.memory_space<vmem>> -> memref<64xi32, #tpu.memory_space<vmem>>
    %dma_start3A_96 = arith.constant 0 : i32
    %dma_start3A_97 = arith.constant 0 : i32
    %dma_start3A_98 = tpu.memref_slice %arg3[%dma_start3A_96, %dma_start3A_97] : memref<1000x128xf32, #tpu.memory_space<hbm>> -> memref<1000x128xf32, #tpu.memory_space<hbm>>
    tpu.enqueue_indirect_dma source(%dma_start3A_98 : memref<1000x128xf32, #tpu.memory_space<hbm>>) target(%arg18 : memref<64x128xf32, #tpu.memory_space<vmem>>) offsets(%dma_start3A_95 : memref<64xi32, #tpu.memory_space<vmem>>) semaphore(%arg29 : memref<!tpu.dma_semaphore, #tpu.memory_space<semaphore_mem>>)
    %scan3A_99 = arith.constant 0 : i32
    %scan3A_100 = arith.constant 32 : i32
    %scan3A_101 = arith.addi %scan3A_99, %scan3A_100 : i32
    %scan3A_102 = arith.constant 1 : i32
    scf.for %scan3A_186 = %scan3A_99 to %scan3A_101 step %scan3A_102  : i32 {
      %mul3A_187 = arith.constant 2 : i32
      %mul3A_188 = arith.muli %scan3A_186, %mul3A_187 : i32
      %add3A_189 = arith.constant 0 : i32
      %add3A_190 = arith.addi %add3A_189, %mul3A_188 : i32
      %mul3A_191 = arith.constant 64 : i32
      %mul3A_192 = arith.muli %add3A_190, %mul3A_191 : i32
      %dma_wait3A_193 = tpu.memref_slice %arg13[%mul3A_192] : memref<4096xi32, #tpu.memory_space<vmem>> -> memref<64xi32, #tpu.memory_space<vmem>>
      %dma_wait3A_194 = arith.constant 0 : i32
      %dma_wait3A_195 = arith.constant 0 : i32
      %dma_wait3A_196 = tpu.memref_slice %arg2[%dma_wait3A_194, %dma_wait3A_195] : memref<100000x128xf32, #tpu.memory_space<hbm>> -> memref<100000x128xf32, #tpu.memory_space<hbm>>
      tpu.wait_indirect_dma semaphore(%arg26 : memref<!tpu.dma_semaphore, #tpu.memory_space<semaphore_mem>>) src(%dma_wait3A_196 : memref<100000x128xf32, #tpu.memory_space<hbm>>) dst(%arg15 : memref<64x128xf32, #tpu.memory_space<vmem>>)
      %dma_wait3A_197 = tpu.memref_slice %arg14[%mul3A_192] : memref<4096xi32, #tpu.memory_space<vmem>> -> memref<64xi32, #tpu.memory_space<vmem>>
      %dma_wait3A_198 = arith.constant 0 : i32
      %dma_wait3A_199 = arith.constant 0 : i32
      %dma_wait3A_200 = tpu.memref_slice %arg3[%dma_wait3A_198, %dma_wait3A_199] : memref<1000x128xf32, #tpu.memory_space<hbm>> -> memref<1000x128xf32, #tpu.memory_space<hbm>>
      tpu.wait_indirect_dma semaphore(%arg28 : memref<!tpu.dma_semaphore, #tpu.memory_space<semaphore_mem>>) src(%dma_wait3A_200 : memref<1000x128xf32, #tpu.memory_space<hbm>>) dst(%arg17 : memref<64x128xf32, #tpu.memory_space<vmem>>)
      %ge3A = arith.constant 2 : i32
      %ge3A_201 = arith.cmpi sge, %add3A_190, %ge3A : i32
      %convert_element_type3A = arith.extui %ge3A_201 : i1 to i32
      %cond3A = arith.constant 0 : i32
      %cond3A_202 = arith.cmpi ne, %convert_element_type3A, %cond3A : i32
      scf.if %cond3A_202 {
        %dma_wait3A_335 = arith.constant 0 : i32
        %dma_wait3A_336 = tpu.memref_slice %arg12[%mul3A_30, %dma_wait3A_335] : memref<524288x64xf32, #tpu.memory_space<hbm>> -> memref<64x64xf32, #tpu.memory_space<hbm>>
        %dma_wait3A_337 = arith.constant 0 : i32
        %dma_wait3A_338 = tpu.memref_slice %arg12[%mul3A_30, %dma_wait3A_337] : memref<524288x64xf32, #tpu.memory_space<hbm>> -> memref<64x64xf32, #tpu.memory_space<hbm>>
        tpu.wait_dma2 semaphore(%arg30 : memref<!tpu.dma_semaphore, #tpu.memory_space<semaphore_mem>>) src(%arg19 : memref<64x64xf32, #tpu.memory_space<vmem>>) dst(%dma_wait3A_338 : memref<64x64xf32, #tpu.memory_space<hbm>>)
      } else {
      }
      %add3A_203 = arith.constant 64 : i32
      %add3A_204 = arith.addi %add3A_203, %add3A_190 : i32
      %jit3A = arith.constant 8 : i32
      %eq3A = arith.constant 0 : i32
      %eq3A_205 = arith.cmpi eq, %jit3A, %eq3A : i32
      %jit3A_206 = arith.constant 1 : i32
      %select_n3A = arith.select %eq3A_205, %jit3A_206, %jit3A : i32
      %rem3A = arith.remsi %add3A_204, %select_n3A : i32
      %ne3A = arith.constant 0 : i32
      %ne3A_207 = arith.cmpi ne, %rem3A, %ne3A : i32
      %lt3A = arith.constant 0 : i32
      %lt3A_208 = arith.cmpi slt, %rem3A, %lt3A : i32
      %lt3A_209 = arith.constant 0 : i32
      %lt3A_210 = arith.cmpi slt, %select_n3A, %lt3A_209 : i32
      %ne3A_211 = arith.xori %lt3A_208, %lt3A_210 : i1
      %and3A = arith.andi %ne3A_211, %ne3A_207 : i1
      %add3A_212 = arith.addi %rem3A, %select_n3A : i32
      %select_n3A_213 = arith.select %and3A, %add3A_212, %rem3A : i32
      %mul3A_214 = arith.constant 64 : i32
      %mul3A_215 = arith.muli %select_n3A_213, %mul3A_214 : i32
      %scan3A_216 = arith.constant 0 : i32
      %scan3A_217 = arith.constant 64 : i32
      %scan3A_218 = arith.addi %scan3A_216, %scan3A_217 : i32
      %scan3A_219 = arith.constant 1 : i32
      scf.for %scan3A_335 = %scan3A_216 to %scan3A_218 step %scan3A_219  : i32 {
        %mul3A_336 = arith.constant 1 : i32
        %mul3A_337 = arith.muli %scan3A_335, %mul3A_336 : i32
        %add3A_338 = arith.constant 0 : i32
        %add3A_339 = arith.addi %add3A_338, %mul3A_337 : i32
        %get3A_340 = arith.index_cast %add3A_339 : i32 to index
        %get3A_341 = arith.constant 0 : index
        %get3A_342 = tpu.vector_load %arg15[%get3A_340, %get3A_341] {strides = array<i32>} : memref<64x128xf32, #tpu.memory_space<vmem>>, vector<16xf32>,
        %get3A_343 = arith.index_cast %add3A_339 : i32 to index
        %get3A_344 = arith.constant 64 : index
        %get3A_345 = tpu.vector_load %arg17[%get3A_343, %get3A_344] {strides = array<i32>} : memref<64x128xf32, #tpu.memory_space<vmem>>, vector<16xf32>,
        %add3A_346 = arith.addf %get3A_342, %get3A_345 : vector<16xf32>
        %max3A = arith.constant 0.000000e+00 : f32
        %max3A_347 = vector.broadcast %max3A : f32 to vector<16xf32>
        %max3A_348 = arith.maximumf %add3A_346, %max3A_347 : vector<16xf32>
        %get3A_349 = arith.index_cast %add3A_339 : i32 to index
        %get3A_350 = arith.constant 16 : index
        %get3A_351 = tpu.vector_load %arg15[%get3A_349, %get3A_350] {strides = array<i32>} : memref<64x128xf32, #tpu.memory_space<vmem>>, vector<16xf32>,
        %get3A_352 = arith.index_cast %add3A_339 : i32 to index
        %get3A_353 = arith.constant 80 : index
        %get3A_354 = tpu.vector_load %arg17[%get3A_352, %get3A_353] {strides = array<i32>} : memref<64x128xf32, #tpu.memory_space<vmem>>, vector<16xf32>,
        %add3A_355 = arith.addf %get3A_351, %get3A_354 : vector<16xf32>
        %max3A_356 = arith.constant 0.000000e+00 : f32
        %max3A_357 = vector.broadcast %max3A_356 : f32 to vector<16xf32>
        %max3A_358 = arith.maximumf %add3A_355, %max3A_357 : vector<16xf32>
        %get3A_359 = arith.index_cast %add3A_339 : i32 to index
        %get3A_360 = arith.constant 32 : index
        %get3A_361 = tpu.vector_load %arg15[%get3A_359, %get3A_360] {strides = array<i32>} : memref<64x128xf32, #tpu.memory_space<vmem>>, vector<16xf32>,
        %get3A_362 = arith.index_cast %add3A_339 : i32 to index
        %get3A_363 = arith.constant 96 : index
        %get3A_364 = tpu.vector_load %arg17[%get3A_362, %get3A_363] {strides = array<i32>} : memref<64x128xf32, #tpu.memory_space<vmem>>, vector<16xf32>,
        %add3A_365 = arith.addf %get3A_361, %get3A_364 : vector<16xf32>
        %max3A_366 = arith.constant 0.000000e+00 : f32
        %max3A_367 = vector.broadcast %max3A_366 : f32 to vector<16xf32>
        %max3A_368 = arith.maximumf %add3A_365, %max3A_367 : vector<16xf32>
        %get3A_369 = arith.index_cast %add3A_339 : i32 to index
        %get3A_370 = arith.constant 48 : index
        %get3A_371 = tpu.vector_load %arg15[%get3A_369, %get3A_370] {strides = array<i32>} : memref<64x128xf32, #tpu.memory_space<vmem>>, vector<16xf32>,
        %get3A_372 = arith.index_cast %add3A_339 : i32 to index
        %get3A_373 = arith.constant 112 : index
        %get3A_374 = tpu.vector_load %arg17[%get3A_372, %get3A_373] {strides = array<i32>} : memref<64x128xf32, #tpu.memory_space<vmem>>, vector<16xf32>,
        %add3A_375 = arith.addf %get3A_371, %get3A_374 : vector<16xf32>
        %max3A_376 = arith.constant 0.000000e+00 : f32
        %max3A_377 = vector.broadcast %max3A_376 : f32 to vector<16xf32>
        %max3A_378 = arith.maximumf %add3A_375, %max3A_377 : vector<16xf32>
        %add3A_379 = arith.addf %max3A_348, %max3A_358 : vector<16xf32>
        %add3A_380 = arith.addf %max3A_368, %max3A_378 : vector<16xf32>
        %add3A_381 = arith.addf %add3A_379, %add3A_380 : vector<16xf32>
        %mul3A_382 = arith.mulf %max3A_348, %max3A_348 : vector<16xf32>
        %mul3A_383 = arith.mulf %max3A_358, %max3A_358 : vector<16xf32>
        %add3A_384 = arith.addf %mul3A_382, %mul3A_383 : vector<16xf32>
        %mul3A_385 = arith.mulf %max3A_368, %max3A_368 : vector<16xf32>
        %mul3A_386 = arith.mulf %max3A_378, %max3A_378 : vector<16xf32>
        %add3A_387 = arith.addf %mul3A_385, %mul3A_386 : vector<16xf32>
        %add3A_388 = arith.addf %add3A_384, %add3A_387 : vector<16xf32>
        %reduce_sum3A = arith.constant true
        %reduce_sum3A_389 = vector.broadcast %reduce_sum3A : i1 to vector<16xi1>
        %reduce_sum3A_390 = tpu.scan <sum>, %add3A_381 masked %reduce_sum3A_389 : vector<16xf32>, vector<16xi1> -> vector<16xf32>
        %reduce_sum3A_391 = vector.extract %reduce_sum3A_390[15] : f32 from vector<16xf32>
        %mul3A_392 = arith.constant 1.562500e-02 : f32
        %mul3A_393 = arith.mulf %reduce_sum3A_391, %mul3A_392 : f32
        %reduce_sum3A_394 = arith.constant true
        %reduce_sum3A_395 = vector.broadcast %reduce_sum3A_394 : i1 to vector<16xi1>
        %reduce_sum3A_396 = tpu.scan <sum>, %add3A_388 masked %reduce_sum3A_395 : vector<16xf32>, vector<16xi1> -> vector<16xf32>
        %reduce_sum3A_397 = vector.extract %reduce_sum3A_396[15] : f32 from vector<16xf32>
        %mul3A_398 = arith.constant 1.562500e-02 : f32
        %mul3A_399 = arith.mulf %reduce_sum3A_397, %mul3A_398 : f32
        %mul3A_400 = arith.mulf %mul3A_393, %mul3A_393 : f32
        %sub3A = arith.subf %mul3A_399, %mul3A_400 : f32
        %add3A_401 = arith.constant 9.99999974E-6 : f32
        %add3A_402 = arith.addf %sub3A, %add3A_401 : f32
        %broadcast_in_dim3A = vector.broadcast %add3A_402 : f32 to vector<16xf32>
        %bitcast_convert_type3A = tpu.bitcast %broadcast_in_dim3A : vector<16xf32> -> vector<16xi32>
        %shift_right_arithmetic3A = arith.constant 1 : i32
        %shift_right_arithmetic3A_403 = vector.broadcast %shift_right_arithmetic3A : i32 to vector<16xi32>
        %shift_right_arithmetic3A_404 = arith.shrsi %bitcast_convert_type3A, %shift_right_arithmetic3A_403 : vector<16xi32>
        %sub3A_405 = arith.constant 1597463007 : i32
        %sub3A_406 = vector.broadcast %sub3A_405 : i32 to vector<16xi32>
        %sub3A_407 = arith.subi %sub3A_406, %shift_right_arithmetic3A_404 : vector<16xi32>
        %bitcast_convert_type3A_408 = tpu.bitcast %sub3A_407 : vector<16xi32> -> vector<16xf32>
        %mul3A_409 = arith.constant 5.000000e-01 : f32
        %mul3A_410 = vector.broadcast %mul3A_409 : f32 to vector<16xf32>
        %mul3A_411 = arith.mulf %mul3A_410, %broadcast_in_dim3A : vector<16xf32>
        %mul3A_412 = arith.mulf %mul3A_411, %bitcast_convert_type3A_408 : vector<16xf32>
        %mul3A_413 = arith.mulf %mul3A_412, %bitcast_convert_type3A_408 : vector<16xf32>
        %sub3A_414 = arith.constant 1.500000e+00 : f32
        %sub3A_415 = vector.broadcast %sub3A_414 : f32 to vector<16xf32>
        %sub3A_416 = arith.subf %sub3A_415, %mul3A_413 : vector<16xf32>
        %mul3A_417 = arith.mulf %bitcast_convert_type3A_408, %sub3A_416 : vector<16xf32>
        %mul3A_418 = arith.constant 5.000000e-01 : f32
        %mul3A_419 = vector.broadcast %mul3A_418 : f32 to vector<16xf32>
        %mul3A_420 = arith.mulf %mul3A_419, %broadcast_in_dim3A : vector<16xf32>
        %mul3A_421 = arith.mulf %mul3A_420, %mul3A_417 : vector<16xf32>
        %mul3A_422 = arith.mulf %mul3A_421, %mul3A_417 : vector<16xf32>
        %sub3A_423 = arith.constant 1.500000e+00 : f32
        %sub3A_424 = vector.broadcast %sub3A_423 : f32 to vector<16xf32>
        %sub3A_425 = arith.subf %sub3A_424, %mul3A_422 : vector<16xf32>
        %mul3A_426 = arith.mulf %mul3A_417, %sub3A_425 : vector<16xf32>
        %broadcast_in_dim3A_427 = vector.broadcast %mul3A_393 : f32 to vector<16xf32>
        %add3A_428 = arith.addi %mul3A_215, %add3A_339 : i32
        %sub3A_429 = arith.subf %max3A_348, %broadcast_in_dim3A_427 : vector<16xf32>
        %mul3A_430 = arith.mulf %mul3A_426, %get3A_31 : vector<16xf32>
        %mul3A_431 = arith.mulf %sub3A_429, %mul3A_430 : vector<16xf32>
        %get3A_432 = arith.index_cast %add3A_428 : i32 to index
        %get3A_433 = arith.constant 0 : index
        %get3A_434 = tpu.vector_load %arg21[%get3A_432, %get3A_433] {strides = array<i32>} : memref<512x64xf32, #tpu.memory_space<vmem>>, vector<16xf32>,
        %add3A_435 = arith.addf %mul3A_431, %get3A_434 : vector<16xf32>
        %swap3A = arith.index_cast %add3A_339 : i32 to index
        %swap3A_436 = arith.constant 0 : index
        %swap3A_437 = tpu.vector_load %arg19[%swap3A, %swap3A_436] {strides = array<i32>} : memref<64x64xf32, #tpu.memory_space<vmem>>, vector<16xf32>,
        tpu.vector_store %arg19[%swap3A, %swap3A_436], %add3A_435 {strides = array<i32>} : memref<64x64xf32, #tpu.memory_space<vmem>>, vector<16xf32>,
        %sub3A_438 = arith.subf %max3A_358, %broadcast_in_dim3A_427 : vector<16xf32>
        %mul3A_439 = arith.mulf %mul3A_426, %get3A_33 : vector<16xf32>
        %mul3A_440 = arith.mulf %sub3A_438, %mul3A_439 : vector<16xf32>
        %get3A_441 = arith.index_cast %add3A_428 : i32 to index
        %get3A_442 = arith.constant 16 : index
        %get3A_443 = tpu.vector_load %arg21[%get3A_441, %get3A_442] {strides = array<i32>} : memref<512x64xf32, #tpu.memory_space<vmem>>, vector<16xf32>,
        %add3A_444 = arith.addf %mul3A_440, %get3A_443 : vector<16xf32>
        %swap3A_445 = arith.index_cast %add3A_339 : i32 to index
        %swap3A_446 = arith.constant 16 : index
        %swap3A_447 = tpu.vector_load %arg19[%swap3A_445, %swap3A_446] {strides = array<i32>} : memref<64x64xf32, #tpu.memory_space<vmem>>, vector<16xf32>,
        tpu.vector_store %arg19[%swap3A_445, %swap3A_446], %add3A_444 {strides = array<i32>} : memref<64x64xf32, #tpu.memory_space<vmem>>, vector<16xf32>,
        %sub3A_448 = arith.subf %max3A_368, %broadcast_in_dim3A_427 : vector<16xf32>
        %mul3A_449 = arith.mulf %mul3A_426, %get3A_35 : vector<16xf32>
        %mul3A_450 = arith.mulf %sub3A_448, %mul3A_449 : vector<16xf32>
        %get3A_451 = arith.index_cast %add3A_428 : i32 to index
        %get3A_452 = arith.constant 32 : index
        %get3A_453 = tpu.vector_load %arg21[%get3A_451, %get3A_452] {strides = array<i32>} : memref<512x64xf32, #tpu.memory_space<vmem>>, vector<16xf32>,
        %add3A_454 = arith.addf %mul3A_450, %get3A_453 : vector<16xf32>
        %swap3A_455 = arith.index_cast %add3A_339 : i32 to index
        %swap3A_456 = arith.constant 32 : index
        %swap3A_457 = tpu.vector_load %arg19[%swap3A_455, %swap3A_456] {strides = array<i32>} : memref<64x64xf32, #tpu.memory_space<vmem>>, vector<16xf32>,
        tpu.vector_store %arg19[%swap3A_455, %swap3A_456], %add3A_454 {strides = array<i32>} : memref<64x64xf32, #tpu.memory_space<vmem>>, vector<16xf32>,
        %sub3A_458 = arith.subf %max3A_378, %broadcast_in_dim3A_427 : vector<16xf32>
        %mul3A_459 = arith.mulf %mul3A_426, %get3A_37 : vector<16xf32>
        %mul3A_460 = arith.mulf %sub3A_458, %mul3A_459 : vector<16xf32>
        %get3A_461 = arith.index_cast %add3A_428 : i32 to index
        %get3A_462 = arith.constant 48 : index
        %get3A_463 = tpu.vector_load %arg21[%get3A_461, %get3A_462] {strides = array<i32>} : memref<512x64xf32, #tpu.memory_space<vmem>>, vector<16xf32>,
        %add3A_464 = arith.addf %mul3A_460, %get3A_463 : vector<16xf32>
        %swap3A_465 = arith.index_cast %add3A_339 : i32 to index
        %swap3A_466 = arith.constant 48 : index
        %swap3A_467 = tpu.vector_load %arg19[%swap3A_465, %swap3A_466] {strides = array<i32>} : memref<64x64xf32, #tpu.memory_space<vmem>>, vector<16xf32>,
        tpu.vector_store %arg19[%swap3A_465, %swap3A_466], %add3A_464 {strides = array<i32>} : memref<64x64xf32, #tpu.memory_space<vmem>>, vector<16xf32>,
      }
      %scan3A_220 = arith.constant 64 : i32
      %jit3A_221 = arith.constant 8 : i32
      %eq3A_222 = arith.constant 0 : i32
      %eq3A_223 = arith.cmpi eq, %jit3A_221, %eq3A_222 : i32
      %jit3A_224 = arith.constant 1 : i32
      %select_n3A_225 = arith.select %eq3A_223, %jit3A_224, %jit3A_221 : i32
      %rem3A_226 = arith.remsi %add3A_204, %select_n3A_225 : i32
      %ne3A_227 = arith.constant 0 : i32
      %ne3A_228 = arith.cmpi ne, %rem3A_226, %ne3A_227 : i32
      %lt3A_229 = arith.constant 0 : i32
      %lt3A_230 = arith.cmpi slt, %rem3A_226, %lt3A_229 : i32
      %lt3A_231 = arith.constant 0 : i32
      %lt3A_232 = arith.cmpi slt, %select_n3A_225, %lt3A_231 : i32
      %ne3A_233 = arith.xori %lt3A_230, %lt3A_232 : i1
      %and3A_234 = arith.andi %ne3A_233, %ne3A_228 : i1
      %add3A_235 = arith.addi %rem3A_226, %select_n3A_225 : i32
      %select_n3A_236 = arith.select %and3A_234, %add3A_235, %rem3A_226 : i32
      %eq3A_237 = arith.constant 0 : i32
      %eq3A_238 = arith.cmpi eq, %select_n3A_236, %eq3A_237 : i32
      %convert_element_type3A_239 = arith.extui %eq3A_238 : i1 to i32
      %cond3A_240 = arith.constant 0 : i32
      %cond3A_241 = arith.cmpi ne, %convert_element_type3A_239, %cond3A_240 : i32
      scf.if %cond3A_241 {
        %jit3A_335 = arith.constant 8 : i32
        %div3A = arith.divsi %add3A_204, %jit3A_335 : i32
        %sign3A = arith.constant 0 : i32
        %sign3A_336 = arith.cmpi sgt, %add3A_204, %sign3A : i32
        %sign3A_337 = arith.extui %sign3A_336 : i1 to i32
        %sign3A_338 = arith.constant 0 : i32
        %sign3A_339 = arith.cmpi slt, %add3A_204, %sign3A_338 : i32
        %sign3A_340 = arith.extui %sign3A_339 : i1 to i32
        %sign3A_341 = arith.subi %sign3A_337, %sign3A_340 : i32
        %sign3A_342 = arith.constant 0 : i32
        %sign3A_343 = arith.cmpi sgt, %jit3A_335, %sign3A_342 : i32
        %sign3A_344 = arith.extui %sign3A_343 : i1 to i32
        %sign3A_345 = arith.constant 0 : i32
        %sign3A_346 = arith.cmpi slt, %jit3A_335, %sign3A_345 : i32
        %sign3A_347 = arith.extui %sign3A_346 : i1 to i32
        %sign3A_348 = arith.subi %sign3A_344, %sign3A_347 : i32
        %ne3A_349 = arith.cmpi ne, %sign3A_341, %sign3A_348 : i32
        %rem3A_350 = arith.remsi %add3A_204, %jit3A_335 : i32
        %ne3A_351 = arith.constant 0 : i32
        %ne3A_352 = arith.cmpi ne, %rem3A_350, %ne3A_351 : i32
        %and3A_353 = arith.andi %ne3A_349, %ne3A_352 : i1
        %sub3A = arith.constant 1 : i32
        %sub3A_354 = arith.subi %div3A, %sub3A : i32
        %select_n3A_355 = arith.select %and3A_353, %sub3A_354, %div3A : i32
        %get3A_356 = arith.constant 0 : i32
        %get3A_357 = arith.index_cast %get3A_356 : i32 to index
        %get3A_358 = arith.constant 0 : index
        %get3A_359 = tpu.vector_load %arg19[%get3A_357, %get3A_358] {strides = array<i32>} : memref<64x64xf32, #tpu.memory_space<vmem>>, vector<16xf32>,
        %get3A_360 = arith.index_cast %select_n3A_355 : i32 to index
        %get3A_361 = arith.constant 0 : index
        %get3A_362 = tpu.vector_load %arg25[%get3A_360, %get3A_361] {strides = array<i32>} : memref<32x64xf32, #tpu.memory_space<vmem>>, vector<16xf32>,
        %add3A_363 = arith.addf %get3A_359, %get3A_362 : vector<16xf32>
        %swap3A = arith.constant 0 : i32
        %swap3A_364 = arith.index_cast %swap3A : i32 to index
        %swap3A_365 = arith.constant 0 : index
        %swap3A_366 = tpu.vector_load %arg19[%swap3A_364, %swap3A_365] {strides = array<i32>} : memref<64x64xf32, #tpu.memory_space<vmem>>, vector<16xf32>,
        tpu.vector_store %arg19[%swap3A_364, %swap3A_365], %add3A_363 {strides = array<i32>} : memref<64x64xf32, #tpu.memory_space<vmem>>, vector<16xf32>,
        %get3A_367 = arith.constant 0 : i32
        %get3A_368 = arith.index_cast %get3A_367 : i32 to index
        %get3A_369 = arith.constant 16 : index
        %get3A_370 = tpu.vector_load %arg19[%get3A_368, %get3A_369] {strides = array<i32>} : memref<64x64xf32, #tpu.memory_space<vmem>>, vector<16xf32>,
        %get3A_371 = arith.index_cast %select_n3A_355 : i32 to index
        %get3A_372 = arith.constant 16 : index
        %get3A_373 = tpu.vector_load %arg25[%get3A_371, %get3A_372] {strides = array<i32>} : memref<32x64xf32, #tpu.memory_space<vmem>>, vector<16xf32>,
        %add3A_374 = arith.addf %get3A_370, %get3A_373 : vector<16xf32>
        %swap3A_375 = arith.constant 0 : i32
        %swap3A_376 = arith.index_cast %swap3A_375 : i32 to index
        %swap3A_377 = arith.constant 16 : index
        %swap3A_378 = tpu.vector_load %arg19[%swap3A_376, %swap3A_377] {strides = array<i32>} : memref<64x64xf32, #tpu.memory_space<vmem>>, vector<16xf32>,
        tpu.vector_store %arg19[%swap3A_376, %swap3A_377], %add3A_374 {strides = array<i32>} : memref<64x64xf32, #tpu.memory_space<vmem>>, vector<16xf32>,
        %get3A_379 = arith.constant 0 : i32
        %get3A_380 = arith.index_cast %get3A_379 : i32 to index
        %get3A_381 = arith.constant 32 : index
        %get3A_382 = tpu.vector_load %arg19[%get3A_380, %get3A_381] {strides = array<i32>} : memref<64x64xf32, #tpu.memory_space<vmem>>, vector<16xf32>,
        %get3A_383 = arith.index_cast %select_n3A_355 : i32 to index
        %get3A_384 = arith.constant 32 : index
        %get3A_385 = tpu.vector_load %arg25[%get3A_383, %get3A_384] {strides = array<i32>} : memref<32x64xf32, #tpu.memory_space<vmem>>, vector<16xf32>,
        %add3A_386 = arith.addf %get3A_382, %get3A_385 : vector<16xf32>
        %swap3A_387 = arith.constant 0 : i32
        %swap3A_388 = arith.index_cast %swap3A_387 : i32 to index
        %swap3A_389 = arith.constant 32 : index
        %swap3A_390 = tpu.vector_load %arg19[%swap3A_388, %swap3A_389] {strides = array<i32>} : memref<64x64xf32, #tpu.memory_space<vmem>>, vector<16xf32>,
        tpu.vector_store %arg19[%swap3A_388, %swap3A_389], %add3A_386 {strides = array<i32>} : memref<64x64xf32, #tpu.memory_space<vmem>>, vector<16xf32>,
        %get3A_391 = arith.constant 0 : i32
        %get3A_392 = arith.index_cast %get3A_391 : i32 to index
        %get3A_393 = arith.constant 48 : index
        %get3A_394 = tpu.vector_load %arg19[%get3A_392, %get3A_393] {strides = array<i32>} : memref<64x64xf32, #tpu.memory_space<vmem>>, vector<16xf32>,
        %get3A_395 = arith.index_cast %select_n3A_355 : i32 to index
        %get3A_396 = arith.constant 48 : index
        %get3A_397 = tpu.vector_load %arg25[%get3A_395, %get3A_396] {strides = array<i32>} : memref<32x64xf32, #tpu.memory_space<vmem>>, vector<16xf32>,
        %add3A_398 = arith.addf %get3A_394, %get3A_397 : vector<16xf32>
        %swap3A_399 = arith.constant 0 : i32
        %swap3A_400 = arith.index_cast %swap3A_399 : i32 to index
        %swap3A_401 = arith.constant 48 : index
        %swap3A_402 = tpu.vector_load %arg19[%swap3A_400, %swap3A_401] {strides = array<i32>} : memref<64x64xf32, #tpu.memory_space<vmem>>, vector<16xf32>,
        tpu.vector_store %arg19[%swap3A_400, %swap3A_401], %add3A_398 {strides = array<i32>} : memref<64x64xf32, #tpu.memory_space<vmem>>, vector<16xf32>,
      } else {
      }
      %mul3A_242 = arith.constant 64 : i32
      %mul3A_243 = arith.muli %add3A_204, %mul3A_242 : i32
      %add3A_244 = arith.addi %mul3A_30, %mul3A_243 : i32
      %dma_start3A_245 = arith.constant 0 : i32
      %dma_start3A_246 = tpu.memref_slice %arg12[%add3A_244, %dma_start3A_245] : memref<524288x64xf32, #tpu.memory_space<hbm>> -> memref<64x64xf32, #tpu.memory_space<hbm>>
      %dma_start3A_247 = arith.constant 0 : i32
      %dma_start3A_248 = tpu.memref_slice %arg12[%add3A_244, %dma_start3A_247] : memref<524288x64xf32, #tpu.memory_space<hbm>> -> memref<64x64xf32, #tpu.memory_space<hbm>>
      tpu.enqueue_dma source(%arg19 : memref<64x64xf32, #tpu.memory_space<vmem>>) target(%dma_start3A_248 : memref<64x64xf32, #tpu.memory_space<hbm>>) target_semaphore(%arg30 : memref<!tpu.dma_semaphore, #tpu.memory_space<semaphore_mem>>)
      %add3A_249 = arith.constant 2 : i32
      %add3A_250 = arith.addi %add3A_190, %add3A_249 : i32
      %lt3A_251 = arith.constant 64 : i32
      %lt3A_252 = arith.cmpi slt, %add3A_250, %lt3A_251 : i32
      %convert_element_type3A_253 = arith.extui %lt3A_252 : i1 to i32
      %cond3A_254 = arith.constant 0 : i32
      %cond3A_255 = arith.cmpi ne, %convert_element_type3A_253, %cond3A_254 : i32
      scf.if %cond3A_255 {
        %add3A_335 = arith.constant 2 : i32
        %add3A_336 = arith.addi %add3A_190, %add3A_335 : i32
        %mul3A_337 = arith.constant 64 : i32
        %mul3A_338 = arith.muli %add3A_336, %mul3A_337 : i32
        %dma_start3A_339 = tpu.memref_slice %arg13[%mul3A_338] : memref<4096xi32, #tpu.memory_space<vmem>> -> memref<64xi32, #tpu.memory_space<vmem>>
        %dma_start3A_340 = arith.constant 0 : i32
        %dma_start3A_341 = arith.constant 0 : i32
        %dma_start3A_342 = tpu.memref_slice %arg2[%dma_start3A_340, %dma_start3A_341] : memref<100000x128xf32, #tpu.memory_space<hbm>> -> memref<100000x128xf32, #tpu.memory_space<hbm>>
        tpu.enqueue_indirect_dma source(%dma_start3A_342 : memref<100000x128xf32, #tpu.memory_space<hbm>>) target(%arg15 : memref<64x128xf32, #tpu.memory_space<vmem>>) offsets(%dma_start3A_339 : memref<64xi32, #tpu.memory_space<vmem>>) semaphore(%arg26 : memref<!tpu.dma_semaphore, #tpu.memory_space<semaphore_mem>>)
        %dma_start3A_343 = tpu.memref_slice %arg14[%mul3A_338] : memref<4096xi32, #tpu.memory_space<vmem>> -> memref<64xi32, #tpu.memory_space<vmem>>
        %dma_start3A_344 = arith.constant 0 : i32
        %dma_start3A_345 = arith.constant 0 : i32
        %dma_start3A_346 = tpu.memref_slice %arg3[%dma_start3A_344, %dma_start3A_345] : memref<1000x128xf32, #tpu.memory_space<hbm>> -> memref<1000x128xf32, #tpu.memory_space<hbm>>
        tpu.enqueue_indirect_dma source(%dma_start3A_346 : memref<1000x128xf32, #tpu.memory_space<hbm>>) target(%arg17 : memref<64x128xf32, #tpu.memory_space<vmem>>) offsets(%dma_start3A_343 : memref<64xi32, #tpu.memory_space<vmem>>) semaphore(%arg28 : memref<!tpu.dma_semaphore, #tpu.memory_space<semaphore_mem>>)
      } else {
      }
      %add3A_256 = arith.constant 1 : i32
      %add3A_257 = arith.addi %add3A_190, %add3A_256 : i32
      %mul3A_258 = arith.constant 64 : i32
      %mul3A_259 = arith.muli %add3A_257, %mul3A_258 : i32
      %dma_wait3A_260 = tpu.memref_slice %arg13[%mul3A_259] : memref<4096xi32, #tpu.memory_space<vmem>> -> memref<64xi32, #tpu.memory_space<vmem>>
      %dma_wait3A_261 = arith.constant 0 : i32
      %dma_wait3A_262 = arith.constant 0 : i32
      %dma_wait3A_263 = tpu.memref_slice %arg2[%dma_wait3A_261, %dma_wait3A_262] : memref<100000x128xf32, #tpu.memory_space<hbm>> -> memref<100000x128xf32, #tpu.memory_space<hbm>>
      tpu.wait_indirect_dma semaphore(%arg27 : memref<!tpu.dma_semaphore, #tpu.memory_space<semaphore_mem>>) src(%dma_wait3A_263 : memref<100000x128xf32, #tpu.memory_space<hbm>>) dst(%arg16 : memref<64x128xf32, #tpu.memory_space<vmem>>)
      %dma_wait3A_264 = tpu.memref_slice %arg14[%mul3A_259] : memref<4096xi32, #tpu.memory_space<vmem>> -> memref<64xi32, #tpu.memory_space<vmem>>
      %dma_wait3A_265 = arith.constant 0 : i32
      %dma_wait3A_266 = arith.constant 0 : i32
      %dma_wait3A_267 = tpu.memref_slice %arg3[%dma_wait3A_265, %dma_wait3A_266] : memref<1000x128xf32, #tpu.memory_space<hbm>> -> memref<1000x128xf32, #tpu.memory_space<hbm>>
      tpu.wait_indirect_dma semaphore(%arg29 : memref<!tpu.dma_semaphore, #tpu.memory_space<semaphore_mem>>) src(%dma_wait3A_267 : memref<1000x128xf32, #tpu.memory_space<hbm>>) dst(%arg18 : memref<64x128xf32, #tpu.memory_space<vmem>>)
      %ge3A_268 = arith.constant 2 : i32
      %ge3A_269 = arith.cmpi sge, %add3A_190, %ge3A_268 : i32
      %convert_element_type3A_270 = arith.extui %ge3A_269 : i1 to i32
      %cond3A_271 = arith.constant 0 : i32
      %cond3A_272 = arith.cmpi ne, %convert_element_type3A_270, %cond3A_271 : i32
      scf.if %cond3A_272 {
        %dma_wait3A_335 = arith.constant 0 : i32
        %dma_wait3A_336 = tpu.memref_slice %arg12[%mul3A_30, %dma_wait3A_335] : memref<524288x64xf32, #tpu.memory_space<hbm>> -> memref<64x64xf32, #tpu.memory_space<hbm>>
        %dma_wait3A_337 = arith.constant 0 : i32
        %dma_wait3A_338 = tpu.memref_slice %arg12[%mul3A_30, %dma_wait3A_337] : memref<524288x64xf32, #tpu.memory_space<hbm>> -> memref<64x64xf32, #tpu.memory_space<hbm>>
        tpu.wait_dma2 semaphore(%arg31 : memref<!tpu.dma_semaphore, #tpu.memory_space<semaphore_mem>>) src(%arg20 : memref<64x64xf32, #tpu.memory_space<vmem>>) dst(%dma_wait3A_338 : memref<64x64xf32, #tpu.memory_space<hbm>>)
      } else {
      }
      %add3A_273 = arith.constant 64 : i32
      %add3A_274 = arith.addi %add3A_273, %add3A_190 : i32
      %add3A_275 = arith.constant 1 : i32
      %add3A_276 = arith.addi %add3A_274, %add3A_275 : i32
      %jit3A_277 = arith.constant 8 : i32
      %eq3A_278 = arith.constant 0 : i32
      %eq3A_279 = arith.cmpi eq, %jit3A_277, %eq3A_278 : i32
      %jit3A_280 = arith.constant 1 : i32
      %select_n3A_281 = arith.select %eq3A_279, %jit3A_280, %jit3A_277 : i32
      %rem3A_282 = arith.remsi %add3A_276, %select_n3A_281 : i32
      %ne3A_283 = arith.constant 0 : i32
      %ne3A_284 = arith.cmpi ne, %rem3A_282, %ne3A_283 : i32
      %lt3A_285 = arith.constant 0 : i32
      %lt3A_286 = arith.cmpi slt, %rem3A_282, %lt3A_285 : i32
      %lt3A_287 = arith.constant 0 : i32
      %lt3A_288 = arith.cmpi slt, %select_n3A_281, %lt3A_287 : i32
      %ne3A_289 = arith.xori %lt3A_286, %lt3A_288 : i1
      %and3A_290 = arith.andi %ne3A_289, %ne3A_284 : i1
      %add3A_291 = arith.addi %rem3A_282, %select_n3A_281 : i32
      %select_n3A_292 = arith.select %and3A_290, %add3A_291, %rem3A_282 : i32
      %mul3A_293 = arith.constant 64 : i32
      %mul3A_294 = arith.muli %select_n3A_292, %mul3A_293 : i32
      %scan3A_295 = arith.constant 0 : i32
      %scan3A_296 = arith.constant 64 : i32
      %scan3A_297 = arith.addi %scan3A_295, %scan3A_296 : i32
      %scan3A_298 = arith.constant 1 : i32
      scf.for %scan3A_335 = %scan3A_295 to %scan3A_297 step %scan3A_298  : i32 {
        %mul3A_336 = arith.constant 1 : i32
        %mul3A_337 = arith.muli %scan3A_335, %mul3A_336 : i32
        %add3A_338 = arith.constant 0 : i32
        %add3A_339 = arith.addi %add3A_338, %mul3A_337 : i32
        %get3A_340 = arith.index_cast %add3A_339 : i32 to index
        %get3A_341 = arith.constant 0 : index
        %get3A_342 = tpu.vector_load %arg16[%get3A_340, %get3A_341] {strides = array<i32>} : memref<64x128xf32, #tpu.memory_space<vmem>>, vector<16xf32>,
        %get3A_343 = arith.index_cast %add3A_339 : i32 to index
        %get3A_344 = arith.constant 64 : index
        %get3A_345 = tpu.vector_load %arg18[%get3A_343, %get3A_344] {strides = array<i32>} : memref<64x128xf32, #tpu.memory_space<vmem>>, vector<16xf32>,
        %add3A_346 = arith.addf %get3A_342, %get3A_345 : vector<16xf32>
        %max3A = arith.constant 0.000000e+00 : f32
        %max3A_347 = vector.broadcast %max3A : f32 to vector<16xf32>
        %max3A_348 = arith.maximumf %add3A_346, %max3A_347 : vector<16xf32>
        %get3A_349 = arith.index_cast %add3A_339 : i32 to index
        %get3A_350 = arith.constant 16 : index
        %get3A_351 = tpu.vector_load %arg16[%get3A_349, %get3A_350] {strides = array<i32>} : memref<64x128xf32, #tpu.memory_space<vmem>>, vector<16xf32>,
        %get3A_352 = arith.index_cast %add3A_339 : i32 to index
        %get3A_353 = arith.constant 80 : index
        %get3A_354 = tpu.vector_load %arg18[%get3A_352, %get3A_353] {strides = array<i32>} : memref<64x128xf32, #tpu.memory_space<vmem>>, vector<16xf32>,
        %add3A_355 = arith.addf %get3A_351, %get3A_354 : vector<16xf32>
        %max3A_356 = arith.constant 0.000000e+00 : f32
        %max3A_357 = vector.broadcast %max3A_356 : f32 to vector<16xf32>
        %max3A_358 = arith.maximumf %add3A_355, %max3A_357 : vector<16xf32>
        %get3A_359 = arith.index_cast %add3A_339 : i32 to index
        %get3A_360 = arith.constant 32 : index
        %get3A_361 = tpu.vector_load %arg16[%get3A_359, %get3A_360] {strides = array<i32>} : memref<64x128xf32, #tpu.memory_space<vmem>>, vector<16xf32>,
        %get3A_362 = arith.index_cast %add3A_339 : i32 to index
        %get3A_363 = arith.constant 96 : index
        %get3A_364 = tpu.vector_load %arg18[%get3A_362, %get3A_363] {strides = array<i32>} : memref<64x128xf32, #tpu.memory_space<vmem>>, vector<16xf32>,
        %add3A_365 = arith.addf %get3A_361, %get3A_364 : vector<16xf32>
        %max3A_366 = arith.constant 0.000000e+00 : f32
        %max3A_367 = vector.broadcast %max3A_366 : f32 to vector<16xf32>
        %max3A_368 = arith.maximumf %add3A_365, %max3A_367 : vector<16xf32>
        %get3A_369 = arith.index_cast %add3A_339 : i32 to index
        %get3A_370 = arith.constant 48 : index
        %get3A_371 = tpu.vector_load %arg16[%get3A_369, %get3A_370] {strides = array<i32>} : memref<64x128xf32, #tpu.memory_space<vmem>>, vector<16xf32>,
        %get3A_372 = arith.index_cast %add3A_339 : i32 to index
        %get3A_373 = arith.constant 112 : index
        %get3A_374 = tpu.vector_load %arg18[%get3A_372, %get3A_373] {strides = array<i32>} : memref<64x128xf32, #tpu.memory_space<vmem>>, vector<16xf32>,
        %add3A_375 = arith.addf %get3A_371, %get3A_374 : vector<16xf32>
        %max3A_376 = arith.constant 0.000000e+00 : f32
        %max3A_377 = vector.broadcast %max3A_376 : f32 to vector<16xf32>
        %max3A_378 = arith.maximumf %add3A_375, %max3A_377 : vector<16xf32>
        %add3A_379 = arith.addf %max3A_348, %max3A_358 : vector<16xf32>
        %add3A_380 = arith.addf %max3A_368, %max3A_378 : vector<16xf32>
        %add3A_381 = arith.addf %add3A_379, %add3A_380 : vector<16xf32>
        %mul3A_382 = arith.mulf %max3A_348, %max3A_348 : vector<16xf32>
        %mul3A_383 = arith.mulf %max3A_358, %max3A_358 : vector<16xf32>
        %add3A_384 = arith.addf %mul3A_382, %mul3A_383 : vector<16xf32>
        %mul3A_385 = arith.mulf %max3A_368, %max3A_368 : vector<16xf32>
        %mul3A_386 = arith.mulf %max3A_378, %max3A_378 : vector<16xf32>
        %add3A_387 = arith.addf %mul3A_385, %mul3A_386 : vector<16xf32>
        %add3A_388 = arith.addf %add3A_384, %add3A_387 : vector<16xf32>
        %reduce_sum3A = arith.constant true
        %reduce_sum3A_389 = vector.broadcast %reduce_sum3A : i1 to vector<16xi1>
        %reduce_sum3A_390 = tpu.scan <sum>, %add3A_381 masked %reduce_sum3A_389 : vector<16xf32>, vector<16xi1> -> vector<16xf32>
        %reduce_sum3A_391 = vector.extract %reduce_sum3A_390[15] : f32 from vector<16xf32>
        %mul3A_392 = arith.constant 1.562500e-02 : f32
        %mul3A_393 = arith.mulf %reduce_sum3A_391, %mul3A_392 : f32
        %reduce_sum3A_394 = arith.constant true
        %reduce_sum3A_395 = vector.broadcast %reduce_sum3A_394 : i1 to vector<16xi1>
        %reduce_sum3A_396 = tpu.scan <sum>, %add3A_388 masked %reduce_sum3A_395 : vector<16xf32>, vector<16xi1> -> vector<16xf32>
        %reduce_sum3A_397 = vector.extract %reduce_sum3A_396[15] : f32 from vector<16xf32>
        %mul3A_398 = arith.constant 1.562500e-02 : f32
        %mul3A_399 = arith.mulf %reduce_sum3A_397, %mul3A_398 : f32
        %mul3A_400 = arith.mulf %mul3A_393, %mul3A_393 : f32
        %sub3A = arith.subf %mul3A_399, %mul3A_400 : f32
        %add3A_401 = arith.constant 9.99999974E-6 : f32
        %add3A_402 = arith.addf %sub3A, %add3A_401 : f32
        %broadcast_in_dim3A = vector.broadcast %add3A_402 : f32 to vector<16xf32>
        %bitcast_convert_type3A = tpu.bitcast %broadcast_in_dim3A : vector<16xf32> -> vector<16xi32>
        %shift_right_arithmetic3A = arith.constant 1 : i32
        %shift_right_arithmetic3A_403 = vector.broadcast %shift_right_arithmetic3A : i32 to vector<16xi32>
        %shift_right_arithmetic3A_404 = arith.shrsi %bitcast_convert_type3A, %shift_right_arithmetic3A_403 : vector<16xi32>
        %sub3A_405 = arith.constant 1597463007 : i32
        %sub3A_406 = vector.broadcast %sub3A_405 : i32 to vector<16xi32>
        %sub3A_407 = arith.subi %sub3A_406, %shift_right_arithmetic3A_404 : vector<16xi32>
        %bitcast_convert_type3A_408 = tpu.bitcast %sub3A_407 : vector<16xi32> -> vector<16xf32>
        %mul3A_409 = arith.constant 5.000000e-01 : f32
        %mul3A_410 = vector.broadcast %mul3A_409 : f32 to vector<16xf32>
        %mul3A_411 = arith.mulf %mul3A_410, %broadcast_in_dim3A : vector<16xf32>
        %mul3A_412 = arith.mulf %mul3A_411, %bitcast_convert_type3A_408 : vector<16xf32>
        %mul3A_413 = arith.mulf %mul3A_412, %bitcast_convert_type3A_408 : vector<16xf32>
        %sub3A_414 = arith.constant 1.500000e+00 : f32
        %sub3A_415 = vector.broadcast %sub3A_414 : f32 to vector<16xf32>
        %sub3A_416 = arith.subf %sub3A_415, %mul3A_413 : vector<16xf32>
        %mul3A_417 = arith.mulf %bitcast_convert_type3A_408, %sub3A_416 : vector<16xf32>
        %mul3A_418 = arith.constant 5.000000e-01 : f32
        %mul3A_419 = vector.broadcast %mul3A_418 : f32 to vector<16xf32>
        %mul3A_420 = arith.mulf %mul3A_419, %broadcast_in_dim3A : vector<16xf32>
        %mul3A_421 = arith.mulf %mul3A_420, %mul3A_417 : vector<16xf32>
        %mul3A_422 = arith.mulf %mul3A_421, %mul3A_417 : vector<16xf32>
        %sub3A_423 = arith.constant 1.500000e+00 : f32
        %sub3A_424 = vector.broadcast %sub3A_423 : f32 to vector<16xf32>
        %sub3A_425 = arith.subf %sub3A_424, %mul3A_422 : vector<16xf32>
        %mul3A_426 = arith.mulf %mul3A_417, %sub3A_425 : vector<16xf32>
        %broadcast_in_dim3A_427 = vector.broadcast %mul3A_393 : f32 to vector<16xf32>
        %add3A_428 = arith.addi %mul3A_294, %add3A_339 : i32
        %sub3A_429 = arith.subf %max3A_348, %broadcast_in_dim3A_427 : vector<16xf32>
        %mul3A_430 = arith.mulf %mul3A_426, %get3A_31 : vector<16xf32>
        %mul3A_431 = arith.mulf %sub3A_429, %mul3A_430 : vector<16xf32>
        %get3A_432 = arith.index_cast %add3A_428 : i32 to index
        %get3A_433 = arith.constant 0 : index
        %get3A_434 = tpu.vector_load %arg21[%get3A_432, %get3A_433] {strides = array<i32>} : memref<512x64xf32, #tpu.memory_space<vmem>>, vector<16xf32>,
        %add3A_435 = arith.addf %mul3A_431, %get3A_434 : vector<16xf32>
        %swap3A = arith.index_cast %add3A_339 : i32 to index
        %swap3A_436 = arith.constant 0 : index
        %swap3A_437 = tpu.vector_load %arg20[%swap3A, %swap3A_436] {strides = array<i32>} : memref<64x64xf32, #tpu.memory_space<vmem>>, vector<16xf32>,
        tpu.vector_store %arg20[%swap3A, %swap3A_436], %add3A_435 {strides = array<i32>} : memref<64x64xf32, #tpu.memory_space<vmem>>, vector<16xf32>,
        %sub3A_438 = arith.subf %max3A_358, %broadcast_in_dim3A_427 : vector<16xf32>
        %mul3A_439 = arith.mulf %mul3A_426, %get3A_33 : vector<16xf32>
        %mul3A_440 = arith.mulf %sub3A_438, %mul3A_439 : vector<16xf32>
        %get3A_441 = arith.index_cast %add3A_428 : i32 to index
        %get3A_442 = arith.constant 16 : index
        %get3A_443 = tpu.vector_load %arg21[%get3A_441, %get3A_442] {strides = array<i32>} : memref<512x64xf32, #tpu.memory_space<vmem>>, vector<16xf32>,
        %add3A_444 = arith.addf %mul3A_440, %get3A_443 : vector<16xf32>
        %swap3A_445 = arith.index_cast %add3A_339 : i32 to index
        %swap3A_446 = arith.constant 16 : index
        %swap3A_447 = tpu.vector_load %arg20[%swap3A_445, %swap3A_446] {strides = array<i32>} : memref<64x64xf32, #tpu.memory_space<vmem>>, vector<16xf32>,
        tpu.vector_store %arg20[%swap3A_445, %swap3A_446], %add3A_444 {strides = array<i32>} : memref<64x64xf32, #tpu.memory_space<vmem>>, vector<16xf32>,
        %sub3A_448 = arith.subf %max3A_368, %broadcast_in_dim3A_427 : vector<16xf32>
        %mul3A_449 = arith.mulf %mul3A_426, %get3A_35 : vector<16xf32>
        %mul3A_450 = arith.mulf %sub3A_448, %mul3A_449 : vector<16xf32>
        %get3A_451 = arith.index_cast %add3A_428 : i32 to index
        %get3A_452 = arith.constant 32 : index
        %get3A_453 = tpu.vector_load %arg21[%get3A_451, %get3A_452] {strides = array<i32>} : memref<512x64xf32, #tpu.memory_space<vmem>>, vector<16xf32>,
        %add3A_454 = arith.addf %mul3A_450, %get3A_453 : vector<16xf32>
        %swap3A_455 = arith.index_cast %add3A_339 : i32 to index
        %swap3A_456 = arith.constant 32 : index
        %swap3A_457 = tpu.vector_load %arg20[%swap3A_455, %swap3A_456] {strides = array<i32>} : memref<64x64xf32, #tpu.memory_space<vmem>>, vector<16xf32>,
        tpu.vector_store %arg20[%swap3A_455, %swap3A_456], %add3A_454 {strides = array<i32>} : memref<64x64xf32, #tpu.memory_space<vmem>>, vector<16xf32>,
        %sub3A_458 = arith.subf %max3A_378, %broadcast_in_dim3A_427 : vector<16xf32>
        %mul3A_459 = arith.mulf %mul3A_426, %get3A_37 : vector<16xf32>
        %mul3A_460 = arith.mulf %sub3A_458, %mul3A_459 : vector<16xf32>
        %get3A_461 = arith.index_cast %add3A_428 : i32 to index
        %get3A_462 = arith.constant 48 : index
        %get3A_463 = tpu.vector_load %arg21[%get3A_461, %get3A_462] {strides = array<i32>} : memref<512x64xf32, #tpu.memory_space<vmem>>, vector<16xf32>,
        %add3A_464 = arith.addf %mul3A_460, %get3A_463 : vector<16xf32>
        %swap3A_465 = arith.index_cast %add3A_339 : i32 to index
        %swap3A_466 = arith.constant 48 : index
        %swap3A_467 = tpu.vector_load %arg20[%swap3A_465, %swap3A_466] {strides = array<i32>} : memref<64x64xf32, #tpu.memory_space<vmem>>, vector<16xf32>,
        tpu.vector_store %arg20[%swap3A_465, %swap3A_466], %add3A_464 {strides = array<i32>} : memref<64x64xf32, #tpu.memory_space<vmem>>, vector<16xf32>,
      }
      %scan3A_299 = arith.constant 64 : i32
      %jit3A_300 = arith.constant 8 : i32
      %eq3A_301 = arith.constant 0 : i32
      %eq3A_302 = arith.cmpi eq, %jit3A_300, %eq3A_301 : i32
      %jit3A_303 = arith.constant 1 : i32
      %select_n3A_304 = arith.select %eq3A_302, %jit3A_303, %jit3A_300 : i32
      %rem3A_305 = arith.remsi %add3A_276, %select_n3A_304 : i32
      %ne3A_306 = arith.constant 0 : i32
      %ne3A_307 = arith.cmpi ne, %rem3A_305, %ne3A_306 : i32
      %lt3A_308 = arith.constant 0 : i32
      %lt3A_309 = arith.cmpi slt, %rem3A_305, %lt3A_308 : i32
      %lt3A_310 = arith.constant 0 : i32
      %lt3A_311 = arith.cmpi slt, %select_n3A_304, %lt3A_310 : i32
      %ne3A_312 = arith.xori %lt3A_309, %lt3A_311 : i1
      %and3A_313 = arith.andi %ne3A_312, %ne3A_307 : i1
      %add3A_314 = arith.addi %rem3A_305, %select_n3A_304 : i32
      %select_n3A_315 = arith.select %and3A_313, %add3A_314, %rem3A_305 : i32
      %eq3A_316 = arith.constant 0 : i32
      %eq3A_317 = arith.cmpi eq, %select_n3A_315, %eq3A_316 : i32
      %convert_element_type3A_318 = arith.extui %eq3A_317 : i1 to i32
      %cond3A_319 = arith.constant 0 : i32
      %cond3A_320 = arith.cmpi ne, %convert_element_type3A_318, %cond3A_319 : i32
      scf.if %cond3A_320 {
        %jit3A_335 = arith.constant 8 : i32
        %div3A = arith.divsi %add3A_276, %jit3A_335 : i32
        %sign3A = arith.constant 0 : i32
        %sign3A_336 = arith.cmpi sgt, %add3A_276, %sign3A : i32
        %sign3A_337 = arith.extui %sign3A_336 : i1 to i32
        %sign3A_338 = arith.constant 0 : i32
        %sign3A_339 = arith.cmpi slt, %add3A_276, %sign3A_338 : i32
        %sign3A_340 = arith.extui %sign3A_339 : i1 to i32
        %sign3A_341 = arith.subi %sign3A_337, %sign3A_340 : i32
        %sign3A_342 = arith.constant 0 : i32
        %sign3A_343 = arith.cmpi sgt, %jit3A_335, %sign3A_342 : i32
        %sign3A_344 = arith.extui %sign3A_343 : i1 to i32
        %sign3A_345 = arith.constant 0 : i32
        %sign3A_346 = arith.cmpi slt, %jit3A_335, %sign3A_345 : i32
        %sign3A_347 = arith.extui %sign3A_346 : i1 to i32
        %sign3A_348 = arith.subi %sign3A_344, %sign3A_347 : i32
        %ne3A_349 = arith.cmpi ne, %sign3A_341, %sign3A_348 : i32
        %rem3A_350 = arith.remsi %add3A_276, %jit3A_335 : i32
        %ne3A_351 = arith.constant 0 : i32
        %ne3A_352 = arith.cmpi ne, %rem3A_350, %ne3A_351 : i32
        %and3A_353 = arith.andi %ne3A_349, %ne3A_352 : i1
        %sub3A = arith.constant 1 : i32
        %sub3A_354 = arith.subi %div3A, %sub3A : i32
        %select_n3A_355 = arith.select %and3A_353, %sub3A_354, %div3A : i32
        %get3A_356 = arith.constant 0 : i32
        %get3A_357 = arith.index_cast %get3A_356 : i32 to index
        %get3A_358 = arith.constant 0 : index
        %get3A_359 = tpu.vector_load %arg20[%get3A_357, %get3A_358] {strides = array<i32>} : memref<64x64xf32, #tpu.memory_space<vmem>>, vector<16xf32>,
        %get3A_360 = arith.index_cast %select_n3A_355 : i32 to index
        %get3A_361 = arith.constant 0 : index
        %get3A_362 = tpu.vector_load %arg25[%get3A_360, %get3A_361] {strides = array<i32>} : memref<32x64xf32, #tpu.memory_space<vmem>>, vector<16xf32>,
        %add3A_363 = arith.addf %get3A_359, %get3A_362 : vector<16xf32>
        %swap3A = arith.constant 0 : i32
        %swap3A_364 = arith.index_cast %swap3A : i32 to index
        %swap3A_365 = arith.constant 0 : index
        %swap3A_366 = tpu.vector_load %arg20[%swap3A_364, %swap3A_365] {strides = array<i32>} : memref<64x64xf32, #tpu.memory_space<vmem>>, vector<16xf32>,
        tpu.vector_store %arg20[%swap3A_364, %swap3A_365], %add3A_363 {strides = array<i32>} : memref<64x64xf32, #tpu.memory_space<vmem>>, vector<16xf32>,
        %get3A_367 = arith.constant 0 : i32
        %get3A_368 = arith.index_cast %get3A_367 : i32 to index
        %get3A_369 = arith.constant 16 : index
        %get3A_370 = tpu.vector_load %arg20[%get3A_368, %get3A_369] {strides = array<i32>} : memref<64x64xf32, #tpu.memory_space<vmem>>, vector<16xf32>,
        %get3A_371 = arith.index_cast %select_n3A_355 : i32 to index
        %get3A_372 = arith.constant 16 : index
        %get3A_373 = tpu.vector_load %arg25[%get3A_371, %get3A_372] {strides = array<i32>} : memref<32x64xf32, #tpu.memory_space<vmem>>, vector<16xf32>,
        %add3A_374 = arith.addf %get3A_370, %get3A_373 : vector<16xf32>
        %swap3A_375 = arith.constant 0 : i32
        %swap3A_376 = arith.index_cast %swap3A_375 : i32 to index
        %swap3A_377 = arith.constant 16 : index
        %swap3A_378 = tpu.vector_load %arg20[%swap3A_376, %swap3A_377] {strides = array<i32>} : memref<64x64xf32, #tpu.memory_space<vmem>>, vector<16xf32>,
        tpu.vector_store %arg20[%swap3A_376, %swap3A_377], %add3A_374 {strides = array<i32>} : memref<64x64xf32, #tpu.memory_space<vmem>>, vector<16xf32>,
        %get3A_379 = arith.constant 0 : i32
        %get3A_380 = arith.index_cast %get3A_379 : i32 to index
        %get3A_381 = arith.constant 32 : index
        %get3A_382 = tpu.vector_load %arg20[%get3A_380, %get3A_381] {strides = array<i32>} : memref<64x64xf32, #tpu.memory_space<vmem>>, vector<16xf32>,
        %get3A_383 = arith.index_cast %select_n3A_355 : i32 to index
        %get3A_384 = arith.constant 32 : index
        %get3A_385 = tpu.vector_load %arg25[%get3A_383, %get3A_384] {strides = array<i32>} : memref<32x64xf32, #tpu.memory_space<vmem>>, vector<16xf32>,
        %add3A_386 = arith.addf %get3A_382, %get3A_385 : vector<16xf32>
        %swap3A_387 = arith.constant 0 : i32
        %swap3A_388 = arith.index_cast %swap3A_387 : i32 to index
        %swap3A_389 = arith.constant 32 : index
        %swap3A_390 = tpu.vector_load %arg20[%swap3A_388, %swap3A_389] {strides = array<i32>} : memref<64x64xf32, #tpu.memory_space<vmem>>, vector<16xf32>,
        tpu.vector_store %arg20[%swap3A_388, %swap3A_389], %add3A_386 {strides = array<i32>} : memref<64x64xf32, #tpu.memory_space<vmem>>, vector<16xf32>,
        %get3A_391 = arith.constant 0 : i32
        %get3A_392 = arith.index_cast %get3A_391 : i32 to index
        %get3A_393 = arith.constant 48 : index
        %get3A_394 = tpu.vector_load %arg20[%get3A_392, %get3A_393] {strides = array<i32>} : memref<64x64xf32, #tpu.memory_space<vmem>>, vector<16xf32>,
        %get3A_395 = arith.index_cast %select_n3A_355 : i32 to index
        %get3A_396 = arith.constant 48 : index
        %get3A_397 = tpu.vector_load %arg25[%get3A_395, %get3A_396] {strides = array<i32>} : memref<32x64xf32, #tpu.memory_space<vmem>>, vector<16xf32>,
        %add3A_398 = arith.addf %get3A_394, %get3A_397 : vector<16xf32>
        %swap3A_399 = arith.constant 0 : i32
        %swap3A_400 = arith.index_cast %swap3A_399 : i32 to index
        %swap3A_401 = arith.constant 48 : index
        %swap3A_402 = tpu.vector_load %arg20[%swap3A_400, %swap3A_401] {strides = array<i32>} : memref<64x64xf32, #tpu.memory_space<vmem>>, vector<16xf32>,
        tpu.vector_store %arg20[%swap3A_400, %swap3A_401], %add3A_398 {strides = array<i32>} : memref<64x64xf32, #tpu.memory_space<vmem>>, vector<16xf32>,
      } else {
      }
      %mul3A_321 = arith.constant 64 : i32
      %mul3A_322 = arith.muli %add3A_276, %mul3A_321 : i32
      %add3A_323 = arith.addi %mul3A_30, %mul3A_322 : i32
      %dma_start3A_324 = arith.constant 0 : i32
      %dma_start3A_325 = tpu.memref_slice %arg12[%add3A_323, %dma_start3A_324] : memref<524288x64xf32, #tpu.memory_space<hbm>> -> memref<64x64xf32, #tpu.memory_space<hbm>>
      %dma_start3A_326 = arith.constant 0 : i32
      %dma_start3A_327 = tpu.memref_slice %arg12[%add3A_323, %dma_start3A_326] : memref<524288x64xf32, #tpu.memory_space<hbm>> -> memref<64x64xf32, #tpu.memory_space<hbm>>
      tpu.enqueue_dma source(%arg20 : memref<64x64xf32, #tpu.memory_space<vmem>>) target(%dma_start3A_327 : memref<64x64xf32, #tpu.memory_space<hbm>>) target_semaphore(%arg31 : memref<!tpu.dma_semaphore, #tpu.memory_space<semaphore_mem>>)
      %add3A_328 = arith.constant 3 : i32
      %add3A_329 = arith.addi %add3A_190, %add3A_328 : i32
      %lt3A_330 = arith.constant 64 : i32
      %lt3A_331 = arith.cmpi slt, %add3A_329, %lt3A_330 : i32
      %convert_element_type3A_332 = arith.extui %lt3A_331 : i1 to i32
      %cond3A_333 = arith.constant 0 : i32
      %cond3A_334 = arith.cmpi ne, %convert_element_type3A_332, %cond3A_333 : i32
      scf.if %cond3A_334 {
        %add3A_335 = arith.constant 3 : i32
        %add3A_336 = arith.addi %add3A_190, %add3A_335 : i32
        %mul3A_337 = arith.constant 64 : i32
        %mul3A_338 = arith.muli %add3A_336, %mul3A_337 : i32
        %dma_start3A_339 = tpu.memref_slice %arg13[%mul3A_338] : memref<4096xi32, #tpu.memory_space<vmem>> -> memref<64xi32, #tpu.memory_space<vmem>>
        %dma_start3A_340 = arith.constant 0 : i32
        %dma_start3A_341 = arith.constant 0 : i32
        %dma_start3A_342 = tpu.memref_slice %arg2[%dma_start3A_340, %dma_start3A_341] : memref<100000x128xf32, #tpu.memory_space<hbm>> -> memref<100000x128xf32, #tpu.memory_space<hbm>>
        tpu.enqueue_indirect_dma source(%dma_start3A_342 : memref<100000x128xf32, #tpu.memory_space<hbm>>) target(%arg16 : memref<64x128xf32, #tpu.memory_space<vmem>>) offsets(%dma_start3A_339 : memref<64xi32, #tpu.memory_space<vmem>>) semaphore(%arg27 : memref<!tpu.dma_semaphore, #tpu.memory_space<semaphore_mem>>)
        %dma_start3A_343 = tpu.memref_slice %arg14[%mul3A_338] : memref<4096xi32, #tpu.memory_space<vmem>> -> memref<64xi32, #tpu.memory_space<vmem>>
        %dma_start3A_344 = arith.constant 0 : i32
        %dma_start3A_345 = arith.constant 0 : i32
        %dma_start3A_346 = tpu.memref_slice %arg3[%dma_start3A_344, %dma_start3A_345] : memref<1000x128xf32, #tpu.memory_space<hbm>> -> memref<1000x128xf32, #tpu.memory_space<hbm>>
        tpu.enqueue_indirect_dma source(%dma_start3A_346 : memref<1000x128xf32, #tpu.memory_space<hbm>>) target(%arg18 : memref<64x128xf32, #tpu.memory_space<vmem>>) offsets(%dma_start3A_343 : memref<64xi32, #tpu.memory_space<vmem>>) semaphore(%arg29 : memref<!tpu.dma_semaphore, #tpu.memory_space<semaphore_mem>>)
      } else {
      }
    }
    %scan3A_103 = arith.constant 32 : i32
    %dma_wait3A_104 = arith.constant 0 : i32
    %dma_wait3A_105 = tpu.memref_slice %arg12[%mul3A_30, %dma_wait3A_104] : memref<524288x64xf32, #tpu.memory_space<hbm>> -> memref<64x64xf32, #tpu.memory_space<hbm>>
    %dma_wait3A_106 = arith.constant 0 : i32
    %dma_wait3A_107 = tpu.memref_slice %arg12[%mul3A_30, %dma_wait3A_106] : memref<524288x64xf32, #tpu.memory_space<hbm>> -> memref<64x64xf32, #tpu.memory_space<hbm>>
    tpu.wait_dma2 semaphore(%arg30 : memref<!tpu.dma_semaphore, #tpu.memory_space<semaphore_mem>>) src(%arg19 : memref<64x64xf32, #tpu.memory_space<vmem>>) dst(%dma_wait3A_107 : memref<64x64xf32, #tpu.memory_space<hbm>>)
    %dma_wait3A_108 = arith.constant 0 : i32
    %dma_wait3A_109 = tpu.memref_slice %arg12[%mul3A_30, %dma_wait3A_108] : memref<524288x64xf32, #tpu.memory_space<hbm>> -> memref<64x64xf32, #tpu.memory_space<hbm>>
    %dma_wait3A_110 = arith.constant 0 : i32
    %dma_wait3A_111 = tpu.memref_slice %arg12[%mul3A_30, %dma_wait3A_110] : memref<524288x64xf32, #tpu.memory_space<hbm>> -> memref<64x64xf32, #tpu.memory_space<hbm>>
    tpu.wait_dma2 semaphore(%arg31 : memref<!tpu.dma_semaphore, #tpu.memory_space<semaphore_mem>>) src(%arg20 : memref<64x64xf32, #tpu.memory_space<vmem>>) dst(%dma_wait3A_111 : memref<64x64xf32, #tpu.memory_space<hbm>>)
    %add3A_112 = arith.constant 8192 : i32
    %add3A_113 = arith.addi %mul3A_30, %add3A_112 : i32
    "tpu.region"() ({
      %run_scoped3A = tpu.sem_alloc : memref<!tpu.dma_semaphore, #tpu.memory_space<semaphore_mem>>
      %dma_start3A_186 = tpu.memref_slice %arg4[%add3A_113] : memref<524288xi32, #tpu.memory_space<hbm>> -> memref<4096xi32, #tpu.memory_space<hbm>>
      %dma_start3A_187 = tpu.memref_slice %arg4[%add3A_113] : memref<524288xi32, #tpu.memory_space<hbm>> -> memref<4096xi32, #tpu.memory_space<hbm>>
      tpu.enqueue_dma source(%dma_start3A_187 : memref<4096xi32, #tpu.memory_space<hbm>>) target(%arg13 : memref<4096xi32, #tpu.memory_space<vmem>>) target_semaphore(%run_scoped3A : memref<!tpu.dma_semaphore, #tpu.memory_space<semaphore_mem>>)
      %dma_wait3A_188 = tpu.memref_slice %arg4[%add3A_113] : memref<524288xi32, #tpu.memory_space<hbm>> -> memref<4096xi32, #tpu.memory_space<hbm>>
      %dma_wait3A_189 = tpu.memref_slice %arg4[%add3A_113] : memref<524288xi32, #tpu.memory_space<hbm>> -> memref<4096xi32, #tpu.memory_space<hbm>>
      tpu.wait_dma2 semaphore(%run_scoped3A : memref<!tpu.dma_semaphore, #tpu.memory_space<semaphore_mem>>) src(%dma_wait3A_189 : memref<4096xi32, #tpu.memory_space<hbm>>) dst(%arg13 : memref<4096xi32, #tpu.memory_space<vmem>>)
      tpu.yield
    }) : () -> ()
    %add3A_114 = arith.constant 8192 : i32
    %add3A_115 = arith.addi %mul3A_30, %add3A_114 : i32
    "tpu.region"() ({
      %run_scoped3A = tpu.sem_alloc : memref<!tpu.dma_semaphore, #tpu.memory_space<semaphore_mem>>
      %dma_start3A_186 = tpu.memref_slice %arg5[%add3A_115] : memref<524288xi32, #tpu.memory_space<hbm>> -> memref<4096xi32, #tpu.memory_space<hbm>>
      %dma_start3A_187 = tpu.memref_slice %arg5[%add3A_115] : memref<524288xi32, #tpu.memory_space<hbm>> -> memref<4096xi32, #tpu.memory_space<hbm>>
      tpu.enqueue_dma source(%dma_start3A_187 : memref<4096xi32, #tpu.memory_space<hbm>>) target(%arg14 : memref<4096xi32, #tpu.memory_space<vmem>>) target_semaphore(%run_scoped3A : memref<!tpu.dma_semaphore, #tpu.memory_space<semaphore_mem>>)
      %dma_wait3A_188 = tpu.memref_slice %arg5[%add3A_115] : memref<524288xi32, #tpu.memory_space<hbm>> -> memref<4096xi32, #tpu.memory_space<hbm>>
      %dma_wait3A_189 = tpu.memref_slice %arg5[%add3A_115] : memref<524288xi32, #tpu.memory_space<hbm>> -> memref<4096xi32, #tpu.memory_space<hbm>>
      tpu.wait_dma2 semaphore(%run_scoped3A : memref<!tpu.dma_semaphore, #tpu.memory_space<semaphore_mem>>) src(%dma_wait3A_189 : memref<4096xi32, #tpu.memory_space<hbm>>) dst(%arg14 : memref<4096xi32, #tpu.memory_space<vmem>>)
      tpu.yield
    }) : () -> ()
    %dma_start3A_116 = arith.constant 0 : i32
    %dma_start3A_117 = tpu.memref_slice %arg13[%dma_start3A_116] : memref<4096xi32, #tpu.memory_space<vmem>> -> memref<64xi32, #tpu.memory_space<vmem>>
    %dma_start3A_118 = arith.constant 0 : i32
    %dma_start3A_119 = arith.constant 0 : i32
    %dma_start3A_120 = tpu.memref_slice %arg2[%dma_start3A_118, %dma_start3A_119] : memref<100000x128xf32, #tpu.memory_space<hbm>> -> memref<100000x128xf32, #tpu.memory_space<hbm>>
    tpu.enqueue_indirect_dma source(%dma_start3A_120 : memref<100000x128xf32, #tpu.memory_space<hbm>>) target(%arg15 : memref<64x128xf32, #tpu.memory_space<vmem>>) offsets(%dma_start3A_117 : memref<64xi32, #tpu.memory_space<vmem>>) semaphore(%arg26 : memref<!tpu.dma_semaphore, #tpu.memory_space<semaphore_mem>>)
    %dma_start3A_121 = arith.constant 0 : i32
    %dma_start3A_122 = tpu.memref_slice %arg14[%dma_start3A_121] : memref<4096xi32, #tpu.memory_space<vmem>> -> memref<64xi32, #tpu.memory_space<vmem>>
    %dma_start3A_123 = arith.constant 0 : i32
    %dma_start3A_124 = arith.constant 0 : i32
    %dma_start3A_125 = tpu.memref_slice %arg3[%dma_start3A_123, %dma_start3A_124] : memref<1000x128xf32, #tpu.memory_space<hbm>> -> memref<1000x128xf32, #tpu.memory_space<hbm>>
    tpu.enqueue_indirect_dma source(%dma_start3A_125 : memref<1000x128xf32, #tpu.memory_space<hbm>>) target(%arg17 : memref<64x128xf32, #tpu.memory_space<vmem>>) offsets(%dma_start3A_122 : memref<64xi32, #tpu.memory_space<vmem>>) semaphore(%arg28 : memref<!tpu.dma_semaphore, #tpu.memory_space<semaphore_mem>>)
    %dma_start3A_126 = arith.constant 64 : i32
    %dma_start3A_127 = tpu.memref_slice %arg13[%dma_start3A_126] : memref<4096xi32, #tpu.memory_space<vmem>> -> memref<64xi32, #tpu.memory_space<vmem>>
    %dma_start3A_128 = arith.constant 0 : i32
    %dma_start3A_129 = arith.constant 0 : i32
    %dma_start3A_130 = tpu.memref_slice %arg2[%dma_start3A_128, %dma_start3A_129] : memref<100000x128xf32, #tpu.memory_space<hbm>> -> memref<100000x128xf32, #tpu.memory_space<hbm>>
    tpu.enqueue_indirect_dma source(%dma_start3A_130 : memref<100000x128xf32, #tpu.memory_space<hbm>>) target(%arg16 : memref<64x128xf32, #tpu.memory_space<vmem>>) offsets(%dma_start3A_127 : memref<64xi32, #tpu.memory_space<vmem>>) semaphore(%arg27 : memref<!tpu.dma_semaphore, #tpu.memory_space<semaphore_mem>>)
    %dma_start3A_131 = arith.constant 64 : i32
    %dma_start3A_132 = tpu.memref_slice %arg14[%dma_start3A_131] : memref<4096xi32, #tpu.memory_space<vmem>> -> memref<64xi32, #tpu.memory_space<vmem>>
    %dma_start3A_133 = arith.constant 0 : i32
    %dma_start3A_134 = arith.constant 0 : i32
    %dma_start3A_135 = tpu.memref_slice %arg3[%dma_start3A_133, %dma_start3A_134] : memref<1000x128xf32, #tpu.memory_space<hbm>> -> memref<1000x128xf32, #tpu.memory_space<hbm>>
    tpu.enqueue_indirect_dma source(%dma_start3A_135 : memref<1000x128xf32, #tpu.memory_space<hbm>>) target(%arg18 : memref<64x128xf32, #tpu.memory_space<vmem>>) offsets(%dma_start3A_132 : memref<64xi32, #tpu.memory_space<vmem>>) semaphore(%arg29 : memref<!tpu.dma_semaphore, #tpu.memory_space<semaphore_mem>>)
    %scan3A_136 = arith.constant 0 : i32
    %scan3A_137 = arith.constant 32 : i32
    %scan3A_138 = arith.addi %scan3A_136, %scan3A_137 : i32
    %scan3A_139 = arith.constant 1 : i32
    scf.for %scan3A_186 = %scan3A_136 to %scan3A_138 step %scan3A_139  : i32 {
      %mul3A_187 = arith.constant 2 : i32
      %mul3A_188 = arith.muli %scan3A_186, %mul3A_187 : i32
      %add3A_189 = arith.constant 0 : i32
      %add3A_190 = arith.addi %add3A_189, %mul3A_188 : i32
      %mul3A_191 = arith.constant 64 : i32
      %mul3A_192 = arith.muli %add3A_190, %mul3A_191 : i32
      %dma_wait3A_193 = tpu.memref_slice %arg13[%mul3A_192] : memref<4096xi32, #tpu.memory_space<vmem>> -> memref<64xi32, #tpu.memory_space<vmem>>
      %dma_wait3A_194 = arith.constant 0 : i32
      %dma_wait3A_195 = arith.constant 0 : i32
      %dma_wait3A_196 = tpu.memref_slice %arg2[%dma_wait3A_194, %dma_wait3A_195] : memref<100000x128xf32, #tpu.memory_space<hbm>> -> memref<100000x128xf32, #tpu.memory_space<hbm>>
      tpu.wait_indirect_dma semaphore(%arg26 : memref<!tpu.dma_semaphore, #tpu.memory_space<semaphore_mem>>) src(%dma_wait3A_196 : memref<100000x128xf32, #tpu.memory_space<hbm>>) dst(%arg15 : memref<64x128xf32, #tpu.memory_space<vmem>>)
      %dma_wait3A_197 = tpu.memref_slice %arg14[%mul3A_192] : memref<4096xi32, #tpu.memory_space<vmem>> -> memref<64xi32, #tpu.memory_space<vmem>>
      %dma_wait3A_198 = arith.constant 0 : i32
      %dma_wait3A_199 = arith.constant 0 : i32
      %dma_wait3A_200 = tpu.memref_slice %arg3[%dma_wait3A_198, %dma_wait3A_199] : memref<1000x128xf32, #tpu.memory_space<hbm>> -> memref<1000x128xf32, #tpu.memory_space<hbm>>
      tpu.wait_indirect_dma semaphore(%arg28 : memref<!tpu.dma_semaphore, #tpu.memory_space<semaphore_mem>>) src(%dma_wait3A_200 : memref<1000x128xf32, #tpu.memory_space<hbm>>) dst(%arg17 : memref<64x128xf32, #tpu.memory_space<vmem>>)
      %ge3A = arith.constant 2 : i32
      %ge3A_201 = arith.cmpi sge, %add3A_190, %ge3A : i32
      %convert_element_type3A = arith.extui %ge3A_201 : i1 to i32
      %cond3A = arith.constant 0 : i32
      %cond3A_202 = arith.cmpi ne, %convert_element_type3A, %cond3A : i32
      scf.if %cond3A_202 {
        %dma_wait3A_335 = arith.constant 0 : i32
        %dma_wait3A_336 = tpu.memref_slice %arg12[%mul3A_30, %dma_wait3A_335] : memref<524288x64xf32, #tpu.memory_space<hbm>> -> memref<64x64xf32, #tpu.memory_space<hbm>>
        %dma_wait3A_337 = arith.constant 0 : i32
        %dma_wait3A_338 = tpu.memref_slice %arg12[%mul3A_30, %dma_wait3A_337] : memref<524288x64xf32, #tpu.memory_space<hbm>> -> memref<64x64xf32, #tpu.memory_space<hbm>>
        tpu.wait_dma2 semaphore(%arg30 : memref<!tpu.dma_semaphore, #tpu.memory_space<semaphore_mem>>) src(%arg19 : memref<64x64xf32, #tpu.memory_space<vmem>>) dst(%dma_wait3A_338 : memref<64x64xf32, #tpu.memory_space<hbm>>)
      } else {
      }
      %add3A_203 = arith.constant 128 : i32
      %add3A_204 = arith.addi %add3A_203, %add3A_190 : i32
      %jit3A = arith.constant 8 : i32
      %eq3A = arith.constant 0 : i32
      %eq3A_205 = arith.cmpi eq, %jit3A, %eq3A : i32
      %jit3A_206 = arith.constant 1 : i32
      %select_n3A = arith.select %eq3A_205, %jit3A_206, %jit3A : i32
      %rem3A = arith.remsi %add3A_204, %select_n3A : i32
      %ne3A = arith.constant 0 : i32
      %ne3A_207 = arith.cmpi ne, %rem3A, %ne3A : i32
      %lt3A = arith.constant 0 : i32
      %lt3A_208 = arith.cmpi slt, %rem3A, %lt3A : i32
      %lt3A_209 = arith.constant 0 : i32
      %lt3A_210 = arith.cmpi slt, %select_n3A, %lt3A_209 : i32
      %ne3A_211 = arith.xori %lt3A_208, %lt3A_210 : i1
      %and3A = arith.andi %ne3A_211, %ne3A_207 : i1
      %add3A_212 = arith.addi %rem3A, %select_n3A : i32
      %select_n3A_213 = arith.select %and3A, %add3A_212, %rem3A : i32
      %mul3A_214 = arith.constant 64 : i32
      %mul3A_215 = arith.muli %select_n3A_213, %mul3A_214 : i32
      %scan3A_216 = arith.constant 0 : i32
      %scan3A_217 = arith.constant 64 : i32
      %scan3A_218 = arith.addi %scan3A_216, %scan3A_217 : i32
      %scan3A_219 = arith.constant 1 : i32
      scf.for %scan3A_335 = %scan3A_216 to %scan3A_218 step %scan3A_219  : i32 {
        %mul3A_336 = arith.constant 1 : i32
        %mul3A_337 = arith.muli %scan3A_335, %mul3A_336 : i32
        %add3A_338 = arith.constant 0 : i32
        %add3A_339 = arith.addi %add3A_338, %mul3A_337 : i32
        %get3A_340 = arith.index_cast %add3A_339 : i32 to index
        %get3A_341 = arith.constant 0 : index
        %get3A_342 = tpu.vector_load %arg15[%get3A_340, %get3A_341] {strides = array<i32>} : memref<64x128xf32, #tpu.memory_space<vmem>>, vector<16xf32>,
        %get3A_343 = arith.index_cast %add3A_339 : i32 to index
        %get3A_344 = arith.constant 64 : index
        %get3A_345 = tpu.vector_load %arg17[%get3A_343, %get3A_344] {strides = array<i32>} : memref<64x128xf32, #tpu.memory_space<vmem>>, vector<16xf32>,
        %add3A_346 = arith.addf %get3A_342, %get3A_345 : vector<16xf32>
        %max3A = arith.constant 0.000000e+00 : f32
        %max3A_347 = vector.broadcast %max3A : f32 to vector<16xf32>
        %max3A_348 = arith.maximumf %add3A_346, %max3A_347 : vector<16xf32>
        %get3A_349 = arith.index_cast %add3A_339 : i32 to index
        %get3A_350 = arith.constant 16 : index
        %get3A_351 = tpu.vector_load %arg15[%get3A_349, %get3A_350] {strides = array<i32>} : memref<64x128xf32, #tpu.memory_space<vmem>>, vector<16xf32>,
        %get3A_352 = arith.index_cast %add3A_339 : i32 to index
        %get3A_353 = arith.constant 80 : index
        %get3A_354 = tpu.vector_load %arg17[%get3A_352, %get3A_353] {strides = array<i32>} : memref<64x128xf32, #tpu.memory_space<vmem>>, vector<16xf32>,
        %add3A_355 = arith.addf %get3A_351, %get3A_354 : vector<16xf32>
        %max3A_356 = arith.constant 0.000000e+00 : f32
        %max3A_357 = vector.broadcast %max3A_356 : f32 to vector<16xf32>
        %max3A_358 = arith.maximumf %add3A_355, %max3A_357 : vector<16xf32>
        %get3A_359 = arith.index_cast %add3A_339 : i32 to index
        %get3A_360 = arith.constant 32 : index
        %get3A_361 = tpu.vector_load %arg15[%get3A_359, %get3A_360] {strides = array<i32>} : memref<64x128xf32, #tpu.memory_space<vmem>>, vector<16xf32>,
        %get3A_362 = arith.index_cast %add3A_339 : i32 to index
        %get3A_363 = arith.constant 96 : index
        %get3A_364 = tpu.vector_load %arg17[%get3A_362, %get3A_363] {strides = array<i32>} : memref<64x128xf32, #tpu.memory_space<vmem>>, vector<16xf32>,
        %add3A_365 = arith.addf %get3A_361, %get3A_364 : vector<16xf32>
        %max3A_366 = arith.constant 0.000000e+00 : f32
        %max3A_367 = vector.broadcast %max3A_366 : f32 to vector<16xf32>
        %max3A_368 = arith.maximumf %add3A_365, %max3A_367 : vector<16xf32>
        %get3A_369 = arith.index_cast %add3A_339 : i32 to index
        %get3A_370 = arith.constant 48 : index
        %get3A_371 = tpu.vector_load %arg15[%get3A_369, %get3A_370] {strides = array<i32>} : memref<64x128xf32, #tpu.memory_space<vmem>>, vector<16xf32>,
        %get3A_372 = arith.index_cast %add3A_339 : i32 to index
        %get3A_373 = arith.constant 112 : index
        %get3A_374 = tpu.vector_load %arg17[%get3A_372, %get3A_373] {strides = array<i32>} : memref<64x128xf32, #tpu.memory_space<vmem>>, vector<16xf32>,
        %add3A_375 = arith.addf %get3A_371, %get3A_374 : vector<16xf32>
        %max3A_376 = arith.constant 0.000000e+00 : f32
        %max3A_377 = vector.broadcast %max3A_376 : f32 to vector<16xf32>
        %max3A_378 = arith.maximumf %add3A_375, %max3A_377 : vector<16xf32>
        %add3A_379 = arith.addf %max3A_348, %max3A_358 : vector<16xf32>
        %add3A_380 = arith.addf %max3A_368, %max3A_378 : vector<16xf32>
        %add3A_381 = arith.addf %add3A_379, %add3A_380 : vector<16xf32>
        %mul3A_382 = arith.mulf %max3A_348, %max3A_348 : vector<16xf32>
        %mul3A_383 = arith.mulf %max3A_358, %max3A_358 : vector<16xf32>
        %add3A_384 = arith.addf %mul3A_382, %mul3A_383 : vector<16xf32>
        %mul3A_385 = arith.mulf %max3A_368, %max3A_368 : vector<16xf32>
        %mul3A_386 = arith.mulf %max3A_378, %max3A_378 : vector<16xf32>
        %add3A_387 = arith.addf %mul3A_385, %mul3A_386 : vector<16xf32>
        %add3A_388 = arith.addf %add3A_384, %add3A_387 : vector<16xf32>
        %reduce_sum3A = arith.constant true
        %reduce_sum3A_389 = vector.broadcast %reduce_sum3A : i1 to vector<16xi1>
        %reduce_sum3A_390 = tpu.scan <sum>, %add3A_381 masked %reduce_sum3A_389 : vector<16xf32>, vector<16xi1> -> vector<16xf32>
        %reduce_sum3A_391 = vector.extract %reduce_sum3A_390[15] : f32 from vector<16xf32>
        %mul3A_392 = arith.constant 1.562500e-02 : f32
        %mul3A_393 = arith.mulf %reduce_sum3A_391, %mul3A_392 : f32
        %reduce_sum3A_394 = arith.constant true
        %reduce_sum3A_395 = vector.broadcast %reduce_sum3A_394 : i1 to vector<16xi1>
        %reduce_sum3A_396 = tpu.scan <sum>, %add3A_388 masked %reduce_sum3A_395 : vector<16xf32>, vector<16xi1> -> vector<16xf32>
        %reduce_sum3A_397 = vector.extract %reduce_sum3A_396[15] : f32 from vector<16xf32>
        %mul3A_398 = arith.constant 1.562500e-02 : f32
        %mul3A_399 = arith.mulf %reduce_sum3A_397, %mul3A_398 : f32
        %mul3A_400 = arith.mulf %mul3A_393, %mul3A_393 : f32
        %sub3A = arith.subf %mul3A_399, %mul3A_400 : f32
        %add3A_401 = arith.constant 9.99999974E-6 : f32
        %add3A_402 = arith.addf %sub3A, %add3A_401 : f32
        %broadcast_in_dim3A = vector.broadcast %add3A_402 : f32 to vector<16xf32>
        %bitcast_convert_type3A = tpu.bitcast %broadcast_in_dim3A : vector<16xf32> -> vector<16xi32>
        %shift_right_arithmetic3A = arith.constant 1 : i32
        %shift_right_arithmetic3A_403 = vector.broadcast %shift_right_arithmetic3A : i32 to vector<16xi32>
        %shift_right_arithmetic3A_404 = arith.shrsi %bitcast_convert_type3A, %shift_right_arithmetic3A_403 : vector<16xi32>
        %sub3A_405 = arith.constant 1597463007 : i32
        %sub3A_406 = vector.broadcast %sub3A_405 : i32 to vector<16xi32>
        %sub3A_407 = arith.subi %sub3A_406, %shift_right_arithmetic3A_404 : vector<16xi32>
        %bitcast_convert_type3A_408 = tpu.bitcast %sub3A_407 : vector<16xi32> -> vector<16xf32>
        %mul3A_409 = arith.constant 5.000000e-01 : f32
        %mul3A_410 = vector.broadcast %mul3A_409 : f32 to vector<16xf32>
        %mul3A_411 = arith.mulf %mul3A_410, %broadcast_in_dim3A : vector<16xf32>
        %mul3A_412 = arith.mulf %mul3A_411, %bitcast_convert_type3A_408 : vector<16xf32>
        %mul3A_413 = arith.mulf %mul3A_412, %bitcast_convert_type3A_408 : vector<16xf32>
        %sub3A_414 = arith.constant 1.500000e+00 : f32
        %sub3A_415 = vector.broadcast %sub3A_414 : f32 to vector<16xf32>
        %sub3A_416 = arith.subf %sub3A_415, %mul3A_413 : vector<16xf32>
        %mul3A_417 = arith.mulf %bitcast_convert_type3A_408, %sub3A_416 : vector<16xf32>
        %mul3A_418 = arith.constant 5.000000e-01 : f32
        %mul3A_419 = vector.broadcast %mul3A_418 : f32 to vector<16xf32>
        %mul3A_420 = arith.mulf %mul3A_419, %broadcast_in_dim3A : vector<16xf32>
        %mul3A_421 = arith.mulf %mul3A_420, %mul3A_417 : vector<16xf32>
        %mul3A_422 = arith.mulf %mul3A_421, %mul3A_417 : vector<16xf32>
        %sub3A_423 = arith.constant 1.500000e+00 : f32
        %sub3A_424 = vector.broadcast %sub3A_423 : f32 to vector<16xf32>
        %sub3A_425 = arith.subf %sub3A_424, %mul3A_422 : vector<16xf32>
        %mul3A_426 = arith.mulf %mul3A_417, %sub3A_425 : vector<16xf32>
        %broadcast_in_dim3A_427 = vector.broadcast %mul3A_393 : f32 to vector<16xf32>
        %add3A_428 = arith.addi %mul3A_215, %add3A_339 : i32
        %sub3A_429 = arith.subf %max3A_348, %broadcast_in_dim3A_427 : vector<16xf32>
        %mul3A_430 = arith.mulf %mul3A_426, %get3A_31 : vector<16xf32>
        %mul3A_431 = arith.mulf %sub3A_429, %mul3A_430 : vector<16xf32>
        %get3A_432 = arith.index_cast %add3A_428 : i32 to index
        %get3A_433 = arith.constant 0 : index
        %get3A_434 = tpu.vector_load %arg21[%get3A_432, %get3A_433] {strides = array<i32>} : memref<512x64xf32, #tpu.memory_space<vmem>>, vector<16xf32>,
        %add3A_435 = arith.addf %mul3A_431, %get3A_434 : vector<16xf32>
        %swap3A = arith.index_cast %add3A_339 : i32 to index
        %swap3A_436 = arith.constant 0 : index
        %swap3A_437 = tpu.vector_load %arg19[%swap3A, %swap3A_436] {strides = array<i32>} : memref<64x64xf32, #tpu.memory_space<vmem>>, vector<16xf32>,
        tpu.vector_store %arg19[%swap3A, %swap3A_436], %add3A_435 {strides = array<i32>} : memref<64x64xf32, #tpu.memory_space<vmem>>, vector<16xf32>,
        %sub3A_438 = arith.subf %max3A_358, %broadcast_in_dim3A_427 : vector<16xf32>
        %mul3A_439 = arith.mulf %mul3A_426, %get3A_33 : vector<16xf32>
        %mul3A_440 = arith.mulf %sub3A_438, %mul3A_439 : vector<16xf32>
        %get3A_441 = arith.index_cast %add3A_428 : i32 to index
        %get3A_442 = arith.constant 16 : index
        %get3A_443 = tpu.vector_load %arg21[%get3A_441, %get3A_442] {strides = array<i32>} : memref<512x64xf32, #tpu.memory_space<vmem>>, vector<16xf32>,
        %add3A_444 = arith.addf %mul3A_440, %get3A_443 : vector<16xf32>
        %swap3A_445 = arith.index_cast %add3A_339 : i32 to index
        %swap3A_446 = arith.constant 16 : index
        %swap3A_447 = tpu.vector_load %arg19[%swap3A_445, %swap3A_446] {strides = array<i32>} : memref<64x64xf32, #tpu.memory_space<vmem>>, vector<16xf32>,
        tpu.vector_store %arg19[%swap3A_445, %swap3A_446], %add3A_444 {strides = array<i32>} : memref<64x64xf32, #tpu.memory_space<vmem>>, vector<16xf32>,
        %sub3A_448 = arith.subf %max3A_368, %broadcast_in_dim3A_427 : vector<16xf32>
        %mul3A_449 = arith.mulf %mul3A_426, %get3A_35 : vector<16xf32>
        %mul3A_450 = arith.mulf %sub3A_448, %mul3A_449 : vector<16xf32>
        %get3A_451 = arith.index_cast %add3A_428 : i32 to index
        %get3A_452 = arith.constant 32 : index
        %get3A_453 = tpu.vector_load %arg21[%get3A_451, %get3A_452] {strides = array<i32>} : memref<512x64xf32, #tpu.memory_space<vmem>>, vector<16xf32>,
        %add3A_454 = arith.addf %mul3A_450, %get3A_453 : vector<16xf32>
        %swap3A_455 = arith.index_cast %add3A_339 : i32 to index
        %swap3A_456 = arith.constant 32 : index
        %swap3A_457 = tpu.vector_load %arg19[%swap3A_455, %swap3A_456] {strides = array<i32>} : memref<64x64xf32, #tpu.memory_space<vmem>>, vector<16xf32>,
        tpu.vector_store %arg19[%swap3A_455, %swap3A_456], %add3A_454 {strides = array<i32>} : memref<64x64xf32, #tpu.memory_space<vmem>>, vector<16xf32>,
        %sub3A_458 = arith.subf %max3A_378, %broadcast_in_dim3A_427 : vector<16xf32>
        %mul3A_459 = arith.mulf %mul3A_426, %get3A_37 : vector<16xf32>
        %mul3A_460 = arith.mulf %sub3A_458, %mul3A_459 : vector<16xf32>
        %get3A_461 = arith.index_cast %add3A_428 : i32 to index
        %get3A_462 = arith.constant 48 : index
        %get3A_463 = tpu.vector_load %arg21[%get3A_461, %get3A_462] {strides = array<i32>} : memref<512x64xf32, #tpu.memory_space<vmem>>, vector<16xf32>,
        %add3A_464 = arith.addf %mul3A_460, %get3A_463 : vector<16xf32>
        %swap3A_465 = arith.index_cast %add3A_339 : i32 to index
        %swap3A_466 = arith.constant 48 : index
        %swap3A_467 = tpu.vector_load %arg19[%swap3A_465, %swap3A_466] {strides = array<i32>} : memref<64x64xf32, #tpu.memory_space<vmem>>, vector<16xf32>,
        tpu.vector_store %arg19[%swap3A_465, %swap3A_466], %add3A_464 {strides = array<i32>} : memref<64x64xf32, #tpu.memory_space<vmem>>, vector<16xf32>,
      }
      %scan3A_220 = arith.constant 64 : i32
      %jit3A_221 = arith.constant 8 : i32
      %eq3A_222 = arith.constant 0 : i32
      %eq3A_223 = arith.cmpi eq, %jit3A_221, %eq3A_222 : i32
      %jit3A_224 = arith.constant 1 : i32
      %select_n3A_225 = arith.select %eq3A_223, %jit3A_224, %jit3A_221 : i32
      %rem3A_226 = arith.remsi %add3A_204, %select_n3A_225 : i32
      %ne3A_227 = arith.constant 0 : i32
      %ne3A_228 = arith.cmpi ne, %rem3A_226, %ne3A_227 : i32
      %lt3A_229 = arith.constant 0 : i32
      %lt3A_230 = arith.cmpi slt, %rem3A_226, %lt3A_229 : i32
      %lt3A_231 = arith.constant 0 : i32
      %lt3A_232 = arith.cmpi slt, %select_n3A_225, %lt3A_231 : i32
      %ne3A_233 = arith.xori %lt3A_230, %lt3A_232 : i1
      %and3A_234 = arith.andi %ne3A_233, %ne3A_228 : i1
      %add3A_235 = arith.addi %rem3A_226, %select_n3A_225 : i32
      %select_n3A_236 = arith.select %and3A_234, %add3A_235, %rem3A_226 : i32
      %eq3A_237 = arith.constant 0 : i32
      %eq3A_238 = arith.cmpi eq, %select_n3A_236, %eq3A_237 : i32
      %convert_element_type3A_239 = arith.extui %eq3A_238 : i1 to i32
      %cond3A_240 = arith.constant 0 : i32
      %cond3A_241 = arith.cmpi ne, %convert_element_type3A_239, %cond3A_240 : i32
      scf.if %cond3A_241 {
        %jit3A_335 = arith.constant 8 : i32
        %div3A = arith.divsi %add3A_204, %jit3A_335 : i32
        %sign3A = arith.constant 0 : i32
        %sign3A_336 = arith.cmpi sgt, %add3A_204, %sign3A : i32
        %sign3A_337 = arith.extui %sign3A_336 : i1 to i32
        %sign3A_338 = arith.constant 0 : i32
        %sign3A_339 = arith.cmpi slt, %add3A_204, %sign3A_338 : i32
        %sign3A_340 = arith.extui %sign3A_339 : i1 to i32
        %sign3A_341 = arith.subi %sign3A_337, %sign3A_340 : i32
        %sign3A_342 = arith.constant 0 : i32
        %sign3A_343 = arith.cmpi sgt, %jit3A_335, %sign3A_342 : i32
        %sign3A_344 = arith.extui %sign3A_343 : i1 to i32
        %sign3A_345 = arith.constant 0 : i32
        %sign3A_346 = arith.cmpi slt, %jit3A_335, %sign3A_345 : i32
        %sign3A_347 = arith.extui %sign3A_346 : i1 to i32
        %sign3A_348 = arith.subi %sign3A_344, %sign3A_347 : i32
        %ne3A_349 = arith.cmpi ne, %sign3A_341, %sign3A_348 : i32
        %rem3A_350 = arith.remsi %add3A_204, %jit3A_335 : i32
        %ne3A_351 = arith.constant 0 : i32
        %ne3A_352 = arith.cmpi ne, %rem3A_350, %ne3A_351 : i32
        %and3A_353 = arith.andi %ne3A_349, %ne3A_352 : i1
        %sub3A = arith.constant 1 : i32
        %sub3A_354 = arith.subi %div3A, %sub3A : i32
        %select_n3A_355 = arith.select %and3A_353, %sub3A_354, %div3A : i32
        %get3A_356 = arith.constant 0 : i32
        %get3A_357 = arith.index_cast %get3A_356 : i32 to index
        %get3A_358 = arith.constant 0 : index
        %get3A_359 = tpu.vector_load %arg19[%get3A_357, %get3A_358] {strides = array<i32>} : memref<64x64xf32, #tpu.memory_space<vmem>>, vector<16xf32>,
        %get3A_360 = arith.index_cast %select_n3A_355 : i32 to index
        %get3A_361 = arith.constant 0 : index
        %get3A_362 = tpu.vector_load %arg25[%get3A_360, %get3A_361] {strides = array<i32>} : memref<32x64xf32, #tpu.memory_space<vmem>>, vector<16xf32>,
        %add3A_363 = arith.addf %get3A_359, %get3A_362 : vector<16xf32>
        %swap3A = arith.constant 0 : i32
        %swap3A_364 = arith.index_cast %swap3A : i32 to index
        %swap3A_365 = arith.constant 0 : index
        %swap3A_366 = tpu.vector_load %arg19[%swap3A_364, %swap3A_365] {strides = array<i32>} : memref<64x64xf32, #tpu.memory_space<vmem>>, vector<16xf32>,
        tpu.vector_store %arg19[%swap3A_364, %swap3A_365], %add3A_363 {strides = array<i32>} : memref<64x64xf32, #tpu.memory_space<vmem>>, vector<16xf32>,
        %get3A_367 = arith.constant 0 : i32
        %get3A_368 = arith.index_cast %get3A_367 : i32 to index
        %get3A_369 = arith.constant 16 : index
        %get3A_370 = tpu.vector_load %arg19[%get3A_368, %get3A_369] {strides = array<i32>} : memref<64x64xf32, #tpu.memory_space<vmem>>, vector<16xf32>,
        %get3A_371 = arith.index_cast %select_n3A_355 : i32 to index
        %get3A_372 = arith.constant 16 : index
        %get3A_373 = tpu.vector_load %arg25[%get3A_371, %get3A_372] {strides = array<i32>} : memref<32x64xf32, #tpu.memory_space<vmem>>, vector<16xf32>,
        %add3A_374 = arith.addf %get3A_370, %get3A_373 : vector<16xf32>
        %swap3A_375 = arith.constant 0 : i32
        %swap3A_376 = arith.index_cast %swap3A_375 : i32 to index
        %swap3A_377 = arith.constant 16 : index
        %swap3A_378 = tpu.vector_load %arg19[%swap3A_376, %swap3A_377] {strides = array<i32>} : memref<64x64xf32, #tpu.memory_space<vmem>>, vector<16xf32>,
        tpu.vector_store %arg19[%swap3A_376, %swap3A_377], %add3A_374 {strides = array<i32>} : memref<64x64xf32, #tpu.memory_space<vmem>>, vector<16xf32>,
        %get3A_379 = arith.constant 0 : i32
        %get3A_380 = arith.index_cast %get3A_379 : i32 to index
        %get3A_381 = arith.constant 32 : index
        %get3A_382 = tpu.vector_load %arg19[%get3A_380, %get3A_381] {strides = array<i32>} : memref<64x64xf32, #tpu.memory_space<vmem>>, vector<16xf32>,
        %get3A_383 = arith.index_cast %select_n3A_355 : i32 to index
        %get3A_384 = arith.constant 32 : index
        %get3A_385 = tpu.vector_load %arg25[%get3A_383, %get3A_384] {strides = array<i32>} : memref<32x64xf32, #tpu.memory_space<vmem>>, vector<16xf32>,
        %add3A_386 = arith.addf %get3A_382, %get3A_385 : vector<16xf32>
        %swap3A_387 = arith.constant 0 : i32
        %swap3A_388 = arith.index_cast %swap3A_387 : i32 to index
        %swap3A_389 = arith.constant 32 : index
        %swap3A_390 = tpu.vector_load %arg19[%swap3A_388, %swap3A_389] {strides = array<i32>} : memref<64x64xf32, #tpu.memory_space<vmem>>, vector<16xf32>,
        tpu.vector_store %arg19[%swap3A_388, %swap3A_389], %add3A_386 {strides = array<i32>} : memref<64x64xf32, #tpu.memory_space<vmem>>, vector<16xf32>,
        %get3A_391 = arith.constant 0 : i32
        %get3A_392 = arith.index_cast %get3A_391 : i32 to index
        %get3A_393 = arith.constant 48 : index
        %get3A_394 = tpu.vector_load %arg19[%get3A_392, %get3A_393] {strides = array<i32>} : memref<64x64xf32, #tpu.memory_space<vmem>>, vector<16xf32>,
        %get3A_395 = arith.index_cast %select_n3A_355 : i32 to index
        %get3A_396 = arith.constant 48 : index
        %get3A_397 = tpu.vector_load %arg25[%get3A_395, %get3A_396] {strides = array<i32>} : memref<32x64xf32, #tpu.memory_space<vmem>>, vector<16xf32>,
        %add3A_398 = arith.addf %get3A_394, %get3A_397 : vector<16xf32>
        %swap3A_399 = arith.constant 0 : i32
        %swap3A_400 = arith.index_cast %swap3A_399 : i32 to index
        %swap3A_401 = arith.constant 48 : index
        %swap3A_402 = tpu.vector_load %arg19[%swap3A_400, %swap3A_401] {strides = array<i32>} : memref<64x64xf32, #tpu.memory_space<vmem>>, vector<16xf32>,
        tpu.vector_store %arg19[%swap3A_400, %swap3A_401], %add3A_398 {strides = array<i32>} : memref<64x64xf32, #tpu.memory_space<vmem>>, vector<16xf32>,
      } else {
      }
      %mul3A_242 = arith.constant 64 : i32
      %mul3A_243 = arith.muli %add3A_204, %mul3A_242 : i32
      %add3A_244 = arith.addi %mul3A_30, %mul3A_243 : i32
      %dma_start3A_245 = arith.constant 0 : i32
      %dma_start3A_246 = tpu.memref_slice %arg12[%add3A_244, %dma_start3A_245] : memref<524288x64xf32, #tpu.memory_space<hbm>> -> memref<64x64xf32, #tpu.memory_space<hbm>>
      %dma_start3A_247 = arith.constant 0 : i32
      %dma_start3A_248 = tpu.memref_slice %arg12[%add3A_244, %dma_start3A_247] : memref<524288x64xf32, #tpu.memory_space<hbm>> -> memref<64x64xf32, #tpu.memory_space<hbm>>
      tpu.enqueue_dma source(%arg19 : memref<64x64xf32, #tpu.memory_space<vmem>>) target(%dma_start3A_248 : memref<64x64xf32, #tpu.memory_space<hbm>>) target_semaphore(%arg30 : memref<!tpu.dma_semaphore, #tpu.memory_space<semaphore_mem>>)
      %add3A_249 = arith.constant 2 : i32
      %add3A_250 = arith.addi %add3A_190, %add3A_249 : i32
      %lt3A_251 = arith.constant 64 : i32
      %lt3A_252 = arith.cmpi slt, %add3A_250, %lt3A_251 : i32
      %convert_element_type3A_253 = arith.extui %lt3A_252 : i1 to i32
      %cond3A_254 = arith.constant 0 : i32
      %cond3A_255 = arith.cmpi ne, %convert_element_type3A_253, %cond3A_254 : i32
      scf.if %cond3A_255 {
        %add3A_335 = arith.constant 2 : i32
        %add3A_336 = arith.addi %add3A_190, %add3A_335 : i32
        %mul3A_337 = arith.constant 64 : i32
        %mul3A_338 = arith.muli %add3A_336, %mul3A_337 : i32
        %dma_start3A_339 = tpu.memref_slice %arg13[%mul3A_338] : memref<4096xi32, #tpu.memory_space<vmem>> -> memref<64xi32, #tpu.memory_space<vmem>>
        %dma_start3A_340 = arith.constant 0 : i32
        %dma_start3A_341 = arith.constant 0 : i32
        %dma_start3A_342 = tpu.memref_slice %arg2[%dma_start3A_340, %dma_start3A_341] : memref<100000x128xf32, #tpu.memory_space<hbm>> -> memref<100000x128xf32, #tpu.memory_space<hbm>>
        tpu.enqueue_indirect_dma source(%dma_start3A_342 : memref<100000x128xf32, #tpu.memory_space<hbm>>) target(%arg15 : memref<64x128xf32, #tpu.memory_space<vmem>>) offsets(%dma_start3A_339 : memref<64xi32, #tpu.memory_space<vmem>>) semaphore(%arg26 : memref<!tpu.dma_semaphore, #tpu.memory_space<semaphore_mem>>)
        %dma_start3A_343 = tpu.memref_slice %arg14[%mul3A_338] : memref<4096xi32, #tpu.memory_space<vmem>> -> memref<64xi32, #tpu.memory_space<vmem>>
        %dma_start3A_344 = arith.constant 0 : i32
        %dma_start3A_345 = arith.constant 0 : i32
        %dma_start3A_346 = tpu.memref_slice %arg3[%dma_start3A_344, %dma_start3A_345] : memref<1000x128xf32, #tpu.memory_space<hbm>> -> memref<1000x128xf32, #tpu.memory_space<hbm>>
        tpu.enqueue_indirect_dma source(%dma_start3A_346 : memref<1000x128xf32, #tpu.memory_space<hbm>>) target(%arg17 : memref<64x128xf32, #tpu.memory_space<vmem>>) offsets(%dma_start3A_343 : memref<64xi32, #tpu.memory_space<vmem>>) semaphore(%arg28 : memref<!tpu.dma_semaphore, #tpu.memory_space<semaphore_mem>>)
      } else {
      }
      %add3A_256 = arith.constant 1 : i32
      %add3A_257 = arith.addi %add3A_190, %add3A_256 : i32
      %mul3A_258 = arith.constant 64 : i32
      %mul3A_259 = arith.muli %add3A_257, %mul3A_258 : i32
      %dma_wait3A_260 = tpu.memref_slice %arg13[%mul3A_259] : memref<4096xi32, #tpu.memory_space<vmem>> -> memref<64xi32, #tpu.memory_space<vmem>>
      %dma_wait3A_261 = arith.constant 0 : i32
      %dma_wait3A_262 = arith.constant 0 : i32
      %dma_wait3A_263 = tpu.memref_slice %arg2[%dma_wait3A_261, %dma_wait3A_262] : memref<100000x128xf32, #tpu.memory_space<hbm>> -> memref<100000x128xf32, #tpu.memory_space<hbm>>
      tpu.wait_indirect_dma semaphore(%arg27 : memref<!tpu.dma_semaphore, #tpu.memory_space<semaphore_mem>>) src(%dma_wait3A_263 : memref<100000x128xf32, #tpu.memory_space<hbm>>) dst(%arg16 : memref<64x128xf32, #tpu.memory_space<vmem>>)
      %dma_wait3A_264 = tpu.memref_slice %arg14[%mul3A_259] : memref<4096xi32, #tpu.memory_space<vmem>> -> memref<64xi32, #tpu.memory_space<vmem>>
      %dma_wait3A_265 = arith.constant 0 : i32
      %dma_wait3A_266 = arith.constant 0 : i32
      %dma_wait3A_267 = tpu.memref_slice %arg3[%dma_wait3A_265, %dma_wait3A_266] : memref<1000x128xf32, #tpu.memory_space<hbm>> -> memref<1000x128xf32, #tpu.memory_space<hbm>>
      tpu.wait_indirect_dma semaphore(%arg29 : memref<!tpu.dma_semaphore, #tpu.memory_space<semaphore_mem>>) src(%dma_wait3A_267 : memref<1000x128xf32, #tpu.memory_space<hbm>>) dst(%arg18 : memref<64x128xf32, #tpu.memory_space<vmem>>)
      %ge3A_268 = arith.constant 2 : i32
      %ge3A_269 = arith.cmpi sge, %add3A_190, %ge3A_268 : i32
      %convert_element_type3A_270 = arith.extui %ge3A_269 : i1 to i32
      %cond3A_271 = arith.constant 0 : i32
      %cond3A_272 = arith.cmpi ne, %convert_element_type3A_270, %cond3A_271 : i32
      scf.if %cond3A_272 {
        %dma_wait3A_335 = arith.constant 0 : i32
        %dma_wait3A_336 = tpu.memref_slice %arg12[%mul3A_30, %dma_wait3A_335] : memref<524288x64xf32, #tpu.memory_space<hbm>> -> memref<64x64xf32, #tpu.memory_space<hbm>>
        %dma_wait3A_337 = arith.constant 0 : i32
        %dma_wait3A_338 = tpu.memref_slice %arg12[%mul3A_30, %dma_wait3A_337] : memref<524288x64xf32, #tpu.memory_space<hbm>> -> memref<64x64xf32, #tpu.memory_space<hbm>>
        tpu.wait_dma2 semaphore(%arg31 : memref<!tpu.dma_semaphore, #tpu.memory_space<semaphore_mem>>) src(%arg20 : memref<64x64xf32, #tpu.memory_space<vmem>>) dst(%dma_wait3A_338 : memref<64x64xf32, #tpu.memory_space<hbm>>)
      } else {
      }
      %add3A_273 = arith.constant 128 : i32
      %add3A_274 = arith.addi %add3A_273, %add3A_190 : i32
      %add3A_275 = arith.constant 1 : i32
      %add3A_276 = arith.addi %add3A_274, %add3A_275 : i32
      %jit3A_277 = arith.constant 8 : i32
      %eq3A_278 = arith.constant 0 : i32
      %eq3A_279 = arith.cmpi eq, %jit3A_277, %eq3A_278 : i32
      %jit3A_280 = arith.constant 1 : i32
      %select_n3A_281 = arith.select %eq3A_279, %jit3A_280, %jit3A_277 : i32
      %rem3A_282 = arith.remsi %add3A_276, %select_n3A_281 : i32
      %ne3A_283 = arith.constant 0 : i32
      %ne3A_284 = arith.cmpi ne, %rem3A_282, %ne3A_283 : i32
      %lt3A_285 = arith.constant 0 : i32
      %lt3A_286 = arith.cmpi slt, %rem3A_282, %lt3A_285 : i32
      %lt3A_287 = arith.constant 0 : i32
      %lt3A_288 = arith.cmpi slt, %select_n3A_281, %lt3A_287 : i32
      %ne3A_289 = arith.xori %lt3A_286, %lt3A_288 : i1
      %and3A_290 = arith.andi %ne3A_289, %ne3A_284 : i1
      %add3A_291 = arith.addi %rem3A_282, %select_n3A_281 : i32
      %select_n3A_292 = arith.select %and3A_290, %add3A_291, %rem3A_282 : i32
      %mul3A_293 = arith.constant 64 : i32
      %mul3A_294 = arith.muli %select_n3A_292, %mul3A_293 : i32
      %scan3A_295 = arith.constant 0 : i32
      %scan3A_296 = arith.constant 64 : i32
      %scan3A_297 = arith.addi %scan3A_295, %scan3A_296 : i32
      %scan3A_298 = arith.constant 1 : i32
      scf.for %scan3A_335 = %scan3A_295 to %scan3A_297 step %scan3A_298  : i32 {
        %mul3A_336 = arith.constant 1 : i32
        %mul3A_337 = arith.muli %scan3A_335, %mul3A_336 : i32
        %add3A_338 = arith.constant 0 : i32
        %add3A_339 = arith.addi %add3A_338, %mul3A_337 : i32
        %get3A_340 = arith.index_cast %add3A_339 : i32 to index
        %get3A_341 = arith.constant 0 : index
        %get3A_342 = tpu.vector_load %arg16[%get3A_340, %get3A_341] {strides = array<i32>} : memref<64x128xf32, #tpu.memory_space<vmem>>, vector<16xf32>,
        %get3A_343 = arith.index_cast %add3A_339 : i32 to index
        %get3A_344 = arith.constant 64 : index
        %get3A_345 = tpu.vector_load %arg18[%get3A_343, %get3A_344] {strides = array<i32>} : memref<64x128xf32, #tpu.memory_space<vmem>>, vector<16xf32>,
        %add3A_346 = arith.addf %get3A_342, %get3A_345 : vector<16xf32>
        %max3A = arith.constant 0.000000e+00 : f32
        %max3A_347 = vector.broadcast %max3A : f32 to vector<16xf32>
        %max3A_348 = arith.maximumf %add3A_346, %max3A_347 : vector<16xf32>
        %get3A_349 = arith.index_cast %add3A_339 : i32 to index
        %get3A_350 = arith.constant 16 : index
        %get3A_351 = tpu.vector_load %arg16[%get3A_349, %get3A_350] {strides = array<i32>} : memref<64x128xf32, #tpu.memory_space<vmem>>, vector<16xf32>,
        %get3A_352 = arith.index_cast %add3A_339 : i32 to index
        %get3A_353 = arith.constant 80 : index
        %get3A_354 = tpu.vector_load %arg18[%get3A_352, %get3A_353] {strides = array<i32>} : memref<64x128xf32, #tpu.memory_space<vmem>>, vector<16xf32>,
        %add3A_355 = arith.addf %get3A_351, %get3A_354 : vector<16xf32>
        %max3A_356 = arith.constant 0.000000e+00 : f32
        %max3A_357 = vector.broadcast %max3A_356 : f32 to vector<16xf32>
        %max3A_358 = arith.maximumf %add3A_355, %max3A_357 : vector<16xf32>
        %get3A_359 = arith.index_cast %add3A_339 : i32 to index
        %get3A_360 = arith.constant 32 : index
        %get3A_361 = tpu.vector_load %arg16[%get3A_359, %get3A_360] {strides = array<i32>} : memref<64x128xf32, #tpu.memory_space<vmem>>, vector<16xf32>,
        %get3A_362 = arith.index_cast %add3A_339 : i32 to index
        %get3A_363 = arith.constant 96 : index
        %get3A_364 = tpu.vector_load %arg18[%get3A_362, %get3A_363] {strides = array<i32>} : memref<64x128xf32, #tpu.memory_space<vmem>>, vector<16xf32>,
        %add3A_365 = arith.addf %get3A_361, %get3A_364 : vector<16xf32>
        %max3A_366 = arith.constant 0.000000e+00 : f32
        %max3A_367 = vector.broadcast %max3A_366 : f32 to vector<16xf32>
        %max3A_368 = arith.maximumf %add3A_365, %max3A_367 : vector<16xf32>
        %get3A_369 = arith.index_cast %add3A_339 : i32 to index
        %get3A_370 = arith.constant 48 : index
        %get3A_371 = tpu.vector_load %arg16[%get3A_369, %get3A_370] {strides = array<i32>} : memref<64x128xf32, #tpu.memory_space<vmem>>, vector<16xf32>,
        %get3A_372 = arith.index_cast %add3A_339 : i32 to index
        %get3A_373 = arith.constant 112 : index
        %get3A_374 = tpu.vector_load %arg18[%get3A_372, %get3A_373] {strides = array<i32>} : memref<64x128xf32, #tpu.memory_space<vmem>>, vector<16xf32>,
        %add3A_375 = arith.addf %get3A_371, %get3A_374 : vector<16xf32>
        %max3A_376 = arith.constant 0.000000e+00 : f32
        %max3A_377 = vector.broadcast %max3A_376 : f32 to vector<16xf32>
        %max3A_378 = arith.maximumf %add3A_375, %max3A_377 : vector<16xf32>
        %add3A_379 = arith.addf %max3A_348, %max3A_358 : vector<16xf32>
        %add3A_380 = arith.addf %max3A_368, %max3A_378 : vector<16xf32>
        %add3A_381 = arith.addf %add3A_379, %add3A_380 : vector<16xf32>
        %mul3A_382 = arith.mulf %max3A_348, %max3A_348 : vector<16xf32>
        %mul3A_383 = arith.mulf %max3A_358, %max3A_358 : vector<16xf32>
        %add3A_384 = arith.addf %mul3A_382, %mul3A_383 : vector<16xf32>
        %mul3A_385 = arith.mulf %max3A_368, %max3A_368 : vector<16xf32>
        %mul3A_386 = arith.mulf %max3A_378, %max3A_378 : vector<16xf32>
        %add3A_387 = arith.addf %mul3A_385, %mul3A_386 : vector<16xf32>
        %add3A_388 = arith.addf %add3A_384, %add3A_387 : vector<16xf32>
        %reduce_sum3A = arith.constant true
        %reduce_sum3A_389 = vector.broadcast %reduce_sum3A : i1 to vector<16xi1>
        %reduce_sum3A_390 = tpu.scan <sum>, %add3A_381 masked %reduce_sum3A_389 : vector<16xf32>, vector<16xi1> -> vector<16xf32>
        %reduce_sum3A_391 = vector.extract %reduce_sum3A_390[15] : f32 from vector<16xf32>
        %mul3A_392 = arith.constant 1.562500e-02 : f32
        %mul3A_393 = arith.mulf %reduce_sum3A_391, %mul3A_392 : f32
        %reduce_sum3A_394 = arith.constant true
        %reduce_sum3A_395 = vector.broadcast %reduce_sum3A_394 : i1 to vector<16xi1>
        %reduce_sum3A_396 = tpu.scan <sum>, %add3A_388 masked %reduce_sum3A_395 : vector<16xf32>, vector<16xi1> -> vector<16xf32>
        %reduce_sum3A_397 = vector.extract %reduce_sum3A_396[15] : f32 from vector<16xf32>
        %mul3A_398 = arith.constant 1.562500e-02 : f32
        %mul3A_399 = arith.mulf %reduce_sum3A_397, %mul3A_398 : f32
        %mul3A_400 = arith.mulf %mul3A_393, %mul3A_393 : f32
        %sub3A = arith.subf %mul3A_399, %mul3A_400 : f32
        %add3A_401 = arith.constant 9.99999974E-6 : f32
        %add3A_402 = arith.addf %sub3A, %add3A_401 : f32
        %broadcast_in_dim3A = vector.broadcast %add3A_402 : f32 to vector<16xf32>
        %bitcast_convert_type3A = tpu.bitcast %broadcast_in_dim3A : vector<16xf32> -> vector<16xi32>
        %shift_right_arithmetic3A = arith.constant 1 : i32
        %shift_right_arithmetic3A_403 = vector.broadcast %shift_right_arithmetic3A : i32 to vector<16xi32>
        %shift_right_arithmetic3A_404 = arith.shrsi %bitcast_convert_type3A, %shift_right_arithmetic3A_403 : vector<16xi32>
        %sub3A_405 = arith.constant 1597463007 : i32
        %sub3A_406 = vector.broadcast %sub3A_405 : i32 to vector<16xi32>
        %sub3A_407 = arith.subi %sub3A_406, %shift_right_arithmetic3A_404 : vector<16xi32>
        %bitcast_convert_type3A_408 = tpu.bitcast %sub3A_407 : vector<16xi32> -> vector<16xf32>
        %mul3A_409 = arith.constant 5.000000e-01 : f32
        %mul3A_410 = vector.broadcast %mul3A_409 : f32 to vector<16xf32>
        %mul3A_411 = arith.mulf %mul3A_410, %broadcast_in_dim3A : vector<16xf32>
        %mul3A_412 = arith.mulf %mul3A_411, %bitcast_convert_type3A_408 : vector<16xf32>
        %mul3A_413 = arith.mulf %mul3A_412, %bitcast_convert_type3A_408 : vector<16xf32>
        %sub3A_414 = arith.constant 1.500000e+00 : f32
        %sub3A_415 = vector.broadcast %sub3A_414 : f32 to vector<16xf32>
        %sub3A_416 = arith.subf %sub3A_415, %mul3A_413 : vector<16xf32>
        %mul3A_417 = arith.mulf %bitcast_convert_type3A_408, %sub3A_416 : vector<16xf32>
        %mul3A_418 = arith.constant 5.000000e-01 : f32
        %mul3A_419 = vector.broadcast %mul3A_418 : f32 to vector<16xf32>
        %mul3A_420 = arith.mulf %mul3A_419, %broadcast_in_dim3A : vector<16xf32>
        %mul3A_421 = arith.mulf %mul3A_420, %mul3A_417 : vector<16xf32>
        %mul3A_422 = arith.mulf %mul3A_421, %mul3A_417 : vector<16xf32>
        %sub3A_423 = arith.constant 1.500000e+00 : f32
        %sub3A_424 = vector.broadcast %sub3A_423 : f32 to vector<16xf32>
        %sub3A_425 = arith.subf %sub3A_424, %mul3A_422 : vector<16xf32>
        %mul3A_426 = arith.mulf %mul3A_417, %sub3A_425 : vector<16xf32>
        %broadcast_in_dim3A_427 = vector.broadcast %mul3A_393 : f32 to vector<16xf32>
        %add3A_428 = arith.addi %mul3A_294, %add3A_339 : i32
        %sub3A_429 = arith.subf %max3A_348, %broadcast_in_dim3A_427 : vector<16xf32>
        %mul3A_430 = arith.mulf %mul3A_426, %get3A_31 : vector<16xf32>
        %mul3A_431 = arith.mulf %sub3A_429, %mul3A_430 : vector<16xf32>
        %get3A_432 = arith.index_cast %add3A_428 : i32 to index
        %get3A_433 = arith.constant 0 : index
        %get3A_434 = tpu.vector_load %arg21[%get3A_432, %get3A_433] {strides = array<i32>} : memref<512x64xf32, #tpu.memory_space<vmem>>, vector<16xf32>,
        %add3A_435 = arith.addf %mul3A_431, %get3A_434 : vector<16xf32>
        %swap3A = arith.index_cast %add3A_339 : i32 to index
        %swap3A_436 = arith.constant 0 : index
        %swap3A_437 = tpu.vector_load %arg20[%swap3A, %swap3A_436] {strides = array<i32>} : memref<64x64xf32, #tpu.memory_space<vmem>>, vector<16xf32>,
        tpu.vector_store %arg20[%swap3A, %swap3A_436], %add3A_435 {strides = array<i32>} : memref<64x64xf32, #tpu.memory_space<vmem>>, vector<16xf32>,
        %sub3A_438 = arith.subf %max3A_358, %broadcast_in_dim3A_427 : vector<16xf32>
        %mul3A_439 = arith.mulf %mul3A_426, %get3A_33 : vector<16xf32>
        %mul3A_440 = arith.mulf %sub3A_438, %mul3A_439 : vector<16xf32>
        %get3A_441 = arith.index_cast %add3A_428 : i32 to index
        %get3A_442 = arith.constant 16 : index
        %get3A_443 = tpu.vector_load %arg21[%get3A_441, %get3A_442] {strides = array<i32>} : memref<512x64xf32, #tpu.memory_space<vmem>>, vector<16xf32>,
        %add3A_444 = arith.addf %mul3A_440, %get3A_443 : vector<16xf32>
        %swap3A_445 = arith.index_cast %add3A_339 : i32 to index
        %swap3A_446 = arith.constant 16 : index
        %swap3A_447 = tpu.vector_load %arg20[%swap3A_445, %swap3A_446] {strides = array<i32>} : memref<64x64xf32, #tpu.memory_space<vmem>>, vector<16xf32>,
        tpu.vector_store %arg20[%swap3A_445, %swap3A_446], %add3A_444 {strides = array<i32>} : memref<64x64xf32, #tpu.memory_space<vmem>>, vector<16xf32>,
        %sub3A_448 = arith.subf %max3A_368, %broadcast_in_dim3A_427 : vector<16xf32>
        %mul3A_449 = arith.mulf %mul3A_426, %get3A_35 : vector<16xf32>
        %mul3A_450 = arith.mulf %sub3A_448, %mul3A_449 : vector<16xf32>
        %get3A_451 = arith.index_cast %add3A_428 : i32 to index
        %get3A_452 = arith.constant 32 : index
        %get3A_453 = tpu.vector_load %arg21[%get3A_451, %get3A_452] {strides = array<i32>} : memref<512x64xf32, #tpu.memory_space<vmem>>, vector<16xf32>,
        %add3A_454 = arith.addf %mul3A_450, %get3A_453 : vector<16xf32>
        %swap3A_455 = arith.index_cast %add3A_339 : i32 to index
        %swap3A_456 = arith.constant 32 : index
        %swap3A_457 = tpu.vector_load %arg20[%swap3A_455, %swap3A_456] {strides = array<i32>} : memref<64x64xf32, #tpu.memory_space<vmem>>, vector<16xf32>,
        tpu.vector_store %arg20[%swap3A_455, %swap3A_456], %add3A_454 {strides = array<i32>} : memref<64x64xf32, #tpu.memory_space<vmem>>, vector<16xf32>,
        %sub3A_458 = arith.subf %max3A_378, %broadcast_in_dim3A_427 : vector<16xf32>
        %mul3A_459 = arith.mulf %mul3A_426, %get3A_37 : vector<16xf32>
        %mul3A_460 = arith.mulf %sub3A_458, %mul3A_459 : vector<16xf32>
        %get3A_461 = arith.index_cast %add3A_428 : i32 to index
        %get3A_462 = arith.constant 48 : index
        %get3A_463 = tpu.vector_load %arg21[%get3A_461, %get3A_462] {strides = array<i32>} : memref<512x64xf32, #tpu.memory_space<vmem>>, vector<16xf32>,
        %add3A_464 = arith.addf %mul3A_460, %get3A_463 : vector<16xf32>
        %swap3A_465 = arith.index_cast %add3A_339 : i32 to index
        %swap3A_466 = arith.constant 48 : index
        %swap3A_467 = tpu.vector_load %arg20[%swap3A_465, %swap3A_466] {strides = array<i32>} : memref<64x64xf32, #tpu.memory_space<vmem>>, vector<16xf32>,
        tpu.vector_store %arg20[%swap3A_465, %swap3A_466], %add3A_464 {strides = array<i32>} : memref<64x64xf32, #tpu.memory_space<vmem>>, vector<16xf32>,
      }
      %scan3A_299 = arith.constant 64 : i32
      %jit3A_300 = arith.constant 8 : i32
      %eq3A_301 = arith.constant 0 : i32
      %eq3A_302 = arith.cmpi eq, %jit3A_300, %eq3A_301 : i32
      %jit3A_303 = arith.constant 1 : i32
      %select_n3A_304 = arith.select %eq3A_302, %jit3A_303, %jit3A_300 : i32
      %rem3A_305 = arith.remsi %add3A_276, %select_n3A_304 : i32
      %ne3A_306 = arith.constant 0 : i32
      %ne3A_307 = arith.cmpi ne, %rem3A_305, %ne3A_306 : i32
      %lt3A_308 = arith.constant 0 : i32
      %lt3A_309 = arith.cmpi slt, %rem3A_305, %lt3A_308 : i32
      %lt3A_310 = arith.constant 0 : i32
      %lt3A_311 = arith.cmpi slt, %select_n3A_304, %lt3A_310 : i32
      %ne3A_312 = arith.xori %lt3A_309, %lt3A_311 : i1
      %and3A_313 = arith.andi %ne3A_312, %ne3A_307 : i1
      %add3A_314 = arith.addi %rem3A_305, %select_n3A_304 : i32
      %select_n3A_315 = arith.select %and3A_313, %add3A_314, %rem3A_305 : i32
      %eq3A_316 = arith.constant 0 : i32
      %eq3A_317 = arith.cmpi eq, %select_n3A_315, %eq3A_316 : i32
      %convert_element_type3A_318 = arith.extui %eq3A_317 : i1 to i32
      %cond3A_319 = arith.constant 0 : i32
      %cond3A_320 = arith.cmpi ne, %convert_element_type3A_318, %cond3A_319 : i32
      scf.if %cond3A_320 {
        %jit3A_335 = arith.constant 8 : i32
        %div3A = arith.divsi %add3A_276, %jit3A_335 : i32
        %sign3A = arith.constant 0 : i32
        %sign3A_336 = arith.cmpi sgt, %add3A_276, %sign3A : i32
        %sign3A_337 = arith.extui %sign3A_336 : i1 to i32
        %sign3A_338 = arith.constant 0 : i32
        %sign3A_339 = arith.cmpi slt, %add3A_276, %sign3A_338 : i32
        %sign3A_340 = arith.extui %sign3A_339 : i1 to i32
        %sign3A_341 = arith.subi %sign3A_337, %sign3A_340 : i32
        %sign3A_342 = arith.constant 0 : i32
        %sign3A_343 = arith.cmpi sgt, %jit3A_335, %sign3A_342 : i32
        %sign3A_344 = arith.extui %sign3A_343 : i1 to i32
        %sign3A_345 = arith.constant 0 : i32
        %sign3A_346 = arith.cmpi slt, %jit3A_335, %sign3A_345 : i32
        %sign3A_347 = arith.extui %sign3A_346 : i1 to i32
        %sign3A_348 = arith.subi %sign3A_344, %sign3A_347 : i32
        %ne3A_349 = arith.cmpi ne, %sign3A_341, %sign3A_348 : i32
        %rem3A_350 = arith.remsi %add3A_276, %jit3A_335 : i32
        %ne3A_351 = arith.constant 0 : i32
        %ne3A_352 = arith.cmpi ne, %rem3A_350, %ne3A_351 : i32
        %and3A_353 = arith.andi %ne3A_349, %ne3A_352 : i1
        %sub3A = arith.constant 1 : i32
        %sub3A_354 = arith.subi %div3A, %sub3A : i32
        %select_n3A_355 = arith.select %and3A_353, %sub3A_354, %div3A : i32
        %get3A_356 = arith.constant 0 : i32
        %get3A_357 = arith.index_cast %get3A_356 : i32 to index
        %get3A_358 = arith.constant 0 : index
        %get3A_359 = tpu.vector_load %arg20[%get3A_357, %get3A_358] {strides = array<i32>} : memref<64x64xf32, #tpu.memory_space<vmem>>, vector<16xf32>,
        %get3A_360 = arith.index_cast %select_n3A_355 : i32 to index
        %get3A_361 = arith.constant 0 : index
        %get3A_362 = tpu.vector_load %arg25[%get3A_360, %get3A_361] {strides = array<i32>} : memref<32x64xf32, #tpu.memory_space<vmem>>, vector<16xf32>,
        %add3A_363 = arith.addf %get3A_359, %get3A_362 : vector<16xf32>
        %swap3A = arith.constant 0 : i32
        %swap3A_364 = arith.index_cast %swap3A : i32 to index
        %swap3A_365 = arith.constant 0 : index
        %swap3A_366 = tpu.vector_load %arg20[%swap3A_364, %swap3A_365] {strides = array<i32>} : memref<64x64xf32, #tpu.memory_space<vmem>>, vector<16xf32>,
        tpu.vector_store %arg20[%swap3A_364, %swap3A_365], %add3A_363 {strides = array<i32>} : memref<64x64xf32, #tpu.memory_space<vmem>>, vector<16xf32>,
        %get3A_367 = arith.constant 0 : i32
        %get3A_368 = arith.index_cast %get3A_367 : i32 to index
        %get3A_369 = arith.constant 16 : index
        %get3A_370 = tpu.vector_load %arg20[%get3A_368, %get3A_369] {strides = array<i32>} : memref<64x64xf32, #tpu.memory_space<vmem>>, vector<16xf32>,
        %get3A_371 = arith.index_cast %select_n3A_355 : i32 to index
        %get3A_372 = arith.constant 16 : index
        %get3A_373 = tpu.vector_load %arg25[%get3A_371, %get3A_372] {strides = array<i32>} : memref<32x64xf32, #tpu.memory_space<vmem>>, vector<16xf32>,
        %add3A_374 = arith.addf %get3A_370, %get3A_373 : vector<16xf32>
        %swap3A_375 = arith.constant 0 : i32
        %swap3A_376 = arith.index_cast %swap3A_375 : i32 to index
        %swap3A_377 = arith.constant 16 : index
        %swap3A_378 = tpu.vector_load %arg20[%swap3A_376, %swap3A_377] {strides = array<i32>} : memref<64x64xf32, #tpu.memory_space<vmem>>, vector<16xf32>,
        tpu.vector_store %arg20[%swap3A_376, %swap3A_377], %add3A_374 {strides = array<i32>} : memref<64x64xf32, #tpu.memory_space<vmem>>, vector<16xf32>,
        %get3A_379 = arith.constant 0 : i32
        %get3A_380 = arith.index_cast %get3A_379 : i32 to index
        %get3A_381 = arith.constant 32 : index
        %get3A_382 = tpu.vector_load %arg20[%get3A_380, %get3A_381] {strides = array<i32>} : memref<64x64xf32, #tpu.memory_space<vmem>>, vector<16xf32>,
        %get3A_383 = arith.index_cast %select_n3A_355 : i32 to index
        %get3A_384 = arith.constant 32 : index
        %get3A_385 = tpu.vector_load %arg25[%get3A_383, %get3A_384] {strides = array<i32>} : memref<32x64xf32, #tpu.memory_space<vmem>>, vector<16xf32>,
        %add3A_386 = arith.addf %get3A_382, %get3A_385 : vector<16xf32>
        %swap3A_387 = arith.constant 0 : i32
        %swap3A_388 = arith.index_cast %swap3A_387 : i32 to index
        %swap3A_389 = arith.constant 32 : index
        %swap3A_390 = tpu.vector_load %arg20[%swap3A_388, %swap3A_389] {strides = array<i32>} : memref<64x64xf32, #tpu.memory_space<vmem>>, vector<16xf32>,
        tpu.vector_store %arg20[%swap3A_388, %swap3A_389], %add3A_386 {strides = array<i32>} : memref<64x64xf32, #tpu.memory_space<vmem>>, vector<16xf32>,
        %get3A_391 = arith.constant 0 : i32
        %get3A_392 = arith.index_cast %get3A_391 : i32 to index
        %get3A_393 = arith.constant 48 : index
        %get3A_394 = tpu.vector_load %arg20[%get3A_392, %get3A_393] {strides = array<i32>} : memref<64x64xf32, #tpu.memory_space<vmem>>, vector<16xf32>,
        %get3A_395 = arith.index_cast %select_n3A_355 : i32 to index
        %get3A_396 = arith.constant 48 : index
        %get3A_397 = tpu.vector_load %arg25[%get3A_395, %get3A_396] {strides = array<i32>} : memref<32x64xf32, #tpu.memory_space<vmem>>, vector<16xf32>,
        %add3A_398 = arith.addf %get3A_394, %get3A_397 : vector<16xf32>
        %swap3A_399 = arith.constant 0 : i32
        %swap3A_400 = arith.index_cast %swap3A_399 : i32 to index
        %swap3A_401 = arith.constant 48 : index
        %swap3A_402 = tpu.vector_load %arg20[%swap3A_400, %swap3A_401] {strides = array<i32>} : memref<64x64xf32, #tpu.memory_space<vmem>>, vector<16xf32>,
        tpu.vector_store %arg20[%swap3A_400, %swap3A_401], %add3A_398 {strides = array<i32>} : memref<64x64xf32, #tpu.memory_space<vmem>>, vector<16xf32>,
      } else {
      }
      %mul3A_321 = arith.constant 64 : i32
      %mul3A_322 = arith.muli %add3A_276, %mul3A_321 : i32
      %add3A_323 = arith.addi %mul3A_30, %mul3A_322 : i32
      %dma_start3A_324 = arith.constant 0 : i32
      %dma_start3A_325 = tpu.memref_slice %arg12[%add3A_323, %dma_start3A_324] : memref<524288x64xf32, #tpu.memory_space<hbm>> -> memref<64x64xf32, #tpu.memory_space<hbm>>
      %dma_start3A_326 = arith.constant 0 : i32
      %dma_start3A_327 = tpu.memref_slice %arg12[%add3A_323, %dma_start3A_326] : memref<524288x64xf32, #tpu.memory_space<hbm>> -> memref<64x64xf32, #tpu.memory_space<hbm>>
      tpu.enqueue_dma source(%arg20 : memref<64x64xf32, #tpu.memory_space<vmem>>) target(%dma_start3A_327 : memref<64x64xf32, #tpu.memory_space<hbm>>) target_semaphore(%arg31 : memref<!tpu.dma_semaphore, #tpu.memory_space<semaphore_mem>>)
      %add3A_328 = arith.constant 3 : i32
      %add3A_329 = arith.addi %add3A_190, %add3A_328 : i32
      %lt3A_330 = arith.constant 64 : i32
      %lt3A_331 = arith.cmpi slt, %add3A_329, %lt3A_330 : i32
      %convert_element_type3A_332 = arith.extui %lt3A_331 : i1 to i32
      %cond3A_333 = arith.constant 0 : i32
      %cond3A_334 = arith.cmpi ne, %convert_element_type3A_332, %cond3A_333 : i32
      scf.if %cond3A_334 {
        %add3A_335 = arith.constant 3 : i32
        %add3A_336 = arith.addi %add3A_190, %add3A_335 : i32
        %mul3A_337 = arith.constant 64 : i32
        %mul3A_338 = arith.muli %add3A_336, %mul3A_337 : i32
        %dma_start3A_339 = tpu.memref_slice %arg13[%mul3A_338] : memref<4096xi32, #tpu.memory_space<vmem>> -> memref<64xi32, #tpu.memory_space<vmem>>
        %dma_start3A_340 = arith.constant 0 : i32
        %dma_start3A_341 = arith.constant 0 : i32
        %dma_start3A_342 = tpu.memref_slice %arg2[%dma_start3A_340, %dma_start3A_341] : memref<100000x128xf32, #tpu.memory_space<hbm>> -> memref<100000x128xf32, #tpu.memory_space<hbm>>
        tpu.enqueue_indirect_dma source(%dma_start3A_342 : memref<100000x128xf32, #tpu.memory_space<hbm>>) target(%arg16 : memref<64x128xf32, #tpu.memory_space<vmem>>) offsets(%dma_start3A_339 : memref<64xi32, #tpu.memory_space<vmem>>) semaphore(%arg27 : memref<!tpu.dma_semaphore, #tpu.memory_space<semaphore_mem>>)
        %dma_start3A_343 = tpu.memref_slice %arg14[%mul3A_338] : memref<4096xi32, #tpu.memory_space<vmem>> -> memref<64xi32, #tpu.memory_space<vmem>>
        %dma_start3A_344 = arith.constant 0 : i32
        %dma_start3A_345 = arith.constant 0 : i32
        %dma_start3A_346 = tpu.memref_slice %arg3[%dma_start3A_344, %dma_start3A_345] : memref<1000x128xf32, #tpu.memory_space<hbm>> -> memref<1000x128xf32, #tpu.memory_space<hbm>>
        tpu.enqueue_indirect_dma source(%dma_start3A_346 : memref<1000x128xf32, #tpu.memory_space<hbm>>) target(%arg18 : memref<64x128xf32, #tpu.memory_space<vmem>>) offsets(%dma_start3A_343 : memref<64xi32, #tpu.memory_space<vmem>>) semaphore(%arg29 : memref<!tpu.dma_semaphore, #tpu.memory_space<semaphore_mem>>)
      } else {
      }
    }
    %scan3A_140 = arith.constant 32 : i32
    %dma_wait3A_141 = arith.constant 0 : i32
    %dma_wait3A_142 = tpu.memref_slice %arg12[%mul3A_30, %dma_wait3A_141] : memref<524288x64xf32, #tpu.memory_space<hbm>> -> memref<64x64xf32, #tpu.memory_space<hbm>>
    %dma_wait3A_143 = arith.constant 0 : i32
    %dma_wait3A_144 = tpu.memref_slice %arg12[%mul3A_30, %dma_wait3A_143] : memref<524288x64xf32, #tpu.memory_space<hbm>> -> memref<64x64xf32, #tpu.memory_space<hbm>>
    tpu.wait_dma2 semaphore(%arg30 : memref<!tpu.dma_semaphore, #tpu.memory_space<semaphore_mem>>) src(%arg19 : memref<64x64xf32, #tpu.memory_space<vmem>>) dst(%dma_wait3A_144 : memref<64x64xf32, #tpu.memory_space<hbm>>)
    %dma_wait3A_145 = arith.constant 0 : i32
    %dma_wait3A_146 = tpu.memref_slice %arg12[%mul3A_30, %dma_wait3A_145] : memref<524288x64xf32, #tpu.memory_space<hbm>> -> memref<64x64xf32, #tpu.memory_space<hbm>>
    %dma_wait3A_147 = arith.constant 0 : i32
    %dma_wait3A_148 = tpu.memref_slice %arg12[%mul3A_30, %dma_wait3A_147] : memref<524288x64xf32, #tpu.memory_space<hbm>> -> memref<64x64xf32, #tpu.memory_space<hbm>>
    tpu.wait_dma2 semaphore(%arg31 : memref<!tpu.dma_semaphore, #tpu.memory_space<semaphore_mem>>) src(%arg20 : memref<64x64xf32, #tpu.memory_space<vmem>>) dst(%dma_wait3A_148 : memref<64x64xf32, #tpu.memory_space<hbm>>)
    %add3A_149 = arith.constant 12288 : i32
    %add3A_150 = arith.addi %mul3A_30, %add3A_149 : i32
    "tpu.region"() ({
      %run_scoped3A = tpu.sem_alloc : memref<!tpu.dma_semaphore, #tpu.memory_space<semaphore_mem>>
      %dma_start3A_186 = tpu.memref_slice %arg4[%add3A_150] : memref<524288xi32, #tpu.memory_space<hbm>> -> memref<4096xi32, #tpu.memory_space<hbm>>
      %dma_start3A_187 = tpu.memref_slice %arg4[%add3A_150] : memref<524288xi32, #tpu.memory_space<hbm>> -> memref<4096xi32, #tpu.memory_space<hbm>>
      tpu.enqueue_dma source(%dma_start3A_187 : memref<4096xi32, #tpu.memory_space<hbm>>) target(%arg13 : memref<4096xi32, #tpu.memory_space<vmem>>) target_semaphore(%run_scoped3A : memref<!tpu.dma_semaphore, #tpu.memory_space<semaphore_mem>>)
      %dma_wait3A_188 = tpu.memref_slice %arg4[%add3A_150] : memref<524288xi32, #tpu.memory_space<hbm>> -> memref<4096xi32, #tpu.memory_space<hbm>>
      %dma_wait3A_189 = tpu.memref_slice %arg4[%add3A_150] : memref<524288xi32, #tpu.memory_space<hbm>> -> memref<4096xi32, #tpu.memory_space<hbm>>
      tpu.wait_dma2 semaphore(%run_scoped3A : memref<!tpu.dma_semaphore, #tpu.memory_space<semaphore_mem>>) src(%dma_wait3A_189 : memref<4096xi32, #tpu.memory_space<hbm>>) dst(%arg13 : memref<4096xi32, #tpu.memory_space<vmem>>)
      tpu.yield
    }) : () -> ()
    %add3A_151 = arith.constant 12288 : i32
    %add3A_152 = arith.addi %mul3A_30, %add3A_151 : i32
    "tpu.region"() ({
      %run_scoped3A = tpu.sem_alloc : memref<!tpu.dma_semaphore, #tpu.memory_space<semaphore_mem>>
      %dma_start3A_186 = tpu.memref_slice %arg5[%add3A_152] : memref<524288xi32, #tpu.memory_space<hbm>> -> memref<4096xi32, #tpu.memory_space<hbm>>
      %dma_start3A_187 = tpu.memref_slice %arg5[%add3A_152] : memref<524288xi32, #tpu.memory_space<hbm>> -> memref<4096xi32, #tpu.memory_space<hbm>>
      tpu.enqueue_dma source(%dma_start3A_187 : memref<4096xi32, #tpu.memory_space<hbm>>) target(%arg14 : memref<4096xi32, #tpu.memory_space<vmem>>) target_semaphore(%run_scoped3A : memref<!tpu.dma_semaphore, #tpu.memory_space<semaphore_mem>>)
      %dma_wait3A_188 = tpu.memref_slice %arg5[%add3A_152] : memref<524288xi32, #tpu.memory_space<hbm>> -> memref<4096xi32, #tpu.memory_space<hbm>>
      %dma_wait3A_189 = tpu.memref_slice %arg5[%add3A_152] : memref<524288xi32, #tpu.memory_space<hbm>> -> memref<4096xi32, #tpu.memory_space<hbm>>
      tpu.wait_dma2 semaphore(%run_scoped3A : memref<!tpu.dma_semaphore, #tpu.memory_space<semaphore_mem>>) src(%dma_wait3A_189 : memref<4096xi32, #tpu.memory_space<hbm>>) dst(%arg14 : memref<4096xi32, #tpu.memory_space<vmem>>)
      tpu.yield
    }) : () -> ()
    %dma_start3A_153 = arith.constant 0 : i32
    %dma_start3A_154 = tpu.memref_slice %arg13[%dma_start3A_153] : memref<4096xi32, #tpu.memory_space<vmem>> -> memref<64xi32, #tpu.memory_space<vmem>>
    %dma_start3A_155 = arith.constant 0 : i32
    %dma_start3A_156 = arith.constant 0 : i32
    %dma_start3A_157 = tpu.memref_slice %arg2[%dma_start3A_155, %dma_start3A_156] : memref<100000x128xf32, #tpu.memory_space<hbm>> -> memref<100000x128xf32, #tpu.memory_space<hbm>>
    tpu.enqueue_indirect_dma source(%dma_start3A_157 : memref<100000x128xf32, #tpu.memory_space<hbm>>) target(%arg15 : memref<64x128xf32, #tpu.memory_space<vmem>>) offsets(%dma_start3A_154 : memref<64xi32, #tpu.memory_space<vmem>>) semaphore(%arg26 : memref<!tpu.dma_semaphore, #tpu.memory_space<semaphore_mem>>)
    %dma_start3A_158 = arith.constant 0 : i32
    %dma_start3A_159 = tpu.memref_slice %arg14[%dma_start3A_158] : memref<4096xi32, #tpu.memory_space<vmem>> -> memref<64xi32, #tpu.memory_space<vmem>>
    %dma_start3A_160 = arith.constant 0 : i32
    %dma_start3A_161 = arith.constant 0 : i32
    %dma_start3A_162 = tpu.memref_slice %arg3[%dma_start3A_160, %dma_start3A_161] : memref<1000x128xf32, #tpu.memory_space<hbm>> -> memref<1000x128xf32, #tpu.memory_space<hbm>>
    tpu.enqueue_indirect_dma source(%dma_start3A_162 : memref<1000x128xf32, #tpu.memory_space<hbm>>) target(%arg17 : memref<64x128xf32, #tpu.memory_space<vmem>>) offsets(%dma_start3A_159 : memref<64xi32, #tpu.memory_space<vmem>>) semaphore(%arg28 : memref<!tpu.dma_semaphore, #tpu.memory_space<semaphore_mem>>)
    %dma_start3A_163 = arith.constant 64 : i32
    %dma_start3A_164 = tpu.memref_slice %arg13[%dma_start3A_163] : memref<4096xi32, #tpu.memory_space<vmem>> -> memref<64xi32, #tpu.memory_space<vmem>>
    %dma_start3A_165 = arith.constant 0 : i32
    %dma_start3A_166 = arith.constant 0 : i32
    %dma_start3A_167 = tpu.memref_slice %arg2[%dma_start3A_165, %dma_start3A_166] : memref<100000x128xf32, #tpu.memory_space<hbm>> -> memref<100000x128xf32, #tpu.memory_space<hbm>>
    tpu.enqueue_indirect_dma source(%dma_start3A_167 : memref<100000x128xf32, #tpu.memory_space<hbm>>) target(%arg16 : memref<64x128xf32, #tpu.memory_space<vmem>>) offsets(%dma_start3A_164 : memref<64xi32, #tpu.memory_space<vmem>>) semaphore(%arg27 : memref<!tpu.dma_semaphore, #tpu.memory_space<semaphore_mem>>)
    %dma_start3A_168 = arith.constant 64 : i32
    %dma_start3A_169 = tpu.memref_slice %arg14[%dma_start3A_168] : memref<4096xi32, #tpu.memory_space<vmem>> -> memref<64xi32, #tpu.memory_space<vmem>>
    %dma_start3A_170 = arith.constant 0 : i32
    %dma_start3A_171 = arith.constant 0 : i32
    %dma_start3A_172 = tpu.memref_slice %arg3[%dma_start3A_170, %dma_start3A_171] : memref<1000x128xf32, #tpu.memory_space<hbm>> -> memref<1000x128xf32, #tpu.memory_space<hbm>>
    tpu.enqueue_indirect_dma source(%dma_start3A_172 : memref<1000x128xf32, #tpu.memory_space<hbm>>) target(%arg18 : memref<64x128xf32, #tpu.memory_space<vmem>>) offsets(%dma_start3A_169 : memref<64xi32, #tpu.memory_space<vmem>>) semaphore(%arg29 : memref<!tpu.dma_semaphore, #tpu.memory_space<semaphore_mem>>)
    %scan3A_173 = arith.constant 0 : i32
    %scan3A_174 = arith.constant 32 : i32
    %scan3A_175 = arith.addi %scan3A_173, %scan3A_174 : i32
    %scan3A_176 = arith.constant 1 : i32
    scf.for %scan3A_186 = %scan3A_173 to %scan3A_175 step %scan3A_176  : i32 {
      %mul3A_187 = arith.constant 2 : i32
      %mul3A_188 = arith.muli %scan3A_186, %mul3A_187 : i32
      %add3A_189 = arith.constant 0 : i32
      %add3A_190 = arith.addi %add3A_189, %mul3A_188 : i32
      %mul3A_191 = arith.constant 64 : i32
      %mul3A_192 = arith.muli %add3A_190, %mul3A_191 : i32
      %dma_wait3A_193 = tpu.memref_slice %arg13[%mul3A_192] : memref<4096xi32, #tpu.memory_space<vmem>> -> memref<64xi32, #tpu.memory_space<vmem>>
      %dma_wait3A_194 = arith.constant 0 : i32
      %dma_wait3A_195 = arith.constant 0 : i32
      %dma_wait3A_196 = tpu.memref_slice %arg2[%dma_wait3A_194, %dma_wait3A_195] : memref<100000x128xf32, #tpu.memory_space<hbm>> -> memref<100000x128xf32, #tpu.memory_space<hbm>>
      tpu.wait_indirect_dma semaphore(%arg26 : memref<!tpu.dma_semaphore, #tpu.memory_space<semaphore_mem>>) src(%dma_wait3A_196 : memref<100000x128xf32, #tpu.memory_space<hbm>>) dst(%arg15 : memref<64x128xf32, #tpu.memory_space<vmem>>)
      %dma_wait3A_197 = tpu.memref_slice %arg14[%mul3A_192] : memref<4096xi32, #tpu.memory_space<vmem>> -> memref<64xi32, #tpu.memory_space<vmem>>
      %dma_wait3A_198 = arith.constant 0 : i32
      %dma_wait3A_199 = arith.constant 0 : i32
      %dma_wait3A_200 = tpu.memref_slice %arg3[%dma_wait3A_198, %dma_wait3A_199] : memref<1000x128xf32, #tpu.memory_space<hbm>> -> memref<1000x128xf32, #tpu.memory_space<hbm>>
      tpu.wait_indirect_dma semaphore(%arg28 : memref<!tpu.dma_semaphore, #tpu.memory_space<semaphore_mem>>) src(%dma_wait3A_200 : memref<1000x128xf32, #tpu.memory_space<hbm>>) dst(%arg17 : memref<64x128xf32, #tpu.memory_space<vmem>>)
      %ge3A = arith.constant 2 : i32
      %ge3A_201 = arith.cmpi sge, %add3A_190, %ge3A : i32
      %convert_element_type3A = arith.extui %ge3A_201 : i1 to i32
      %cond3A = arith.constant 0 : i32
      %cond3A_202 = arith.cmpi ne, %convert_element_type3A, %cond3A : i32
      scf.if %cond3A_202 {
        %dma_wait3A_335 = arith.constant 0 : i32
        %dma_wait3A_336 = tpu.memref_slice %arg12[%mul3A_30, %dma_wait3A_335] : memref<524288x64xf32, #tpu.memory_space<hbm>> -> memref<64x64xf32, #tpu.memory_space<hbm>>
        %dma_wait3A_337 = arith.constant 0 : i32
        %dma_wait3A_338 = tpu.memref_slice %arg12[%mul3A_30, %dma_wait3A_337] : memref<524288x64xf32, #tpu.memory_space<hbm>> -> memref<64x64xf32, #tpu.memory_space<hbm>>
        tpu.wait_dma2 semaphore(%arg30 : memref<!tpu.dma_semaphore, #tpu.memory_space<semaphore_mem>>) src(%arg19 : memref<64x64xf32, #tpu.memory_space<vmem>>) dst(%dma_wait3A_338 : memref<64x64xf32, #tpu.memory_space<hbm>>)
      } else {
      }
      %add3A_203 = arith.constant 192 : i32
      %add3A_204 = arith.addi %add3A_203, %add3A_190 : i32
      %jit3A = arith.constant 8 : i32
      %eq3A = arith.constant 0 : i32
      %eq3A_205 = arith.cmpi eq, %jit3A, %eq3A : i32
      %jit3A_206 = arith.constant 1 : i32
      %select_n3A = arith.select %eq3A_205, %jit3A_206, %jit3A : i32
      %rem3A = arith.remsi %add3A_204, %select_n3A : i32
      %ne3A = arith.constant 0 : i32
      %ne3A_207 = arith.cmpi ne, %rem3A, %ne3A : i32
      %lt3A = arith.constant 0 : i32
      %lt3A_208 = arith.cmpi slt, %rem3A, %lt3A : i32
      %lt3A_209 = arith.constant 0 : i32
      %lt3A_210 = arith.cmpi slt, %select_n3A, %lt3A_209 : i32
      %ne3A_211 = arith.xori %lt3A_208, %lt3A_210 : i1
      %and3A = arith.andi %ne3A_211, %ne3A_207 : i1
      %add3A_212 = arith.addi %rem3A, %select_n3A : i32
      %select_n3A_213 = arith.select %and3A, %add3A_212, %rem3A : i32
      %mul3A_214 = arith.constant 64 : i32
      %mul3A_215 = arith.muli %select_n3A_213, %mul3A_214 : i32
      %scan3A_216 = arith.constant 0 : i32
      %scan3A_217 = arith.constant 64 : i32
      %scan3A_218 = arith.addi %scan3A_216, %scan3A_217 : i32
      %scan3A_219 = arith.constant 1 : i32
      scf.for %scan3A_335 = %scan3A_216 to %scan3A_218 step %scan3A_219  : i32 {
        %mul3A_336 = arith.constant 1 : i32
        %mul3A_337 = arith.muli %scan3A_335, %mul3A_336 : i32
        %add3A_338 = arith.constant 0 : i32
        %add3A_339 = arith.addi %add3A_338, %mul3A_337 : i32
        %get3A_340 = arith.index_cast %add3A_339 : i32 to index
        %get3A_341 = arith.constant 0 : index
        %get3A_342 = tpu.vector_load %arg15[%get3A_340, %get3A_341] {strides = array<i32>} : memref<64x128xf32, #tpu.memory_space<vmem>>, vector<16xf32>,
        %get3A_343 = arith.index_cast %add3A_339 : i32 to index
        %get3A_344 = arith.constant 64 : index
        %get3A_345 = tpu.vector_load %arg17[%get3A_343, %get3A_344] {strides = array<i32>} : memref<64x128xf32, #tpu.memory_space<vmem>>, vector<16xf32>,
        %add3A_346 = arith.addf %get3A_342, %get3A_345 : vector<16xf32>
        %max3A = arith.constant 0.000000e+00 : f32
        %max3A_347 = vector.broadcast %max3A : f32 to vector<16xf32>
        %max3A_348 = arith.maximumf %add3A_346, %max3A_347 : vector<16xf32>
        %get3A_349 = arith.index_cast %add3A_339 : i32 to index
        %get3A_350 = arith.constant 16 : index
        %get3A_351 = tpu.vector_load %arg15[%get3A_349, %get3A_350] {strides = array<i32>} : memref<64x128xf32, #tpu.memory_space<vmem>>, vector<16xf32>,
        %get3A_352 = arith.index_cast %add3A_339 : i32 to index
        %get3A_353 = arith.constant 80 : index
        %get3A_354 = tpu.vector_load %arg17[%get3A_352, %get3A_353] {strides = array<i32>} : memref<64x128xf32, #tpu.memory_space<vmem>>, vector<16xf32>,
        %add3A_355 = arith.addf %get3A_351, %get3A_354 : vector<16xf32>
        %max3A_356 = arith.constant 0.000000e+00 : f32
        %max3A_357 = vector.broadcast %max3A_356 : f32 to vector<16xf32>
        %max3A_358 = arith.maximumf %add3A_355, %max3A_357 : vector<16xf32>
        %get3A_359 = arith.index_cast %add3A_339 : i32 to index
        %get3A_360 = arith.constant 32 : index
        %get3A_361 = tpu.vector_load %arg15[%get3A_359, %get3A_360] {strides = array<i32>} : memref<64x128xf32, #tpu.memory_space<vmem>>, vector<16xf32>,
        %get3A_362 = arith.index_cast %add3A_339 : i32 to index
        %get3A_363 = arith.constant 96 : index
        %get3A_364 = tpu.vector_load %arg17[%get3A_362, %get3A_363] {strides = array<i32>} : memref<64x128xf32, #tpu.memory_space<vmem>>, vector<16xf32>,
        %add3A_365 = arith.addf %get3A_361, %get3A_364 : vector<16xf32>
        %max3A_366 = arith.constant 0.000000e+00 : f32
        %max3A_367 = vector.broadcast %max3A_366 : f32 to vector<16xf32>
        %max3A_368 = arith.maximumf %add3A_365, %max3A_367 : vector<16xf32>
        %get3A_369 = arith.index_cast %add3A_339 : i32 to index
        %get3A_370 = arith.constant 48 : index
        %get3A_371 = tpu.vector_load %arg15[%get3A_369, %get3A_370] {strides = array<i32>} : memref<64x128xf32, #tpu.memory_space<vmem>>, vector<16xf32>,
        %get3A_372 = arith.index_cast %add3A_339 : i32 to index
        %get3A_373 = arith.constant 112 : index
        %get3A_374 = tpu.vector_load %arg17[%get3A_372, %get3A_373] {strides = array<i32>} : memref<64x128xf32, #tpu.memory_space<vmem>>, vector<16xf32>,
        %add3A_375 = arith.addf %get3A_371, %get3A_374 : vector<16xf32>
        %max3A_376 = arith.constant 0.000000e+00 : f32
        %max3A_377 = vector.broadcast %max3A_376 : f32 to vector<16xf32>
        %max3A_378 = arith.maximumf %add3A_375, %max3A_377 : vector<16xf32>
        %add3A_379 = arith.addf %max3A_348, %max3A_358 : vector<16xf32>
        %add3A_380 = arith.addf %max3A_368, %max3A_378 : vector<16xf32>
        %add3A_381 = arith.addf %add3A_379, %add3A_380 : vector<16xf32>
        %mul3A_382 = arith.mulf %max3A_348, %max3A_348 : vector<16xf32>
        %mul3A_383 = arith.mulf %max3A_358, %max3A_358 : vector<16xf32>
        %add3A_384 = arith.addf %mul3A_382, %mul3A_383 : vector<16xf32>
        %mul3A_385 = arith.mulf %max3A_368, %max3A_368 : vector<16xf32>
        %mul3A_386 = arith.mulf %max3A_378, %max3A_378 : vector<16xf32>
        %add3A_387 = arith.addf %mul3A_385, %mul3A_386 : vector<16xf32>
        %add3A_388 = arith.addf %add3A_384, %add3A_387 : vector<16xf32>
        %reduce_sum3A = arith.constant true
        %reduce_sum3A_389 = vector.broadcast %reduce_sum3A : i1 to vector<16xi1>
        %reduce_sum3A_390 = tpu.scan <sum>, %add3A_381 masked %reduce_sum3A_389 : vector<16xf32>, vector<16xi1> -> vector<16xf32>
        %reduce_sum3A_391 = vector.extract %reduce_sum3A_390[15] : f32 from vector<16xf32>
        %mul3A_392 = arith.constant 1.562500e-02 : f32
        %mul3A_393 = arith.mulf %reduce_sum3A_391, %mul3A_392 : f32
        %reduce_sum3A_394 = arith.constant true
        %reduce_sum3A_395 = vector.broadcast %reduce_sum3A_394 : i1 to vector<16xi1>
        %reduce_sum3A_396 = tpu.scan <sum>, %add3A_388 masked %reduce_sum3A_395 : vector<16xf32>, vector<16xi1> -> vector<16xf32>
        %reduce_sum3A_397 = vector.extract %reduce_sum3A_396[15] : f32 from vector<16xf32>
        %mul3A_398 = arith.constant 1.562500e-02 : f32
        %mul3A_399 = arith.mulf %reduce_sum3A_397, %mul3A_398 : f32
        %mul3A_400 = arith.mulf %mul3A_393, %mul3A_393 : f32
        %sub3A = arith.subf %mul3A_399, %mul3A_400 : f32
        %add3A_401 = arith.constant 9.99999974E-6 : f32
        %add3A_402 = arith.addf %sub3A, %add3A_401 : f32
        %broadcast_in_dim3A = vector.broadcast %add3A_402 : f32 to vector<16xf32>
        %bitcast_convert_type3A = tpu.bitcast %broadcast_in_dim3A : vector<16xf32> -> vector<16xi32>
        %shift_right_arithmetic3A = arith.constant 1 : i32
        %shift_right_arithmetic3A_403 = vector.broadcast %shift_right_arithmetic3A : i32 to vector<16xi32>
        %shift_right_arithmetic3A_404 = arith.shrsi %bitcast_convert_type3A, %shift_right_arithmetic3A_403 : vector<16xi32>
        %sub3A_405 = arith.constant 1597463007 : i32
        %sub3A_406 = vector.broadcast %sub3A_405 : i32 to vector<16xi32>
        %sub3A_407 = arith.subi %sub3A_406, %shift_right_arithmetic3A_404 : vector<16xi32>
        %bitcast_convert_type3A_408 = tpu.bitcast %sub3A_407 : vector<16xi32> -> vector<16xf32>
        %mul3A_409 = arith.constant 5.000000e-01 : f32
        %mul3A_410 = vector.broadcast %mul3A_409 : f32 to vector<16xf32>
        %mul3A_411 = arith.mulf %mul3A_410, %broadcast_in_dim3A : vector<16xf32>
        %mul3A_412 = arith.mulf %mul3A_411, %bitcast_convert_type3A_408 : vector<16xf32>
        %mul3A_413 = arith.mulf %mul3A_412, %bitcast_convert_type3A_408 : vector<16xf32>
        %sub3A_414 = arith.constant 1.500000e+00 : f32
        %sub3A_415 = vector.broadcast %sub3A_414 : f32 to vector<16xf32>
        %sub3A_416 = arith.subf %sub3A_415, %mul3A_413 : vector<16xf32>
        %mul3A_417 = arith.mulf %bitcast_convert_type3A_408, %sub3A_416 : vector<16xf32>
        %mul3A_418 = arith.constant 5.000000e-01 : f32
        %mul3A_419 = vector.broadcast %mul3A_418 : f32 to vector<16xf32>
        %mul3A_420 = arith.mulf %mul3A_419, %broadcast_in_dim3A : vector<16xf32>
        %mul3A_421 = arith.mulf %mul3A_420, %mul3A_417 : vector<16xf32>
        %mul3A_422 = arith.mulf %mul3A_421, %mul3A_417 : vector<16xf32>
        %sub3A_423 = arith.constant 1.500000e+00 : f32
        %sub3A_424 = vector.broadcast %sub3A_423 : f32 to vector<16xf32>
        %sub3A_425 = arith.subf %sub3A_424, %mul3A_422 : vector<16xf32>
        %mul3A_426 = arith.mulf %mul3A_417, %sub3A_425 : vector<16xf32>
        %broadcast_in_dim3A_427 = vector.broadcast %mul3A_393 : f32 to vector<16xf32>
        %add3A_428 = arith.addi %mul3A_215, %add3A_339 : i32
        %sub3A_429 = arith.subf %max3A_348, %broadcast_in_dim3A_427 : vector<16xf32>
        %mul3A_430 = arith.mulf %mul3A_426, %get3A_31 : vector<16xf32>
        %mul3A_431 = arith.mulf %sub3A_429, %mul3A_430 : vector<16xf32>
        %get3A_432 = arith.index_cast %add3A_428 : i32 to index
        %get3A_433 = arith.constant 0 : index
        %get3A_434 = tpu.vector_load %arg21[%get3A_432, %get3A_433] {strides = array<i32>} : memref<512x64xf32, #tpu.memory_space<vmem>>, vector<16xf32>,
        %add3A_435 = arith.addf %mul3A_431, %get3A_434 : vector<16xf32>
        %swap3A = arith.index_cast %add3A_339 : i32 to index
        %swap3A_436 = arith.constant 0 : index
        %swap3A_437 = tpu.vector_load %arg19[%swap3A, %swap3A_436] {strides = array<i32>} : memref<64x64xf32, #tpu.memory_space<vmem>>, vector<16xf32>,
        tpu.vector_store %arg19[%swap3A, %swap3A_436], %add3A_435 {strides = array<i32>} : memref<64x64xf32, #tpu.memory_space<vmem>>, vector<16xf32>,
        %sub3A_438 = arith.subf %max3A_358, %broadcast_in_dim3A_427 : vector<16xf32>
        %mul3A_439 = arith.mulf %mul3A_426, %get3A_33 : vector<16xf32>
        %mul3A_440 = arith.mulf %sub3A_438, %mul3A_439 : vector<16xf32>
        %get3A_441 = arith.index_cast %add3A_428 : i32 to index
        %get3A_442 = arith.constant 16 : index
        %get3A_443 = tpu.vector_load %arg21[%get3A_441, %get3A_442] {strides = array<i32>} : memref<512x64xf32, #tpu.memory_space<vmem>>, vector<16xf32>,
        %add3A_444 = arith.addf %mul3A_440, %get3A_443 : vector<16xf32>
        %swap3A_445 = arith.index_cast %add3A_339 : i32 to index
        %swap3A_446 = arith.constant 16 : index
        %swap3A_447 = tpu.vector_load %arg19[%swap3A_445, %swap3A_446] {strides = array<i32>} : memref<64x64xf32, #tpu.memory_space<vmem>>, vector<16xf32>,
        tpu.vector_store %arg19[%swap3A_445, %swap3A_446], %add3A_444 {strides = array<i32>} : memref<64x64xf32, #tpu.memory_space<vmem>>, vector<16xf32>,
        %sub3A_448 = arith.subf %max3A_368, %broadcast_in_dim3A_427 : vector<16xf32>
        %mul3A_449 = arith.mulf %mul3A_426, %get3A_35 : vector<16xf32>
        %mul3A_450 = arith.mulf %sub3A_448, %mul3A_449 : vector<16xf32>
        %get3A_451 = arith.index_cast %add3A_428 : i32 to index
        %get3A_452 = arith.constant 32 : index
        %get3A_453 = tpu.vector_load %arg21[%get3A_451, %get3A_452] {strides = array<i32>} : memref<512x64xf32, #tpu.memory_space<vmem>>, vector<16xf32>,
        %add3A_454 = arith.addf %mul3A_450, %get3A_453 : vector<16xf32>
        %swap3A_455 = arith.index_cast %add3A_339 : i32 to index
        %swap3A_456 = arith.constant 32 : index
        %swap3A_457 = tpu.vector_load %arg19[%swap3A_455, %swap3A_456] {strides = array<i32>} : memref<64x64xf32, #tpu.memory_space<vmem>>, vector<16xf32>,
        tpu.vector_store %arg19[%swap3A_455, %swap3A_456], %add3A_454 {strides = array<i32>} : memref<64x64xf32, #tpu.memory_space<vmem>>, vector<16xf32>,
        %sub3A_458 = arith.subf %max3A_378, %broadcast_in_dim3A_427 : vector<16xf32>
        %mul3A_459 = arith.mulf %mul3A_426, %get3A_37 : vector<16xf32>
        %mul3A_460 = arith.mulf %sub3A_458, %mul3A_459 : vector<16xf32>
        %get3A_461 = arith.index_cast %add3A_428 : i32 to index
        %get3A_462 = arith.constant 48 : index
        %get3A_463 = tpu.vector_load %arg21[%get3A_461, %get3A_462] {strides = array<i32>} : memref<512x64xf32, #tpu.memory_space<vmem>>, vector<16xf32>,
        %add3A_464 = arith.addf %mul3A_460, %get3A_463 : vector<16xf32>
        %swap3A_465 = arith.index_cast %add3A_339 : i32 to index
        %swap3A_466 = arith.constant 48 : index
        %swap3A_467 = tpu.vector_load %arg19[%swap3A_465, %swap3A_466] {strides = array<i32>} : memref<64x64xf32, #tpu.memory_space<vmem>>, vector<16xf32>,
        tpu.vector_store %arg19[%swap3A_465, %swap3A_466], %add3A_464 {strides = array<i32>} : memref<64x64xf32, #tpu.memory_space<vmem>>, vector<16xf32>,
      }
      %scan3A_220 = arith.constant 64 : i32
      %jit3A_221 = arith.constant 8 : i32
      %eq3A_222 = arith.constant 0 : i32
      %eq3A_223 = arith.cmpi eq, %jit3A_221, %eq3A_222 : i32
      %jit3A_224 = arith.constant 1 : i32
      %select_n3A_225 = arith.select %eq3A_223, %jit3A_224, %jit3A_221 : i32
      %rem3A_226 = arith.remsi %add3A_204, %select_n3A_225 : i32
      %ne3A_227 = arith.constant 0 : i32
      %ne3A_228 = arith.cmpi ne, %rem3A_226, %ne3A_227 : i32
      %lt3A_229 = arith.constant 0 : i32
      %lt3A_230 = arith.cmpi slt, %rem3A_226, %lt3A_229 : i32
      %lt3A_231 = arith.constant 0 : i32
      %lt3A_232 = arith.cmpi slt, %select_n3A_225, %lt3A_231 : i32
      %ne3A_233 = arith.xori %lt3A_230, %lt3A_232 : i1
      %and3A_234 = arith.andi %ne3A_233, %ne3A_228 : i1
      %add3A_235 = arith.addi %rem3A_226, %select_n3A_225 : i32
      %select_n3A_236 = arith.select %and3A_234, %add3A_235, %rem3A_226 : i32
      %eq3A_237 = arith.constant 0 : i32
      %eq3A_238 = arith.cmpi eq, %select_n3A_236, %eq3A_237 : i32
      %convert_element_type3A_239 = arith.extui %eq3A_238 : i1 to i32
      %cond3A_240 = arith.constant 0 : i32
      %cond3A_241 = arith.cmpi ne, %convert_element_type3A_239, %cond3A_240 : i32
      scf.if %cond3A_241 {
        %jit3A_335 = arith.constant 8 : i32
        %div3A = arith.divsi %add3A_204, %jit3A_335 : i32
        %sign3A = arith.constant 0 : i32
        %sign3A_336 = arith.cmpi sgt, %add3A_204, %sign3A : i32
        %sign3A_337 = arith.extui %sign3A_336 : i1 to i32
        %sign3A_338 = arith.constant 0 : i32
        %sign3A_339 = arith.cmpi slt, %add3A_204, %sign3A_338 : i32
        %sign3A_340 = arith.extui %sign3A_339 : i1 to i32
        %sign3A_341 = arith.subi %sign3A_337, %sign3A_340 : i32
        %sign3A_342 = arith.constant 0 : i32
        %sign3A_343 = arith.cmpi sgt, %jit3A_335, %sign3A_342 : i32
        %sign3A_344 = arith.extui %sign3A_343 : i1 to i32
        %sign3A_345 = arith.constant 0 : i32
        %sign3A_346 = arith.cmpi slt, %jit3A_335, %sign3A_345 : i32
        %sign3A_347 = arith.extui %sign3A_346 : i1 to i32
        %sign3A_348 = arith.subi %sign3A_344, %sign3A_347 : i32
        %ne3A_349 = arith.cmpi ne, %sign3A_341, %sign3A_348 : i32
        %rem3A_350 = arith.remsi %add3A_204, %jit3A_335 : i32
        %ne3A_351 = arith.constant 0 : i32
        %ne3A_352 = arith.cmpi ne, %rem3A_350, %ne3A_351 : i32
        %and3A_353 = arith.andi %ne3A_349, %ne3A_352 : i1
        %sub3A = arith.constant 1 : i32
        %sub3A_354 = arith.subi %div3A, %sub3A : i32
        %select_n3A_355 = arith.select %and3A_353, %sub3A_354, %div3A : i32
        %get3A_356 = arith.constant 0 : i32
        %get3A_357 = arith.index_cast %get3A_356 : i32 to index
        %get3A_358 = arith.constant 0 : index
        %get3A_359 = tpu.vector_load %arg19[%get3A_357, %get3A_358] {strides = array<i32>} : memref<64x64xf32, #tpu.memory_space<vmem>>, vector<16xf32>,
        %get3A_360 = arith.index_cast %select_n3A_355 : i32 to index
        %get3A_361 = arith.constant 0 : index
        %get3A_362 = tpu.vector_load %arg25[%get3A_360, %get3A_361] {strides = array<i32>} : memref<32x64xf32, #tpu.memory_space<vmem>>, vector<16xf32>,
        %add3A_363 = arith.addf %get3A_359, %get3A_362 : vector<16xf32>
        %swap3A = arith.constant 0 : i32
        %swap3A_364 = arith.index_cast %swap3A : i32 to index
        %swap3A_365 = arith.constant 0 : index
        %swap3A_366 = tpu.vector_load %arg19[%swap3A_364, %swap3A_365] {strides = array<i32>} : memref<64x64xf32, #tpu.memory_space<vmem>>, vector<16xf32>,
        tpu.vector_store %arg19[%swap3A_364, %swap3A_365], %add3A_363 {strides = array<i32>} : memref<64x64xf32, #tpu.memory_space<vmem>>, vector<16xf32>,
        %get3A_367 = arith.constant 0 : i32
        %get3A_368 = arith.index_cast %get3A_367 : i32 to index
        %get3A_369 = arith.constant 16 : index
        %get3A_370 = tpu.vector_load %arg19[%get3A_368, %get3A_369] {strides = array<i32>} : memref<64x64xf32, #tpu.memory_space<vmem>>, vector<16xf32>,
        %get3A_371 = arith.index_cast %select_n3A_355 : i32 to index
        %get3A_372 = arith.constant 16 : index
        %get3A_373 = tpu.vector_load %arg25[%get3A_371, %get3A_372] {strides = array<i32>} : memref<32x64xf32, #tpu.memory_space<vmem>>, vector<16xf32>,
        %add3A_374 = arith.addf %get3A_370, %get3A_373 : vector<16xf32>
        %swap3A_375 = arith.constant 0 : i32
        %swap3A_376 = arith.index_cast %swap3A_375 : i32 to index
        %swap3A_377 = arith.constant 16 : index
        %swap3A_378 = tpu.vector_load %arg19[%swap3A_376, %swap3A_377] {strides = array<i32>} : memref<64x64xf32, #tpu.memory_space<vmem>>, vector<16xf32>,
        tpu.vector_store %arg19[%swap3A_376, %swap3A_377], %add3A_374 {strides = array<i32>} : memref<64x64xf32, #tpu.memory_space<vmem>>, vector<16xf32>,
        %get3A_379 = arith.constant 0 : i32
        %get3A_380 = arith.index_cast %get3A_379 : i32 to index
        %get3A_381 = arith.constant 32 : index
        %get3A_382 = tpu.vector_load %arg19[%get3A_380, %get3A_381] {strides = array<i32>} : memref<64x64xf32, #tpu.memory_space<vmem>>, vector<16xf32>,
        %get3A_383 = arith.index_cast %select_n3A_355 : i32 to index
        %get3A_384 = arith.constant 32 : index
        %get3A_385 = tpu.vector_load %arg25[%get3A_383, %get3A_384] {strides = array<i32>} : memref<32x64xf32, #tpu.memory_space<vmem>>, vector<16xf32>,
        %add3A_386 = arith.addf %get3A_382, %get3A_385 : vector<16xf32>
        %swap3A_387 = arith.constant 0 : i32
        %swap3A_388 = arith.index_cast %swap3A_387 : i32 to index
        %swap3A_389 = arith.constant 32 : index
        %swap3A_390 = tpu.vector_load %arg19[%swap3A_388, %swap3A_389] {strides = array<i32>} : memref<64x64xf32, #tpu.memory_space<vmem>>, vector<16xf32>,
        tpu.vector_store %arg19[%swap3A_388, %swap3A_389], %add3A_386 {strides = array<i32>} : memref<64x64xf32, #tpu.memory_space<vmem>>, vector<16xf32>,
        %get3A_391 = arith.constant 0 : i32
        %get3A_392 = arith.index_cast %get3A_391 : i32 to index
        %get3A_393 = arith.constant 48 : index
        %get3A_394 = tpu.vector_load %arg19[%get3A_392, %get3A_393] {strides = array<i32>} : memref<64x64xf32, #tpu.memory_space<vmem>>, vector<16xf32>,
        %get3A_395 = arith.index_cast %select_n3A_355 : i32 to index
        %get3A_396 = arith.constant 48 : index
        %get3A_397 = tpu.vector_load %arg25[%get3A_395, %get3A_396] {strides = array<i32>} : memref<32x64xf32, #tpu.memory_space<vmem>>, vector<16xf32>,
        %add3A_398 = arith.addf %get3A_394, %get3A_397 : vector<16xf32>
        %swap3A_399 = arith.constant 0 : i32
        %swap3A_400 = arith.index_cast %swap3A_399 : i32 to index
        %swap3A_401 = arith.constant 48 : index
        %swap3A_402 = tpu.vector_load %arg19[%swap3A_400, %swap3A_401] {strides = array<i32>} : memref<64x64xf32, #tpu.memory_space<vmem>>, vector<16xf32>,
        tpu.vector_store %arg19[%swap3A_400, %swap3A_401], %add3A_398 {strides = array<i32>} : memref<64x64xf32, #tpu.memory_space<vmem>>, vector<16xf32>,
      } else {
      }
      %mul3A_242 = arith.constant 64 : i32
      %mul3A_243 = arith.muli %add3A_204, %mul3A_242 : i32
      %add3A_244 = arith.addi %mul3A_30, %mul3A_243 : i32
      %dma_start3A_245 = arith.constant 0 : i32
      %dma_start3A_246 = tpu.memref_slice %arg12[%add3A_244, %dma_start3A_245] : memref<524288x64xf32, #tpu.memory_space<hbm>> -> memref<64x64xf32, #tpu.memory_space<hbm>>
      %dma_start3A_247 = arith.constant 0 : i32
      %dma_start3A_248 = tpu.memref_slice %arg12[%add3A_244, %dma_start3A_247] : memref<524288x64xf32, #tpu.memory_space<hbm>> -> memref<64x64xf32, #tpu.memory_space<hbm>>
      tpu.enqueue_dma source(%arg19 : memref<64x64xf32, #tpu.memory_space<vmem>>) target(%dma_start3A_248 : memref<64x64xf32, #tpu.memory_space<hbm>>) target_semaphore(%arg30 : memref<!tpu.dma_semaphore, #tpu.memory_space<semaphore_mem>>)
      %add3A_249 = arith.constant 2 : i32
      %add3A_250 = arith.addi %add3A_190, %add3A_249 : i32
      %lt3A_251 = arith.constant 64 : i32
      %lt3A_252 = arith.cmpi slt, %add3A_250, %lt3A_251 : i32
      %convert_element_type3A_253 = arith.extui %lt3A_252 : i1 to i32
      %cond3A_254 = arith.constant 0 : i32
      %cond3A_255 = arith.cmpi ne, %convert_element_type3A_253, %cond3A_254 : i32
      scf.if %cond3A_255 {
        %add3A_335 = arith.constant 2 : i32
        %add3A_336 = arith.addi %add3A_190, %add3A_335 : i32
        %mul3A_337 = arith.constant 64 : i32
        %mul3A_338 = arith.muli %add3A_336, %mul3A_337 : i32
        %dma_start3A_339 = tpu.memref_slice %arg13[%mul3A_338] : memref<4096xi32, #tpu.memory_space<vmem>> -> memref<64xi32, #tpu.memory_space<vmem>>
        %dma_start3A_340 = arith.constant 0 : i32
        %dma_start3A_341 = arith.constant 0 : i32
        %dma_start3A_342 = tpu.memref_slice %arg2[%dma_start3A_340, %dma_start3A_341] : memref<100000x128xf32, #tpu.memory_space<hbm>> -> memref<100000x128xf32, #tpu.memory_space<hbm>>
        tpu.enqueue_indirect_dma source(%dma_start3A_342 : memref<100000x128xf32, #tpu.memory_space<hbm>>) target(%arg15 : memref<64x128xf32, #tpu.memory_space<vmem>>) offsets(%dma_start3A_339 : memref<64xi32, #tpu.memory_space<vmem>>) semaphore(%arg26 : memref<!tpu.dma_semaphore, #tpu.memory_space<semaphore_mem>>)
        %dma_start3A_343 = tpu.memref_slice %arg14[%mul3A_338] : memref<4096xi32, #tpu.memory_space<vmem>> -> memref<64xi32, #tpu.memory_space<vmem>>
        %dma_start3A_344 = arith.constant 0 : i32
        %dma_start3A_345 = arith.constant 0 : i32
        %dma_start3A_346 = tpu.memref_slice %arg3[%dma_start3A_344, %dma_start3A_345] : memref<1000x128xf32, #tpu.memory_space<hbm>> -> memref<1000x128xf32, #tpu.memory_space<hbm>>
        tpu.enqueue_indirect_dma source(%dma_start3A_346 : memref<1000x128xf32, #tpu.memory_space<hbm>>) target(%arg17 : memref<64x128xf32, #tpu.memory_space<vmem>>) offsets(%dma_start3A_343 : memref<64xi32, #tpu.memory_space<vmem>>) semaphore(%arg28 : memref<!tpu.dma_semaphore, #tpu.memory_space<semaphore_mem>>)
      } else {
      }
      %add3A_256 = arith.constant 1 : i32
      %add3A_257 = arith.addi %add3A_190, %add3A_256 : i32
      %mul3A_258 = arith.constant 64 : i32
      %mul3A_259 = arith.muli %add3A_257, %mul3A_258 : i32
      %dma_wait3A_260 = tpu.memref_slice %arg13[%mul3A_259] : memref<4096xi32, #tpu.memory_space<vmem>> -> memref<64xi32, #tpu.memory_space<vmem>>
      %dma_wait3A_261 = arith.constant 0 : i32
      %dma_wait3A_262 = arith.constant 0 : i32
      %dma_wait3A_263 = tpu.memref_slice %arg2[%dma_wait3A_261, %dma_wait3A_262] : memref<100000x128xf32, #tpu.memory_space<hbm>> -> memref<100000x128xf32, #tpu.memory_space<hbm>>
      tpu.wait_indirect_dma semaphore(%arg27 : memref<!tpu.dma_semaphore, #tpu.memory_space<semaphore_mem>>) src(%dma_wait3A_263 : memref<100000x128xf32, #tpu.memory_space<hbm>>) dst(%arg16 : memref<64x128xf32, #tpu.memory_space<vmem>>)
      %dma_wait3A_264 = tpu.memref_slice %arg14[%mul3A_259] : memref<4096xi32, #tpu.memory_space<vmem>> -> memref<64xi32, #tpu.memory_space<vmem>>
      %dma_wait3A_265 = arith.constant 0 : i32
      %dma_wait3A_266 = arith.constant 0 : i32
      %dma_wait3A_267 = tpu.memref_slice %arg3[%dma_wait3A_265, %dma_wait3A_266] : memref<1000x128xf32, #tpu.memory_space<hbm>> -> memref<1000x128xf32, #tpu.memory_space<hbm>>
      tpu.wait_indirect_dma semaphore(%arg29 : memref<!tpu.dma_semaphore, #tpu.memory_space<semaphore_mem>>) src(%dma_wait3A_267 : memref<1000x128xf32, #tpu.memory_space<hbm>>) dst(%arg18 : memref<64x128xf32, #tpu.memory_space<vmem>>)
      %ge3A_268 = arith.constant 2 : i32
      %ge3A_269 = arith.cmpi sge, %add3A_190, %ge3A_268 : i32
      %convert_element_type3A_270 = arith.extui %ge3A_269 : i1 to i32
      %cond3A_271 = arith.constant 0 : i32
      %cond3A_272 = arith.cmpi ne, %convert_element_type3A_270, %cond3A_271 : i32
      scf.if %cond3A_272 {
        %dma_wait3A_335 = arith.constant 0 : i32
        %dma_wait3A_336 = tpu.memref_slice %arg12[%mul3A_30, %dma_wait3A_335] : memref<524288x64xf32, #tpu.memory_space<hbm>> -> memref<64x64xf32, #tpu.memory_space<hbm>>
        %dma_wait3A_337 = arith.constant 0 : i32
        %dma_wait3A_338 = tpu.memref_slice %arg12[%mul3A_30, %dma_wait3A_337] : memref<524288x64xf32, #tpu.memory_space<hbm>> -> memref<64x64xf32, #tpu.memory_space<hbm>>
        tpu.wait_dma2 semaphore(%arg31 : memref<!tpu.dma_semaphore, #tpu.memory_space<semaphore_mem>>) src(%arg20 : memref<64x64xf32, #tpu.memory_space<vmem>>) dst(%dma_wait3A_338 : memref<64x64xf32, #tpu.memory_space<hbm>>)
      } else {
      }
      %add3A_273 = arith.constant 192 : i32
      %add3A_274 = arith.addi %add3A_273, %add3A_190 : i32
      %add3A_275 = arith.constant 1 : i32
      %add3A_276 = arith.addi %add3A_274, %add3A_275 : i32
      %jit3A_277 = arith.constant 8 : i32
      %eq3A_278 = arith.constant 0 : i32
      %eq3A_279 = arith.cmpi eq, %jit3A_277, %eq3A_278 : i32
      %jit3A_280 = arith.constant 1 : i32
      %select_n3A_281 = arith.select %eq3A_279, %jit3A_280, %jit3A_277 : i32
      %rem3A_282 = arith.remsi %add3A_276, %select_n3A_281 : i32
      %ne3A_283 = arith.constant 0 : i32
      %ne3A_284 = arith.cmpi ne, %rem3A_282, %ne3A_283 : i32
      %lt3A_285 = arith.constant 0 : i32
      %lt3A_286 = arith.cmpi slt, %rem3A_282, %lt3A_285 : i32
      %lt3A_287 = arith.constant 0 : i32
      %lt3A_288 = arith.cmpi slt, %select_n3A_281, %lt3A_287 : i32
      %ne3A_289 = arith.xori %lt3A_286, %lt3A_288 : i1
      %and3A_290 = arith.andi %ne3A_289, %ne3A_284 : i1
      %add3A_291 = arith.addi %rem3A_282, %select_n3A_281 : i32
      %select_n3A_292 = arith.select %and3A_290, %add3A_291, %rem3A_282 : i32
      %mul3A_293 = arith.constant 64 : i32
      %mul3A_294 = arith.muli %select_n3A_292, %mul3A_293 : i32
      %scan3A_295 = arith.constant 0 : i32
      %scan3A_296 = arith.constant 64 : i32
      %scan3A_297 = arith.addi %scan3A_295, %scan3A_296 : i32
      %scan3A_298 = arith.constant 1 : i32
      scf.for %scan3A_335 = %scan3A_295 to %scan3A_297 step %scan3A_298  : i32 {
        %mul3A_336 = arith.constant 1 : i32
        %mul3A_337 = arith.muli %scan3A_335, %mul3A_336 : i32
        %add3A_338 = arith.constant 0 : i32
        %add3A_339 = arith.addi %add3A_338, %mul3A_337 : i32
        %get3A_340 = arith.index_cast %add3A_339 : i32 to index
        %get3A_341 = arith.constant 0 : index
        %get3A_342 = tpu.vector_load %arg16[%get3A_340, %get3A_341] {strides = array<i32>} : memref<64x128xf32, #tpu.memory_space<vmem>>, vector<16xf32>,
        %get3A_343 = arith.index_cast %add3A_339 : i32 to index
        %get3A_344 = arith.constant 64 : index
        %get3A_345 = tpu.vector_load %arg18[%get3A_343, %get3A_344] {strides = array<i32>} : memref<64x128xf32, #tpu.memory_space<vmem>>, vector<16xf32>,
        %add3A_346 = arith.addf %get3A_342, %get3A_345 : vector<16xf32>
        %max3A = arith.constant 0.000000e+00 : f32
        %max3A_347 = vector.broadcast %max3A : f32 to vector<16xf32>
        %max3A_348 = arith.maximumf %add3A_346, %max3A_347 : vector<16xf32>
        %get3A_349 = arith.index_cast %add3A_339 : i32 to index
        %get3A_350 = arith.constant 16 : index
        %get3A_351 = tpu.vector_load %arg16[%get3A_349, %get3A_350] {strides = array<i32>} : memref<64x128xf32, #tpu.memory_space<vmem>>, vector<16xf32>,
        %get3A_352 = arith.index_cast %add3A_339 : i32 to index
        %get3A_353 = arith.constant 80 : index
        %get3A_354 = tpu.vector_load %arg18[%get3A_352, %get3A_353] {strides = array<i32>} : memref<64x128xf32, #tpu.memory_space<vmem>>, vector<16xf32>,
        %add3A_355 = arith.addf %get3A_351, %get3A_354 : vector<16xf32>
        %max3A_356 = arith.constant 0.000000e+00 : f32
        %max3A_357 = vector.broadcast %max3A_356 : f32 to vector<16xf32>
        %max3A_358 = arith.maximumf %add3A_355, %max3A_357 : vector<16xf32>
        %get3A_359 = arith.index_cast %add3A_339 : i32 to index
        %get3A_360 = arith.constant 32 : index
        %get3A_361 = tpu.vector_load %arg16[%get3A_359, %get3A_360] {strides = array<i32>} : memref<64x128xf32, #tpu.memory_space<vmem>>, vector<16xf32>,
        %get3A_362 = arith.index_cast %add3A_339 : i32 to index
        %get3A_363 = arith.constant 96 : index
        %get3A_364 = tpu.vector_load %arg18[%get3A_362, %get3A_363] {strides = array<i32>} : memref<64x128xf32, #tpu.memory_space<vmem>>, vector<16xf32>,
        %add3A_365 = arith.addf %get3A_361, %get3A_364 : vector<16xf32>
        %max3A_366 = arith.constant 0.000000e+00 : f32
        %max3A_367 = vector.broadcast %max3A_366 : f32 to vector<16xf32>
        %max3A_368 = arith.maximumf %add3A_365, %max3A_367 : vector<16xf32>
        %get3A_369 = arith.index_cast %add3A_339 : i32 to index
        %get3A_370 = arith.constant 48 : index
        %get3A_371 = tpu.vector_load %arg16[%get3A_369, %get3A_370] {strides = array<i32>} : memref<64x128xf32, #tpu.memory_space<vmem>>, vector<16xf32>,
        %get3A_372 = arith.index_cast %add3A_339 : i32 to index
        %get3A_373 = arith.constant 112 : index
        %get3A_374 = tpu.vector_load %arg18[%get3A_372, %get3A_373] {strides = array<i32>} : memref<64x128xf32, #tpu.memory_space<vmem>>, vector<16xf32>,
        %add3A_375 = arith.addf %get3A_371, %get3A_374 : vector<16xf32>
        %max3A_376 = arith.constant 0.000000e+00 : f32
        %max3A_377 = vector.broadcast %max3A_376 : f32 to vector<16xf32>
        %max3A_378 = arith.maximumf %add3A_375, %max3A_377 : vector<16xf32>
        %add3A_379 = arith.addf %max3A_348, %max3A_358 : vector<16xf32>
        %add3A_380 = arith.addf %max3A_368, %max3A_378 : vector<16xf32>
        %add3A_381 = arith.addf %add3A_379, %add3A_380 : vector<16xf32>
        %mul3A_382 = arith.mulf %max3A_348, %max3A_348 : vector<16xf32>
        %mul3A_383 = arith.mulf %max3A_358, %max3A_358 : vector<16xf32>
        %add3A_384 = arith.addf %mul3A_382, %mul3A_383 : vector<16xf32>
        %mul3A_385 = arith.mulf %max3A_368, %max3A_368 : vector<16xf32>
        %mul3A_386 = arith.mulf %max3A_378, %max3A_378 : vector<16xf32>
        %add3A_387 = arith.addf %mul3A_385, %mul3A_386 : vector<16xf32>
        %add3A_388 = arith.addf %add3A_384, %add3A_387 : vector<16xf32>
        %reduce_sum3A = arith.constant true
        %reduce_sum3A_389 = vector.broadcast %reduce_sum3A : i1 to vector<16xi1>
        %reduce_sum3A_390 = tpu.scan <sum>, %add3A_381 masked %reduce_sum3A_389 : vector<16xf32>, vector<16xi1> -> vector<16xf32>
        %reduce_sum3A_391 = vector.extract %reduce_sum3A_390[15] : f32 from vector<16xf32>
        %mul3A_392 = arith.constant 1.562500e-02 : f32
        %mul3A_393 = arith.mulf %reduce_sum3A_391, %mul3A_392 : f32
        %reduce_sum3A_394 = arith.constant true
        %reduce_sum3A_395 = vector.broadcast %reduce_sum3A_394 : i1 to vector<16xi1>
        %reduce_sum3A_396 = tpu.scan <sum>, %add3A_388 masked %reduce_sum3A_395 : vector<16xf32>, vector<16xi1> -> vector<16xf32>
        %reduce_sum3A_397 = vector.extract %reduce_sum3A_396[15] : f32 from vector<16xf32>
        %mul3A_398 = arith.constant 1.562500e-02 : f32
        %mul3A_399 = arith.mulf %reduce_sum3A_397, %mul3A_398 : f32
        %mul3A_400 = arith.mulf %mul3A_393, %mul3A_393 : f32
        %sub3A = arith.subf %mul3A_399, %mul3A_400 : f32
        %add3A_401 = arith.constant 9.99999974E-6 : f32
        %add3A_402 = arith.addf %sub3A, %add3A_401 : f32
        %broadcast_in_dim3A = vector.broadcast %add3A_402 : f32 to vector<16xf32>
        %bitcast_convert_type3A = tpu.bitcast %broadcast_in_dim3A : vector<16xf32> -> vector<16xi32>
        %shift_right_arithmetic3A = arith.constant 1 : i32
        %shift_right_arithmetic3A_403 = vector.broadcast %shift_right_arithmetic3A : i32 to vector<16xi32>
        %shift_right_arithmetic3A_404 = arith.shrsi %bitcast_convert_type3A, %shift_right_arithmetic3A_403 : vector<16xi32>
        %sub3A_405 = arith.constant 1597463007 : i32
        %sub3A_406 = vector.broadcast %sub3A_405 : i32 to vector<16xi32>
        %sub3A_407 = arith.subi %sub3A_406, %shift_right_arithmetic3A_404 : vector<16xi32>
        %bitcast_convert_type3A_408 = tpu.bitcast %sub3A_407 : vector<16xi32> -> vector<16xf32>
        %mul3A_409 = arith.constant 5.000000e-01 : f32
        %mul3A_410 = vector.broadcast %mul3A_409 : f32 to vector<16xf32>
        %mul3A_411 = arith.mulf %mul3A_410, %broadcast_in_dim3A : vector<16xf32>
        %mul3A_412 = arith.mulf %mul3A_411, %bitcast_convert_type3A_408 : vector<16xf32>
        %mul3A_413 = arith.mulf %mul3A_412, %bitcast_convert_type3A_408 : vector<16xf32>
        %sub3A_414 = arith.constant 1.500000e+00 : f32
        %sub3A_415 = vector.broadcast %sub3A_414 : f32 to vector<16xf32>
        %sub3A_416 = arith.subf %sub3A_415, %mul3A_413 : vector<16xf32>
        %mul3A_417 = arith.mulf %bitcast_convert_type3A_408, %sub3A_416 : vector<16xf32>
        %mul3A_418 = arith.constant 5.000000e-01 : f32
        %mul3A_419 = vector.broadcast %mul3A_418 : f32 to vector<16xf32>
        %mul3A_420 = arith.mulf %mul3A_419, %broadcast_in_dim3A : vector<16xf32>
        %mul3A_421 = arith.mulf %mul3A_420, %mul3A_417 : vector<16xf32>
        %mul3A_422 = arith.mulf %mul3A_421, %mul3A_417 : vector<16xf32>
        %sub3A_423 = arith.constant 1.500000e+00 : f32
        %sub3A_424 = vector.broadcast %sub3A_423 : f32 to vector<16xf32>
        %sub3A_425 = arith.subf %sub3A_424, %mul3A_422 : vector<16xf32>
        %mul3A_426 = arith.mulf %mul3A_417, %sub3A_425 : vector<16xf32>
        %broadcast_in_dim3A_427 = vector.broadcast %mul3A_393 : f32 to vector<16xf32>
        %add3A_428 = arith.addi %mul3A_294, %add3A_339 : i32
        %sub3A_429 = arith.subf %max3A_348, %broadcast_in_dim3A_427 : vector<16xf32>
        %mul3A_430 = arith.mulf %mul3A_426, %get3A_31 : vector<16xf32>
        %mul3A_431 = arith.mulf %sub3A_429, %mul3A_430 : vector<16xf32>
        %get3A_432 = arith.index_cast %add3A_428 : i32 to index
        %get3A_433 = arith.constant 0 : index
        %get3A_434 = tpu.vector_load %arg21[%get3A_432, %get3A_433] {strides = array<i32>} : memref<512x64xf32, #tpu.memory_space<vmem>>, vector<16xf32>,
        %add3A_435 = arith.addf %mul3A_431, %get3A_434 : vector<16xf32>
        %swap3A = arith.index_cast %add3A_339 : i32 to index
        %swap3A_436 = arith.constant 0 : index
        %swap3A_437 = tpu.vector_load %arg20[%swap3A, %swap3A_436] {strides = array<i32>} : memref<64x64xf32, #tpu.memory_space<vmem>>, vector<16xf32>,
        tpu.vector_store %arg20[%swap3A, %swap3A_436], %add3A_435 {strides = array<i32>} : memref<64x64xf32, #tpu.memory_space<vmem>>, vector<16xf32>,
        %sub3A_438 = arith.subf %max3A_358, %broadcast_in_dim3A_427 : vector<16xf32>
        %mul3A_439 = arith.mulf %mul3A_426, %get3A_33 : vector<16xf32>
        %mul3A_440 = arith.mulf %sub3A_438, %mul3A_439 : vector<16xf32>
        %get3A_441 = arith.index_cast %add3A_428 : i32 to index
        %get3A_442 = arith.constant 16 : index
        %get3A_443 = tpu.vector_load %arg21[%get3A_441, %get3A_442] {strides = array<i32>} : memref<512x64xf32, #tpu.memory_space<vmem>>, vector<16xf32>,
        %add3A_444 = arith.addf %mul3A_440, %get3A_443 : vector<16xf32>
        %swap3A_445 = arith.index_cast %add3A_339 : i32 to index
        %swap3A_446 = arith.constant 16 : index
        %swap3A_447 = tpu.vector_load %arg20[%swap3A_445, %swap3A_446] {strides = array<i32>} : memref<64x64xf32, #tpu.memory_space<vmem>>, vector<16xf32>,
        tpu.vector_store %arg20[%swap3A_445, %swap3A_446], %add3A_444 {strides = array<i32>} : memref<64x64xf32, #tpu.memory_space<vmem>>, vector<16xf32>,
        %sub3A_448 = arith.subf %max3A_368, %broadcast_in_dim3A_427 : vector<16xf32>
        %mul3A_449 = arith.mulf %mul3A_426, %get3A_35 : vector<16xf32>
        %mul3A_450 = arith.mulf %sub3A_448, %mul3A_449 : vector<16xf32>
        %get3A_451 = arith.index_cast %add3A_428 : i32 to index
        %get3A_452 = arith.constant 32 : index
        %get3A_453 = tpu.vector_load %arg21[%get3A_451, %get3A_452] {strides = array<i32>} : memref<512x64xf32, #tpu.memory_space<vmem>>, vector<16xf32>,
        %add3A_454 = arith.addf %mul3A_450, %get3A_453 : vector<16xf32>
        %swap3A_455 = arith.index_cast %add3A_339 : i32 to index
        %swap3A_456 = arith.constant 32 : index
        %swap3A_457 = tpu.vector_load %arg20[%swap3A_455, %swap3A_456] {strides = array<i32>} : memref<64x64xf32, #tpu.memory_space<vmem>>, vector<16xf32>,
        tpu.vector_store %arg20[%swap3A_455, %swap3A_456], %add3A_454 {strides = array<i32>} : memref<64x64xf32, #tpu.memory_space<vmem>>, vector<16xf32>,
        %sub3A_458 = arith.subf %max3A_378, %broadcast_in_dim3A_427 : vector<16xf32>
        %mul3A_459 = arith.mulf %mul3A_426, %get3A_37 : vector<16xf32>
        %mul3A_460 = arith.mulf %sub3A_458, %mul3A_459 : vector<16xf32>
        %get3A_461 = arith.index_cast %add3A_428 : i32 to index
        %get3A_462 = arith.constant 48 : index
        %get3A_463 = tpu.vector_load %arg21[%get3A_461, %get3A_462] {strides = array<i32>} : memref<512x64xf32, #tpu.memory_space<vmem>>, vector<16xf32>,
        %add3A_464 = arith.addf %mul3A_460, %get3A_463 : vector<16xf32>
        %swap3A_465 = arith.index_cast %add3A_339 : i32 to index
        %swap3A_466 = arith.constant 48 : index
        %swap3A_467 = tpu.vector_load %arg20[%swap3A_465, %swap3A_466] {strides = array<i32>} : memref<64x64xf32, #tpu.memory_space<vmem>>, vector<16xf32>,
        tpu.vector_store %arg20[%swap3A_465, %swap3A_466], %add3A_464 {strides = array<i32>} : memref<64x64xf32, #tpu.memory_space<vmem>>, vector<16xf32>,
      }
      %scan3A_299 = arith.constant 64 : i32
      %jit3A_300 = arith.constant 8 : i32
      %eq3A_301 = arith.constant 0 : i32
      %eq3A_302 = arith.cmpi eq, %jit3A_300, %eq3A_301 : i32
      %jit3A_303 = arith.constant 1 : i32
      %select_n3A_304 = arith.select %eq3A_302, %jit3A_303, %jit3A_300 : i32
      %rem3A_305 = arith.remsi %add3A_276, %select_n3A_304 : i32
      %ne3A_306 = arith.constant 0 : i32
      %ne3A_307 = arith.cmpi ne, %rem3A_305, %ne3A_306 : i32
      %lt3A_308 = arith.constant 0 : i32
      %lt3A_309 = arith.cmpi slt, %rem3A_305, %lt3A_308 : i32
      %lt3A_310 = arith.constant 0 : i32
      %lt3A_311 = arith.cmpi slt, %select_n3A_304, %lt3A_310 : i32
      %ne3A_312 = arith.xori %lt3A_309, %lt3A_311 : i1
      %and3A_313 = arith.andi %ne3A_312, %ne3A_307 : i1
      %add3A_314 = arith.addi %rem3A_305, %select_n3A_304 : i32
      %select_n3A_315 = arith.select %and3A_313, %add3A_314, %rem3A_305 : i32
      %eq3A_316 = arith.constant 0 : i32
      %eq3A_317 = arith.cmpi eq, %select_n3A_315, %eq3A_316 : i32
      %convert_element_type3A_318 = arith.extui %eq3A_317 : i1 to i32
      %cond3A_319 = arith.constant 0 : i32
      %cond3A_320 = arith.cmpi ne, %convert_element_type3A_318, %cond3A_319 : i32
      scf.if %cond3A_320 {
        %jit3A_335 = arith.constant 8 : i32
        %div3A = arith.divsi %add3A_276, %jit3A_335 : i32
        %sign3A = arith.constant 0 : i32
        %sign3A_336 = arith.cmpi sgt, %add3A_276, %sign3A : i32
        %sign3A_337 = arith.extui %sign3A_336 : i1 to i32
        %sign3A_338 = arith.constant 0 : i32
        %sign3A_339 = arith.cmpi slt, %add3A_276, %sign3A_338 : i32
        %sign3A_340 = arith.extui %sign3A_339 : i1 to i32
        %sign3A_341 = arith.subi %sign3A_337, %sign3A_340 : i32
        %sign3A_342 = arith.constant 0 : i32
        %sign3A_343 = arith.cmpi sgt, %jit3A_335, %sign3A_342 : i32
        %sign3A_344 = arith.extui %sign3A_343 : i1 to i32
        %sign3A_345 = arith.constant 0 : i32
        %sign3A_346 = arith.cmpi slt, %jit3A_335, %sign3A_345 : i32
        %sign3A_347 = arith.extui %sign3A_346 : i1 to i32
        %sign3A_348 = arith.subi %sign3A_344, %sign3A_347 : i32
        %ne3A_349 = arith.cmpi ne, %sign3A_341, %sign3A_348 : i32
        %rem3A_350 = arith.remsi %add3A_276, %jit3A_335 : i32
        %ne3A_351 = arith.constant 0 : i32
        %ne3A_352 = arith.cmpi ne, %rem3A_350, %ne3A_351 : i32
        %and3A_353 = arith.andi %ne3A_349, %ne3A_352 : i1
        %sub3A = arith.constant 1 : i32
        %sub3A_354 = arith.subi %div3A, %sub3A : i32
        %select_n3A_355 = arith.select %and3A_353, %sub3A_354, %div3A : i32
        %get3A_356 = arith.constant 0 : i32
        %get3A_357 = arith.index_cast %get3A_356 : i32 to index
        %get3A_358 = arith.constant 0 : index
        %get3A_359 = tpu.vector_load %arg20[%get3A_357, %get3A_358] {strides = array<i32>} : memref<64x64xf32, #tpu.memory_space<vmem>>, vector<16xf32>,
        %get3A_360 = arith.index_cast %select_n3A_355 : i32 to index
        %get3A_361 = arith.constant 0 : index
        %get3A_362 = tpu.vector_load %arg25[%get3A_360, %get3A_361] {strides = array<i32>} : memref<32x64xf32, #tpu.memory_space<vmem>>, vector<16xf32>,
        %add3A_363 = arith.addf %get3A_359, %get3A_362 : vector<16xf32>
        %swap3A = arith.constant 0 : i32
        %swap3A_364 = arith.index_cast %swap3A : i32 to index
        %swap3A_365 = arith.constant 0 : index
        %swap3A_366 = tpu.vector_load %arg20[%swap3A_364, %swap3A_365] {strides = array<i32>} : memref<64x64xf32, #tpu.memory_space<vmem>>, vector<16xf32>,
        tpu.vector_store %arg20[%swap3A_364, %swap3A_365], %add3A_363 {strides = array<i32>} : memref<64x64xf32, #tpu.memory_space<vmem>>, vector<16xf32>,
        %get3A_367 = arith.constant 0 : i32
        %get3A_368 = arith.index_cast %get3A_367 : i32 to index
        %get3A_369 = arith.constant 16 : index
        %get3A_370 = tpu.vector_load %arg20[%get3A_368, %get3A_369] {strides = array<i32>} : memref<64x64xf32, #tpu.memory_space<vmem>>, vector<16xf32>,
        %get3A_371 = arith.index_cast %select_n3A_355 : i32 to index
        %get3A_372 = arith.constant 16 : index
        %get3A_373 = tpu.vector_load %arg25[%get3A_371, %get3A_372] {strides = array<i32>} : memref<32x64xf32, #tpu.memory_space<vmem>>, vector<16xf32>,
        %add3A_374 = arith.addf %get3A_370, %get3A_373 : vector<16xf32>
        %swap3A_375 = arith.constant 0 : i32
        %swap3A_376 = arith.index_cast %swap3A_375 : i32 to index
        %swap3A_377 = arith.constant 16 : index
        %swap3A_378 = tpu.vector_load %arg20[%swap3A_376, %swap3A_377] {strides = array<i32>} : memref<64x64xf32, #tpu.memory_space<vmem>>, vector<16xf32>,
        tpu.vector_store %arg20[%swap3A_376, %swap3A_377], %add3A_374 {strides = array<i32>} : memref<64x64xf32, #tpu.memory_space<vmem>>, vector<16xf32>,
        %get3A_379 = arith.constant 0 : i32
        %get3A_380 = arith.index_cast %get3A_379 : i32 to index
        %get3A_381 = arith.constant 32 : index
        %get3A_382 = tpu.vector_load %arg20[%get3A_380, %get3A_381] {strides = array<i32>} : memref<64x64xf32, #tpu.memory_space<vmem>>, vector<16xf32>,
        %get3A_383 = arith.index_cast %select_n3A_355 : i32 to index
        %get3A_384 = arith.constant 32 : index
        %get3A_385 = tpu.vector_load %arg25[%get3A_383, %get3A_384] {strides = array<i32>} : memref<32x64xf32, #tpu.memory_space<vmem>>, vector<16xf32>,
        %add3A_386 = arith.addf %get3A_382, %get3A_385 : vector<16xf32>
        %swap3A_387 = arith.constant 0 : i32
        %swap3A_388 = arith.index_cast %swap3A_387 : i32 to index
        %swap3A_389 = arith.constant 32 : index
        %swap3A_390 = tpu.vector_load %arg20[%swap3A_388, %swap3A_389] {strides = array<i32>} : memref<64x64xf32, #tpu.memory_space<vmem>>, vector<16xf32>,
        tpu.vector_store %arg20[%swap3A_388, %swap3A_389], %add3A_386 {strides = array<i32>} : memref<64x64xf32, #tpu.memory_space<vmem>>, vector<16xf32>,
        %get3A_391 = arith.constant 0 : i32
        %get3A_392 = arith.index_cast %get3A_391 : i32 to index
        %get3A_393 = arith.constant 48 : index
        %get3A_394 = tpu.vector_load %arg20[%get3A_392, %get3A_393] {strides = array<i32>} : memref<64x64xf32, #tpu.memory_space<vmem>>, vector<16xf32>,
        %get3A_395 = arith.index_cast %select_n3A_355 : i32 to index
        %get3A_396 = arith.constant 48 : index
        %get3A_397 = tpu.vector_load %arg25[%get3A_395, %get3A_396] {strides = array<i32>} : memref<32x64xf32, #tpu.memory_space<vmem>>, vector<16xf32>,
        %add3A_398 = arith.addf %get3A_394, %get3A_397 : vector<16xf32>
        %swap3A_399 = arith.constant 0 : i32
        %swap3A_400 = arith.index_cast %swap3A_399 : i32 to index
        %swap3A_401 = arith.constant 48 : index
        %swap3A_402 = tpu.vector_load %arg20[%swap3A_400, %swap3A_401] {strides = array<i32>} : memref<64x64xf32, #tpu.memory_space<vmem>>, vector<16xf32>,
        tpu.vector_store %arg20[%swap3A_400, %swap3A_401], %add3A_398 {strides = array<i32>} : memref<64x64xf32, #tpu.memory_space<vmem>>, vector<16xf32>,
      } else {
      }
      %mul3A_321 = arith.constant 64 : i32
      %mul3A_322 = arith.muli %add3A_276, %mul3A_321 : i32
      %add3A_323 = arith.addi %mul3A_30, %mul3A_322 : i32
      %dma_start3A_324 = arith.constant 0 : i32
      %dma_start3A_325 = tpu.memref_slice %arg12[%add3A_323, %dma_start3A_324] : memref<524288x64xf32, #tpu.memory_space<hbm>> -> memref<64x64xf32, #tpu.memory_space<hbm>>
      %dma_start3A_326 = arith.constant 0 : i32
      %dma_start3A_327 = tpu.memref_slice %arg12[%add3A_323, %dma_start3A_326] : memref<524288x64xf32, #tpu.memory_space<hbm>> -> memref<64x64xf32, #tpu.memory_space<hbm>>
      tpu.enqueue_dma source(%arg20 : memref<64x64xf32, #tpu.memory_space<vmem>>) target(%dma_start3A_327 : memref<64x64xf32, #tpu.memory_space<hbm>>) target_semaphore(%arg31 : memref<!tpu.dma_semaphore, #tpu.memory_space<semaphore_mem>>)
      %add3A_328 = arith.constant 3 : i32
      %add3A_329 = arith.addi %add3A_190, %add3A_328 : i32
      %lt3A_330 = arith.constant 64 : i32
      %lt3A_331 = arith.cmpi slt, %add3A_329, %lt3A_330 : i32
      %convert_element_type3A_332 = arith.extui %lt3A_331 : i1 to i32
      %cond3A_333 = arith.constant 0 : i32
      %cond3A_334 = arith.cmpi ne, %convert_element_type3A_332, %cond3A_333 : i32
      scf.if %cond3A_334 {
        %add3A_335 = arith.constant 3 : i32
        %add3A_336 = arith.addi %add3A_190, %add3A_335 : i32
        %mul3A_337 = arith.constant 64 : i32
        %mul3A_338 = arith.muli %add3A_336, %mul3A_337 : i32
        %dma_start3A_339 = tpu.memref_slice %arg13[%mul3A_338] : memref<4096xi32, #tpu.memory_space<vmem>> -> memref<64xi32, #tpu.memory_space<vmem>>
        %dma_start3A_340 = arith.constant 0 : i32
        %dma_start3A_341 = arith.constant 0 : i32
        %dma_start3A_342 = tpu.memref_slice %arg2[%dma_start3A_340, %dma_start3A_341] : memref<100000x128xf32, #tpu.memory_space<hbm>> -> memref<100000x128xf32, #tpu.memory_space<hbm>>
        tpu.enqueue_indirect_dma source(%dma_start3A_342 : memref<100000x128xf32, #tpu.memory_space<hbm>>) target(%arg16 : memref<64x128xf32, #tpu.memory_space<vmem>>) offsets(%dma_start3A_339 : memref<64xi32, #tpu.memory_space<vmem>>) semaphore(%arg27 : memref<!tpu.dma_semaphore, #tpu.memory_space<semaphore_mem>>)
        %dma_start3A_343 = tpu.memref_slice %arg14[%mul3A_338] : memref<4096xi32, #tpu.memory_space<vmem>> -> memref<64xi32, #tpu.memory_space<vmem>>
        %dma_start3A_344 = arith.constant 0 : i32
        %dma_start3A_345 = arith.constant 0 : i32
        %dma_start3A_346 = tpu.memref_slice %arg3[%dma_start3A_344, %dma_start3A_345] : memref<1000x128xf32, #tpu.memory_space<hbm>> -> memref<1000x128xf32, #tpu.memory_space<hbm>>
        tpu.enqueue_indirect_dma source(%dma_start3A_346 : memref<1000x128xf32, #tpu.memory_space<hbm>>) target(%arg18 : memref<64x128xf32, #tpu.memory_space<vmem>>) offsets(%dma_start3A_343 : memref<64xi32, #tpu.memory_space<vmem>>) semaphore(%arg29 : memref<!tpu.dma_semaphore, #tpu.memory_space<semaphore_mem>>)
      } else {
      }
    }
    %scan3A_177 = arith.constant 32 : i32
    %dma_wait3A_178 = arith.constant 0 : i32
    %dma_wait3A_179 = tpu.memref_slice %arg12[%mul3A_30, %dma_wait3A_178] : memref<524288x64xf32, #tpu.memory_space<hbm>> -> memref<64x64xf32, #tpu.memory_space<hbm>>
    %dma_wait3A_180 = arith.constant 0 : i32
    %dma_wait3A_181 = tpu.memref_slice %arg12[%mul3A_30, %dma_wait3A_180] : memref<524288x64xf32, #tpu.memory_space<hbm>> -> memref<64x64xf32, #tpu.memory_space<hbm>>
    tpu.wait_dma2 semaphore(%arg30 : memref<!tpu.dma_semaphore, #tpu.memory_space<semaphore_mem>>) src(%arg19 : memref<64x64xf32, #tpu.memory_space<vmem>>) dst(%dma_wait3A_181 : memref<64x64xf32, #tpu.memory_space<hbm>>)
    %dma_wait3A_182 = arith.constant 0 : i32
    %dma_wait3A_183 = tpu.memref_slice %arg12[%mul3A_30, %dma_wait3A_182] : memref<524288x64xf32, #tpu.memory_space<hbm>> -> memref<64x64xf32, #tpu.memory_space<hbm>>
    %dma_wait3A_184 = arith.constant 0 : i32
    %dma_wait3A_185 = tpu.memref_slice %arg12[%mul3A_30, %dma_wait3A_184] : memref<524288x64xf32, #tpu.memory_space<hbm>> -> memref<64x64xf32, #tpu.memory_space<hbm>>
    tpu.wait_dma2 semaphore(%arg31 : memref<!tpu.dma_semaphore, #tpu.memory_space<semaphore_mem>>) src(%arg20 : memref<64x64xf32, #tpu.memory_space<vmem>>) dst(%dma_wait3A_185 : memref<64x64xf32, #tpu.memory_space<hbm>>)
    return
  }
}

module attributes {stable_mosaic.version = 14 : i64} {
  func.func @_premix_gene_body(%arg0: i32, %arg1: memref<4000x64xf32, #tpu.memory_space<vmem>>, %arg2: memref<64x128xf32, #tpu.memory_space<vmem>>, %arg3: memref<4000x128xf32, #tpu.memory_space<vmem>>) attributes {dimension_semantics = [#tpu.dimension_semantics<arbitrary>], iteration_bounds = array<i64: 25>, scalar_prefetch = 0 : i64, scratch_operands = 0 : i64, tpu.core_type = #tpu.core_type<tc>, window_params = [{transform_indices = @transform_0, window_bounds = array<i64: 4000, 64>}, {pipeline_mode = #tpu.pipeline_mode<synchronous>, transform_indices = @transform_1, window_bounds = array<i64: 64, 128>}, {transform_indices = @transform_2, window_bounds = array<i64: 4000, 128>}]} {
    %get3A = arith.constant 0 : index
    %get3A_0 = arith.constant 0 : index
    %get3A_1 = vector.load %arg2[%get3A, %get3A_0] : memref<64x128xf32, #tpu.memory_space<vmem>>, vector<64x128xf32>
    %slice3A = vector.extract_strided_slice %get3A_1 {offsets = [0, 0], sizes = [64, 64], strides = [1, 1]} : vector<64x128xf32> to vector<64x64xf32>
    %get3A_2 = arith.constant 0 : index
    %get3A_3 = arith.constant 0 : index
    %get3A_4 = vector.load %arg1[%get3A_2, %get3A_3] : memref<4000x64xf32, #tpu.memory_space<vmem>>, vector<4000x64xf32>
    %dot_general3A = arith.constant dense<0.000000e+00> : vector<4000x64xf32>
    %dot_general3A_5 = tpu.matmul %get3A_4, %slice3A, %dot_general3A {dimension_numbers = #tpu.dot_dimension_numbers<[1], [1], [0], [0], [0, 0, 1, 0], [], []>, transpose_lhs_hint = false} : vector<4000x64xf32>, vector<64x64xf32>, vector<4000x64xf32> -> vector<4000x64xf32>
    %broadcast_in_dim3A = arith.constant 0.000000e+00 : f32
    %broadcast_in_dim3A_6 = vector.broadcast %broadcast_in_dim3A : f32 to vector<4000x64xf32>
    %concatenate3A = tpu.concatenate %dot_general3A_5, %broadcast_in_dim3A_6 in 1 : vector<4000x64xf32>, vector<4000x64xf32> -> vector<4000x128xf32>
    %swap3A = arith.constant 0 : index
    %swap3A_7 = arith.constant 0 : index
    %swap3A_8 = vector.load %arg3[%swap3A, %swap3A_7] : memref<4000x128xf32, #tpu.memory_space<vmem>>, vector<4000x128xf32>
    tpu.vector_store %arg3[%swap3A, %swap3A_7], %concatenate3A {strides = array<i32>} : memref<4000x128xf32, #tpu.memory_space<vmem>>, vector<4000x128xf32>,
    return
  }
  func.func @transform_0(%arg0: i32) -> (i32, i32) {
    %c0_i32 = arith.constant 0 : i32
    %c0_i32_0 = arith.constant 0 : i32
    return %arg0, %c0_i32 : i32, i32
  }
  func.func @transform_1(%arg0: i32) -> (i32, i32) {
    %c0_i32 = arith.constant 0 : i32
    %c0_i32_0 = arith.constant 0 : i32
    %c0_i32_1 = arith.constant 0 : i32
    return %c0_i32, %c0_i32_0 : i32, i32
  }
  func.func @transform_2(%arg0: i32) -> (i32, i32) {
    %c0_i32 = arith.constant 0 : i32
    %c0_i32_0 = arith.constant 0 : i32
    return %arg0, %c0_i32 : i32, i32
  }
}

module attributes {stable_mosaic.version = 14 : i64} {
  func.func @_premix_small_body(%arg0: i32, %arg1: memref<1000x64xf32, #tpu.memory_space<vmem>>, %arg2: memref<64x128xf32, #tpu.memory_space<vmem>>, %arg3: memref<1x64xf32, #tpu.memory_space<vmem>>, %arg4: memref<1000x64xf32, #tpu.memory_space<vmem>>, %arg5: memref<1000x64xf32, #tpu.memory_space<vmem>>, %arg6: memref<512x64xf32, #tpu.memory_space<vmem>>, %arg7: memref<1x64xf32, #tpu.memory_space<vmem>>, %arg8: memref<1000x128xf32, #tpu.memory_space<vmem>>, %arg9: memref<1000x128xf32, #tpu.memory_space<vmem>>, %arg10: memref<1000x128xf32, #tpu.memory_space<vmem>>, %arg11: memref<512x64xf32, #tpu.memory_space<vmem>>) attributes {dimension_semantics = [#tpu.dimension_semantics<arbitrary>], iteration_bounds = array<i64: 1>, scalar_prefetch = 0 : i64, scratch_operands = 0 : i64, tpu.core_type = #tpu.core_type<tc>, window_params = [{pipeline_mode = #tpu.pipeline_mode<synchronous>, transform_indices = @transform_0, window_bounds = array<i64: 1000, 64>}, {pipeline_mode = #tpu.pipeline_mode<synchronous>, transform_indices = @transform_1, window_bounds = array<i64: 64, 128>}, {pipeline_mode = #tpu.pipeline_mode<synchronous>, transform_indices = @transform_2, window_bounds = array<i64: 1, 64>}, {pipeline_mode = #tpu.pipeline_mode<synchronous>, transform_indices = @transform_3, window_bounds = array<i64: 1000, 64>}, {pipeline_mode = #tpu.pipeline_mode<synchronous>, transform_indices = @transform_4, window_bounds = array<i64: 1000, 64>}, {pipeline_mode = #tpu.pipeline_mode<synchronous>, transform_indices = @transform_5, window_bounds = array<i64: 512, 64>}, {pipeline_mode = #tpu.pipeline_mode<synchronous>, transform_indices = @transform_6, window_bounds = array<i64: 1, 64>}, {pipeline_mode = #tpu.pipeline_mode<synchronous>, transform_indices = @transform_7, window_bounds = array<i64: 1000, 128>}, {pipeline_mode = #tpu.pipeline_mode<synchronous>, transform_indices = @transform_8, window_bounds = array<i64: 1000, 128>}, {pipeline_mode = #tpu.pipeline_mode<synchronous>, transform_indices = @transform_9, window_bounds = array<i64: 1000, 128>}, {pipeline_mode = #tpu.pipeline_mode<synchronous>, transform_indices = @transform_10, window_bounds = array<i64: 512, 64>}]} {
    %get3A = arith.constant 0 : index
    %get3A_0 = arith.constant 0 : index
    %get3A_1 = vector.load %arg2[%get3A, %get3A_0] : memref<64x128xf32, #tpu.memory_space<vmem>>, vector<64x128xf32>
    %slice3A = vector.extract_strided_slice %get3A_1 {offsets = [0, 64], sizes = [64, 64], strides = [1, 1]} : vector<64x128xf32> to vector<64x64xf32>
    %get3A_2 = arith.constant 0 : index
    %get3A_3 = arith.constant 0 : index
    %get3A_4 = vector.load %arg1[%get3A_2, %get3A_3] : memref<1000x64xf32, #tpu.memory_space<vmem>>, vector<1000x64xf32>
    %dot_general3A = arith.constant dense<0.000000e+00> : vector<1000x64xf32>
    %dot_general3A_5 = tpu.matmul %get3A_4, %slice3A, %dot_general3A {dimension_numbers = #tpu.dot_dimension_numbers<[1], [1], [0], [0], [0, 0, 1, 0], [], []>, transpose_lhs_hint = false} : vector<1000x64xf32>, vector<64x64xf32>, vector<1000x64xf32> -> vector<1000x64xf32>
    %get3A_6 = arith.constant 0 : index
    %get3A_7 = arith.constant 0 : index
    %get3A_8 = vector.load %arg3[%get3A_6, %get3A_7] : memref<1x64xf32, #tpu.memory_space<vmem>>, vector<1x64xf32>
    %add3A = vector.broadcast %get3A_8 : vector<1x64xf32> to vector<1000x64xf32>
    %add3A_9 = arith.addf %dot_general3A_5, %add3A : vector<1000x64xf32>
    %broadcast_in_dim3A = arith.constant 0.000000e+00 : f32
    %broadcast_in_dim3A_10 = vector.broadcast %broadcast_in_dim3A : f32 to vector<1000x64xf32>
    %concatenate3A = tpu.concatenate %broadcast_in_dim3A_10, %add3A_9 in 1 : vector<1000x64xf32>, vector<1000x64xf32> -> vector<1000x128xf32>
    %swap3A = arith.constant 0 : index
    %swap3A_11 = arith.constant 0 : index
    %swap3A_12 = vector.load %arg8[%swap3A, %swap3A_11] : memref<1000x128xf32, #tpu.memory_space<vmem>>, vector<1000x128xf32>
    tpu.vector_store %arg8[%swap3A, %swap3A_11], %concatenate3A {strides = array<i32>} : memref<1000x128xf32, #tpu.memory_space<vmem>>, vector<1000x128xf32>,
    %get3A_13 = arith.constant 0 : index
    %get3A_14 = arith.constant 0 : index
    %get3A_15 = vector.load %arg4[%get3A_13, %get3A_14] : memref<1000x64xf32, #tpu.memory_space<vmem>>, vector<1000x64xf32>
    %concatenate3A_16 = tpu.concatenate %get3A_15, %broadcast_in_dim3A_10 in 1 : vector<1000x64xf32>, vector<1000x64xf32> -> vector<1000x128xf32>
    %swap3A_17 = arith.constant 0 : index
    %swap3A_18 = arith.constant 0 : index
    %swap3A_19 = vector.load %arg9[%swap3A_17, %swap3A_18] : memref<1000x128xf32, #tpu.memory_space<vmem>>, vector<1000x128xf32>
    tpu.vector_store %arg9[%swap3A_17, %swap3A_18], %concatenate3A_16 {strides = array<i32>} : memref<1000x128xf32, #tpu.memory_space<vmem>>, vector<1000x128xf32>,
    %get3A_20 = arith.constant 0 : index
    %get3A_21 = arith.constant 0 : index
    %get3A_22 = vector.load %arg5[%get3A_20, %get3A_21] : memref<1000x64xf32, #tpu.memory_space<vmem>>, vector<1000x64xf32>
    %concatenate3A_23 = tpu.concatenate %broadcast_in_dim3A_10, %get3A_22 in 1 : vector<1000x64xf32>, vector<1000x64xf32> -> vector<1000x128xf32>
    %swap3A_24 = arith.constant 0 : index
    %swap3A_25 = arith.constant 0 : index
    %swap3A_26 = vector.load %arg10[%swap3A_24, %swap3A_25] : memref<1000x128xf32, #tpu.memory_space<vmem>>, vector<1000x128xf32>
    tpu.vector_store %arg10[%swap3A_24, %swap3A_25], %concatenate3A_23 {strides = array<i32>} : memref<1000x128xf32, #tpu.memory_space<vmem>>, vector<1000x128xf32>,
    %get3A_27 = arith.constant 0 : index
    %get3A_28 = arith.constant 0 : index
    %get3A_29 = vector.load %arg6[%get3A_27, %get3A_28] : memref<512x64xf32, #tpu.memory_space<vmem>>, vector<512x64xf32>
    %get3A_30 = arith.constant 0 : index
    %get3A_31 = arith.constant 0 : index
    %get3A_32 = vector.load %arg7[%get3A_30, %get3A_31] : memref<1x64xf32, #tpu.memory_space<vmem>>, vector<1x64xf32>
    %add3A_33 = vector.broadcast %get3A_32 : vector<1x64xf32> to vector<512x64xf32>
    %add3A_34 = arith.addf %get3A_29, %add3A_33 : vector<512x64xf32>
    %swap3A_35 = arith.constant 0 : index
    %swap3A_36 = arith.constant 0 : index
    %swap3A_37 = vector.load %arg11[%swap3A_35, %swap3A_36] : memref<512x64xf32, #tpu.memory_space<vmem>>, vector<512x64xf32>
    tpu.vector_store %arg11[%swap3A_35, %swap3A_36], %add3A_34 {strides = array<i32>} : memref<512x64xf32, #tpu.memory_space<vmem>>, vector<512x64xf32>,
    return
  }
  func.func @transform_0(%arg0: i32) -> (i32, i32) {
    %c0_i32 = arith.constant 0 : i32
    %c0_i32_0 = arith.constant 0 : i32
    %c0_i32_1 = arith.constant 0 : i32
    return %c0_i32, %c0_i32_0 : i32, i32
  }
  func.func @transform_1(%arg0: i32) -> (i32, i32) {
    %c0_i32 = arith.constant 0 : i32
    %c0_i32_0 = arith.constant 0 : i32
    %c0_i32_1 = arith.constant 0 : i32
    return %c0_i32, %c0_i32_0 : i32, i32
  }
  func.func @transform_2(%arg0: i32) -> (i32, i32) {
    %c0_i32 = arith.constant 0 : i32
    %c0_i32_0 = arith.constant 0 : i32
    %c0_i32_1 = arith.constant 0 : i32
    return %c0_i32, %c0_i32_0 : i32, i32
  }
  func.func @transform_3(%arg0: i32) -> (i32, i32) {
    %c0_i32 = arith.constant 0 : i32
    %c0_i32_0 = arith.constant 0 : i32
    %c0_i32_1 = arith.constant 0 : i32
    return %c0_i32, %c0_i32_0 : i32, i32
  }
  func.func @transform_4(%arg0: i32) -> (i32, i32) {
    %c0_i32 = arith.constant 0 : i32
    %c0_i32_0 = arith.constant 0 : i32
    %c0_i32_1 = arith.constant 0 : i32
    return %c0_i32, %c0_i32_0 : i32, i32
  }
  func.func @transform_5(%arg0: i32) -> (i32, i32) {
    %c0_i32 = arith.constant 0 : i32
    %c0_i32_0 = arith.constant 0 : i32
    %c0_i32_1 = arith.constant 0 : i32
    return %c0_i32, %c0_i32_0 : i32, i32
  }
  func.func @transform_6(%arg0: i32) -> (i32, i32) {
    %c0_i32 = arith.constant 0 : i32
    %c0_i32_0 = arith.constant 0 : i32
    %c0_i32_1 = arith.constant 0 : i32
    return %c0_i32, %c0_i32_0 : i32, i32
  }
  func.func @transform_7(%arg0: i32) -> (i32, i32) {
    %c0_i32 = arith.constant 0 : i32
    %c0_i32_0 = arith.constant 0 : i32
    %c0_i32_1 = arith.constant 0 : i32
    return %c0_i32, %c0_i32_0 : i32, i32
  }
  func.func @transform_8(%arg0: i32) -> (i32, i32) {
    %c0_i32 = arith.constant 0 : i32
    %c0_i32_0 = arith.constant 0 : i32
    %c0_i32_1 = arith.constant 0 : i32
    return %c0_i32, %c0_i32_0 : i32, i32
  }
  func.func @transform_9(%arg0: i32) -> (i32, i32) {
    %c0_i32 = arith.constant 0 : i32
    %c0_i32_0 = arith.constant 0 : i32
    %c0_i32_1 = arith.constant 0 : i32
    return %c0_i32, %c0_i32_0 : i32, i32
  }
  func.func @transform_10(%arg0: i32) -> (i32, i32) {
    %c0_i32 = arith.constant 0 : i32
    %c0_i32_0 = arith.constant 0 : i32
    %c0_i32_1 = arith.constant 0 : i32
    return %c0_i32, %c0_i32_0 : i32, i32
  }
}

</mosaic_0001>

<sc_bundles>
// kernel: kernel.5.cloned.1.call-start
scs
__scs_entry_jumppad:
0x0: {  	(pc) =	sbr.rel $0x88, $3  }
0x1: {  	(tag) =	ssettag $0x0;
	lr =	simm.s32 $0x1  }
0x2: {  	[smem:$0x3F94] =	sst lr;
	_ =	strace $0xD0000000  }
0x3: {  	_ = 	snop  }
0x4: {  	_ = 	snop  }
0x5: {  	_ = 	snop  }
0x6: {  	_ = 	snop  }
0x7: {  	_ = 	snop  }
__scs_overlays_trampoline_lowered:
0x8: {  	[smem:$0x3FA3] =	sst s0  }
0x9: {  	[smem:$0x3FA4] =	sst s1  }
0xa: {  	[smem:$0x3FA5] =	sst s2  }
0xb: {  	[smem:$0x3FA6] =	sst s3  }
0xc: {  	[smem:$0x3FA7] =	sst s4  }
0xd: {  	[smem:$0x3FA8] =	sst s5  }
0xe: {  	[smem:$0x3FA9] =	sst s6  }
0xf: {  	[smem:$0x3FAA] =	sst s7  }
0x10: {  	[smem:$0x3FAB] =	sst s8  }
0x11: {  	[smem:$0x3FAC] =	sst s9;
	s0 =	simm.s32 @!p0 $0x0  }
0x12: {  	s1 =	sld [smem:$0x3F92];
	s0 =	simm.s32 @p0 $0x1  }
0x13: {  	[smem:$0x3FAD] =	sst s0;
	s0 =	simm.s32 @!p1 $0x0  }
0x14: {  	s2 =	sld [smem:$0x3F91];
	s0 =	simm.s32 @p1 $0x1  }
0x15: {  	[smem:$0x3FAE] =	sst s0;
	s0 =	simm.s32 @!p2 $0x0  }
0x16: {  	s3 =	sld [smem:$0x3FDB];
	s0 =	simm.s32 @p2 $0x1  }
0x17: {  	s4 =	simm.s32 $0x1BF5;
	[smem:$0x3FB0] =	sst s0  }
0x18: {  	s0 =	sld [smem:$0x3F93];
	_ =	swait.ge [sflag:s4], $0x0  }
0x19: {  	s7 =	sld [smem:$0x3F94]  }
0x1a: {  	s8 =	sadd.s32 $0xFFFFE003, lr  }
0x1b: {  	s9 =	sadd.s32 $0xFFFFFEF7, lr;
	s5 =	simm.s32 $0xFFFFFFFF;
	p2 =	slt.u32 s8, $0xFFFFF086  }
0x1c: {  	p1 =	slt.u32 s9, $0xF7A;
	s5 =	simm.s32 @!p2 $0x0  }
0x1d: {  	s5 =	simm.s32 @p1 $0x1;
	p0 =	seq.s32 s7, s2  }
0x1e: {  	s7 =	smul.u32 @!p0 $0xF7A, s2;
	p2 =	seq.s32 @!p0 s5, $0x0  }
0x1f: {  	s9 =	smul.u32 $0xF7A, s1;
	s8 =	simm.s32 @!p0 $0x1BF5;
	p2 =	por !p2, p0  }
0x20: {  	[sflag:s8] =	ssyncset.s32 @!p0 $0xFFFFF086;
	s6 =	sadd.s32 @!p0 s3, s7;
	s7 =	simm.s32 @!p0 $0x108  }
0x21: {  	s3 =	sadd.s32 s3, s9;
	s6 =	sadd.s32 @!p0 $0x88, s6;
	s7 =	simm.s32 @p2 $0x1082  }
0x22: {  	[simem:s7], [sflag:s8] =	dma.local @!p0 [hbm:s6], $0xF7A  }
0x23: {  	s9 =	sor.u32 $0xD0000000, s2;
	s6 =	simm.s32 $0x108;
	_ =	swait.ge @!p0 [sflag:s8], $0x0  }
0x24: {  	s3 =	sadd.s32 $0x88, s3;
	s6 =	simm.s32 @!p1 $0x1082;
	[sflag:s4] =	ssyncset.s32 $0xFFFFF086  }
0x25: {  	[simem:s6], [sflag:s4] =	dma.local [hbm:s3], $0xF7A  }
0x26: {  	[smem:$0x3F94] =	sst s1;
	(tag) =	ssettag s2;
	_ =	strace s9  }
0x27: {  	s1 =	sld [smem:$0x3FA4]  }
0x28: {  	s2 =	sld [smem:$0x3FA5]  }
0x29: {  	s4 =	sld [smem:$0x3FA7]  }
0x2a: {  	p0 =	seq.s32 s5, $0x0;
	s5 =	sld [smem:$0x3FA8]  }
0x2b: {  	s6 =	sld [smem:$0x3FA9]  }
0x2c: {  	s7 =	sld [smem:$0x3FAA]  }
0x2d: {  	s3 =	simm.s32 $0x108;
	s8 =	sld [smem:$0x3FAB]  }
0x2e: {  	s3 =	simm.s32 @!p0 $0x1082;
	s9 =	sld [smem:$0x3FAC]  }
0x2f: {  	lr =	sadd.s32 s0, s3;
	s0 =	sld [smem:$0x3FA3]  }
0x30: {  	s3 =	sld [smem:$0x3FA6]  }
0x31: {  	[smem:$0x3FAF] =	sst s10  }
0x32: {  	s10 =	sld [smem:$0x3FAD];
	_ =	sdelay $0x3  }
0x33: {  	p0 =	seq.s32 s10, $0x1;
	s10 =	sld [smem:$0x3FAF];
	_ =	sdelay $0x3  }
0x34: {  	[smem:$0x3FAF] =	sst s10  }
0x35: {  	s10 =	sld [smem:$0x3FAE];
	_ =	sdelay $0x3  }
0x36: {  	p1 =	seq.s32 s10, $0x1;
	s10 =	sld [smem:$0x3FAF];
	_ =	sdelay $0x3  }
0x37: {  	[smem:$0x3FAF] =	sst s10  }
0x38: {  	s10 =	sld [smem:$0x3FB0]  }
0x39: {  	_ = 	snop;
	(pc) =	sbr.ind lr, $3  }
0x3a: {  	_ = 	snop  }
0x3b: {  	_ = 	snop  }
0x3c: {  	p2 =	seq.s32 s10, $0x1;
	s10 =	sld [smem:$0x3FAF]  }
0x3d: {  	_ =	shalt  }
0x3e: {  	_ =	shalt  }
0x3f: {  	_ =	shalt  }
0x40: {  	_ =	shalt  }
0x41: {  	_ =	shalt  }
0x42: {  	_ =	shalt  }
0x43: {  	_ =	shalt  }
0x44: {  	_ =	shalt  }
0x45: {  	_ =	shalt  }
0x46: {  	_ =	shalt  }
0x47: {  	_ =	shalt  }
0x48: {  	_ =	shalt  }
0x49: {  	_ =	shalt  }
0x4a: {  	_ =	shalt  }
0x4b: {  	_ =	shalt  }
0x4c: {  	_ =	shalt  }
0x4d: {  	_ =	shalt  }
0x4e: {  	_ =	shalt  }
0x4f: {  	_ =	shalt  }
0x50: {  	_ =	shalt  }
0x51: {  	_ =	shalt  }
0x52: {  	_ =	shalt  }
0x53: {  	_ =	shalt  }
0x54: {  	_ =	shalt  }
0x55: {  	_ =	shalt  }
0x56: {  	_ =	shalt  }
0x57: {  	_ =	shalt  }
0x58: {  	_ =	shalt  }
0x59: {  	_ =	shalt  }
0x5a: {  	_ =	shalt  }
0x5b: {  	_ =	shalt  }
0x5c: {  	_ =	shalt  }
0x5d: {  	_ =	shalt  }
0x5e: {  	_ =	shalt  }
0x5f: {  	_ =	shalt  }
0x60: {  	_ =	shalt  }
0x61: {  	_ =	shalt  }
0x62: {  	_ =	shalt  }
0x63: {  	_ =	shalt  }
0x64: {  	_ =	shalt  }
0x65: {  	_ =	shalt  }
0x66: {  	_ =	shalt  }
0x67: {  	_ =	shalt  }
0x68: {  	_ =	shalt  }
0x69: {  	_ =	shalt  }
0x6a: {  	_ =	shalt  }
0x6b: {  	_ =	shalt  }
0x6c: {  	_ =	shalt  }
0x6d: {  	_ =	shalt  }
0x6e: {  	_ =	shalt  }
0x6f: {  	_ =	shalt  }
0x70: {  	_ =	shalt  }
0x71: {  	_ =	shalt  }
0x72: {  	_ =	shalt  }
0x73: {  	_ =	shalt  }
0x74: {  	_ =	shalt  }
0x75: {  	_ =	shalt  }
0x76: {  	_ =	shalt  }
0x77: {  	_ =	shalt  }
0x78: {  	_ =	shalt  }
0x79: {  	_ =	shalt  }
0x7a: {  	_ =	shalt  }
0x7b: {  	_ =	shalt  }
0x7c: {  	_ =	shalt  }
0x7d: {  	_ =	shalt  }
0x7e: {  	_ =	shalt  }
0x7f: {  	_ =	shalt  }
0x80: {  	_ =	shalt  }
0x81: {  	_ =	shalt  }
0x82: {  	_ =	shalt  }
0x83: {  	_ =	shalt  }
0x84: {  	_ =	shalt  }
0x85: {  	_ =	shalt  }
0x86: {  	_ =	shalt  }
0x87: {  	_ =	shalt  }
.Lfunc_end0:
.L_simem_size_0:
called_computation.1_lowered:
.L_overlay_start_0:
0x88: {  	s2 =	sld [smem:$0x3FD9]  }
0x89: {  	s3 =	sld [smem:$0x3FFE];
	_ =	sdelay $0x1  }
0x8a: {  	s1 =	srdreg.scid  }
0x8b: {  	s0 =	sand.u32 $0x1, s1  }
0x8c: {  	s17 =	sshll.u32 s0, $0xA;
	s2 =	sadd.s32 s3, s2  }
0x8d: {  	s2 =	sadd.s32 s2, s17  }
0x8e: {  	[smem:$0x3FBB] =	sst s2  }
0x8f: {  	_ = 	snop  }
0x90: {  	s2 =	sld [smem:$0x3FC7]  }
0x91: {  	s18 =	sld [smem:$0x3FC6]  }
0x92: {  	s4 =	sld [smem:$0x3FBE]  }
0x93: {  	s5 =	sld [smem:$0x3FD0];
	(tm) =	ssettm $0x1  }
0x94: {  	s6 =	sld [smem:$0x3FFB];
	_ =	sdelay $0x3  }
0x95: {  	_ =	strace s6  }
0x96: {  	s6 =	sld [smem:$0x3FFC];
	_ =	sdelay $0x3  }
0x97: {  	_ =	strace s6  }
0x98: {  	s6 =	sld [smem:$0x3FFD];
	_ =	sdelay $0x3  }
0x99: {  	_ =	strace s6  }
0x9a: {  	_ =	strace $0x8FFFFFFF  }
0x9b: {  	s19 =	sld [smem:$0x3FDB];
	_ =	sdelay $0x1  }
0x9c: {  	s7 =	simm.s32 $_scs_section_size  }
0x9d: {  	s8 =	simm.s32 $_size__tile_overlayer_lowered;
	s9 =	simm.s32 $_tile_overlayer_lowered  }
0x9e: {  	s22 =	simm.s32 $0x1BFF;
	s21 =	sshll.u32 s9, $0x1;
	s6 =	sadd.s32 s7, s19  }
0x9f: {  	s10 =	simm.s32 $0x0;
	s20 =	sshll.u32 s8, $0x1;
	s8 =	sadd.s32 s21, s6  }
0xa0: {  	[timem:s10], [sflag:s22] =	dma.local [hbm:s8], s20  }
0xa1: {  	_ =	swait.ge [sflag:s22], s20  }
0xa2: {  	s7 =	ssub.s32 $0x0, s20;
	[sflag:s22] =	ssyncset.done $0x0  }
0xa3: {  	[sflag:s22] =	ssyncadd.s32 s7;
	_ =	sdelay $0x1  }
0xa4: {  	s23 =	simm.s32 $0x1B8B  }
0xa5: {  	_ =	swait.ge [sflag:s23], $0x1  }
0xa6: {  	[sflag:s23] =	ssyncset.done $0x0  }
0xa7: {  	s25 =	simm.s32 $0x1B8E;
	s24 =	sld [smem:$0x3FFE];
	[sflag:s23] =	ssyncadd.s32 $0xFFFFFFFF  }
0xa8: {  	s26 =	simm.s32 $execute0_lowered;
	[smem:$0x3FD2] =	sst s25  }
0xa9: {  	s8 =	sshll.u32 s26, $0x1;
	_ =	strace $0x80000046;
	[dreg:$0x1] =	wrdreg $0xFFFFFFFF  }
0xaa: {  	s28 =	simm.s32 $_size_execute0_lowered;
	s6 =	sadd.s32 s6, s8;
	[dreg:$0x0] =	wrdreg $0x0  }
0xab: {  	s8 =	sshll.u32 s28, $0x1;
	[dreg:$0x2] =	wrdreg s6  }
0xac: {  	[dreg:$0x3] =	wrdreg s8  }
0xad: {  	[dreg:$0x4] =	wrdreg $0xC0  }
0xae: {  	_ =	task [dreg:s10], $0x5FFFF  }
0xaf: {  	[dreg:$0x1] =	wrdreg $0xFFFFFFFF  }
0xb0: {  	[dreg:$0x0] =	wrdreg $0x60  }
0xb1: {  	[dreg:$0x2] =	wrdreg s24  }
0xb2: {  	[dreg:$0x3] =	wrdreg s5  }
0xb3: {  	[dreg:$0x4] =	wrdreg s2  }
0xb4: {  	[dreg:$0x5] =	wrdreg s18  }
0xb5: {  	[dreg:$0x6] =	wrdreg s4  }
0xb6: {  	[dreg:$0x7] =	wrdreg $0x9  }
0xb7: {  	_ =	task.clear_ibuf [dreg:s10], $0x8FFFF;
	_ =	strace $0x90000046  }
0xb8: {  	s29 =	simm.s32 $0x9;
	_ =	strace $0x80000048  }
0xb9: {  	_ =	swait.ge [sflag:s29], $0x1  }
0xba: {  	[sflag:s29] =	ssyncadd.s32 $0xFFFFFFFF  }
0xbb: {  	_ =	strace $0x90000048  }
0xbc: {  	_ =	sfence  }
0xbd: {  	s30 =	sld [smem:$0x0];
	_ =	sdelay $0x2  }
0xbe: {  	s31 =	sshll.u32 s1, $0xD;
	s1 =	sshrl.u32 s1, $0x2  }
0xbf: {  	s3 =	sand.u32 $0x4000, s31;
	s1 =	sadd.s32 s1, s30  }
0xc0: {  	s0 =	sor.u32 s3, s0;
	s1 =	sshll.u32 s1, $0x11  }
0xc1: {  	s0 =	sor.u32 s1, s0  }
0xc2: {  	s0 =	sadd.s32 $0x8F2B, s0  }
0xc3: {  	[sflag:s0] =	ssyncadd.remote.s32 $0x1  }
0xc4: {  	_ =	sfence.sel $0xFFFF  }
0xc5: {  	[dreg:$0x0] =	wrdreg $0xFFFFFFFF;
	(pc) =	sbr.abs _section_cstart, $3  }
0xc6: {  	[dreg:$0x1] =	wrdreg $0xFFFFFFFF  }
0xc7: {  	_ =	task.clear_ibuf [dreg:s10], $0x2FFFF;
	_ =	strace $0x9FFFFFFF  }
0xc8: {  	(tm) =	ssettm $0x7FFFFFFF  }
0xc9: {  	_ =	shalt  }
tec
execute0_lowered:
.L_overlay_start_1:
0x0: {  	(tag) =	ssettag $0x1  }
0x1: {  	s0 =	rddreg [dreg:$0x0]  }
0x2: {  	s1 =	rddreg [dreg:$0x1]  }
0x3: {  	s2 =	rddreg [dreg:$0x2]  }
0x4: {  	s4 =	rddreg [dreg:$0x3];
	s3 =	simm.s32 $0x0;
	s8 =	srdreg.scid  }
0x5: {  	s9 =	stileid.u32;
	s31 =	simm.s32 $0x1000;
	[smem:$0x7FF] =	sst s3  }
0x6: {  	s5 =	sadd.s32 $0x21800, s0;
	s6 =	sadd.s32 $0x1800, s0;
	s7 =	sadd.s32 $0x11800, s0  }
0x7: {  	s10 =	sadd.s32 $0x1A8200, s0;
	s8 =	sand.u32 $0x1, s8;
	s9 =	sshll.u32 s9, $0x1  }
0x8: {  	s15 =	sadd.s32 $0x1AC200, s0;
	_ =	strace $0x80000047;
	[dreg:$0x6] =	wrdreg s10  }
0x9: {  	s16 =	sadd.s32 $0x1B0200, s0;
	[dreg:$0x7] =	wrdreg s15;
	s9 =	sor.u32 s8, s9  }
0xa: {  	s8 =	ssub.s32 $0x2, s8;
	[dreg:$0x8] =	wrdreg s16;
	s10 =	simm.s32 $0x0  }
0xb: {  	s17 =	sshll.u32 s9, $0x12;
	s11 =	sshrl.u32 s8, $0x1;
	s18 =	sshll.u32 s9, $0x2  }
0xc: {  	s20 =	sshll.u32 s9, $0xB;
	s9 =	simm.s32 $0x6;
	s2 =	sadd.s32 s2, s18  }
0xd: {  	s0 =	sadd.s32 s17, s0;
	s19 =	sadd.s32 s4, s18;
	[dreg:$0x9] =	wrdreg s2  }
0xe: {  	s8 =	ssub.s32 s8, s11;
	s21 =	sadd.s32 s6, s20;
	[dreg:$0xa] =	wrdreg s19  }
0xf: {  	s22 =	sadd.s32 s7, s20;
	s23 =	sor.u32 $0x200, s20;
	[dreg:$0xb] =	wrdreg s21  }
0x10: {  	s25 =	sor.u32 $0x400, s20;
	[dreg:$0xc] =	wrdreg s22;
	s13 =	sadd.s32 $0x1B2200, s0  }
0x11: {  	s24 =	sadd.s32 s6, s23;
	s4 =	sadd.s32 s7, s23;
	s26 =	sadd.s32 s6, s25  }
0x12: {  	s2 =	sor.u32 $0x600, s20;
	s0 =	sadd.s32 s7, s25;
	s30 =	smax.u32 s8, $0x1  }
0x13: {  	s22 =	simm.s32 $0x8;
	s21 =	simm.s32 $0x8000;
	[dreg:$0xd] =	wrdreg s24  }
0x14: {  	s23 =	simm.s32 $0x1;
	s25 =	simm.s32 $0xA000;
	[dreg:$0xe] =	wrdreg s4  }
.Ltmp0:
0x15: {  	s8 =	simm.s32 $0x5;
	[dreg:$0xf] =	wrdreg s26;
	(pc) =	sbr.rel .LBB2_1-.Ltmp0, $4  }
0x16: {  	[dreg:$0x10] =	wrdreg s0;
	s28 =	sadd.s32 s6, s2;
	s29 =	sadd.s32 s7, s2  }
0x17: {  	[dreg:$0x13] =	wrdreg s30;
	s0 =	simm.s32 $0x40;
	s4 =	simm.s32 $0x4000  }
0x18: {  	s24 =	simm.s32 $0x3;
	s26 =	simm.s32 $0x2;
	[dreg:$0x11] =	wrdreg s28  }
0x19: {  	s6 =	simm.s32 $0x4;
	s7 =	simm.s32 $0xC000;
	[dreg:$0x12] =	wrdreg s29  }
.LBB2_31:
0x1a: {  	_ =	swait.ge [sflag:s8], $0x2000  }
0x1b: {  	[sflag:s8] =	ssyncset.done $0x0  }
0x1c: {  	[sflag:s8] =	ssyncadd.s32 $0xFFFFE000  }
0x1d: {  	_ =	swait.ge [sflag:s9], $0x2000  }
0x1e: {  	s10 =	sadd.s32 $0x1, s10;
	s2 =	rddreg [dreg:$0x13]  }
0x1f: {  	p0 =	sne.s32 s10, s2  }
.Ltmp1:
0x20: {  	_ = 	snop;
	(pc) =	sbr.rel @!p0 .LBB2_32-.Ltmp1, $3  }
0x21: {  	_ =	sdelay $0x1  }
0x22: {  	[sflag:s9] =	ssyncset.done $0x0  }
0x23: {  	[sflag:s9] =	ssyncadd.s32 $0xFFFFE000  }
.LBB2_1:
0x24: {  	s2 =	rddreg [dreg:$0x8];
	s11 =	simm.s32 $0xE000  }
0x25: {  	[tilespmem:s11], [sflag:$0x8] =	stream.linear.gather [hbm4b:s2+s3], $0x10000, $0x38;
	[tilespmem:$0x1F180] =	vst v63  }
0x26: {  	_ =	swait.ge [sflag:s22], $0x10000  }
0x27: {  	[sflag:s22] =	ssyncset.done $0x0  }
0x28: {  	[sflag:s22] =	ssyncadd.s32 $0xFFFF0000  }
0x29: {  	s16 =	simm.s32 $0x1E000;
	s15 =	rddreg [dreg:$0x4]  }
0x2a: {  	[tilespmem:s16], [sflag:$0x8] =	stream.linear.gather [hbm4b:s15+s3], $0x80, $0x38;
	[tilespmem:$0x1F180] =	vst v63  }
0x2b: {  	_ =	swait.ge [sflag:s22], $0x80  }
0x2c: {  	[sflag:s22] =	ssyncset.done $0x0  }
0x2d: {  	s18 =	simm.s32 $0x1E080;
	s17 =	rddreg [dreg:$0x9];
	[sflag:s22] =	ssyncadd.s32 $0xFFFFFF80  }
0x2e: {  	[tilespmem:s18], [sflag:$0x8] =	stream.linear.gather [hbm4b:s17+s3], $0x20, $0x38;
	[tilespmem:$0x1F180] =	vst v63  }
0x2f: {  	_ =	swait.ge [sflag:s22], $0x20  }
0x30: {  	[sflag:s22] =	ssyncset.done $0x0  }
0x31: {  	s12 =	simm.s32 $0x1E100;
	s19 =	rddreg [dreg:$0xa];
	[sflag:s22] =	ssyncadd.s32 $0xFFFFFFE0  }
0x32: {  	[tilespmem:s12], [sflag:$0x8] =	stream.linear.gather [hbm4b:s19+s3], $0x20, $0x38;
	[tilespmem:$0x1F180] =	vst v63  }
0x33: {  	_ =	swait.ge [sflag:s22], $0x20  }
0x34: {  	s14 =	simm.s32 $0x20;
	s28 =	simm.s32 $0x7;
	[sflag:s22] =	ssyncset.done $0x0  }
0x35: {  	s15 =	simm.s32 $0x2000;
	s20 =	rddreg [dreg:$0x6];
	[sflag:s22] =	ssyncadd.s32 $0xFFFFFFE0  }
0x36: {  	[tilespmem:s15], [sflag:$0x7] =	stream.indirect.gather [hbm4b:s20+s14], $0x80, s18, s14, $0xb8;
	[tilespmem:$0x1F180] =	vst v63  }
0x37: {  	_ =	swait.ge [sflag:s28], $0x1000  }
0x38: {  	[sflag:s28] =	ssyncset.done $0x0  }
0x39: {  	s30 =	simm.s32 $0x6000;
	s29 =	rddreg [dreg:$0x7];
	[sflag:s28] =	ssyncadd.s32 $0xFFFFF000  }
0x3a: {  	[tilespmem:s30], [sflag:$0x7] =	stream.indirect.gather [hbm4b:s29+s14], $0x80, s12, s14, $0xb8;
	[tilespmem:$0x1F180] =	vst v63  }
0x3b: {  	_ =	swait.ge [sflag:s28], $0x1000  }
0x3c: {  	[sflag:s28] =	ssyncset.done $0x0  }
0x3d: {  	s2 =	simm.s32 $0x0;
	[sflag:s28] =	ssyncadd.s32 $0xFFFFF000  }
0x3e: {  	v2 =	vld [tilespmem:s2+$0x2030]  }
0x3f: {  	v4 =	vld [tilespmem:s2+$0x6070]  }
0x40: {  	v5 =	vld [tilespmem:s2+$0x2000]  }
0x41: {  	v6 =	vld [tilespmem:s2+$0x6040]  }
0x42: {  	v1 =	vld [tilespmem:s2+$0x2010]  }
0x43: {  	v3 =	vld [tilespmem:s2+$0x6050]  }
0x44: {  	v0 =	vld [tilespmem:s2+$0x2020];
	v7 =	vadd.f32 v4, v2  }
0x45: {  	s11 =	simm.s32 $0x80;
	v4 =	vld [tilespmem:s2+$0x6060]  }
0x46: {  	s12 =	simm.s32 $0x400;
	v2 =	vld [tilespmem:s11+$0x2030];
	v5 =	vadd.f32 v6, v5;
	[tilespmem:s2+$0x1E1B0] =	vst v7  }
.LBB2_2:
0x47: {  	p0 =	sne.s32 s12, $0x3E00;
	v6 =	vld [tilespmem:s11+$0x6070]  }
0x48: {  	v7 =	vld [tilespmem:s11+$0x2000];
	[tilespmem:s2+$0x1E180] =	vst v5;
	v3 =	vadd.f32 v3, v1  }
0x49: {  	v5 =	vld [tilespmem:s11+$0x6040]  }
.Ltmp2:
0x4a: {  	v1 =	vld [tilespmem:s11+$0x2010];
	[tilespmem:s2+$0x1E190] =	vst v3;
	v4 =	vadd.f32 v4, v0;
	(pc) =	sbr.rel @p0 .LBB2_2-.Ltmp2, $4  }
0x4b: {  	v3 =	vld [tilespmem:s11+$0x6050]  }
0x4c: {  	v0 =	vld [tilespmem:s11+$0x2020];
	v6 =	vadd.f32 v6, v2;
	[tilespmem:s2+$0x1E1A0] =	vst v4;
	s2 =	smov.u32 s11  }
0x4d: {  	s11 =	sshra.s32 s12, $0x2;
	v4 =	vld [tilespmem:s2+$0x6060]  }
0x4e: {  	s12 =	sadd.s32 $0x200, s12;
	v2 =	vld [tilespmem:s11+$0x2030];
	v5 =	vadd.f32 v5, v7;
	[tilespmem:s2+$0x1E1B0] =	vst v6  }
0x4f: {  	v6 =	vld [tilespmem:s11+$0x6070]  }
0x50: {  	v7 =	vld [tilespmem:s11+$0x2000];
	[tilespmem:s2+$0x1E180] =	vst v5;
	v1 =	vadd.f32 v3, v1  }
0x51: {  	v3 =	vld [tilespmem:s11+$0x6040]  }
0x52: {  	v5 =	vld [tilespmem:s11+$0x2010];
	[tilespmem:s2+$0x1E190] =	vst v1;
	v0 =	vadd.f32 v4, v0  }
0x53: {  	v1 =	vld [tilespmem:s11+$0x6050]  }
0x54: {  	v4 =	vld [tilespmem:s11+$0x2020];
	[tilespmem:s2+$0x1E1A0] =	vst v0  }
0x55: {  	v0 =	vld [tilespmem:s11+$0x6060];
	_ =	sdelay $0x1  }
0x56: {  	v2 =	vadd.f32 v6, v2  }
0x57: {  	v3 =	vadd.f32 v3, v7  }
0x58: {  	[tilespmem:s11+$0x1E1B0] =	vst v2;
	v1 =	vadd.f32 v1, v5  }
0x59: {  	[tilespmem:s11+$0x1E180] =	vst v3;
	v0 =	vadd.f32 v0, v4  }
0x5a: {  	[tilespmem:s11+$0x1E190] =	vst v1  }
0x5b: {  	[tilespmem:s11+$0x1E1A0] =	vst v0  }
0x5c: {  	v0 =	vld [tilespmem:$0x1E000]  }
0x5d: {  	v1 =	vld [tilespmem:$0x1E010]  }
0x5e: {  	s19 =	rddreg [dreg:$0xb];
	s11 =	simm.s32 $0x0;
	v2 =	vld [tilespmem:$0x1E020]  }
0x5f: {  	v3 =	vld [tilespmem:$0x1E030];
	[tilespmem:s11], [sflag:$0x8] =	stream.linear.gather [hbm4b:s19+s11], $0x1000, $0x38  }
0x60: {  	_ =	swait.ge [sflag:s22], $0x1000  }
0x61: {  	[sflag:s22] =	ssyncset.done $0x0  }
0x62: {  	s20 =	rddreg [dreg:$0xc];
	[sflag:s22] =	ssyncadd.s32 $0xFFFFF000  }
0x63: {  	[tilespmem:s31], [sflag:$0x8] =	stream.linear.gather [hbm4b:s20+s11], $0x1000, $0x38;
	[tilespmem:$0x1F180] =	vst v63  }
0x64: {  	_ =	swait.ge [sflag:s22], $0x1000  }
0x65: {  	[sflag:s22] =	ssyncset.done $0x0  }
0x66: {  	s28 =	simm.s32 $0x2000;
	[sflag:s22] =	ssyncadd.s32 $0xFFFFF000  }
0x67: {  	[tilespmem:s28], [sflag:$0x1] =	stream.indirect.gather [hbm4b:s5+s0], $0x80, s11, s0, $0xb8;
	[tilespmem:$0x1F180] =	vst v63  }
0x68: {  	s29 =	simm.s32 $0x6000  }
0x69: {  	[tilespmem:s29], [sflag:$0x3] =	stream.indirect.gather [hbm4b:s1+s0], $0x80, s31, s0, $0xb8;
	[tilespmem:$0x1F180] =	vst v63  }
0x6a: {  	_ = 	snop  }
0x6b: {  	[tilespmem:s4], [sflag:$0x2] =	stream.indirect.gather [hbm4b:s5+s0], $0x80, s0, s0, $0xb8;
	[tilespmem:$0x1F180] =	vst v63  }
0x6c: {  	s30 =	simm.s32 $0x1040;
	s12 =	simm.s32 $0x0;
	s14 =	simm.s32 $0x0  }
0x6d: {  	[tilespmem:s21], [sflag:$0x4] =	stream.indirect.gather [hbm4b:s1+s0], $0x80, s30, s0, $0xb8;
	[tilespmem:$0x1F180] =	vst v63  }
.LBB2_4:
0x6e: {  	_ =	swait.ge [sflag:s23], $0x2000  }
0x6f: {  	[sflag:s23] =	ssyncset.done $0x0  }
0x70: {  	[sflag:s23] =	ssyncadd.s32 $0xFFFFE000  }
0x71: {  	_ =	swait.ge [sflag:s24], $0x2000  }
0x72: {  	p0 =	seq.s32 s14, $0x0;
	[sflag:s24] =	ssyncset.done $0x0  }
0x73: {  	s2 =	simm.s32 @!p0 $0x5;
	[sflag:s24] =	ssyncadd.s32 $0xFFFFE000  }
0x74: {  	_ =	swait.ge @!p0 [sflag:s2], $0x2000  }
0x75: {  	[sflag:s2] =	ssyncset.done @!p0 $0x0  }
0x76: {  	s18 =	simm.s32 $0x0;
	[sflag:s2] =	ssyncadd.s32 @!p0 $0xFFFFE000  }
0x77: {  	v4 =	vld [tilespmem:s18+$0x2000]  }
0x78: {  	v5 =	vld [tilespmem:s18+$0x6040]  }
0x79: {  	v6 =	vld [tilespmem:s18+$0x2010]  }
0x7a: {  	v7 =	vld [tilespmem:s18+$0x6050]  }
0x7b: {  	v8 =	vld [tilespmem:s18+$0x2020]  }
0x7c: {  	v9 =	vld [tilespmem:s18+$0x6060]  }
0x7d: {  	v10 =	vld [tilespmem:s18+$0x2030]  }
0x7e: {  	v11 =	vld [tilespmem:s18+$0x6070];
	_ =	sdelay $0x3  }
0x7f: {  	v4 =	vadd.f32 v5, v4;
	v5 =	vadd.f32 v7, v6  }
0x80: {  	v6 =	vadd.f32 v9, v8;
	v8 =	vadd.f32 v11, v10  }
0x81: {  	v18 =	vmax.f32 v4, $0.0e+00;
	v11 =	vmax.f32 v5, $0.0e+00  }
0x82: {  	v7 =	vmax.f32 v6, $0.0e+00;
	v5 =	vmax.f32 v8, $0.0e+00;
	v4 =	vadd.f32 v11, v18  }
0x83: {  	v6 =	vadd.f32 v5, v7;
	v8 =	vmul.f32 v18, v18;
	v9 =	vmul.f32 v11, v11  }
0x84: {  	v10 =	vmul.f32 v7, v7;
	v12 =	vmul.f32 v5, v5  }
0x85: {  	v4 =	vadd.f32 v6, v4  }
0x86: {  	v6 =	vadd.f32 v9, v8;
	v8 =	vadd.f32 v12, v10  }
0x87: {  	(xrf2) =	vadd.scan.msk.f32 $0xffff, v4  }
0x88: {  	v4 =	vadd.f32 v8, v6;
	_ =	sdelay $0x1  }
0x89: {  	(xrf2) =	vadd.scan.msk.f32 $0xffff, v4;
	_ =	sdelay $0x6  }
0x8a: {  	v4, _, _ =	vpop (xrf2)  }
0x8b: {  	(v2sf) =	vpush v4, $0xF;
	_ =	sdelay $0x1  }
0x8c: {  	v4, _, _ =	vpop (xrf2)  }
0x8d: {  	(v2sf) =	vpush v4, $0xF;
	_ =	sdelay $0xb  }
0x8e: {  	s17 =	simm.s32 $0x80;
	s28 =	spop (v2sf)  }
0x8f: {  	v13 =	vld [tilespmem:s17+$0x2030];
	s2 =	smul.f32 $1.562500000e-02, s28  }
0x90: {  	v9 =	vld [tilespmem:s17+$0x6050]  }
0x91: {  	v10 =	vld [tilespmem:s17+$0x2020];
	s16 =	spop (v2sf);
	s15 =	smul.f32 s2, s2  }
0x92: {  	v12 =	vld [tilespmem:s17+$0x6060];
	s16 =	smul.f32 $1.562500000e-02, s16  }
0x93: {  	v6 =	vld [tilespmem:s17+$0x6040]  }
0x94: {  	v4 =	vld [tilespmem:s17+$0x2000];
	s15 =	ssub.f32 s16, s15  }
0x95: {  	v8 =	vld [tilespmem:s17+$0x2010]  }
0x96: {  	v14 =	vld [tilespmem:s17+$0x6070];
	s15 =	sadd.f32 $9.999999740e-06, s15;
	_ =	sdelay $0x1  }
0x97: {  	v15 =	vmov s15  }
0x98: {  	v4 =	vadd.f32 v6, v4;
	v6 =	vshra.s32 v15, $0x1;
	v15 =	vmul.f32 $5.000000000e-01, v15  }
0x99: {  	v12 =	vadd.f32 v12, v10;
	v8 =	vadd.f32 v9, v8;
	v16 =	vsub.s32 $0x5F3759DF, v6  }
0x9a: {  	v10 =	vmax.f32 v4, $0.0e+00;
	v6 =	vadd.f32 v14, v13;
	v4 =	vmul.f32 v16, v15  }
0x9b: {  	v9 =	vmax.f32 v8, $0.0e+00;
	v8 =	vmax.f32 v12, $0.0e+00  }
0x9c: {  	v17 =	vmul.f32 v8, v8;
	v6 =	vmax.f32 v6, $0.0e+00;
	v4 =	vmul.f32 v16, v4  }
0x9d: {  	v12 =	vmul.f32 v10, v10;
	v14 =	vadd.f32 v9, v10;
	v20 =	vadd.f32 v6, v8  }
0x9e: {  	v13 =	vmul.f32 v9, v9;
	v19 =	vmul.f32 v6, v6;
	v4 =	vsub.f32 $1.500000000e+00, v4  }
0x9f: {  	v14 =	vadd.f32 v20, v14  }
0xa0: {  	v12 =	vadd.f32 v13, v12;
	v13 =	vadd.f32 v19, v17;
	v16 =	vmul.f32 v16, v4  }
0xa1: {  	(xrf2) =	vadd.scan.msk.f32 $0xffff, v14  }
0xa2: {  	v12 =	vadd.f32 v13, v12;
	v13 =	vmul.f32 v16, v15;
	_ =	sdelay $0x1  }
0xa3: {  	(xrf2) =	vadd.scan.msk.f32 $0xffff, v12;
	v12 =	vmul.f32 v13, v16;
	_ =	sdelay $0x1  }
0xa4: {  	v12 =	vsub.f32 $1.500000000e+00, v12;
	_ =	sdelay $0x1  }
0xa5: {  	v12 =	vmul.f32 v12, v16;
	_ =	sdelay $0x1  }
0xa6: {  	v21 =	vmul.f32 v12, v0  }
0xa7: {  	s29 =	sand.u32 $0x3, s12;
	v13 =	vmov s2;
	v23, _, _ =	vpop (xrf2)  }
0xa8: {  	s15 =	sshll.u32 s29, $0xE;
	v20 =	vsub.f32 v18, v13;
	(v2sf) =	vpush v23, $0xF  }
0xa9: {  	s15 =	sadd.s32 $0xE030, s15  }
0xaa: {  	v4 =	vmov s15;
	v24 =	vmul.f32 v21, v20;
	v21, _, _ =	vpop (xrf2)  }
0xab: {  	s19 =	simm.s32 $0x100;
	(v2sf) =	vpush v21, $0xF  }
0xac: {  	v17 =	vld [tilespmem:s19+$0x6050]  }
0xad: {  	v19 =	vld [tilespmem:s19+$0x6060]  }
0xae: {  	v14 =	vld [tilespmem:s19+$0x2000]  }
0xaf: {  	v22 =	vld.idx.msk [tilespmem:v4+s18+$0xFFFFFFD0 ss:$0x1], $0xffff  }
0xb0: {  	v15 =	vld [tilespmem:s19+$0x6040]  }
0xb1: {  	v18 =	vld [tilespmem:s19+$0x2020]  }
0xb2: {  	v16 =	vld [tilespmem:s19+$0x2010]  }
0xb3: {  	s30 =	sand.u32 $0x7, s11;
	v20 =	vld [tilespmem:s19+$0x2030]  }
0xb4: {  	s15 =	sshll.u32 s14, $0x1;
	s2 =	sshll.u32 s30, $0xD;
	v22 =	vadd.f32 v24, v22;
	v21 =	vld [tilespmem:s19+$0x6070]  }
0xb5: {  	s20 =	sand.u32 $0x6, s15;
	s16 =	sor.u32 $0x10000, s2;
	s2 =	simm.s32 $0x600  }
.LBB2_5:
0xb6: {  	p1 =	sne.s32 s2, $0x7E00;
	[tilespmem:s18+$0xA000] =	vst v22  }
0xb7: {  	v14 =	vadd.f32 v15, v14;
	s28 =	spop (v2sf);
	v15 =	vld.idx.msk [tilespmem:v4+s18+$0xFFFFFFE0 ss:$0x1], $0xffff  }
0xb8: {  	v16 =	vadd.f32 v17, v16;
	v17 =	vadd.f32 v19, v18;
	s28 =	smul.f32 $1.562500000e-02, s28  }
0xb9: {  	v19 =	vsub.f32 v11, v13;
	v11 =	vmovc v9;
	v18 =	vadd.f32 v21, v20;
	v20 =	vmul.f32 v12, v1  }
0xba: {  	v9 =	vmax.f32 v16, $0.0e+00;
	v21 =	vmax.f32 v14, $0.0e+00;
	v14 =	vmax.f32 v17, $0.0e+00;
	s30 =	smul.f32 s28, s28;
	s29 =	spop (v2sf)  }
0xbb: {  	v17 =	vadd.f32 v9, v21;
	v16 =	vmax.f32 v18, $0.0e+00;
	s29 =	smul.f32 $1.562500000e-02, s29;
	v18 =	vmul.f32 v20, v19  }
0xbc: {  	v22 =	vmul.f32 v9, v9;
	v20 =	vmul.f32 v21, v21;
	v19 =	vadd.f32 v16, v14  }
0xbd: {  	v23 =	vmul.f32 v14, v14;
	v24 =	vmul.f32 v16, v16;
	s29 =	ssub.f32 s29, s30;
	v15 =	vadd.f32 v18, v15  }
0xbe: {  	v17 =	vadd.f32 v19, v17  }
0xbf: {  	v18 =	vadd.f32 v22, v20;
	v19 =	vadd.f32 v24, v23;
	s29 =	sadd.f32 $9.999999740e-06, s29;
	[tilespmem:s18+$0xA010] =	vst v15  }
0xc0: {  	v15 =	vld.idx.msk [tilespmem:v4+s18+$0xFFFFFFF0 ss:$0x1], $0xffff  }
0xc1: {  	v18 =	vadd.f32 v19, v18;
	v19 =	vsub.f32 v7, v13;
	v7 =	vmovc v8;
	(xrf2) =	vadd.scan.msk.f32 $0xffff, v17;
	v17 =	vmov s29  }
0xc2: {  	v22 =	vmul.f32 v12, v2;
	v8 =	vmovc v14;
	v20 =	vshra.s32 v17, $0x1;
	v17 =	vmul.f32 $5.000000000e-01, v17  }
0xc3: {  	v14 =	vsub.s32 $0x5F3759DF, v20  }
0xc4: {  	v19 =	vmul.f32 v22, v19;
	(xrf2) =	vadd.scan.msk.f32 $0xffff, v18;
	v18 =	vmul.f32 v14, v17;
	_ =	sdelay $0x1  }
0xc5: {  	v15 =	vadd.f32 v19, v15;
	v18 =	vmul.f32 v14, v18;
	_ =	sdelay $0x1  }
0xc6: {  	v18 =	vsub.f32 $1.500000000e+00, v18;
	[tilespmem:s18+$0xA020] =	vst v15  }
0xc7: {  	v15 =	vld.idx.msk [tilespmem:v4+s18+$0x0 ss:$0x1], $0xffff  }
0xc8: {  	v18 =	vmul.f32 v14, v18  }
0xc9: {  	v12 =	vmul.f32 v12, v3;
	v19 =	vsub.f32 v5, v13;
	v5 =	vmov v6;
	v14, _, _ =	vpop (xrf2)  }
0xca: {  	v6 =	vmov v16;
	(v2sf) =	vpush v14, $0xF;
	v14 =	vmul.f32 v18, v17  }
0xcb: {  	v12 =	vmul.f32 v12, v19  }
0xcc: {  	v13, _, _ =	vpop (xrf2);
	v16 =	vmul.f32 v14, v18  }
0xcd: {  	s29 =	sshra.s32 s2, $0x2;
	v12 =	vadd.f32 v12, v15;
	(v2sf) =	vpush v13, $0xF  }
0xce: {  	v14 =	vld [tilespmem:s29+$0x2000];
	v13 =	vsub.f32 $1.500000000e+00, v16  }
0xcf: {  	v15 =	vld [tilespmem:s29+$0x6040];
	[tilespmem:s18+$0xA030] =	vst v12;
	s18 =	smov.u32 s17;
	s17 =	smov.u32 s19;
	s19 =	smov.u32 s29  }
0xd0: {  	v12 =	vmul.f32 v13, v18;
	v22 =	vld.idx.msk [tilespmem:v4+s18+$0xFFFFFFD0 ss:$0x1], $0xffff  }
0xd1: {  	v13 =	vmov s28;
	v16 =	vld [tilespmem:s19+$0x2010]  }
0xd2: {  	v20 =	vsub.f32 v10, v13;
	v10 =	vmov v21;
	v17 =	vld [tilespmem:s19+$0x6050];
	v23 =	vmul.f32 v12, v0  }
.Ltmp3:
0xd3: {  	v18 =	vld [tilespmem:s19+$0x2020];
	(pc) =	sbr.rel @p1 .LBB2_5-.Ltmp3, $4  }
0xd4: {  	v19 =	vld [tilespmem:s19+$0x6060];
	v23 =	vmul.f32 v23, v20  }
0xd5: {  	v20 =	vld [tilespmem:s19+$0x2030]  }
0xd6: {  	v21 =	vld [tilespmem:s19+$0x6070];
	v22 =	vadd.f32 v23, v22  }
0xd7: {  	s2 =	sadd.s32 $0x200, s2  }
0xd8: {  	_ =	sdelay $0x1  }
0xd9: {  	v14 =	vadd.f32 v15, v14;
	v15 =	vadd.f32 v17, v16  }
0xda: {  	v16 =	vadd.f32 v19, v18;
	v17 =	vadd.f32 v21, v20  }
0xdb: {  	s2 =	spop (v2sf);
	v14 =	vmax.f32 v14, $0.0e+00;
	v15 =	vmax.f32 v15, $0.0e+00  }
0xdc: {  	s2 =	smul.f32 $1.562500000e-02, s2;
	v16 =	vmax.f32 v16, $0.0e+00;
	v18 =	vadd.f32 v15, v14;
	v17 =	vmax.f32 v17, $0.0e+00  }
0xdd: {  	[tilespmem:s18+$0xA000] =	vst v22;
	v20 =	vmul.f32 v14, v14;
	v21 =	vmul.f32 v15, v15;
	v19 =	vadd.f32 v17, v16  }
0xde: {  	v22 =	vld.idx.msk [tilespmem:v4+s18+$0xFFFFFFE0 ss:$0x1], $0xffff;
	s28 =	smul.f32 s2, s2;
	s29 =	spop (v2sf);
	v23 =	vmul.f32 v16, v16;
	v24 =	vmul.f32 v17, v17  }
0xdf: {  	v11 =	vsub.f32 v11, v13;
	s29 =	smul.f32 $1.562500000e-02, s29;
	v18 =	vadd.f32 v19, v18;
	v19 =	vmul.f32 v12, v1  }
0xe0: {  	v20 =	vadd.f32 v21, v20;
	v21 =	vadd.f32 v24, v23  }
0xe1: {  	s28 =	ssub.f32 s29, s28;
	v11 =	vmul.f32 v19, v11;
	(xrf2) =	vadd.scan.msk.f32 $0xffff, v18  }
0xe2: {  	v18 =	vadd.f32 v21, v20  }
0xe3: {  	s28 =	sadd.f32 $9.999999740e-06, s28;
	v11 =	vadd.f32 v11, v22  }
0xe4: {  	(xrf2) =	vadd.scan.msk.f32 $0xffff, v18  }
0xe5: {  	[tilespmem:s18+$0xA010] =	vst v11;
	v11 =	vmov s28  }
0xe6: {  	v18 =	vld.idx.msk [tilespmem:v4+s18+$0xFFFFFFF0 ss:$0x1], $0xffff;
	v19 =	vshra.s32 v11, $0x1;
	v11 =	vmul.f32 $5.000000000e-01, v11  }
0xe7: {  	v7 =	vsub.f32 v7, v13;
	v20 =	vmul.f32 v12, v2;
	v19 =	vsub.s32 $0x5F3759DF, v19  }
0xe8: {  	v21 =	vmul.f32 v19, v11  }
0xe9: {  	v7 =	vmul.f32 v20, v7  }
0xea: {  	v20 =	vmul.f32 v19, v21  }
0xeb: {  	v7 =	vadd.f32 v7, v18;
	v18, _, _ =	vpop (xrf2)  }
0xec: {  	v20 =	vsub.f32 $1.500000000e+00, v20;
	(v2sf) =	vpush v18, $0xF;
	_ =	sdelay $0x1  }
0xed: {  	[tilespmem:s18+$0xA020] =	vst v7;
	v18, _, _ =	vpop (xrf2);
	v7 =	vmul.f32 v19, v20  }
0xee: {  	v19 =	vld.idx.msk [tilespmem:v4+s18+$0x0 ss:$0x1], $0xffff;
	(v2sf) =	vpush v18, $0xF  }
0xef: {  	v5 =	vsub.f32 v5, v13;
	v12 =	vmul.f32 v12, v3;
	v11 =	vmul.f32 v7, v11;
	_ =	sdelay $0x1  }
0xf0: {  	v5 =	vmul.f32 v12, v5;
	v11 =	vmul.f32 v11, v7;
	_ =	sdelay $0x1  }
0xf1: {  	v5 =	vadd.f32 v5, v19;
	v11 =	vsub.f32 $1.500000000e+00, v11;
	_ =	sdelay $0x1  }
0xf2: {  	[tilespmem:s18+$0xA030] =	vst v5;
	v5 =	vmul.f32 v11, v7  }
0xf3: {  	v7 =	vld.idx.msk [tilespmem:v4+s17+$0xFFFFFFD0 ss:$0x1], $0xffff;
	v11 =	vmov s2  }
0xf4: {  	v10 =	vsub.f32 v10, v11;
	v12 =	vmul.f32 v5, v0;
	_ =	sdelay $0x1  }
0xf5: {  	v10 =	vmul.f32 v12, v10  }
0xf6: {  	s28 =	spop (v2sf)  }
0xf7: {  	v7 =	vadd.f32 v10, v7;
	s2 =	smul.f32 $1.562500000e-02, s28;
	_ =	sdelay $0x1  }
0xf8: {  	s30 =	spop (v2sf);
	[tilespmem:s17+$0xA000] =	vst v7;
	s29 =	smul.f32 s2, s2  }
0xf9: {  	s28 =	smul.f32 $1.562500000e-02, s30;
	v7 =	vld.idx.msk [tilespmem:v4+s17+$0xFFFFFFE0 ss:$0x1], $0xffff  }
0xfa: {  	v9 =	vsub.f32 v9, v11;
	v10 =	vmul.f32 v5, v1  }
0xfb: {  	s18 =	ssub.f32 s28, s29  }
0xfc: {  	v9 =	vmul.f32 v10, v9  }
0xfd: {  	s18 =	sadd.f32 $9.999999740e-06, s18  }
0xfe: {  	v7 =	vadd.f32 v9, v7  }
0xff: {  	v9 =	vmov s18  }
0x100: {  	[tilespmem:s17+$0xA010] =	vst v7;
	v7 =	vshra.s32 v9, $0x1;
	v9 =	vmul.f32 $5.000000000e-01, v9  }
0x101: {  	v10 =	vld.idx.msk [tilespmem:v4+s17+$0xFFFFFFF0 ss:$0x1], $0xffff;
	v7 =	vsub.s32 $0x5F3759DF, v7  }
0x102: {  	v8 =	vsub.f32 v8, v11;
	v12 =	vmul.f32 v5, v2;
	v13 =	vmul.f32 v7, v9;
	_ =	sdelay $0x1  }
0x103: {  	v8 =	vmul.f32 v12, v8;
	v12 =	vmul.f32 v7, v13;
	_ =	sdelay $0x1  }
0x104: {  	v8 =	vadd.f32 v8, v10;
	v10 =	vsub.f32 $1.500000000e+00, v12;
	_ =	sdelay $0x1  }
0x105: {  	[tilespmem:s17+$0xA020] =	vst v8;
	v7 =	vmul.f32 v7, v10  }
0x106: {  	v8 =	vld.idx.msk [tilespmem:v4+s17+$0x0 ss:$0x1], $0xffff  }
0x107: {  	v6 =	vsub.f32 v6, v11;
	v5 =	vmul.f32 v5, v3;
	v9 =	vmul.f32 v7, v9;
	_ =	sdelay $0x1  }
0x108: {  	v5 =	vmul.f32 v5, v6;
	v6 =	vmul.f32 v9, v7;
	_ =	sdelay $0x1  }
0x109: {  	v5 =	vadd.f32 v5, v8;
	v6 =	vsub.f32 $1.500000000e+00, v6;
	_ =	sdelay $0x1  }
0x10a: {  	[tilespmem:s17+$0xA030] =	vst v5;
	v5 =	vmul.f32 v6, v7  }
0x10b: {  	v7 =	vmov s2;
	v6 =	vld.idx.msk [tilespmem:v4+s19+$0xFFFFFFD0 ss:$0x1], $0xffff  }
0x10c: {  	v8 =	vsub.f32 v14, v7;
	v9 =	vmul.f32 v5, v0;
	_ =	sdelay $0x1  }
0x10d: {  	v8 =	vmul.f32 v9, v8;
	_ =	sdelay $0x1  }
0x10e: {  	v6 =	vadd.f32 v8, v6;
	_ =	sdelay $0x1  }
0x10f: {  	[tilespmem:s19+$0xA000] =	vst v6  }
0x110: {  	v6 =	vld.idx.msk [tilespmem:v4+s19+$0xFFFFFFE0 ss:$0x1], $0xffff  }
0x111: {  	v9 =	vmul.f32 v5, v1;
	v8 =	vsub.f32 v15, v7;
	_ =	sdelay $0x1  }
0x112: {  	v8 =	vmul.f32 v9, v8;
	_ =	sdelay $0x1  }
0x113: {  	v6 =	vadd.f32 v8, v6;
	_ =	sdelay $0x1  }
0x114: {  	[tilespmem:s19+$0xA010] =	vst v6  }
0x115: {  	v6 =	vld.idx.msk [tilespmem:v4+s19+$0xFFFFFFF0 ss:$0x1], $0xffff  }
0x116: {  	v9 =	vmul.f32 v5, v2;
	v8 =	vsub.f32 v16, v7;
	_ =	sdelay $0x1  }
0x117: {  	v8 =	vmul.f32 v9, v8;
	_ =	sdelay $0x1  }
0x118: {  	v6 =	vadd.f32 v8, v6;
	_ =	sdelay $0x1  }
0x119: {  	[tilespmem:s19+$0xA020] =	vst v6  }
0x11a: {  	v4 =	vld.idx.msk [tilespmem:v4+s19+$0x0 ss:$0x1], $0xffff  }
0x11b: {  	v5 =	vmul.f32 v5, v3;
	v6 =	vsub.f32 v17, v7;
	_ =	sdelay $0x1  }
0x11c: {  	v5 =	vmul.f32 v5, v6;
	_ =	sdelay $0x1  }
0x11d: {  	v4 =	vadd.f32 v5, v4  }
0x11e: {  	p1 =	sne.s32 s20, $0x0  }
0x11f: {  	s2 =	sshll.u32 @!p1 s14, $0x5;
	[tilespmem:s19+$0xA030] =	vst v4  }
0x120: {  	s2 =	sand.u32 @!p1 $0x380, s2;
	v4 =	vld @!p1 [tilespmem:$0xA000]  }
0x121: {  	v5 =	vld @!p1 [tilespmem:s2+$0x1E180];
	_ =	sdelay $0x4  }
0x122: {  	v4 =	vadd.f32 @!p1 v5, v4;
	_ =	sdelay $0x1  }
0x123: {  	[tilespmem:$0xA000] =	vst @!p1 v4;
	v4 =	vld @!p1 [tilespmem:$0xA010]  }
0x124: {  	v5 =	vld @!p1 [tilespmem:s2+$0x1E190];
	_ =	sdelay $0x4  }
0x125: {  	v4 =	vadd.f32 @!p1 v5, v4;
	_ =	sdelay $0x1  }
0x126: {  	[tilespmem:$0xA010] =	vst @!p1 v4;
	v4 =	vld @!p1 [tilespmem:$0xA020]  }
0x127: {  	v5 =	vld @!p1 [tilespmem:s2+$0x1E1A0];
	_ =	sdelay $0x4  }
0x128: {  	v4 =	vadd.f32 @!p1 v5, v4;
	_ =	sdelay $0x1  }
0x129: {  	[tilespmem:$0xA020] =	vst @!p1 v4;
	v4 =	vld @!p1 [tilespmem:$0xA030]  }
0x12a: {  	v5 =	vld @!p1 [tilespmem:s2+$0x1E1B0];
	_ =	sdelay $0x4  }
0x12b: {  	v4 =	vadd.f32 @!p1 v5, v4  }
0x12c: {  	s20 =	sshll.u32 s14, $0xB  }
0x12d: {  	s2 =	sadd.s32 s20, s13;
	[tilespmem:$0xA030] =	vst @!p1 v4;
	p1 =	seq.s32 s14, $0x1F  }
0x12e: {  	[hbm4b:s2+s3] =	stream.linear.scatter [tilespmem:s25], [sflag:$0x5], $0x2000, $0x38;
	[tilespmem:$0x1F180] =	vst v63  }
0x12f: {  	s2 =	sshll.u32 @!p1 s14, $0x7  }
0x130: {  	s18 =	simm.s32 @!p1 $0x40;
	s19 =	simm.s32 @!p1 $0x2000;
	s17 =	sadd.s32 @!p1 $0x80, s2  }
0x131: {  	[tilespmem:s19], [sflag:$0x1] =	stream.indirect.gather @!p1 [hbm4b:s5+s18], $0x80, s17, s18, $0xb8;
	[tilespmem:$0x1F180] =	vst v63  }
0x132: {  	s2 =	sadd.s32 @!p1 $0x1080, s2;
	s17 =	simm.s32 @!p1 $0x6000  }
0x133: {  	[tilespmem:s17], [sflag:$0x3] =	stream.indirect.gather @!p1 [hbm4b:s1+s18], $0x80, s2, s18, $0xb8;
	[tilespmem:$0x1F180] =	vst v63  }
0x134: {  	_ =	swait.ge [sflag:s26], $0x2000  }
0x135: {  	[sflag:s26] =	ssyncset.done $0x0  }
0x136: {  	[sflag:s26] =	ssyncadd.s32 $0xFFFFE000  }
0x137: {  	_ =	swait.ge [sflag:s6], $0x2000  }
0x138: {  	[sflag:s6] =	ssyncset.done $0x0  }
0x139: {  	s2 =	simm.s32 @!p0 $0x6;
	[sflag:s6] =	ssyncadd.s32 $0xFFFFE000  }
0x13a: {  	_ =	swait.ge @!p0 [sflag:s2], $0x2000  }
0x13b: {  	[sflag:s2] =	ssyncset.done @!p0 $0x0  }
0x13c: {  	s18 =	simm.s32 $0x0;
	[sflag:s2] =	ssyncadd.s32 @!p0 $0xFFFFE000  }
0x13d: {  	v4 =	vld [tilespmem:s18+$0x4000]  }
0x13e: {  	v5 =	vld [tilespmem:s18+$0x8040]  }
0x13f: {  	v6 =	vld [tilespmem:s18+$0x4010]  }
0x140: {  	v7 =	vld [tilespmem:s18+$0x8050]  }
0x141: {  	v8 =	vld [tilespmem:s18+$0x4020]  }
0x142: {  	v9 =	vld [tilespmem:s18+$0x8060]  }
0x143: {  	v10 =	vld [tilespmem:s18+$0x4030]  }
0x144: {  	v11 =	vld [tilespmem:s18+$0x8070];
	_ =	sdelay $0x3  }
0x145: {  	v4 =	vadd.f32 v5, v4;
	v5 =	vadd.f32 v7, v6  }
0x146: {  	v6 =	vadd.f32 v9, v8;
	v8 =	vadd.f32 v11, v10  }
0x147: {  	v18 =	vmax.f32 v4, $0.0e+00;
	v11 =	vmax.f32 v5, $0.0e+00  }
0x148: {  	v7 =	vmax.f32 v6, $0.0e+00;
	v5 =	vmax.f32 v8, $0.0e+00;
	v4 =	vadd.f32 v11, v18  }
0x149: {  	v6 =	vadd.f32 v5, v7;
	v8 =	vmul.f32 v18, v18;
	v9 =	vmul.f32 v11, v11  }
0x14a: {  	v10 =	vmul.f32 v7, v7;
	v12 =	vmul.f32 v5, v5  }
0x14b: {  	v4 =	vadd.f32 v6, v4  }
0x14c: {  	v6 =	vadd.f32 v9, v8;
	v8 =	vadd.f32 v12, v10  }
0x14d: {  	(xrf2) =	vadd.scan.msk.f32 $0xffff, v4  }
0x14e: {  	v4 =	vadd.f32 v8, v6;
	_ =	sdelay $0x1  }
0x14f: {  	(xrf2) =	vadd.scan.msk.f32 $0xffff, v4;
	_ =	sdelay $0x6  }
0x150: {  	v4, _, _ =	vpop (xrf2)  }
0x151: {  	(v2sf) =	vpush v4, $0xF;
	_ =	sdelay $0x1  }
0x152: {  	v4, _, _ =	vpop (xrf2)  }
0x153: {  	(v2sf) =	vpush v4, $0xF;
	_ =	sdelay $0xb  }
0x154: {  	s17 =	simm.s32 $0x80;
	s28 =	spop (v2sf)  }
0x155: {  	v13 =	vld [tilespmem:s17+$0x4030];
	s2 =	smul.f32 $1.562500000e-02, s28  }
0x156: {  	v9 =	vld [tilespmem:s17+$0x8050]  }
0x157: {  	v10 =	vld [tilespmem:s17+$0x4020];
	s30 =	spop (v2sf);
	s29 =	smul.f32 s2, s2  }
0x158: {  	v12 =	vld [tilespmem:s17+$0x8060];
	s20 =	smul.f32 $1.562500000e-02, s30  }
0x159: {  	v6 =	vld [tilespmem:s17+$0x8040]  }
0x15a: {  	v4 =	vld [tilespmem:s17+$0x4000];
	s19 =	ssub.f32 s20, s29  }
0x15b: {  	v8 =	vld [tilespmem:s17+$0x4010]  }
0x15c: {  	v14 =	vld [tilespmem:s17+$0x8070];
	s19 =	sadd.f32 $9.999999740e-06, s19;
	_ =	sdelay $0x1  }
0x15d: {  	v15 =	vmov s19  }
0x15e: {  	v4 =	vadd.f32 v6, v4;
	v6 =	vshra.s32 v15, $0x1;
	v15 =	vmul.f32 $5.000000000e-01, v15  }
0x15f: {  	v12 =	vadd.f32 v12, v10;
	v8 =	vadd.f32 v9, v8;
	v16 =	vsub.s32 $0x5F3759DF, v6  }
0x160: {  	v10 =	vmax.f32 v4, $0.0e+00;
	v6 =	vadd.f32 v14, v13;
	v4 =	vmul.f32 v16, v15  }
0x161: {  	v9 =	vmax.f32 v8, $0.0e+00;
	v8 =	vmax.f32 v12, $0.0e+00  }
0x162: {  	v17 =	vmul.f32 v8, v8;
	v6 =	vmax.f32 v6, $0.0e+00;
	v4 =	vmul.f32 v16, v4  }
0x163: {  	v12 =	vmul.f32 v10, v10;
	v14 =	vadd.f32 v9, v10;
	v20 =	vadd.f32 v6, v8  }
0x164: {  	v13 =	vmul.f32 v9, v9;
	v19 =	vmul.f32 v6, v6;
	v4 =	vsub.f32 $1.500000000e+00, v4  }
0x165: {  	v14 =	vadd.f32 v20, v14  }
0x166: {  	v12 =	vadd.f32 v13, v12;
	v13 =	vadd.f32 v19, v17;
	v16 =	vmul.f32 v16, v4  }
0x167: {  	(xrf2) =	vadd.scan.msk.f32 $0xffff, v14  }
0x168: {  	v12 =	vadd.f32 v13, v12;
	v13 =	vmul.f32 v16, v15;
	_ =	sdelay $0x1  }
0x169: {  	(xrf2) =	vadd.scan.msk.f32 $0xffff, v12;
	v12 =	vmul.f32 v13, v16;
	_ =	sdelay $0x1  }
0x16a: {  	v12 =	vsub.f32 $1.500000000e+00, v12;
	_ =	sdelay $0x1  }
0x16b: {  	v12 =	vmul.f32 v12, v16;
	_ =	sdelay $0x1  }
0x16c: {  	v21 =	vmul.f32 v12, v0  }
0x16d: {  	v13 =	vmov s2;
	v23, _, _ =	vpop (xrf2)  }
0x16e: {  	v20 =	vsub.f32 v18, v13;
	(v2sf) =	vpush v23, $0xF;
	_ =	sdelay $0x1  }
0x16f: {  	v4 =	vmov s16;
	v63 =	vmul.f32 v21, v20;
	v21, _, _ =	vpop (xrf2)  }
0x170: {  	s16 =	simm.s32 $0x100;
	(v2sf) =	vpush v21, $0xF  }
0x171: {  	v14 =	vld [tilespmem:s16+$0x4000]  }
0x172: {  	v17 =	vld [tilespmem:s16+$0x8050]  }
0x173: {  	v19 =	vld [tilespmem:s16+$0x8060]  }
0x174: {  	v22 =	vld.idx.msk [tilespmem:v4+s18+$0x0 ss:$0x1], $0xffff  }
0x175: {  	v15 =	vld [tilespmem:s16+$0x8040]  }
0x176: {  	v18 =	vld [tilespmem:s16+$0x4020]  }
0x177: {  	v16 =	vld [tilespmem:s16+$0x4010]  }
0x178: {  	v20 =	vld [tilespmem:s16+$0x4030]  }
0x179: {  	v22 =	vadd.f32 v63, v22;
	v21 =	vld [tilespmem:s16+$0x8070]  }
0x17a: {  	s15 =	sor.u32 $0x1, s15;
	s2 =	simm.s32 $0x600  }
.LBB2_7:
0x17b: {  	p0 =	sne.s32 s2, $0x7E00;
	[tilespmem:s18+$0xC000] =	vst v22  }
0x17c: {  	v14 =	vadd.f32 v15, v14;
	s19 =	spop (v2sf);
	v15 =	vld.idx.msk [tilespmem:v4+s18+$0x10 ss:$0x1], $0xffff  }
0x17d: {  	v16 =	vadd.f32 v17, v16;
	v17 =	vadd.f32 v19, v18;
	s19 =	smul.f32 $1.562500000e-02, s19  }
0x17e: {  	v19 =	vsub.f32 v11, v13;
	v11 =	vmovc v9;
	v18 =	vadd.f32 v21, v20;
	v20 =	vmul.f32 v12, v1  }
0x17f: {  	v9 =	vmax.f32 v16, $0.0e+00;
	v21 =	vmax.f32 v14, $0.0e+00;
	v14 =	vmax.f32 v17, $0.0e+00;
	s20 =	smul.f32 s19, s19;
	s28 =	spop (v2sf)  }
0x180: {  	v17 =	vadd.f32 v9, v21;
	v16 =	vmax.f32 v18, $0.0e+00;
	s28 =	smul.f32 $1.562500000e-02, s28;
	v18 =	vmul.f32 v20, v19  }
0x181: {  	v22 =	vmul.f32 v9, v9;
	v20 =	vmul.f32 v21, v21;
	v19 =	vadd.f32 v16, v14  }
0x182: {  	v23 =	vmul.f32 v14, v14;
	v24 =	vmul.f32 v16, v16;
	s20 =	ssub.f32 s28, s20;
	v15 =	vadd.f32 v18, v15  }
0x183: {  	v17 =	vadd.f32 v19, v17  }
0x184: {  	v18 =	vadd.f32 v22, v20;
	v19 =	vadd.f32 v24, v23;
	s20 =	sadd.f32 $9.999999740e-06, s20;
	[tilespmem:s18+$0xC010] =	vst v15  }
0x185: {  	v15 =	vld.idx.msk [tilespmem:v4+s18+$0x20 ss:$0x1], $0xffff  }
0x186: {  	v18 =	vadd.f32 v19, v18;
	v19 =	vsub.f32 v7, v13;
	v7 =	vmovc v8;
	(xrf2) =	vadd.scan.msk.f32 $0xffff, v17;
	v17 =	vmov s20  }
0x187: {  	v22 =	vmul.f32 v12, v2;
	v8 =	vmovc v14;
	v20 =	vshra.s32 v17, $0x1;
	v17 =	vmul.f32 $5.000000000e-01, v17  }
0x188: {  	v14 =	vsub.s32 $0x5F3759DF, v20  }
0x189: {  	v19 =	vmul.f32 v22, v19;
	(xrf2) =	vadd.scan.msk.f32 $0xffff, v18;
	v18 =	vmul.f32 v14, v17;
	_ =	sdelay $0x1  }
0x18a: {  	v15 =	vadd.f32 v19, v15;
	v18 =	vmul.f32 v14, v18;
	_ =	sdelay $0x1  }
0x18b: {  	v18 =	vsub.f32 $1.500000000e+00, v18;
	[tilespmem:s18+$0xC020] =	vst v15  }
0x18c: {  	v15 =	vld.idx.msk [tilespmem:v4+s18+$0x30 ss:$0x1], $0xffff  }
0x18d: {  	v18 =	vmul.f32 v14, v18  }
0x18e: {  	v12 =	vmul.f32 v12, v3;
	v19 =	vsub.f32 v5, v13;
	v5 =	vmov v6;
	v14, _, _ =	vpop (xrf2)  }
0x18f: {  	v6 =	vmov v16;
	(v2sf) =	vpush v14, $0xF;
	v14 =	vmul.f32 v18, v17  }
0x190: {  	v12 =	vmul.f32 v12, v19  }
0x191: {  	v13, _, _ =	vpop (xrf2);
	v16 =	vmul.f32 v14, v18  }
0x192: {  	s20 =	sshra.s32 s2, $0x2;
	v12 =	vadd.f32 v12, v15;
	(v2sf) =	vpush v13, $0xF  }
0x193: {  	v14 =	vld [tilespmem:s20+$0x4000];
	v13 =	vsub.f32 $1.500000000e+00, v16  }
0x194: {  	v15 =	vld [tilespmem:s20+$0x8040];
	[tilespmem:s18+$0xC030] =	vst v12;
	s18 =	smov.u32 s17;
	s17 =	smov.u32 s16;
	s16 =	smov.u32 s20  }
0x195: {  	v12 =	vmul.f32 v13, v18;
	v22 =	vld.idx.msk [tilespmem:v4+s18+$0x0 ss:$0x1], $0xffff  }
0x196: {  	v13 =	vmov s19;
	v16 =	vld [tilespmem:s16+$0x4010]  }
0x197: {  	v20 =	vsub.f32 v10, v13;
	v10 =	vmov v21;
	v17 =	vld [tilespmem:s16+$0x8050];
	v23 =	vmul.f32 v12, v0  }
.Ltmp4:
0x198: {  	v18 =	vld [tilespmem:s16+$0x4020];
	(pc) =	sbr.rel @p0 .LBB2_7-.Ltmp4, $4  }
0x199: {  	v19 =	vld [tilespmem:s16+$0x8060];
	v23 =	vmul.f32 v23, v20  }
0x19a: {  	v20 =	vld [tilespmem:s16+$0x4030]  }
0x19b: {  	v21 =	vld [tilespmem:s16+$0x8070];
	v22 =	vadd.f32 v23, v22  }
0x19c: {  	s2 =	sadd.s32 $0x200, s2  }
0x19d: {  	_ =	sdelay $0x1  }
0x19e: {  	v14 =	vadd.f32 v15, v14;
	v58 =	vadd.f32 v17, v16  }
0x19f: {  	v59 =	vadd.f32 v19, v18;
	v60 =	vadd.f32 v21, v20  }
0x1a0: {  	s2 =	spop (v2sf);
	v14 =	vmax.f32 v14, $0.0e+00;
	v15 =	vmax.f32 v58, $0.0e+00  }
0x1a1: {  	s2 =	smul.f32 $1.562500000e-02, s2;
	v16 =	vmax.f32 v59, $0.0e+00;
	v61 =	vadd.f32 v15, v14;
	v17 =	vmax.f32 v60, $0.0e+00  }
0x1a2: {  	[tilespmem:s18+$0xC000] =	vst v22;
	v63 =	vmul.f32 v14, v14;
	v28 =	vmul.f32 v15, v15;
	v62 =	vadd.f32 v17, v16  }
0x1a3: {  	v22 =	vld.idx.msk [tilespmem:v4+s18+$0x10 ss:$0x1], $0xffff;
	s19 =	smul.f32 s2, s2;
	s20 =	spop (v2sf);
	v23 =	vmul.f32 v16, v16;
	v24 =	vmul.f32 v17, v17  }
0x1a4: {  	v11 =	vsub.f32 v11, v13;
	v29 =	vmul.f32 v12, v1;
	s20 =	smul.f32 $1.562500000e-02, s20;
	v18 =	vadd.f32 v62, v61  }
0x1a5: {  	v20 =	vadd.f32 v28, v63;
	v30 =	vadd.f32 v24, v23  }
0x1a6: {  	v11 =	vmul.f32 v29, v11;
	s19 =	ssub.f32 s20, s19;
	(xrf2) =	vadd.scan.msk.f32 $0xffff, v18  }
0x1a7: {  	v31 =	vadd.f32 v30, v20  }
0x1a8: {  	v11 =	vadd.f32 v11, v22;
	s19 =	sadd.f32 $9.999999740e-06, s19  }
0x1a9: {  	(xrf2) =	vadd.scan.msk.f32 $0xffff, v31  }
0x1aa: {  	[tilespmem:s18+$0xC010] =	vst v11;
	v32 =	vmov s19  }
0x1ab: {  	v33 =	vld.idx.msk [tilespmem:v4+s18+$0x20 ss:$0x1], $0xffff;
	v34 =	vshra.s32 v32, $0x1;
	v11 =	vmul.f32 $5.000000000e-01, v32  }
0x1ac: {  	v7 =	vsub.f32 v7, v13;
	v35 =	vmul.f32 v12, v2;
	v19 =	vsub.s32 $0x5F3759DF, v34  }
0x1ad: {  	v36 =	vmul.f32 v19, v11  }
0x1ae: {  	v7 =	vmul.f32 v35, v7  }
0x1af: {  	v37 =	vmul.f32 v19, v36  }
0x1b0: {  	v7 =	vadd.f32 v7, v33;
	v38, _, _ =	vpop (xrf2)  }
0x1b1: {  	v20 =	vsub.f32 $1.500000000e+00, v37;
	(v2sf) =	vpush v38, $0xF;
	_ =	sdelay $0x1  }
0x1b2: {  	[tilespmem:s18+$0xC020] =	vst v7;
	v39 =	vmul.f32 v19, v20;
	v40, _, _ =	vpop (xrf2)  }
0x1b3: {  	v41 =	vld.idx.msk [tilespmem:v4+s18+$0x30 ss:$0x1], $0xffff;
	(v2sf) =	vpush v40, $0xF  }
0x1b4: {  	v5 =	vsub.f32 v5, v13;
	v42 =	vmul.f32 v12, v3;
	v11 =	vmul.f32 v39, v11;
	_ =	sdelay $0x1  }
0x1b5: {  	v5 =	vmul.f32 v42, v5;
	v11 =	vmul.f32 v11, v39;
	_ =	sdelay $0x1  }
0x1b6: {  	v5 =	vadd.f32 v5, v41;
	v11 =	vsub.f32 $1.500000000e+00, v11;
	_ =	sdelay $0x1  }
0x1b7: {  	[tilespmem:s18+$0xC030] =	vst v5;
	v5 =	vmul.f32 v11, v39  }
0x1b8: {  	v44 =	vmov s2;
	v43 =	vld.idx.msk [tilespmem:v4+s17+$0x0 ss:$0x1], $0xffff  }
0x1b9: {  	v10 =	vsub.f32 v10, v44;
	v45 =	vmul.f32 v5, v0;
	_ =	sdelay $0x1  }
0x1ba: {  	v10 =	vmul.f32 v45, v10  }
0x1bb: {  	s20 =	spop (v2sf)  }
0x1bc: {  	v7 =	vadd.f32 v10, v43;
	s2 =	smul.f32 $1.562500000e-02, s20;
	_ =	sdelay $0x1  }
0x1bd: {  	[tilespmem:s17+$0xC000] =	vst v7;
	s29 =	spop (v2sf);
	s28 =	smul.f32 s2, s2  }
0x1be: {  	v7 =	vld.idx.msk [tilespmem:v4+s17+$0x10 ss:$0x1], $0xffff;
	s19 =	smul.f32 $1.562500000e-02, s29  }
0x1bf: {  	v9 =	vsub.f32 v9, v44;
	v46 =	vmul.f32 v5, v1  }
0x1c0: {  	s18 =	ssub.f32 s19, s28  }
0x1c1: {  	v9 =	vmul.f32 v46, v9  }
0x1c2: {  	s18 =	sadd.f32 $9.999999740e-06, s18  }
0x1c3: {  	v7 =	vadd.f32 v9, v7  }
0x1c4: {  	v47 =	vmov s18  }
0x1c5: {  	[tilespmem:s17+$0xC010] =	vst v7;
	v48 =	vshra.s32 v47, $0x1;
	v9 =	vmul.f32 $5.000000000e-01, v47  }
0x1c6: {  	v49 =	vld.idx.msk [tilespmem:v4+s17+$0x20 ss:$0x1], $0xffff;
	v7 =	vsub.s32 $0x5F3759DF, v48  }
0x1c7: {  	v8 =	vsub.f32 v8, v44;
	v50 =	vmul.f32 v5, v2;
	v51 =	vmul.f32 v7, v9;
	_ =	sdelay $0x1  }
0x1c8: {  	v8 =	vmul.f32 v50, v8;
	v52 =	vmul.f32 v7, v51;
	_ =	sdelay $0x1  }
0x1c9: {  	v8 =	vadd.f32 v8, v49;
	v53 =	vsub.f32 $1.500000000e+00, v52;
	_ =	sdelay $0x1  }
0x1ca: {  	[tilespmem:s17+$0xC020] =	vst v8;
	v7 =	vmul.f32 v7, v53  }
0x1cb: {  	v8 =	vld.idx.msk [tilespmem:v4+s17+$0x30 ss:$0x1], $0xffff  }
0x1cc: {  	v6 =	vsub.f32 v6, v44;
	v5 =	vmul.f32 v5, v3;
	v9 =	vmul.f32 v7, v9;
	_ =	sdelay $0x1  }
0x1cd: {  	v5 =	vmul.f32 v5, v6;
	v54 =	vmul.f32 v9, v7;
	_ =	sdelay $0x1  }
0x1ce: {  	v5 =	vadd.f32 v5, v8;
	v6 =	vsub.f32 $1.500000000e+00, v54;
	_ =	sdelay $0x1  }
0x1cf: {  	[tilespmem:s17+$0xC030] =	vst v5;
	v5 =	vmul.f32 v6, v7  }
0x1d0: {  	v56 =	vmov s2;
	v55 =	vld.idx.msk [tilespmem:v4+s16+$0x0 ss:$0x1], $0xffff  }
0x1d1: {  	v57 =	vsub.f32 v14, v56;
	v58 =	vmul.f32 v5, v0;
	_ =	sdelay $0x1  }
0x1d2: {  	v8 =	vmul.f32 v58, v57;
	_ =	sdelay $0x1  }
0x1d3: {  	v6 =	vadd.f32 v8, v55;
	_ =	sdelay $0x1  }
0x1d4: {  	[tilespmem:s16+$0xC000] =	vst v6  }
0x1d5: {  	v6 =	vld.idx.msk [tilespmem:v4+s16+$0x10 ss:$0x1], $0xffff  }
0x1d6: {  	v59 =	vsub.f32 v15, v56;
	v60 =	vmul.f32 v5, v1;
	_ =	sdelay $0x1  }
0x1d7: {  	v8 =	vmul.f32 v60, v59;
	_ =	sdelay $0x1  }
0x1d8: {  	v6 =	vadd.f32 v8, v6;
	_ =	sdelay $0x1  }
0x1d9: {  	[tilespmem:s16+$0xC010] =	vst v6  }
0x1da: {  	v6 =	vld.idx.msk [tilespmem:v4+s16+$0x20 ss:$0x1], $0xffff  }
0x1db: {  	v61 =	vsub.f32 v16, v56;
	v62 =	vmul.f32 v5, v2;
	_ =	sdelay $0x1  }
0x1dc: {  	v8 =	vmul.f32 v62, v61;
	_ =	sdelay $0x1  }
0x1dd: {  	v6 =	vadd.f32 v8, v6;
	_ =	sdelay $0x1  }
0x1de: {  	[tilespmem:s16+$0xC020] =	vst v6  }
0x1df: {  	v4 =	vld.idx.msk [tilespmem:v4+s16+$0x30 ss:$0x1], $0xffff  }
0x1e0: {  	v63 =	vsub.f32 v17, v56;
	v5 =	vmul.f32 v5, v3;
	_ =	sdelay $0x1  }
0x1e1: {  	v5 =	vmul.f32 v5, v63  }
.Ltmp5:
0x1e2: {  	_ = 	snop;
	(pc) =	sbr.rel @p1 .LBB2_10-.Ltmp5, $4  }
0x1e3: {  	v4 =	vadd.f32 v5, v4  }
0x1e4: {  	s30 =	sshll.u32 s15, $0xA  }
0x1e5: {  	s2 =	sadd.s32 s30, s13;
	[tilespmem:s16+$0xC030] =	vst v4  }
0x1e6: {  	[hbm4b:s2+s3] =	stream.linear.scatter [tilespmem:s7], [sflag:$0x6], $0x2000, $0x38;
	[tilespmem:$0x1F180] =	vst v63  }
.Ltmp6:
0x1e7: {  	s2 =	sshll.u32 s14, $0x7;
	(pc) =	sbr.rel .LBB2_4-.Ltmp6, $4  }
0x1e8: {  	s14 =	sadd.s32 $0x1, s14;
	s15 =	sadd.s32 $0xC0, s2  }
0x1e9: {  	[tilespmem:s4], [sflag:$0x2] =	stream.indirect.gather [hbm4b:s5+s0], $0x80, s15, s0, $0xb8;
	[tilespmem:$0x1F180] =	vst v63  }
0x1ea: {  	s12 =	sadd.s32 $0x1, s12;
	s11 =	sadd.s32 $0x2, s11;
	s2 =	sadd.s32 $0x10C0, s2  }
0x1eb: {  	[tilespmem:s21], [sflag:$0x4] =	stream.indirect.gather [hbm4b:s1+s0], $0x80, s2, s0, $0xb8;
	[tilespmem:$0x1F180] =	vst v63  }
.LBB2_10:
0x1ec: {  	_ =	swait.ge [sflag:s8], $0x2000  }
0x1ed: {  	[sflag:s8] =	ssyncset.done $0x0  }
0x1ee: {  	[sflag:s8] =	ssyncadd.s32 $0xFFFFE000  }
0x1ef: {  	_ =	swait.ge [sflag:s9], $0x2000  }
0x1f0: {  	[sflag:s9] =	ssyncset.done $0x0  }
0x1f1: {  	s11 =	simm.s32 $0x0;
	s2 =	rddreg [dreg:$0xd];
	[sflag:s9] =	ssyncadd.s32 $0xFFFFE000  }
0x1f2: {  	[tilespmem:s11], [sflag:$0x8] =	stream.linear.gather [hbm4b:s2+s11], $0x1000, $0x38;
	[tilespmem:$0x1F180] =	vst v63  }
0x1f3: {  	_ =	swait.ge [sflag:s22], $0x1000  }
0x1f4: {  	[sflag:s22] =	ssyncset.done $0x0  }
0x1f5: {  	s20 =	rddreg [dreg:$0xe];
	[sflag:s22] =	ssyncadd.s32 $0xFFFFF000  }
0x1f6: {  	[tilespmem:s31], [sflag:$0x8] =	stream.linear.gather [hbm4b:s20+s11], $0x1000, $0x38;
	[tilespmem:$0x1F180] =	vst v63  }
0x1f7: {  	_ =	swait.ge [sflag:s22], $0x1000  }
0x1f8: {  	[sflag:s22] =	ssyncset.done $0x0  }
0x1f9: {  	s28 =	simm.s32 $0x2000;
	[sflag:s22] =	ssyncadd.s32 $0xFFFFF000  }
0x1fa: {  	[tilespmem:s28], [sflag:$0x1] =	stream.indirect.gather [hbm4b:s5+s0], $0x80, s11, s0, $0xb8;
	[tilespmem:$0x1F180] =	vst v63  }
0x1fb: {  	s29 =	simm.s32 $0x6000  }
0x1fc: {  	[tilespmem:s29], [sflag:$0x3] =	stream.indirect.gather [hbm4b:s1+s0], $0x80, s31, s0, $0xb8;
	[tilespmem:$0x1F180] =	vst v63  }
0x1fd: {  	_ = 	snop  }
0x1fe: {  	[tilespmem:s4], [sflag:$0x2] =	stream.indirect.gather [hbm4b:s5+s0], $0x80, s0, s0, $0xb8;
	[tilespmem:$0x1F180] =	vst v63  }
0x1ff: {  	s30 =	simm.s32 $0x1040;
	s12 =	simm.s32 $0x0;
	s14 =	simm.s32 $0x0  }
0x200: {  	[tilespmem:s21], [sflag:$0x4] =	stream.indirect.gather [hbm4b:s1+s0], $0x80, s30, s0, $0xb8;
	[tilespmem:$0x1F180] =	vst v63  }
.LBB2_11:
0x201: {  	_ =	swait.ge [sflag:s23], $0x2000  }
0x202: {  	[sflag:s23] =	ssyncset.done $0x0  }
0x203: {  	[sflag:s23] =	ssyncadd.s32 $0xFFFFE000  }
0x204: {  	_ =	swait.ge [sflag:s24], $0x2000  }
0x205: {  	p0 =	seq.s32 s14, $0x0;
	[sflag:s24] =	ssyncset.done $0x0  }
0x206: {  	s2 =	simm.s32 @!p0 $0x5;
	[sflag:s24] =	ssyncadd.s32 $0xFFFFE000  }
0x207: {  	_ =	swait.ge @!p0 [sflag:s2], $0x2000  }
0x208: {  	[sflag:s2] =	ssyncset.done @!p0 $0x0  }
0x209: {  	s18 =	simm.s32 $0x0;
	[sflag:s2] =	ssyncadd.s32 @!p0 $0xFFFFE000  }
0x20a: {  	v4 =	vld [tilespmem:s18+$0x2000]  }
0x20b: {  	v5 =	vld [tilespmem:s18+$0x6040]  }
0x20c: {  	v6 =	vld [tilespmem:s18+$0x2010]  }
0x20d: {  	v7 =	vld [tilespmem:s18+$0x6050]  }
0x20e: {  	v8 =	vld [tilespmem:s18+$0x2020]  }
0x20f: {  	v9 =	vld [tilespmem:s18+$0x6060]  }
0x210: {  	v10 =	vld [tilespmem:s18+$0x2030]  }
0x211: {  	v11 =	vld [tilespmem:s18+$0x6070];
	_ =	sdelay $0x3  }
0x212: {  	v4 =	vadd.f32 v5, v4;
	v5 =	vadd.f32 v7, v6  }
0x213: {  	v6 =	vadd.f32 v9, v8;
	v8 =	vadd.f32 v11, v10  }
0x214: {  	v18 =	vmax.f32 v4, $0.0e+00;
	v11 =	vmax.f32 v5, $0.0e+00  }
0x215: {  	v7 =	vmax.f32 v6, $0.0e+00;
	v5 =	vmax.f32 v8, $0.0e+00;
	v4 =	vadd.f32 v11, v18  }
0x216: {  	v6 =	vadd.f32 v5, v7;
	v8 =	vmul.f32 v18, v18;
	v9 =	vmul.f32 v11, v11  }
0x217: {  	v10 =	vmul.f32 v7, v7;
	v12 =	vmul.f32 v5, v5  }
0x218: {  	v4 =	vadd.f32 v6, v4  }
0x219: {  	v6 =	vadd.f32 v9, v8;
	v8 =	vadd.f32 v12, v10  }
0x21a: {  	(xrf2) =	vadd.scan.msk.f32 $0xffff, v4  }
0x21b: {  	v4 =	vadd.f32 v8, v6;
	_ =	sdelay $0x1  }
0x21c: {  	(xrf2) =	vadd.scan.msk.f32 $0xffff, v4;
	_ =	sdelay $0x6  }
0x21d: {  	v4, _, _ =	vpop (xrf2)  }
0x21e: {  	(v2sf) =	vpush v4, $0xF;
	_ =	sdelay $0x1  }
0x21f: {  	v4, _, _ =	vpop (xrf2)  }
0x220: {  	(v2sf) =	vpush v4, $0xF;
	_ =	sdelay $0xb  }
0x221: {  	s17 =	simm.s32 $0x80;
	s28 =	spop (v2sf)  }
0x222: {  	v13 =	vld [tilespmem:s17+$0x2030];
	s2 =	smul.f32 $1.562500000e-02, s28  }
0x223: {  	v9 =	vld [tilespmem:s17+$0x6050]  }
0x224: {  	v10 =	vld [tilespmem:s17+$0x2020];
	s16 =	spop (v2sf);
	s15 =	smul.f32 s2, s2  }
0x225: {  	v12 =	vld [tilespmem:s17+$0x6060];
	s16 =	smul.f32 $1.562500000e-02, s16  }
0x226: {  	v6 =	vld [tilespmem:s17+$0x6040]  }
0x227: {  	v4 =	vld [tilespmem:s17+$0x2000];
	s15 =	ssub.f32 s16, s15  }
0x228: {  	v8 =	vld [tilespmem:s17+$0x2010]  }
0x229: {  	v14 =	vld [tilespmem:s17+$0x6070];
	s15 =	sadd.f32 $9.999999740e-06, s15;
	_ =	sdelay $0x1  }
0x22a: {  	v15 =	vmov s15  }
0x22b: {  	v4 =	vadd.f32 v6, v4;
	v6 =	vshra.s32 v15, $0x1;
	v15 =	vmul.f32 $5.000000000e-01, v15  }
0x22c: {  	v12 =	vadd.f32 v12, v10;
	v8 =	vadd.f32 v9, v8;
	v16 =	vsub.s32 $0x5F3759DF, v6  }
0x22d: {  	v10 =	vmax.f32 v4, $0.0e+00;
	v6 =	vadd.f32 v14, v13;
	v4 =	vmul.f32 v16, v15  }
0x22e: {  	v9 =	vmax.f32 v8, $0.0e+00;
	v8 =	vmax.f32 v12, $0.0e+00  }
0x22f: {  	v17 =	vmul.f32 v8, v8;
	v6 =	vmax.f32 v6, $0.0e+00;
	v4 =	vmul.f32 v16, v4  }
0x230: {  	v12 =	vmul.f32 v10, v10;
	v14 =	vadd.f32 v9, v10;
	v20 =	vadd.f32 v6, v8  }
0x231: {  	v13 =	vmul.f32 v9, v9;
	v19 =	vmul.f32 v6, v6;
	v4 =	vsub.f32 $1.500000000e+00, v4  }
0x232: {  	v14 =	vadd.f32 v20, v14  }
0x233: {  	v12 =	vadd.f32 v13, v12;
	v13 =	vadd.f32 v19, v17;
	v16 =	vmul.f32 v16, v4  }
0x234: {  	(xrf2) =	vadd.scan.msk.f32 $0xffff, v14  }
0x235: {  	v12 =	vadd.f32 v13, v12;
	v13 =	vmul.f32 v16, v15;
	_ =	sdelay $0x1  }
0x236: {  	(xrf2) =	vadd.scan.msk.f32 $0xffff, v12;
	v12 =	vmul.f32 v13, v16;
	_ =	sdelay $0x1  }
0x237: {  	v12 =	vsub.f32 $1.500000000e+00, v12;
	_ =	sdelay $0x1  }
0x238: {  	v12 =	vmul.f32 v12, v16;
	_ =	sdelay $0x1  }
0x239: {  	v21 =	vmul.f32 v12, v0  }
0x23a: {  	s29 =	sand.u32 $0x3, s12;
	v13 =	vmov s2;
	v23, _, _ =	vpop (xrf2)  }
0x23b: {  	s15 =	sshll.u32 s29, $0xE;
	v20 =	vsub.f32 v18, v13;
	(v2sf) =	vpush v23, $0xF  }
0x23c: {  	s15 =	sadd.s32 $0xE030, s15  }
0x23d: {  	v4 =	vmov s15;
	v24 =	vmul.f32 v21, v20;
	v21, _, _ =	vpop (xrf2)  }
0x23e: {  	s19 =	simm.s32 $0x100;
	(v2sf) =	vpush v21, $0xF  }
0x23f: {  	v17 =	vld [tilespmem:s19+$0x6050]  }
0x240: {  	v19 =	vld [tilespmem:s19+$0x6060]  }
0x241: {  	v14 =	vld [tilespmem:s19+$0x2000]  }
0x242: {  	v22 =	vld.idx.msk [tilespmem:v4+s18+$0xFFFFFFD0 ss:$0x1], $0xffff  }
0x243: {  	v15 =	vld [tilespmem:s19+$0x6040]  }
0x244: {  	v18 =	vld [tilespmem:s19+$0x2020]  }
0x245: {  	v16 =	vld [tilespmem:s19+$0x2010]  }
0x246: {  	s30 =	sand.u32 $0x7, s11;
	v20 =	vld [tilespmem:s19+$0x2030]  }
0x247: {  	s15 =	sshll.u32 s14, $0x1;
	s2 =	sshll.u32 s30, $0xD;
	v22 =	vadd.f32 v24, v22;
	v21 =	vld [tilespmem:s19+$0x6070]  }
0x248: {  	s20 =	sand.u32 $0x6, s15;
	s16 =	sor.u32 $0x10000, s2;
	s2 =	simm.s32 $0x600  }
.LBB2_12:
0x249: {  	p1 =	sne.s32 s2, $0x7E00;
	[tilespmem:s18+$0xA000] =	vst v22  }
0x24a: {  	v14 =	vadd.f32 v15, v14;
	s28 =	spop (v2sf);
	v15 =	vld.idx.msk [tilespmem:v4+s18+$0xFFFFFFE0 ss:$0x1], $0xffff  }
0x24b: {  	v16 =	vadd.f32 v17, v16;
	v17 =	vadd.f32 v19, v18;
	s28 =	smul.f32 $1.562500000e-02, s28  }
0x24c: {  	v19 =	vsub.f32 v11, v13;
	v11 =	vmovc v9;
	v18 =	vadd.f32 v21, v20;
	v20 =	vmul.f32 v12, v1  }
0x24d: {  	v9 =	vmax.f32 v16, $0.0e+00;
	v21 =	vmax.f32 v14, $0.0e+00;
	v14 =	vmax.f32 v17, $0.0e+00;
	s29 =	smul.f32 s28, s28;
	s30 =	spop (v2sf)  }
0x24e: {  	v17 =	vadd.f32 v9, v21;
	v16 =	vmax.f32 v18, $0.0e+00;
	s30 =	smul.f32 $1.562500000e-02, s30;
	v18 =	vmul.f32 v20, v19  }
0x24f: {  	v22 =	vmul.f32 v9, v9;
	v20 =	vmul.f32 v21, v21;
	v19 =	vadd.f32 v16, v14  }
0x250: {  	v23 =	vmul.f32 v14, v14;
	v24 =	vmul.f32 v16, v16;
	s29 =	ssub.f32 s30, s29;
	v15 =	vadd.f32 v18, v15  }
0x251: {  	v17 =	vadd.f32 v19, v17  }
0x252: {  	v18 =	vadd.f32 v22, v20;
	v19 =	vadd.f32 v24, v23;
	s29 =	sadd.f32 $9.999999740e-06, s29;
	[tilespmem:s18+$0xA010] =	vst v15  }
0x253: {  	v15 =	vld.idx.msk [tilespmem:v4+s18+$0xFFFFFFF0 ss:$0x1], $0xffff  }
0x254: {  	v18 =	vadd.f32 v19, v18;
	v19 =	vsub.f32 v7, v13;
	v7 =	vmovc v8;
	(xrf2) =	vadd.scan.msk.f32 $0xffff, v17;
	v17 =	vmov s29  }
0x255: {  	v22 =	vmul.f32 v12, v2;
	v8 =	vmovc v14;
	v20 =	vshra.s32 v17, $0x1;
	v17 =	vmul.f32 $5.000000000e-01, v17  }
0x256: {  	v14 =	vsub.s32 $0x5F3759DF, v20  }
0x257: {  	v19 =	vmul.f32 v22, v19;
	(xrf2) =	vadd.scan.msk.f32 $0xffff, v18;
	v18 =	vmul.f32 v14, v17;
	_ =	sdelay $0x1  }
0x258: {  	v15 =	vadd.f32 v19, v15;
	v18 =	vmul.f32 v14, v18;
	_ =	sdelay $0x1  }
0x259: {  	v18 =	vsub.f32 $1.500000000e+00, v18;
	[tilespmem:s18+$0xA020] =	vst v15  }
0x25a: {  	v15 =	vld.idx.msk [tilespmem:v4+s18+$0x0 ss:$0x1], $0xffff  }
0x25b: {  	v18 =	vmul.f32 v14, v18  }
0x25c: {  	v12 =	vmul.f32 v12, v3;
	v19 =	vsub.f32 v5, v13;
	v5 =	vmov v6;
	v14, _, _ =	vpop (xrf2)  }
0x25d: {  	v6 =	vmov v16;
	(v2sf) =	vpush v14, $0xF;
	v14 =	vmul.f32 v18, v17  }
0x25e: {  	v12 =	vmul.f32 v12, v19  }
0x25f: {  	v13, _, _ =	vpop (xrf2);
	v16 =	vmul.f32 v14, v18  }
0x260: {  	s29 =	sshra.s32 s2, $0x2;
	v12 =	vadd.f32 v12, v15;
	(v2sf) =	vpush v13, $0xF  }
0x261: {  	v14 =	vld [tilespmem:s29+$0x2000];
	v13 =	vsub.f32 $1.500000000e+00, v16  }
0x262: {  	v15 =	vld [tilespmem:s29+$0x6040];
	[tilespmem:s18+$0xA030] =	vst v12;
	s18 =	smov.u32 s17;
	s17 =	smov.u32 s19;
	s19 =	smov.u32 s29  }
0x263: {  	v12 =	vmul.f32 v13, v18;
	v22 =	vld.idx.msk [tilespmem:v4+s18+$0xFFFFFFD0 ss:$0x1], $0xffff  }
0x264: {  	v13 =	vmov s28;
	v16 =	vld [tilespmem:s19+$0x2010]  }
0x265: {  	v20 =	vsub.f32 v10, v13;
	v10 =	vmov v21;
	v17 =	vld [tilespmem:s19+$0x6050];
	v23 =	vmul.f32 v12, v0  }
.Ltmp7:
0x266: {  	v18 =	vld [tilespmem:s19+$0x2020];
	(pc) =	sbr.rel @p1 .LBB2_12-.Ltmp7, $4  }
0x267: {  	v19 =	vld [tilespmem:s19+$0x6060];
	v23 =	vmul.f32 v23, v20  }
0x268: {  	v20 =	vld [tilespmem:s19+$0x2030]  }
0x269: {  	v21 =	vld [tilespmem:s19+$0x6070];
	v22 =	vadd.f32 v23, v22  }
0x26a: {  	s2 =	sadd.s32 $0x200, s2  }
0x26b: {  	_ =	sdelay $0x1  }
0x26c: {  	v14 =	vadd.f32 v15, v14;
	v15 =	vadd.f32 v17, v16  }
0x26d: {  	v16 =	vadd.f32 v19, v18;
	v17 =	vadd.f32 v21, v20  }
0x26e: {  	s2 =	spop (v2sf);
	v14 =	vmax.f32 v14, $0.0e+00;
	v15 =	vmax.f32 v15, $0.0e+00  }
0x26f: {  	s2 =	smul.f32 $1.562500000e-02, s2;
	v16 =	vmax.f32 v16, $0.0e+00;
	v18 =	vadd.f32 v15, v14;
	v17 =	vmax.f32 v17, $0.0e+00  }
0x270: {  	[tilespmem:s18+$0xA000] =	vst v22;
	v20 =	vmul.f32 v14, v14;
	v21 =	vmul.f32 v15, v15;
	v19 =	vadd.f32 v17, v16  }
0x271: {  	v22 =	vld.idx.msk [tilespmem:v4+s18+$0xFFFFFFE0 ss:$0x1], $0xffff;
	s28 =	smul.f32 s2, s2;
	s29 =	spop (v2sf);
	v23 =	vmul.f32 v16, v16;
	v24 =	vmul.f32 v17, v17  }
0x272: {  	v11 =	vsub.f32 v11, v13;
	s29 =	smul.f32 $1.562500000e-02, s29;
	v18 =	vadd.f32 v19, v18;
	v19 =	vmul.f32 v12, v1  }
0x273: {  	v20 =	vadd.f32 v21, v20;
	v21 =	vadd.f32 v24, v23  }
0x274: {  	s28 =	ssub.f32 s29, s28;
	v11 =	vmul.f32 v19, v11;
	(xrf2) =	vadd.scan.msk.f32 $0xffff, v18  }
0x275: {  	v18 =	vadd.f32 v21, v20  }
0x276: {  	s28 =	sadd.f32 $9.999999740e-06, s28;
	v11 =	vadd.f32 v11, v22  }
0x277: {  	(xrf2) =	vadd.scan.msk.f32 $0xffff, v18  }
0x278: {  	[tilespmem:s18+$0xA010] =	vst v11;
	v11 =	vmov s28  }
0x279: {  	v18 =	vld.idx.msk [tilespmem:v4+s18+$0xFFFFFFF0 ss:$0x1], $0xffff;
	v19 =	vshra.s32 v11, $0x1;
	v11 =	vmul.f32 $5.000000000e-01, v11  }
0x27a: {  	v7 =	vsub.f32 v7, v13;
	v20 =	vmul.f32 v12, v2;
	v19 =	vsub.s32 $0x5F3759DF, v19  }
0x27b: {  	v21 =	vmul.f32 v19, v11  }
0x27c: {  	v7 =	vmul.f32 v20, v7  }
0x27d: {  	v20 =	vmul.f32 v19, v21  }
0x27e: {  	v7 =	vadd.f32 v7, v18;
	v18, _, _ =	vpop (xrf2)  }
0x27f: {  	v20 =	vsub.f32 $1.500000000e+00, v20;
	(v2sf) =	vpush v18, $0xF;
	_ =	sdelay $0x1  }
0x280: {  	[tilespmem:s18+$0xA020] =	vst v7;
	v18, _, _ =	vpop (xrf2);
	v7 =	vmul.f32 v19, v20  }
0x281: {  	v19 =	vld.idx.msk [tilespmem:v4+s18+$0x0 ss:$0x1], $0xffff;
	(v2sf) =	vpush v18, $0xF  }
0x282: {  	v5 =	vsub.f32 v5, v13;
	v12 =	vmul.f32 v12, v3;
	v11 =	vmul.f32 v7, v11;
	_ =	sdelay $0x1  }
0x283: {  	v5 =	vmul.f32 v12, v5;
	v11 =	vmul.f32 v11, v7;
	_ =	sdelay $0x1  }
0x284: {  	v5 =	vadd.f32 v5, v19;
	v11 =	vsub.f32 $1.500000000e+00, v11;
	_ =	sdelay $0x1  }
0x285: {  	[tilespmem:s18+$0xA030] =	vst v5;
	v5 =	vmul.f32 v11, v7  }
0x286: {  	v7 =	vld.idx.msk [tilespmem:v4+s17+$0xFFFFFFD0 ss:$0x1], $0xffff;
	v11 =	vmov s2  }
0x287: {  	v10 =	vsub.f32 v10, v11;
	v12 =	vmul.f32 v5, v0;
	_ =	sdelay $0x1  }
0x288: {  	v10 =	vmul.f32 v12, v10  }
0x289: {  	s28 =	spop (v2sf)  }
0x28a: {  	v7 =	vadd.f32 v10, v7;
	s2 =	smul.f32 $1.562500000e-02, s28;
	_ =	sdelay $0x1  }
0x28b: {  	s30 =	spop (v2sf);
	[tilespmem:s17+$0xA000] =	vst v7;
	s29 =	smul.f32 s2, s2  }
0x28c: {  	s28 =	smul.f32 $1.562500000e-02, s30;
	v7 =	vld.idx.msk [tilespmem:v4+s17+$0xFFFFFFE0 ss:$0x1], $0xffff  }
0x28d: {  	v9 =	vsub.f32 v9, v11;
	v10 =	vmul.f32 v5, v1  }
0x28e: {  	s18 =	ssub.f32 s28, s29  }
0x28f: {  	v9 =	vmul.f32 v10, v9  }
0x290: {  	s18 =	sadd.f32 $9.999999740e-06, s18  }
0x291: {  	v7 =	vadd.f32 v9, v7  }
0x292: {  	v9 =	vmov s18  }
0x293: {  	[tilespmem:s17+$0xA010] =	vst v7;
	v7 =	vshra.s32 v9, $0x1;
	v9 =	vmul.f32 $5.000000000e-01, v9  }
0x294: {  	v10 =	vld.idx.msk [tilespmem:v4+s17+$0xFFFFFFF0 ss:$0x1], $0xffff;
	v7 =	vsub.s32 $0x5F3759DF, v7  }
0x295: {  	v8 =	vsub.f32 v8, v11;
	v12 =	vmul.f32 v5, v2;
	v13 =	vmul.f32 v7, v9;
	_ =	sdelay $0x1  }
0x296: {  	v8 =	vmul.f32 v12, v8;
	v12 =	vmul.f32 v7, v13;
	_ =	sdelay $0x1  }
0x297: {  	v8 =	vadd.f32 v8, v10;
	v10 =	vsub.f32 $1.500000000e+00, v12;
	_ =	sdelay $0x1  }
0x298: {  	[tilespmem:s17+$0xA020] =	vst v8;
	v7 =	vmul.f32 v7, v10  }
0x299: {  	v8 =	vld.idx.msk [tilespmem:v4+s17+$0x0 ss:$0x1], $0xffff  }
0x29a: {  	v6 =	vsub.f32 v6, v11;
	v5 =	vmul.f32 v5, v3;
	v9 =	vmul.f32 v7, v9;
	_ =	sdelay $0x1  }
0x29b: {  	v5 =	vmul.f32 v5, v6;
	v6 =	vmul.f32 v9, v7;
	_ =	sdelay $0x1  }
0x29c: {  	v5 =	vadd.f32 v5, v8;
	v6 =	vsub.f32 $1.500000000e+00, v6;
	_ =	sdelay $0x1  }
0x29d: {  	[tilespmem:s17+$0xA030] =	vst v5;
	v5 =	vmul.f32 v6, v7  }
0x29e: {  	v7 =	vmov s2;
	v6 =	vld.idx.msk [tilespmem:v4+s19+$0xFFFFFFD0 ss:$0x1], $0xffff  }
0x29f: {  	v8 =	vsub.f32 v14, v7;
	v9 =	vmul.f32 v5, v0;
	_ =	sdelay $0x1  }
0x2a0: {  	v8 =	vmul.f32 v9, v8;
	_ =	sdelay $0x1  }
0x2a1: {  	v6 =	vadd.f32 v8, v6;
	_ =	sdelay $0x1  }
0x2a2: {  	[tilespmem:s19+$0xA000] =	vst v6  }
0x2a3: {  	v6 =	vld.idx.msk [tilespmem:v4+s19+$0xFFFFFFE0 ss:$0x1], $0xffff  }
0x2a4: {  	v9 =	vmul.f32 v5, v1;
	v8 =	vsub.f32 v15, v7;
	_ =	sdelay $0x1  }
0x2a5: {  	v8 =	vmul.f32 v9, v8;
	_ =	sdelay $0x1  }
0x2a6: {  	v6 =	vadd.f32 v8, v6;
	_ =	sdelay $0x1  }
0x2a7: {  	[tilespmem:s19+$0xA010] =	vst v6  }
0x2a8: {  	v6 =	vld.idx.msk [tilespmem:v4+s19+$0xFFFFFFF0 ss:$0x1], $0xffff  }
0x2a9: {  	v9 =	vmul.f32 v5, v2;
	v8 =	vsub.f32 v16, v7;
	_ =	sdelay $0x1  }
0x2aa: {  	v8 =	vmul.f32 v9, v8;
	_ =	sdelay $0x1  }
0x2ab: {  	v6 =	vadd.f32 v8, v6;
	_ =	sdelay $0x1  }
0x2ac: {  	[tilespmem:s19+$0xA020] =	vst v6  }
0x2ad: {  	v4 =	vld.idx.msk [tilespmem:v4+s19+$0x0 ss:$0x1], $0xffff  }
0x2ae: {  	v5 =	vmul.f32 v5, v3;
	v6 =	vsub.f32 v17, v7;
	_ =	sdelay $0x1  }
0x2af: {  	v5 =	vmul.f32 v5, v6;
	_ =	sdelay $0x1  }
0x2b0: {  	v4 =	vadd.f32 v5, v4  }
0x2b1: {  	p1 =	sne.s32 s20, $0x0;
	s2 =	sor.u32 $0x40, s15  }
0x2b2: {  	s17 =	sshll.u32 @!p1 s2, $0x4;
	[tilespmem:s19+$0xA030] =	vst v4  }
0x2b3: {  	s17 =	sand.u32 @!p1 $0x3FFFFFF0, s17;
	v4 =	vld @!p1 [tilespmem:$0xA000]  }
0x2b4: {  	v5 =	vld @!p1 [tilespmem:s17+$0x1E180];
	_ =	sdelay $0x4  }
0x2b5: {  	v4 =	vadd.f32 @!p1 v5, v4;
	_ =	sdelay $0x1  }
0x2b6: {  	[tilespmem:$0xA000] =	vst @!p1 v4;
	v4 =	vld @!p1 [tilespmem:$0xA010]  }
0x2b7: {  	v5 =	vld @!p1 [tilespmem:s17+$0x1E190];
	_ =	sdelay $0x4  }
0x2b8: {  	v4 =	vadd.f32 @!p1 v5, v4;
	_ =	sdelay $0x1  }
0x2b9: {  	[tilespmem:$0xA010] =	vst @!p1 v4;
	v4 =	vld @!p1 [tilespmem:$0xA020]  }
0x2ba: {  	v5 =	vld @!p1 [tilespmem:s17+$0x1E1A0];
	_ =	sdelay $0x4  }
0x2bb: {  	v4 =	vadd.f32 @!p1 v5, v4;
	_ =	sdelay $0x1  }
0x2bc: {  	[tilespmem:$0xA020] =	vst @!p1 v4;
	v4 =	vld @!p1 [tilespmem:$0xA030]  }
0x2bd: {  	v5 =	vld @!p1 [tilespmem:s17+$0x1E1B0];
	_ =	sdelay $0x4  }
0x2be: {  	v4 =	vadd.f32 @!p1 v5, v4  }
0x2bf: {  	s2 =	sshll.u32 s2, $0xA  }
0x2c0: {  	s2 =	sadd.s32 s2, s13;
	[tilespmem:$0xA030] =	vst @!p1 v4;
	p1 =	seq.s32 s14, $0x1F  }
0x2c1: {  	[hbm4b:s2+s3] =	stream.linear.scatter [tilespmem:s25], [sflag:$0x5], $0x2000, $0x38;
	[tilespmem:$0x1F180] =	vst v63  }
0x2c2: {  	s2 =	sshll.u32 @!p1 s14, $0x7  }
0x2c3: {  	s18 =	simm.s32 @!p1 $0x40;
	s19 =	simm.s32 @!p1 $0x2000;
	s17 =	sadd.s32 @!p1 $0x80, s2  }
0x2c4: {  	[tilespmem:s19], [sflag:$0x1] =	stream.indirect.gather @!p1 [hbm4b:s5+s18], $0x80, s17, s18, $0xb8;
	[tilespmem:$0x1F180] =	vst v63  }
0x2c5: {  	s2 =	sadd.s32 @!p1 $0x1080, s2;
	s17 =	simm.s32 @!p1 $0x6000  }
0x2c6: {  	[tilespmem:s17], [sflag:$0x3] =	stream.indirect.gather @!p1 [hbm4b:s1+s18], $0x80, s2, s18, $0xb8;
	[tilespmem:$0x1F180] =	vst v63  }
0x2c7: {  	_ =	swait.ge [sflag:s26], $0x2000  }
0x2c8: {  	[sflag:s26] =	ssyncset.done $0x0  }
0x2c9: {  	[sflag:s26] =	ssyncadd.s32 $0xFFFFE000  }
0x2ca: {  	_ =	swait.ge [sflag:s6], $0x2000  }
0x2cb: {  	[sflag:s6] =	ssyncset.done $0x0  }
0x2cc: {  	s2 =	simm.s32 @!p0 $0x6;
	[sflag:s6] =	ssyncadd.s32 $0xFFFFE000  }
0x2cd: {  	_ =	swait.ge @!p0 [sflag:s2], $0x2000  }
0x2ce: {  	[sflag:s2] =	ssyncset.done @!p0 $0x0  }
0x2cf: {  	s18 =	simm.s32 $0x0;
	[sflag:s2] =	ssyncadd.s32 @!p0 $0xFFFFE000  }
0x2d0: {  	v4 =	vld [tilespmem:s18+$0x4000]  }
0x2d1: {  	v5 =	vld [tilespmem:s18+$0x8040]  }
0x2d2: {  	v6 =	vld [tilespmem:s18+$0x4010]  }
0x2d3: {  	v7 =	vld [tilespmem:s18+$0x8050]  }
0x2d4: {  	v8 =	vld [tilespmem:s18+$0x4020]  }
0x2d5: {  	v9 =	vld [tilespmem:s18+$0x8060]  }
0x2d6: {  	v10 =	vld [tilespmem:s18+$0x4030]  }
0x2d7: {  	v11 =	vld [tilespmem:s18+$0x8070];
	_ =	sdelay $0x3  }
0x2d8: {  	v4 =	vadd.f32 v5, v4;
	v5 =	vadd.f32 v7, v6  }
0x2d9: {  	v6 =	vadd.f32 v9, v8;
	v8 =	vadd.f32 v11, v10  }
0x2da: {  	v18 =	vmax.f32 v4, $0.0e+00;
	v11 =	vmax.f32 v5, $0.0e+00  }
0x2db: {  	v7 =	vmax.f32 v6, $0.0e+00;
	v5 =	vmax.f32 v8, $0.0e+00;
	v4 =	vadd.f32 v11, v18  }
0x2dc: {  	v6 =	vadd.f32 v5, v7;
	v8 =	vmul.f32 v18, v18;
	v9 =	vmul.f32 v11, v11  }
0x2dd: {  	v10 =	vmul.f32 v7, v7;
	v12 =	vmul.f32 v5, v5  }
0x2de: {  	v4 =	vadd.f32 v6, v4  }
0x2df: {  	v6 =	vadd.f32 v9, v8;
	v8 =	vadd.f32 v12, v10  }
0x2e0: {  	(xrf2) =	vadd.scan.msk.f32 $0xffff, v4  }
0x2e1: {  	v4 =	vadd.f32 v8, v6;
	_ =	sdelay $0x1  }
0x2e2: {  	(xrf2) =	vadd.scan.msk.f32 $0xffff, v4;
	_ =	sdelay $0x6  }
0x2e3: {  	v4, _, _ =	vpop (xrf2)  }
0x2e4: {  	(v2sf) =	vpush v4, $0xF;
	_ =	sdelay $0x1  }
0x2e5: {  	v4, _, _ =	vpop (xrf2)  }
0x2e6: {  	(v2sf) =	vpush v4, $0xF;
	_ =	sdelay $0xb  }
0x2e7: {  	s17 =	simm.s32 $0x80;
	s28 =	spop (v2sf)  }
0x2e8: {  	v13 =	vld [tilespmem:s17+$0x4030];
	s2 =	smul.f32 $1.562500000e-02, s28  }
0x2e9: {  	v9 =	vld [tilespmem:s17+$0x8050]  }
0x2ea: {  	v10 =	vld [tilespmem:s17+$0x4020];
	s30 =	spop (v2sf);
	s29 =	smul.f32 s2, s2  }
0x2eb: {  	v12 =	vld [tilespmem:s17+$0x8060];
	s20 =	smul.f32 $1.562500000e-02, s30  }
0x2ec: {  	v6 =	vld [tilespmem:s17+$0x8040]  }
0x2ed: {  	v4 =	vld [tilespmem:s17+$0x4000];
	s19 =	ssub.f32 s20, s29  }
0x2ee: {  	v8 =	vld [tilespmem:s17+$0x4010]  }
0x2ef: {  	v14 =	vld [tilespmem:s17+$0x8070];
	s19 =	sadd.f32 $9.999999740e-06, s19;
	_ =	sdelay $0x1  }
0x2f0: {  	v15 =	vmov s19  }
0x2f1: {  	v4 =	vadd.f32 v6, v4;
	v6 =	vshra.s32 v15, $0x1;
	v15 =	vmul.f32 $5.000000000e-01, v15  }
0x2f2: {  	v12 =	vadd.f32 v12, v10;
	v8 =	vadd.f32 v9, v8;
	v16 =	vsub.s32 $0x5F3759DF, v6  }
0x2f3: {  	v10 =	vmax.f32 v4, $0.0e+00;
	v6 =	vadd.f32 v14, v13;
	v4 =	vmul.f32 v16, v15  }
0x2f4: {  	v9 =	vmax.f32 v8, $0.0e+00;
	v8 =	vmax.f32 v12, $0.0e+00  }
0x2f5: {  	v17 =	vmul.f32 v8, v8;
	v6 =	vmax.f32 v6, $0.0e+00;
	v4 =	vmul.f32 v16, v4  }
0x2f6: {  	v12 =	vmul.f32 v10, v10;
	v14 =	vadd.f32 v9, v10;
	v20 =	vadd.f32 v6, v8  }
0x2f7: {  	v13 =	vmul.f32 v9, v9;
	v19 =	vmul.f32 v6, v6;
	v4 =	vsub.f32 $1.500000000e+00, v4  }
0x2f8: {  	v14 =	vadd.f32 v20, v14  }
0x2f9: {  	v12 =	vadd.f32 v13, v12;
	v13 =	vadd.f32 v19, v17;
	v16 =	vmul.f32 v16, v4  }
0x2fa: {  	(xrf2) =	vadd.scan.msk.f32 $0xffff, v14  }
0x2fb: {  	v12 =	vadd.f32 v13, v12;
	v13 =	vmul.f32 v16, v15;
	_ =	sdelay $0x1  }
0x2fc: {  	(xrf2) =	vadd.scan.msk.f32 $0xffff, v12;
	v12 =	vmul.f32 v13, v16;
	_ =	sdelay $0x1  }
0x2fd: {  	v12 =	vsub.f32 $1.500000000e+00, v12;
	_ =	sdelay $0x1  }
0x2fe: {  	v12 =	vmul.f32 v12, v16;
	_ =	sdelay $0x1  }
0x2ff: {  	v21 =	vmul.f32 v12, v0  }
0x300: {  	v13 =	vmov s2;
	v23, _, _ =	vpop (xrf2)  }
0x301: {  	v20 =	vsub.f32 v18, v13;
	(v2sf) =	vpush v23, $0xF;
	_ =	sdelay $0x1  }
0x302: {  	v4 =	vmov s16;
	v63 =	vmul.f32 v21, v20;
	v21, _, _ =	vpop (xrf2)  }
0x303: {  	s16 =	simm.s32 $0x100;
	(v2sf) =	vpush v21, $0xF  }
0x304: {  	v14 =	vld [tilespmem:s16+$0x4000]  }
0x305: {  	v17 =	vld [tilespmem:s16+$0x8050]  }
0x306: {  	v19 =	vld [tilespmem:s16+$0x8060]  }
0x307: {  	v22 =	vld.idx.msk [tilespmem:v4+s18+$0x0 ss:$0x1], $0xffff  }
0x308: {  	v15 =	vld [tilespmem:s16+$0x8040]  }
0x309: {  	v18 =	vld [tilespmem:s16+$0x4020]  }
0x30a: {  	v16 =	vld [tilespmem:s16+$0x4010]  }
0x30b: {  	v20 =	vld [tilespmem:s16+$0x4030]  }
0x30c: {  	v22 =	vadd.f32 v63, v22;
	v21 =	vld [tilespmem:s16+$0x8070]  }
0x30d: {  	s15 =	sor.u32 $0x41, s15;
	s2 =	simm.s32 $0x600  }
.LBB2_14:
0x30e: {  	p0 =	sne.s32 s2, $0x7E00;
	[tilespmem:s18+$0xC000] =	vst v22  }
0x30f: {  	v14 =	vadd.f32 v15, v14;
	s19 =	spop (v2sf);
	v15 =	vld.idx.msk [tilespmem:v4+s18+$0x10 ss:$0x1], $0xffff  }
0x310: {  	v16 =	vadd.f32 v17, v16;
	v17 =	vadd.f32 v19, v18;
	s19 =	smul.f32 $1.562500000e-02, s19  }
0x311: {  	v19 =	vsub.f32 v11, v13;
	v11 =	vmovc v9;
	v18 =	vadd.f32 v21, v20;
	v20 =	vmul.f32 v12, v1  }
0x312: {  	v9 =	vmax.f32 v16, $0.0e+00;
	v21 =	vmax.f32 v14, $0.0e+00;
	v14 =	vmax.f32 v17, $0.0e+00;
	s20 =	smul.f32 s19, s19;
	s28 =	spop (v2sf)  }
0x313: {  	v17 =	vadd.f32 v9, v21;
	v16 =	vmax.f32 v18, $0.0e+00;
	s28 =	smul.f32 $1.562500000e-02, s28;
	v18 =	vmul.f32 v20, v19  }
0x314: {  	v22 =	vmul.f32 v9, v9;
	v20 =	vmul.f32 v21, v21;
	v19 =	vadd.f32 v16, v14  }
0x315: {  	v23 =	vmul.f32 v14, v14;
	v24 =	vmul.f32 v16, v16;
	s20 =	ssub.f32 s28, s20;
	v15 =	vadd.f32 v18, v15  }
0x316: {  	v17 =	vadd.f32 v19, v17  }
0x317: {  	v18 =	vadd.f32 v22, v20;
	v19 =	vadd.f32 v24, v23;
	s20 =	sadd.f32 $9.999999740e-06, s20;
	[tilespmem:s18+$0xC010] =	vst v15  }
0x318: {  	v15 =	vld.idx.msk [tilespmem:v4+s18+$0x20 ss:$0x1], $0xffff  }
0x319: {  	v18 =	vadd.f32 v19, v18;
	v19 =	vsub.f32 v7, v13;
	v7 =	vmovc v8;
	(xrf2) =	vadd.scan.msk.f32 $0xffff, v17;
	v17 =	vmov s20  }
0x31a: {  	v22 =	vmul.f32 v12, v2;
	v8 =	vmovc v14;
	v20 =	vshra.s32 v17, $0x1;
	v17 =	vmul.f32 $5.000000000e-01, v17  }
0x31b: {  	v14 =	vsub.s32 $0x5F3759DF, v20  }
0x31c: {  	v19 =	vmul.f32 v22, v19;
	(xrf2) =	vadd.scan.msk.f32 $0xffff, v18;
	v18 =	vmul.f32 v14, v17;
	_ =	sdelay $0x1  }
0x31d: {  	v15 =	vadd.f32 v19, v15;
	v18 =	vmul.f32 v14, v18;
	_ =	sdelay $0x1  }
0x31e: {  	v18 =	vsub.f32 $1.500000000e+00, v18;
	[tilespmem:s18+$0xC020] =	vst v15  }
0x31f: {  	v15 =	vld.idx.msk [tilespmem:v4+s18+$0x30 ss:$0x1], $0xffff  }
0x320: {  	v18 =	vmul.f32 v14, v18  }
0x321: {  	v12 =	vmul.f32 v12, v3;
	v19 =	vsub.f32 v5, v13;
	v5 =	vmov v6;
	v14, _, _ =	vpop (xrf2)  }
0x322: {  	v6 =	vmov v16;
	(v2sf) =	vpush v14, $0xF;
	v14 =	vmul.f32 v18, v17  }
0x323: {  	v12 =	vmul.f32 v12, v19  }
0x324: {  	v13, _, _ =	vpop (xrf2);
	v16 =	vmul.f32 v14, v18  }
0x325: {  	s20 =	sshra.s32 s2, $0x2;
	v12 =	vadd.f32 v12, v15;
	(v2sf) =	vpush v13, $0xF  }
0x326: {  	v14 =	vld [tilespmem:s20+$0x4000];
	v13 =	vsub.f32 $1.500000000e+00, v16  }
0x327: {  	v15 =	vld [tilespmem:s20+$0x8040];
	[tilespmem:s18+$0xC030] =	vst v12;
	s18 =	smov.u32 s17;
	s17 =	smov.u32 s16;
	s16 =	smov.u32 s20  }
0x328: {  	v12 =	vmul.f32 v13, v18;
	v22 =	vld.idx.msk [tilespmem:v4+s18+$0x0 ss:$0x1], $0xffff  }
0x329: {  	v13 =	vmov s19;
	v16 =	vld [tilespmem:s16+$0x4010]  }
0x32a: {  	v20 =	vsub.f32 v10, v13;
	v10 =	vmov v21;
	v17 =	vld [tilespmem:s16+$0x8050];
	v23 =	vmul.f32 v12, v0  }
.Ltmp8:
0x32b: {  	v18 =	vld [tilespmem:s16+$0x4020];
	(pc) =	sbr.rel @p0 .LBB2_14-.Ltmp8, $4  }
0x32c: {  	v19 =	vld [tilespmem:s16+$0x8060];
	v23 =	vmul.f32 v23, v20  }
0x32d: {  	v20 =	vld [tilespmem:s16+$0x4030]  }
0x32e: {  	v21 =	vld [tilespmem:s16+$0x8070];
	v22 =	vadd.f32 v23, v22  }
0x32f: {  	s2 =	sadd.s32 $0x200, s2  }
0x330: {  	_ =	sdelay $0x1  }
0x331: {  	v14 =	vadd.f32 v15, v14;
	v58 =	vadd.f32 v17, v16  }
0x332: {  	v59 =	vadd.f32 v19, v18;
	v60 =	vadd.f32 v21, v20  }
0x333: {  	s2 =	spop (v2sf);
	v14 =	vmax.f32 v14, $0.0e+00;
	v15 =	vmax.f32 v58, $0.0e+00  }
0x334: {  	s2 =	smul.f32 $1.562500000e-02, s2;
	v16 =	vmax.f32 v59, $0.0e+00;
	v61 =	vadd.f32 v15, v14;
	v17 =	vmax.f32 v60, $0.0e+00  }
0x335: {  	[tilespmem:s18+$0xC000] =	vst v22;
	v63 =	vmul.f32 v14, v14;
	v28 =	vmul.f32 v15, v15;
	v62 =	vadd.f32 v17, v16  }
0x336: {  	v22 =	vld.idx.msk [tilespmem:v4+s18+$0x10 ss:$0x1], $0xffff;
	s19 =	smul.f32 s2, s2;
	s20 =	spop (v2sf);
	v23 =	vmul.f32 v16, v16;
	v24 =	vmul.f32 v17, v17  }
0x337: {  	v11 =	vsub.f32 v11, v13;
	v29 =	vmul.f32 v12, v1;
	s20 =	smul.f32 $1.562500000e-02, s20;
	v18 =	vadd.f32 v62, v61  }
0x338: {  	v20 =	vadd.f32 v28, v63;
	v30 =	vadd.f32 v24, v23  }
0x339: {  	v11 =	vmul.f32 v29, v11;
	s19 =	ssub.f32 s20, s19;
	(xrf2) =	vadd.scan.msk.f32 $0xffff, v18  }
0x33a: {  	v31 =	vadd.f32 v30, v20  }
0x33b: {  	v11 =	vadd.f32 v11, v22;
	s19 =	sadd.f32 $9.999999740e-06, s19  }
0x33c: {  	(xrf2) =	vadd.scan.msk.f32 $0xffff, v31  }
0x33d: {  	[tilespmem:s18+$0xC010] =	vst v11;
	v32 =	vmov s19  }
0x33e: {  	v33 =	vld.idx.msk [tilespmem:v4+s18+$0x20 ss:$0x1], $0xffff;
	v34 =	vshra.s32 v32, $0x1;
	v11 =	vmul.f32 $5.000000000e-01, v32  }
0x33f: {  	v7 =	vsub.f32 v7, v13;
	v35 =	vmul.f32 v12, v2;
	v19 =	vsub.s32 $0x5F3759DF, v34  }
0x340: {  	v36 =	vmul.f32 v19, v11  }
0x341: {  	v7 =	vmul.f32 v35, v7  }
0x342: {  	v37 =	vmul.f32 v19, v36  }
0x343: {  	v7 =	vadd.f32 v7, v33;
	v38, _, _ =	vpop (xrf2)  }
0x344: {  	v20 =	vsub.f32 $1.500000000e+00, v37;
	(v2sf) =	vpush v38, $0xF;
	_ =	sdelay $0x1  }
0x345: {  	[tilespmem:s18+$0xC020] =	vst v7;
	v39 =	vmul.f32 v19, v20;
	v40, _, _ =	vpop (xrf2)  }
0x346: {  	v41 =	vld.idx.msk [tilespmem:v4+s18+$0x30 ss:$0x1], $0xffff;
	(v2sf) =	vpush v40, $0xF  }
0x347: {  	v5 =	vsub.f32 v5, v13;
	v42 =	vmul.f32 v12, v3;
	v11 =	vmul.f32 v39, v11;
	_ =	sdelay $0x1  }
0x348: {  	v5 =	vmul.f32 v42, v5;
	v11 =	vmul.f32 v11, v39;
	_ =	sdelay $0x1  }
0x349: {  	v5 =	vadd.f32 v5, v41;
	v11 =	vsub.f32 $1.500000000e+00, v11;
	_ =	sdelay $0x1  }
0x34a: {  	[tilespmem:s18+$0xC030] =	vst v5;
	v5 =	vmul.f32 v11, v39  }
0x34b: {  	v44 =	vmov s2;
	v43 =	vld.idx.msk [tilespmem:v4+s17+$0x0 ss:$0x1], $0xffff  }
0x34c: {  	v10 =	vsub.f32 v10, v44;
	v45 =	vmul.f32 v5, v0;
	_ =	sdelay $0x1  }
0x34d: {  	v10 =	vmul.f32 v45, v10  }
0x34e: {  	s20 =	spop (v2sf)  }
0x34f: {  	v7 =	vadd.f32 v10, v43;
	s2 =	smul.f32 $1.562500000e-02, s20;
	_ =	sdelay $0x1  }
0x350: {  	[tilespmem:s17+$0xC000] =	vst v7;
	s29 =	spop (v2sf);
	s28 =	smul.f32 s2, s2  }
0x351: {  	v7 =	vld.idx.msk [tilespmem:v4+s17+$0x10 ss:$0x1], $0xffff;
	s19 =	smul.f32 $1.562500000e-02, s29  }
0x352: {  	v9 =	vsub.f32 v9, v44;
	v46 =	vmul.f32 v5, v1  }
0x353: {  	s18 =	ssub.f32 s19, s28  }
0x354: {  	v9 =	vmul.f32 v46, v9  }
0x355: {  	s18 =	sadd.f32 $9.999999740e-06, s18  }
0x356: {  	v7 =	vadd.f32 v9, v7  }
0x357: {  	v47 =	vmov s18  }
0x358: {  	[tilespmem:s17+$0xC010] =	vst v7;
	v48 =	vshra.s32 v47, $0x1;
	v9 =	vmul.f32 $5.000000000e-01, v47  }
0x359: {  	v49 =	vld.idx.msk [tilespmem:v4+s17+$0x20 ss:$0x1], $0xffff;
	v7 =	vsub.s32 $0x5F3759DF, v48  }
0x35a: {  	v8 =	vsub.f32 v8, v44;
	v50 =	vmul.f32 v5, v2;
	v51 =	vmul.f32 v7, v9;
	_ =	sdelay $0x1  }
0x35b: {  	v8 =	vmul.f32 v50, v8;
	v52 =	vmul.f32 v7, v51;
	_ =	sdelay $0x1  }
0x35c: {  	v8 =	vadd.f32 v8, v49;
	v53 =	vsub.f32 $1.500000000e+00, v52;
	_ =	sdelay $0x1  }
0x35d: {  	[tilespmem:s17+$0xC020] =	vst v8;
	v7 =	vmul.f32 v7, v53  }
0x35e: {  	v8 =	vld.idx.msk [tilespmem:v4+s17+$0x30 ss:$0x1], $0xffff  }
0x35f: {  	v6 =	vsub.f32 v6, v44;
	v5 =	vmul.f32 v5, v3;
	v9 =	vmul.f32 v7, v9;
	_ =	sdelay $0x1  }
0x360: {  	v5 =	vmul.f32 v5, v6;
	v54 =	vmul.f32 v9, v7;
	_ =	sdelay $0x1  }
0x361: {  	v5 =	vadd.f32 v5, v8;
	v6 =	vsub.f32 $1.500000000e+00, v54;
	_ =	sdelay $0x1  }
0x362: {  	[tilespmem:s17+$0xC030] =	vst v5;
	v5 =	vmul.f32 v6, v7  }
0x363: {  	v56 =	vmov s2;
	v55 =	vld.idx.msk [tilespmem:v4+s16+$0x0 ss:$0x1], $0xffff  }
0x364: {  	v57 =	vsub.f32 v14, v56;
	v58 =	vmul.f32 v5, v0;
	_ =	sdelay $0x1  }
0x365: {  	v8 =	vmul.f32 v58, v57;
	_ =	sdelay $0x1  }
0x366: {  	v6 =	vadd.f32 v8, v55;
	_ =	sdelay $0x1  }
0x367: {  	[tilespmem:s16+$0xC000] =	vst v6  }
0x368: {  	v6 =	vld.idx.msk [tilespmem:v4+s16+$0x10 ss:$0x1], $0xffff  }
0x369: {  	v59 =	vsub.f32 v15, v56;
	v60 =	vmul.f32 v5, v1;
	_ =	sdelay $0x1  }
0x36a: {  	v8 =	vmul.f32 v60, v59;
	_ =	sdelay $0x1  }
0x36b: {  	v6 =	vadd.f32 v8, v6;
	_ =	sdelay $0x1  }
0x36c: {  	[tilespmem:s16+$0xC010] =	vst v6  }
0x36d: {  	v6 =	vld.idx.msk [tilespmem:v4+s16+$0x20 ss:$0x1], $0xffff  }
0x36e: {  	v61 =	vsub.f32 v16, v56;
	v62 =	vmul.f32 v5, v2;
	_ =	sdelay $0x1  }
0x36f: {  	v8 =	vmul.f32 v62, v61;
	_ =	sdelay $0x1  }
0x370: {  	v6 =	vadd.f32 v8, v6;
	_ =	sdelay $0x1  }
0x371: {  	[tilespmem:s16+$0xC020] =	vst v6  }
0x372: {  	v4 =	vld.idx.msk [tilespmem:v4+s16+$0x30 ss:$0x1], $0xffff  }
0x373: {  	v63 =	vsub.f32 v17, v56;
	v5 =	vmul.f32 v5, v3;
	_ =	sdelay $0x1  }
0x374: {  	v5 =	vmul.f32 v5, v63  }
.Ltmp9:
0x375: {  	_ = 	snop;
	(pc) =	sbr.rel @p1 .LBB2_17-.Ltmp9, $4  }
0x376: {  	v4 =	vadd.f32 v5, v4  }
0x377: {  	s30 =	sshll.u32 s15, $0xA  }
0x378: {  	s2 =	sadd.s32 s30, s13;
	[tilespmem:s16+$0xC030] =	vst v4  }
0x379: {  	[hbm4b:s2+s3] =	stream.linear.scatter [tilespmem:s7], [sflag:$0x6], $0x2000, $0x38;
	[tilespmem:$0x1F180] =	vst v63  }
.Ltmp10:
0x37a: {  	s2 =	sshll.u32 s14, $0x7;
	(pc) =	sbr.rel .LBB2_11-.Ltmp10, $4  }
0x37b: {  	s14 =	sadd.s32 $0x1, s14;
	s15 =	sadd.s32 $0xC0, s2  }
0x37c: {  	[tilespmem:s4], [sflag:$0x2] =	stream.indirect.gather [hbm4b:s5+s0], $0x80, s15, s0, $0xb8;
	[tilespmem:$0x1F180] =	vst v63  }
0x37d: {  	s12 =	sadd.s32 $0x1, s12;
	s11 =	sadd.s32 $0x2, s11;
	s2 =	sadd.s32 $0x10C0, s2  }
0x37e: {  	[tilespmem:s21], [sflag:$0x4] =	stream.indirect.gather [hbm4b:s1+s0], $0x80, s2, s0, $0xb8;
	[tilespmem:$0x1F180] =	vst v63  }
.LBB2_17:
0x37f: {  	_ =	swait.ge [sflag:s8], $0x2000  }
0x380: {  	[sflag:s8] =	ssyncset.done $0x0  }
0x381: {  	[sflag:s8] =	ssyncadd.s32 $0xFFFFE000  }
0x382: {  	_ =	swait.ge [sflag:s9], $0x2000  }
0x383: {  	[sflag:s9] =	ssyncset.done $0x0  }
0x384: {  	s11 =	simm.s32 $0x0;
	s2 =	rddreg [dreg:$0xf];
	[sflag:s9] =	ssyncadd.s32 $0xFFFFE000  }
0x385: {  	[tilespmem:s11], [sflag:$0x8] =	stream.linear.gather [hbm4b:s2+s11], $0x1000, $0x38;
	[tilespmem:$0x1F180] =	vst v63  }
0x386: {  	_ =	swait.ge [sflag:s22], $0x1000  }
0x387: {  	[sflag:s22] =	ssyncset.done $0x0  }
0x388: {  	s20 =	rddreg [dreg:$0x10];
	[sflag:s22] =	ssyncadd.s32 $0xFFFFF000  }
0x389: {  	[tilespmem:s31], [sflag:$0x8] =	stream.linear.gather [hbm4b:s20+s11], $0x1000, $0x38;
	[tilespmem:$0x1F180] =	vst v63  }
0x38a: {  	_ =	swait.ge [sflag:s22], $0x1000  }
0x38b: {  	[sflag:s22] =	ssyncset.done $0x0  }
0x38c: {  	s28 =	simm.s32 $0x2000;
	[sflag:s22] =	ssyncadd.s32 $0xFFFFF000  }
0x38d: {  	[tilespmem:s28], [sflag:$0x1] =	stream.indirect.gather [hbm4b:s5+s0], $0x80, s11, s0, $0xb8;
	[tilespmem:$0x1F180] =	vst v63  }
0x38e: {  	s29 =	simm.s32 $0x6000  }
0x38f: {  	[tilespmem:s29], [sflag:$0x3] =	stream.indirect.gather [hbm4b:s1+s0], $0x80, s31, s0, $0xb8;
	[tilespmem:$0x1F180] =	vst v63  }
0x390: {  	_ = 	snop  }
0x391: {  	[tilespmem:s4], [sflag:$0x2] =	stream.indirect.gather [hbm4b:s5+s0], $0x80, s0, s0, $0xb8;
	[tilespmem:$0x1F180] =	vst v63  }
0x392: {  	s30 =	simm.s32 $0x1040;
	s12 =	simm.s32 $0x0;
	s14 =	simm.s32 $0x0  }
0x393: {  	[tilespmem:s21], [sflag:$0x4] =	stream.indirect.gather [hbm4b:s1+s0], $0x80, s30, s0, $0xb8;
	[tilespmem:$0x1F180] =	vst v63  }
.LBB2_18:
0x394: {  	_ =	swait.ge [sflag:s23], $0x2000  }
0x395: {  	[sflag:s23] =	ssyncset.done $0x0  }
0x396: {  	[sflag:s23] =	ssyncadd.s32 $0xFFFFE000  }
0x397: {  	_ =	swait.ge [sflag:s24], $0x2000  }
0x398: {  	p0 =	seq.s32 s14, $0x0;
	[sflag:s24] =	ssyncset.done $0x0  }
0x399: {  	s2 =	simm.s32 @!p0 $0x5;
	[sflag:s24] =	ssyncadd.s32 $0xFFFFE000  }
0x39a: {  	_ =	swait.ge @!p0 [sflag:s2], $0x2000  }
0x39b: {  	[sflag:s2] =	ssyncset.done @!p0 $0x0  }
0x39c: {  	s18 =	simm.s32 $0x0;
	[sflag:s2] =	ssyncadd.s32 @!p0 $0xFFFFE000  }
0x39d: {  	v4 =	vld [tilespmem:s18+$0x2000]  }
0x39e: {  	v5 =	vld [tilespmem:s18+$0x6040]  }
0x39f: {  	v6 =	vld [tilespmem:s18+$0x2010]  }
0x3a0: {  	v7 =	vld [tilespmem:s18+$0x6050]  }
0x3a1: {  	v8 =	vld [tilespmem:s18+$0x2020]  }
0x3a2: {  	v9 =	vld [tilespmem:s18+$0x6060]  }
0x3a3: {  	v10 =	vld [tilespmem:s18+$0x2030]  }
0x3a4: {  	v11 =	vld [tilespmem:s18+$0x6070];
	_ =	sdelay $0x3  }
0x3a5: {  	v4 =	vadd.f32 v5, v4;
	v5 =	vadd.f32 v7, v6  }
0x3a6: {  	v6 =	vadd.f32 v9, v8;
	v8 =	vadd.f32 v11, v10  }
0x3a7: {  	v18 =	vmax.f32 v4, $0.0e+00;
	v11 =	vmax.f32 v5, $0.0e+00  }
0x3a8: {  	v7 =	vmax.f32 v6, $0.0e+00;
	v5 =	vmax.f32 v8, $0.0e+00;
	v4 =	vadd.f32 v11, v18  }
0x3a9: {  	v6 =	vadd.f32 v5, v7;
	v8 =	vmul.f32 v18, v18;
	v9 =	vmul.f32 v11, v11  }
0x3aa: {  	v10 =	vmul.f32 v7, v7;
	v12 =	vmul.f32 v5, v5  }
0x3ab: {  	v4 =	vadd.f32 v6, v4  }
0x3ac: {  	v6 =	vadd.f32 v9, v8;
	v8 =	vadd.f32 v12, v10  }
0x3ad: {  	(xrf2) =	vadd.scan.msk.f32 $0xffff, v4  }
0x3ae: {  	v4 =	vadd.f32 v8, v6;
	_ =	sdelay $0x1  }
0x3af: {  	(xrf2) =	vadd.scan.msk.f32 $0xffff, v4;
	_ =	sdelay $0x6  }
0x3b0: {  	v4, _, _ =	vpop (xrf2)  }
0x3b1: {  	(v2sf) =	vpush v4, $0xF;
	_ =	sdelay $0x1  }
0x3b2: {  	v4, _, _ =	vpop (xrf2)  }
0x3b3: {  	(v2sf) =	vpush v4, $0xF;
	_ =	sdelay $0xb  }
0x3b4: {  	s17 =	simm.s32 $0x80;
	s28 =	spop (v2sf)  }
0x3b5: {  	v13 =	vld [tilespmem:s17+$0x2030];
	s2 =	smul.f32 $1.562500000e-02, s28  }
0x3b6: {  	v9 =	vld [tilespmem:s17+$0x6050]  }
0x3b7: {  	v10 =	vld [tilespmem:s17+$0x2020];
	s16 =	spop (v2sf);
	s15 =	smul.f32 s2, s2  }
0x3b8: {  	v12 =	vld [tilespmem:s17+$0x6060];
	s16 =	smul.f32 $1.562500000e-02, s16  }
0x3b9: {  	v6 =	vld [tilespmem:s17+$0x6040]  }
0x3ba: {  	v4 =	vld [tilespmem:s17+$0x2000];
	s15 =	ssub.f32 s16, s15  }
0x3bb: {  	v8 =	vld [tilespmem:s17+$0x2010]  }
0x3bc: {  	v14 =	vld [tilespmem:s17+$0x6070];
	s15 =	sadd.f32 $9.999999740e-06, s15;
	_ =	sdelay $0x1  }
0x3bd: {  	v15 =	vmov s15  }
0x3be: {  	v4 =	vadd.f32 v6, v4;
	v6 =	vshra.s32 v15, $0x1;
	v15 =	vmul.f32 $5.000000000e-01, v15  }
0x3bf: {  	v12 =	vadd.f32 v12, v10;
	v8 =	vadd.f32 v9, v8;
	v16 =	vsub.s32 $0x5F3759DF, v6  }
0x3c0: {  	v10 =	vmax.f32 v4, $0.0e+00;
	v6 =	vadd.f32 v14, v13;
	v4 =	vmul.f32 v16, v15  }
0x3c1: {  	v9 =	vmax.f32 v8, $0.0e+00;
	v8 =	vmax.f32 v12, $0.0e+00  }
0x3c2: {  	v17 =	vmul.f32 v8, v8;
	v6 =	vmax.f32 v6, $0.0e+00;
	v4 =	vmul.f32 v16, v4  }
0x3c3: {  	v12 =	vmul.f32 v10, v10;
	v14 =	vadd.f32 v9, v10;
	v20 =	vadd.f32 v6, v8  }
0x3c4: {  	v13 =	vmul.f32 v9, v9;
	v19 =	vmul.f32 v6, v6;
	v4 =	vsub.f32 $1.500000000e+00, v4  }
0x3c5: {  	v14 =	vadd.f32 v20, v14  }
0x3c6: {  	v12 =	vadd.f32 v13, v12;
	v13 =	vadd.f32 v19, v17;
	v16 =	vmul.f32 v16, v4  }
0x3c7: {  	(xrf2) =	vadd.scan.msk.f32 $0xffff, v14  }
0x3c8: {  	v12 =	vadd.f32 v13, v12;
	v13 =	vmul.f32 v16, v15;
	_ =	sdelay $0x1  }
0x3c9: {  	(xrf2) =	vadd.scan.msk.f32 $0xffff, v12;
	v12 =	vmul.f32 v13, v16;
	_ =	sdelay $0x1  }
0x3ca: {  	v12 =	vsub.f32 $1.500000000e+00, v12;
	_ =	sdelay $0x1  }
0x3cb: {  	v12 =	vmul.f32 v12, v16;
	_ =	sdelay $0x1  }
0x3cc: {  	v21 =	vmul.f32 v12, v0  }
0x3cd: {  	s29 =	sand.u32 $0x3, s12;
	v13 =	vmov s2;
	v23, _, _ =	vpop (xrf2)  }
0x3ce: {  	s15 =	sshll.u32 s29, $0xE;
	v20 =	vsub.f32 v18, v13;
	(v2sf) =	vpush v23, $0xF  }
0x3cf: {  	s15 =	sadd.s32 $0xE030, s15  }
0x3d0: {  	v4 =	vmov s15;
	v24 =	vmul.f32 v21, v20;
	v21, _, _ =	vpop (xrf2)  }
0x3d1: {  	s19 =	simm.s32 $0x100;
	(v2sf) =	vpush v21, $0xF  }
0x3d2: {  	v17 =	vld [tilespmem:s19+$0x6050]  }
0x3d3: {  	v19 =	vld [tilespmem:s19+$0x6060]  }
0x3d4: {  	v14 =	vld [tilespmem:s19+$0x2000]  }
0x3d5: {  	v22 =	vld.idx.msk [tilespmem:v4+s18+$0xFFFFFFD0 ss:$0x1], $0xffff  }
0x3d6: {  	v15 =	vld [tilespmem:s19+$0x6040]  }
0x3d7: {  	v18 =	vld [tilespmem:s19+$0x2020]  }
0x3d8: {  	v16 =	vld [tilespmem:s19+$0x2010]  }
0x3d9: {  	s30 =	sand.u32 $0x7, s11;
	v20 =	vld [tilespmem:s19+$0x2030]  }
0x3da: {  	s15 =	sshll.u32 s14, $0x1;
	s2 =	sshll.u32 s30, $0xD;
	v22 =	vadd.f32 v24, v22;
	v21 =	vld [tilespmem:s19+$0x6070]  }
0x3db: {  	s20 =	sand.u32 $0x6, s15;
	s16 =	sor.u32 $0x10000, s2;
	s2 =	simm.s32 $0x600  }
.LBB2_19:
0x3dc: {  	p1 =	sne.s32 s2, $0x7E00;
	[tilespmem:s18+$0xA000] =	vst v22  }
0x3dd: {  	v14 =	vadd.f32 v15, v14;
	s28 =	spop (v2sf);
	v15 =	vld.idx.msk [tilespmem:v4+s18+$0xFFFFFFE0 ss:$0x1], $0xffff  }
0x3de: {  	v16 =	vadd.f32 v17, v16;
	v17 =	vadd.f32 v19, v18;
	s28 =	smul.f32 $1.562500000e-02, s28  }
0x3df: {  	v19 =	vsub.f32 v11, v13;
	v11 =	vmovc v9;
	v18 =	vadd.f32 v21, v20;
	v20 =	vmul.f32 v12, v1  }
0x3e0: {  	v9 =	vmax.f32 v16, $0.0e+00;
	v21 =	vmax.f32 v14, $0.0e+00;
	v14 =	vmax.f32 v17, $0.0e+00;
	s29 =	smul.f32 s28, s28;
	s30 =	spop (v2sf)  }
0x3e1: {  	v17 =	vadd.f32 v9, v21;
	v16 =	vmax.f32 v18, $0.0e+00;
	s30 =	smul.f32 $1.562500000e-02, s30;
	v18 =	vmul.f32 v20, v19  }
0x3e2: {  	v22 =	vmul.f32 v9, v9;
	v20 =	vmul.f32 v21, v21;
	v19 =	vadd.f32 v16, v14  }
0x3e3: {  	v23 =	vmul.f32 v14, v14;
	v24 =	vmul.f32 v16, v16;
	s29 =	ssub.f32 s30, s29;
	v15 =	vadd.f32 v18, v15  }
0x3e4: {  	v17 =	vadd.f32 v19, v17  }
0x3e5: {  	v18 =	vadd.f32 v22, v20;
	v19 =	vadd.f32 v24, v23;
	s29 =	sadd.f32 $9.999999740e-06, s29;
	[tilespmem:s18+$0xA010] =	vst v15  }
0x3e6: {  	v15 =	vld.idx.msk [tilespmem:v4+s18+$0xFFFFFFF0 ss:$0x1], $0xffff  }
0x3e7: {  	v18 =	vadd.f32 v19, v18;
	v19 =	vsub.f32 v7, v13;
	v7 =	vmovc v8;
	(xrf2) =	vadd.scan.msk.f32 $0xffff, v17;
	v17 =	vmov s29  }
0x3e8: {  	v22 =	vmul.f32 v12, v2;
	v8 =	vmovc v14;
	v20 =	vshra.s32 v17, $0x1;
	v17 =	vmul.f32 $5.000000000e-01, v17  }
0x3e9: {  	v14 =	vsub.s32 $0x5F3759DF, v20  }
0x3ea: {  	v19 =	vmul.f32 v22, v19;
	(xrf2) =	vadd.scan.msk.f32 $0xffff, v18;
	v18 =	vmul.f32 v14, v17;
	_ =	sdelay $0x1  }
0x3eb: {  	v15 =	vadd.f32 v19, v15;
	v18 =	vmul.f32 v14, v18;
	_ =	sdelay $0x1  }
0x3ec: {  	v18 =	vsub.f32 $1.500000000e+00, v18;
	[tilespmem:s18+$0xA020] =	vst v15  }
0x3ed: {  	v15 =	vld.idx.msk [tilespmem:v4+s18+$0x0 ss:$0x1], $0xffff  }
0x3ee: {  	v18 =	vmul.f32 v14, v18  }
0x3ef: {  	v12 =	vmul.f32 v12, v3;
	v19 =	vsub.f32 v5, v13;
	v5 =	vmov v6;
	v14, _, _ =	vpop (xrf2)  }
0x3f0: {  	v6 =	vmov v16;
	(v2sf) =	vpush v14, $0xF;
	v14 =	vmul.f32 v18, v17  }
0x3f1: {  	v12 =	vmul.f32 v12, v19  }
0x3f2: {  	v13, _, _ =	vpop (xrf2);
	v16 =	vmul.f32 v14, v18  }
0x3f3: {  	s29 =	sshra.s32 s2, $0x2;
	v12 =	vadd.f32 v12, v15;
	(v2sf) =	vpush v13, $0xF  }
0x3f4: {  	v14 =	vld [tilespmem:s29+$0x2000];
	v13 =	vsub.f32 $1.500000000e+00, v16  }
0x3f5: {  	v15 =	vld [tilespmem:s29+$0x6040];
	[tilespmem:s18+$0xA030] =	vst v12;
	s18 =	smov.u32 s17;
	s17 =	smov.u32 s19;
	s19 =	smov.u32 s29  }
0x3f6: {  	v12 =	vmul.f32 v13, v18;
	v22 =	vld.idx.msk [tilespmem:v4+s18+$0xFFFFFFD0 ss:$0x1], $0xffff  }
0x3f7: {  	v13 =	vmov s28;
	v16 =	vld [tilespmem:s19+$0x2010]  }
0x3f8: {  	v20 =	vsub.f32 v10, v13;
	v10 =	vmov v21;
	v17 =	vld [tilespmem:s19+$0x6050];
	v23 =	vmul.f32 v12, v0  }
.Ltmp11:
0x3f9: {  	v18 =	vld [tilespmem:s19+$0x2020];
	(pc) =	sbr.rel @p1 .LBB2_19-.Ltmp11, $4  }
0x3fa: {  	v19 =	vld [tilespmem:s19+$0x6060];
	v23 =	vmul.f32 v23, v20  }
0x3fb: {  	v20 =	vld [tilespmem:s19+$0x2030]  }
0x3fc: {  	v21 =	vld [tilespmem:s19+$0x6070];
	v22 =	vadd.f32 v23, v22  }
0x3fd: {  	s2 =	sadd.s32 $0x200, s2  }
0x3fe: {  	_ =	sdelay $0x1  }
0x3ff: {  	v14 =	vadd.f32 v15, v14;
	v15 =	vadd.f32 v17, v16  }
0x400: {  	v16 =	vadd.f32 v19, v18;
	v17 =	vadd.f32 v21, v20  }
0x401: {  	s2 =	spop (v2sf);
	v14 =	vmax.f32 v14, $0.0e+00;
	v15 =	vmax.f32 v15, $0.0e+00  }
0x402: {  	s2 =	smul.f32 $1.562500000e-02, s2;
	v16 =	vmax.f32 v16, $0.0e+00;
	v18 =	vadd.f32 v15, v14;
	v17 =	vmax.f32 v17, $0.0e+00  }
0x403: {  	[tilespmem:s18+$0xA000] =	vst v22;
	v20 =	vmul.f32 v14, v14;
	v21 =	vmul.f32 v15, v15;
	v19 =	vadd.f32 v17, v16  }
0x404: {  	v22 =	vld.idx.msk [tilespmem:v4+s18+$0xFFFFFFE0 ss:$0x1], $0xffff;
	s28 =	smul.f32 s2, s2;
	s29 =	spop (v2sf);
	v23 =	vmul.f32 v16, v16;
	v24 =	vmul.f32 v17, v17  }
0x405: {  	v11 =	vsub.f32 v11, v13;
	s29 =	smul.f32 $1.562500000e-02, s29;
	v18 =	vadd.f32 v19, v18;
	v19 =	vmul.f32 v12, v1  }
0x406: {  	v20 =	vadd.f32 v21, v20;
	v21 =	vadd.f32 v24, v23  }
0x407: {  	s28 =	ssub.f32 s29, s28;
	v11 =	vmul.f32 v19, v11;
	(xrf2) =	vadd.scan.msk.f32 $0xffff, v18  }
0x408: {  	v18 =	vadd.f32 v21, v20  }
0x409: {  	s28 =	sadd.f32 $9.999999740e-06, s28;
	v11 =	vadd.f32 v11, v22  }
0x40a: {  	(xrf2) =	vadd.scan.msk.f32 $0xffff, v18  }
0x40b: {  	[tilespmem:s18+$0xA010] =	vst v11;
	v11 =	vmov s28  }
0x40c: {  	v18 =	vld.idx.msk [tilespmem:v4+s18+$0xFFFFFFF0 ss:$0x1], $0xffff;
	v19 =	vshra.s32 v11, $0x1;
	v11 =	vmul.f32 $5.000000000e-01, v11  }
0x40d: {  	v7 =	vsub.f32 v7, v13;
	v20 =	vmul.f32 v12, v2;
	v19 =	vsub.s32 $0x5F3759DF, v19  }
0x40e: {  	v21 =	vmul.f32 v19, v11  }
0x40f: {  	v7 =	vmul.f32 v20, v7  }
0x410: {  	v20 =	vmul.f32 v19, v21  }
0x411: {  	v7 =	vadd.f32 v7, v18;
	v18, _, _ =	vpop (xrf2)  }
0x412: {  	v20 =	vsub.f32 $1.500000000e+00, v20;
	(v2sf) =	vpush v18, $0xF;
	_ =	sdelay $0x1  }
0x413: {  	[tilespmem:s18+$0xA020] =	vst v7;
	v18, _, _ =	vpop (xrf2);
	v7 =	vmul.f32 v19, v20  }
0x414: {  	v19 =	vld.idx.msk [tilespmem:v4+s18+$0x0 ss:$0x1], $0xffff;
	(v2sf) =	vpush v18, $0xF  }
0x415: {  	v5 =	vsub.f32 v5, v13;
	v12 =	vmul.f32 v12, v3;
	v11 =	vmul.f32 v7, v11;
	_ =	sdelay $0x1  }
0x416: {  	v5 =	vmul.f32 v12, v5;
	v11 =	vmul.f32 v11, v7;
	_ =	sdelay $0x1  }
0x417: {  	v5 =	vadd.f32 v5, v19;
	v11 =	vsub.f32 $1.500000000e+00, v11;
	_ =	sdelay $0x1  }
0x418: {  	[tilespmem:s18+$0xA030] =	vst v5;
	v5 =	vmul.f32 v11, v7  }
0x419: {  	v7 =	vld.idx.msk [tilespmem:v4+s17+$0xFFFFFFD0 ss:$0x1], $0xffff;
	v11 =	vmov s2  }
0x41a: {  	v10 =	vsub.f32 v10, v11;
	v12 =	vmul.f32 v5, v0;
	_ =	sdelay $0x1  }
0x41b: {  	v10 =	vmul.f32 v12, v10  }
0x41c: {  	s28 =	spop (v2sf)  }
0x41d: {  	v7 =	vadd.f32 v10, v7;
	s2 =	smul.f32 $1.562500000e-02, s28;
	_ =	sdelay $0x1  }
0x41e: {  	s30 =	spop (v2sf);
	[tilespmem:s17+$0xA000] =	vst v7;
	s29 =	smul.f32 s2, s2  }
0x41f: {  	s28 =	smul.f32 $1.562500000e-02, s30;
	v7 =	vld.idx.msk [tilespmem:v4+s17+$0xFFFFFFE0 ss:$0x1], $0xffff  }
0x420: {  	v9 =	vsub.f32 v9, v11;
	v10 =	vmul.f32 v5, v1  }
0x421: {  	s18 =	ssub.f32 s28, s29  }
0x422: {  	v9 =	vmul.f32 v10, v9  }
0x423: {  	s18 =	sadd.f32 $9.999999740e-06, s18  }
0x424: {  	v7 =	vadd.f32 v9, v7  }
0x425: {  	v9 =	vmov s18  }
0x426: {  	[tilespmem:s17+$0xA010] =	vst v7;
	v7 =	vshra.s32 v9, $0x1;
	v9 =	vmul.f32 $5.000000000e-01, v9  }
0x427: {  	v10 =	vld.idx.msk [tilespmem:v4+s17+$0xFFFFFFF0 ss:$0x1], $0xffff;
	v7 =	vsub.s32 $0x5F3759DF, v7  }
0x428: {  	v8 =	vsub.f32 v8, v11;
	v12 =	vmul.f32 v5, v2;
	v13 =	vmul.f32 v7, v9;
	_ =	sdelay $0x1  }
0x429: {  	v8 =	vmul.f32 v12, v8;
	v12 =	vmul.f32 v7, v13;
	_ =	sdelay $0x1  }
0x42a: {  	v8 =	vadd.f32 v8, v10;
	v10 =	vsub.f32 $1.500000000e+00, v12;
	_ =	sdelay $0x1  }
0x42b: {  	[tilespmem:s17+$0xA020] =	vst v8;
	v7 =	vmul.f32 v7, v10  }
0x42c: {  	v8 =	vld.idx.msk [tilespmem:v4+s17+$0x0 ss:$0x1], $0xffff  }
0x42d: {  	v6 =	vsub.f32 v6, v11;
	v5 =	vmul.f32 v5, v3;
	v9 =	vmul.f32 v7, v9;
	_ =	sdelay $0x1  }
0x42e: {  	v5 =	vmul.f32 v5, v6;
	v6 =	vmul.f32 v9, v7;
	_ =	sdelay $0x1  }
0x42f: {  	v5 =	vadd.f32 v5, v8;
	v6 =	vsub.f32 $1.500000000e+00, v6;
	_ =	sdelay $0x1  }
0x430: {  	[tilespmem:s17+$0xA030] =	vst v5;
	v5 =	vmul.f32 v6, v7  }
0x431: {  	v7 =	vmov s2;
	v6 =	vld.idx.msk [tilespmem:v4+s19+$0xFFFFFFD0 ss:$0x1], $0xffff  }
0x432: {  	v8 =	vsub.f32 v14, v7;
	v9 =	vmul.f32 v5, v0;
	_ =	sdelay $0x1  }
0x433: {  	v8 =	vmul.f32 v9, v8;
	_ =	sdelay $0x1  }
0x434: {  	v6 =	vadd.f32 v8, v6;
	_ =	sdelay $0x1  }
0x435: {  	[tilespmem:s19+$0xA000] =	vst v6  }
0x436: {  	v6 =	vld.idx.msk [tilespmem:v4+s19+$0xFFFFFFE0 ss:$0x1], $0xffff  }
0x437: {  	v9 =	vmul.f32 v5, v1;
	v8 =	vsub.f32 v15, v7;
	_ =	sdelay $0x1  }
0x438: {  	v8 =	vmul.f32 v9, v8;
	_ =	sdelay $0x1  }
0x439: {  	v6 =	vadd.f32 v8, v6;
	_ =	sdelay $0x1  }
0x43a: {  	[tilespmem:s19+$0xA010] =	vst v6  }
0x43b: {  	v6 =	vld.idx.msk [tilespmem:v4+s19+$0xFFFFFFF0 ss:$0x1], $0xffff  }
0x43c: {  	v9 =	vmul.f32 v5, v2;
	v8 =	vsub.f32 v16, v7;
	_ =	sdelay $0x1  }
0x43d: {  	v8 =	vmul.f32 v9, v8;
	_ =	sdelay $0x1  }
0x43e: {  	v6 =	vadd.f32 v8, v6;
	_ =	sdelay $0x1  }
0x43f: {  	[tilespmem:s19+$0xA020] =	vst v6  }
0x440: {  	v4 =	vld.idx.msk [tilespmem:v4+s19+$0x0 ss:$0x1], $0xffff  }
0x441: {  	v5 =	vmul.f32 v5, v3;
	v6 =	vsub.f32 v17, v7;
	_ =	sdelay $0x1  }
0x442: {  	v5 =	vmul.f32 v5, v6;
	_ =	sdelay $0x1  }
0x443: {  	v4 =	vadd.f32 v5, v4  }
0x444: {  	p1 =	sne.s32 s20, $0x0;
	s2 =	sor.u32 $0x80, s15  }
0x445: {  	s17 =	sshll.u32 @!p1 s2, $0x4;
	[tilespmem:s19+$0xA030] =	vst v4  }
0x446: {  	s17 =	sand.u32 @!p1 $0x3FFFFFF0, s17;
	v4 =	vld @!p1 [tilespmem:$0xA000]  }
0x447: {  	v5 =	vld @!p1 [tilespmem:s17+$0x1E180];
	_ =	sdelay $0x4  }
0x448: {  	v4 =	vadd.f32 @!p1 v5, v4;
	_ =	sdelay $0x1  }
0x449: {  	[tilespmem:$0xA000] =	vst @!p1 v4;
	v4 =	vld @!p1 [tilespmem:$0xA010]  }
0x44a: {  	v5 =	vld @!p1 [tilespmem:s17+$0x1E190];
	_ =	sdelay $0x4  }
0x44b: {  	v4 =	vadd.f32 @!p1 v5, v4;
	_ =	sdelay $0x1  }
0x44c: {  	[tilespmem:$0xA010] =	vst @!p1 v4;
	v4 =	vld @!p1 [tilespmem:$0xA020]  }
0x44d: {  	v5 =	vld @!p1 [tilespmem:s17+$0x1E1A0];
	_ =	sdelay $0x4  }
0x44e: {  	v4 =	vadd.f32 @!p1 v5, v4;
	_ =	sdelay $0x1  }
0x44f: {  	[tilespmem:$0xA020] =	vst @!p1 v4;
	v4 =	vld @!p1 [tilespmem:$0xA030]  }
0x450: {  	v5 =	vld @!p1 [tilespmem:s17+$0x1E1B0];
	_ =	sdelay $0x4  }
0x451: {  	v4 =	vadd.f32 @!p1 v5, v4  }
0x452: {  	s2 =	sshll.u32 s2, $0xA  }
0x453: {  	s2 =	sadd.s32 s2, s13;
	[tilespmem:$0xA030] =	vst @!p1 v4;
	p1 =	seq.s32 s14, $0x1F  }
0x454: {  	[hbm4b:s2+s3] =	stream.linear.scatter [tilespmem:s25], [sflag:$0x5], $0x2000, $0x38;
	[tilespmem:$0x1F180] =	vst v63  }
0x455: {  	s2 =	sshll.u32 @!p1 s14, $0x7  }
0x456: {  	s18 =	simm.s32 @!p1 $0x40;
	s19 =	simm.s32 @!p1 $0x2000;
	s17 =	sadd.s32 @!p1 $0x80, s2  }
0x457: {  	[tilespmem:s19], [sflag:$0x1] =	stream.indirect.gather @!p1 [hbm4b:s5+s18], $0x80, s17, s18, $0xb8;
	[tilespmem:$0x1F180] =	vst v63  }
0x458: {  	s2 =	sadd.s32 @!p1 $0x1080, s2;
	s17 =	simm.s32 @!p1 $0x6000  }
0x459: {  	[tilespmem:s17], [sflag:$0x3] =	stream.indirect.gather @!p1 [hbm4b:s1+s18], $0x80, s2, s18, $0xb8;
	[tilespmem:$0x1F180] =	vst v63  }
0x45a: {  	_ =	swait.ge [sflag:s26], $0x2000  }
0x45b: {  	[sflag:s26] =	ssyncset.done $0x0  }
0x45c: {  	[sflag:s26] =	ssyncadd.s32 $0xFFFFE000  }
0x45d: {  	_ =	swait.ge [sflag:s6], $0x2000  }
0x45e: {  	[sflag:s6] =	ssyncset.done $0x0  }
0x45f: {  	s2 =	simm.s32 @!p0 $0x6;
	[sflag:s6] =	ssyncadd.s32 $0xFFFFE000  }
0x460: {  	_ =	swait.ge @!p0 [sflag:s2], $0x2000  }
0x461: {  	[sflag:s2] =	ssyncset.done @!p0 $0x0  }
0x462: {  	s18 =	simm.s32 $0x0;
	[sflag:s2] =	ssyncadd.s32 @!p0 $0xFFFFE000  }
0x463: {  	v4 =	vld [tilespmem:s18+$0x4000]  }
0x464: {  	v5 =	vld [tilespmem:s18+$0x8040]  }
0x465: {  	v6 =	vld [tilespmem:s18+$0x4010]  }
0x466: {  	v7 =	vld [tilespmem:s18+$0x8050]  }
0x467: {  	v8 =	vld [tilespmem:s18+$0x4020]  }
0x468: {  	v9 =	vld [tilespmem:s18+$0x8060]  }
0x469: {  	v10 =	vld [tilespmem:s18+$0x4030]  }
0x46a: {  	v11 =	vld [tilespmem:s18+$0x8070];
	_ =	sdelay $0x3  }
0x46b: {  	v4 =	vadd.f32 v5, v4;
	v5 =	vadd.f32 v7, v6  }
0x46c: {  	v6 =	vadd.f32 v9, v8;
	v8 =	vadd.f32 v11, v10  }
0x46d: {  	v18 =	vmax.f32 v4, $0.0e+00;
	v11 =	vmax.f32 v5, $0.0e+00  }
0x46e: {  	v7 =	vmax.f32 v6, $0.0e+00;
	v5 =	vmax.f32 v8, $0.0e+00;
	v4 =	vadd.f32 v11, v18  }
0x46f: {  	v6 =	vadd.f32 v5, v7;
	v8 =	vmul.f32 v18, v18;
	v9 =	vmul.f32 v11, v11  }
0x470: {  	v10 =	vmul.f32 v7, v7;
	v12 =	vmul.f32 v5, v5  }
0x471: {  	v4 =	vadd.f32 v6, v4  }
0x472: {  	v6 =	vadd.f32 v9, v8;
	v8 =	vadd.f32 v12, v10  }
0x473: {  	(xrf2) =	vadd.scan.msk.f32 $0xffff, v4  }
0x474: {  	v4 =	vadd.f32 v8, v6;
	_ =	sdelay $0x1  }
0x475: {  	(xrf2) =	vadd.scan.msk.f32 $0xffff, v4;
	_ =	sdelay $0x6  }
0x476: {  	v4, _, _ =	vpop (xrf2)  }
0x477: {  	(v2sf) =	vpush v4, $0xF;
	_ =	sdelay $0x1  }
0x478: {  	v4, _, _ =	vpop (xrf2)  }
0x479: {  	(v2sf) =	vpush v4, $0xF;
	_ =	sdelay $0xb  }
0x47a: {  	s17 =	simm.s32 $0x80;
	s28 =	spop (v2sf)  }
0x47b: {  	v13 =	vld [tilespmem:s17+$0x4030];
	s2 =	smul.f32 $1.562500000e-02, s28  }
0x47c: {  	v9 =	vld [tilespmem:s17+$0x8050]  }
0x47d: {  	v10 =	vld [tilespmem:s17+$0x4020];
	s30 =	spop (v2sf);
	s29 =	smul.f32 s2, s2  }
0x47e: {  	v12 =	vld [tilespmem:s17+$0x8060];
	s20 =	smul.f32 $1.562500000e-02, s30  }
0x47f: {  	v6 =	vld [tilespmem:s17+$0x8040]  }
0x480: {  	v4 =	vld [tilespmem:s17+$0x4000];
	s19 =	ssub.f32 s20, s29  }
0x481: {  	v8 =	vld [tilespmem:s17+$0x4010]  }
0x482: {  	v14 =	vld [tilespmem:s17+$0x8070];
	s19 =	sadd.f32 $9.999999740e-06, s19;
	_ =	sdelay $0x1  }
0x483: {  	v15 =	vmov s19  }
0x484: {  	v4 =	vadd.f32 v6, v4;
	v6 =	vshra.s32 v15, $0x1;
	v15 =	vmul.f32 $5.000000000e-01, v15  }
0x485: {  	v12 =	vadd.f32 v12, v10;
	v8 =	vadd.f32 v9, v8;
	v16 =	vsub.s32 $0x5F3759DF, v6  }
0x486: {  	v10 =	vmax.f32 v4, $0.0e+00;
	v6 =	vadd.f32 v14, v13;
	v4 =	vmul.f32 v16, v15  }
0x487: {  	v9 =	vmax.f32 v8, $0.0e+00;
	v8 =	vmax.f32 v12, $0.0e+00  }
0x488: {  	v17 =	vmul.f32 v8, v8;
	v6 =	vmax.f32 v6, $0.0e+00;
	v4 =	vmul.f32 v16, v4  }
0x489: {  	v12 =	vmul.f32 v10, v10;
	v14 =	vadd.f32 v9, v10;
	v20 =	vadd.f32 v6, v8  }
0x48a: {  	v13 =	vmul.f32 v9, v9;
	v19 =	vmul.f32 v6, v6;
	v4 =	vsub.f32 $1.500000000e+00, v4  }
0x48b: {  	v14 =	vadd.f32 v20, v14  }
0x48c: {  	v12 =	vadd.f32 v13, v12;
	v13 =	vadd.f32 v19, v17;
	v16 =	vmul.f32 v16, v4  }
0x48d: {  	(xrf2) =	vadd.scan.msk.f32 $0xffff, v14  }
0x48e: {  	v12 =	vadd.f32 v13, v12;
	v13 =	vmul.f32 v16, v15;
	_ =	sdelay $0x1  }
0x48f: {  	(xrf2) =	vadd.scan.msk.f32 $0xffff, v12;
	v12 =	vmul.f32 v13, v16;
	_ =	sdelay $0x1  }
0x490: {  	v12 =	vsub.f32 $1.500000000e+00, v12;
	_ =	sdelay $0x1  }
0x491: {  	v12 =	vmul.f32 v12, v16;
	_ =	sdelay $0x1  }
0x492: {  	v21 =	vmul.f32 v12, v0  }
0x493: {  	v13 =	vmov s2;
	v23, _, _ =	vpop (xrf2)  }
0x494: {  	v20 =	vsub.f32 v18, v13;
	(v2sf) =	vpush v23, $0xF;
	_ =	sdelay $0x1  }
0x495: {  	v4 =	vmov s16;
	v63 =	vmul.f32 v21, v20;
	v21, _, _ =	vpop (xrf2)  }
0x496: {  	s16 =	simm.s32 $0x100;
	(v2sf) =	vpush v21, $0xF  }
0x497: {  	v14 =	vld [tilespmem:s16+$0x4000]  }
0x498: {  	v17 =	vld [tilespmem:s16+$0x8050]  }
0x499: {  	v19 =	vld [tilespmem:s16+$0x8060]  }
0x49a: {  	v22 =	vld.idx.msk [tilespmem:v4+s18+$0x0 ss:$0x1], $0xffff  }
0x49b: {  	v15 =	vld [tilespmem:s16+$0x8040]  }
0x49c: {  	v18 =	vld [tilespmem:s16+$0x4020]  }
0x49d: {  	v16 =	vld [tilespmem:s16+$0x4010]  }
0x49e: {  	v20 =	vld [tilespmem:s16+$0x4030]  }
0x49f: {  	v22 =	vadd.f32 v63, v22;
	v21 =	vld [tilespmem:s16+$0x8070]  }
0x4a0: {  	s15 =	sor.u32 $0x81, s15;
	s2 =	simm.s32 $0x600  }
.LBB2_21:
0x4a1: {  	p0 =	sne.s32 s2, $0x7E00;
	[tilespmem:s18+$0xC000] =	vst v22  }
0x4a2: {  	v14 =	vadd.f32 v15, v14;
	s19 =	spop (v2sf);
	v15 =	vld.idx.msk [tilespmem:v4+s18+$0x10 ss:$0x1], $0xffff  }
0x4a3: {  	v16 =	vadd.f32 v17, v16;
	v17 =	vadd.f32 v19, v18;
	s19 =	smul.f32 $1.562500000e-02, s19  }
0x4a4: {  	v19 =	vsub.f32 v11, v13;
	v11 =	vmovc v9;
	v18 =	vadd.f32 v21, v20;
	v20 =	vmul.f32 v12, v1  }
0x4a5: {  	v9 =	vmax.f32 v16, $0.0e+00;
	v21 =	vmax.f32 v14, $0.0e+00;
	v14 =	vmax.f32 v17, $0.0e+00;
	s20 =	smul.f32 s19, s19;
	s28 =	spop (v2sf)  }
0x4a6: {  	v17 =	vadd.f32 v9, v21;
	v16 =	vmax.f32 v18, $0.0e+00;
	s28 =	smul.f32 $1.562500000e-02, s28;
	v18 =	vmul.f32 v20, v19  }
0x4a7: {  	v22 =	vmul.f32 v9, v9;
	v20 =	vmul.f32 v21, v21;
	v19 =	vadd.f32 v16, v14  }
0x4a8: {  	v23 =	vmul.f32 v14, v14;
	v24 =	vmul.f32 v16, v16;
	s20 =	ssub.f32 s28, s20;
	v15 =	vadd.f32 v18, v15  }
0x4a9: {  	v17 =	vadd.f32 v19, v17  }
0x4aa: {  	v18 =	vadd.f32 v22, v20;
	v19 =	vadd.f32 v24, v23;
	s20 =	sadd.f32 $9.999999740e-06, s20;
	[tilespmem:s18+$0xC010] =	vst v15  }
0x4ab: {  	v15 =	vld.idx.msk [tilespmem:v4+s18+$0x20 ss:$0x1], $0xffff  }
0x4ac: {  	v18 =	vadd.f32 v19, v18;
	v19 =	vsub.f32 v7, v13;
	v7 =	vmovc v8;
	(xrf2) =	vadd.scan.msk.f32 $0xffff, v17;
	v17 =	vmov s20  }
0x4ad: {  	v22 =	vmul.f32 v12, v2;
	v8 =	vmovc v14;
	v20 =	vshra.s32 v17, $0x1;
	v17 =	vmul.f32 $5.000000000e-01, v17  }
0x4ae: {  	v14 =	vsub.s32 $0x5F3759DF, v20  }
0x4af: {  	v19 =	vmul.f32 v22, v19;
	(xrf2) =	vadd.scan.msk.f32 $0xffff, v18;
	v18 =	vmul.f32 v14, v17;
	_ =	sdelay $0x1  }
0x4b0: {  	v15 =	vadd.f32 v19, v15;
	v18 =	vmul.f32 v14, v18;
	_ =	sdelay $0x1  }
0x4b1: {  	v18 =	vsub.f32 $1.500000000e+00, v18;
	[tilespmem:s18+$0xC020] =	vst v15  }
0x4b2: {  	v15 =	vld.idx.msk [tilespmem:v4+s18+$0x30 ss:$0x1], $0xffff  }
0x4b3: {  	v18 =	vmul.f32 v14, v18  }
0x4b4: {  	v12 =	vmul.f32 v12, v3;
	v19 =	vsub.f32 v5, v13;
	v5 =	vmov v6;
	v14, _, _ =	vpop (xrf2)  }
0x4b5: {  	v6 =	vmov v16;
	(v2sf) =	vpush v14, $0xF;
	v14 =	vmul.f32 v18, v17  }
0x4b6: {  	v12 =	vmul.f32 v12, v19  }
0x4b7: {  	v13, _, _ =	vpop (xrf2);
	v16 =	vmul.f32 v14, v18  }
0x4b8: {  	s20 =	sshra.s32 s2, $0x2;
	v12 =	vadd.f32 v12, v15;
	(v2sf) =	vpush v13, $0xF  }
0x4b9: {  	v14 =	vld [tilespmem:s20+$0x4000];
	v13 =	vsub.f32 $1.500000000e+00, v16  }
0x4ba: {  	v15 =	vld [tilespmem:s20+$0x8040];
	[tilespmem:s18+$0xC030] =	vst v12;
	s18 =	smov.u32 s17;
	s17 =	smov.u32 s16;
	s16 =	smov.u32 s20  }
0x4bb: {  	v12 =	vmul.f32 v13, v18;
	v22 =	vld.idx.msk [tilespmem:v4+s18+$0x0 ss:$0x1], $0xffff  }
0x4bc: {  	v13 =	vmov s19;
	v16 =	vld [tilespmem:s16+$0x4010]  }
0x4bd: {  	v20 =	vsub.f32 v10, v13;
	v10 =	vmov v21;
	v17 =	vld [tilespmem:s16+$0x8050];
	v23 =	vmul.f32 v12, v0  }
.Ltmp12:
0x4be: {  	v18 =	vld [tilespmem:s16+$0x4020];
	(pc) =	sbr.rel @p0 .LBB2_21-.Ltmp12, $4  }
0x4bf: {  	v19 =	vld [tilespmem:s16+$0x8060];
	v23 =	vmul.f32 v23, v20  }
0x4c0: {  	v20 =	vld [tilespmem:s16+$0x4030]  }
0x4c1: {  	v21 =	vld [tilespmem:s16+$0x8070];
	v22 =	vadd.f32 v23, v22  }
0x4c2: {  	s2 =	sadd.s32 $0x200, s2  }
0x4c3: {  	_ =	sdelay $0x1  }
0x4c4: {  	v14 =	vadd.f32 v15, v14;
	v58 =	vadd.f32 v17, v16  }
0x4c5: {  	v59 =	vadd.f32 v19, v18;
	v60 =	vadd.f32 v21, v20  }
0x4c6: {  	s2 =	spop (v2sf);
	v14 =	vmax.f32 v14, $0.0e+00;
	v15 =	vmax.f32 v58, $0.0e+00  }
0x4c7: {  	s2 =	smul.f32 $1.562500000e-02, s2;
	v16 =	vmax.f32 v59, $0.0e+00;
	v61 =	vadd.f32 v15, v14;
	v17 =	vmax.f32 v60, $0.0e+00  }
0x4c8: {  	[tilespmem:s18+$0xC000] =	vst v22;
	v63 =	vmul.f32 v14, v14;
	v28 =	vmul.f32 v15, v15;
	v62 =	vadd.f32 v17, v16  }
0x4c9: {  	v22 =	vld.idx.msk [tilespmem:v4+s18+$0x10 ss:$0x1], $0xffff;
	s19 =	smul.f32 s2, s2;
	s20 =	spop (v2sf);
	v23 =	vmul.f32 v16, v16;
	v24 =	vmul.f32 v17, v17  }
0x4ca: {  	v11 =	vsub.f32 v11, v13;
	v29 =	vmul.f32 v12, v1;
	s20 =	smul.f32 $1.562500000e-02, s20;
	v18 =	vadd.f32 v62, v61  }
0x4cb: {  	v20 =	vadd.f32 v28, v63;
	v30 =	vadd.f32 v24, v23  }
0x4cc: {  	v11 =	vmul.f32 v29, v11;
	s19 =	ssub.f32 s20, s19;
	(xrf2) =	vadd.scan.msk.f32 $0xffff, v18  }
0x4cd: {  	v31 =	vadd.f32 v30, v20  }
0x4ce: {  	v11 =	vadd.f32 v11, v22;
	s19 =	sadd.f32 $9.999999740e-06, s19  }
0x4cf: {  	(xrf2) =	vadd.scan.msk.f32 $0xffff, v31  }
0x4d0: {  	[tilespmem:s18+$0xC010] =	vst v11;
	v32 =	vmov s19  }
0x4d1: {  	v33 =	vld.idx.msk [tilespmem:v4+s18+$0x20 ss:$0x1], $0xffff;
	v34 =	vshra.s32 v32, $0x1;
	v11 =	vmul.f32 $5.000000000e-01, v32  }
0x4d2: {  	v7 =	vsub.f32 v7, v13;
	v35 =	vmul.f32 v12, v2;
	v19 =	vsub.s32 $0x5F3759DF, v34  }
0x4d3: {  	v36 =	vmul.f32 v19, v11  }
0x4d4: {  	v7 =	vmul.f32 v35, v7  }
0x4d5: {  	v37 =	vmul.f32 v19, v36  }
0x4d6: {  	v7 =	vadd.f32 v7, v33;
	v38, _, _ =	vpop (xrf2)  }
0x4d7: {  	v20 =	vsub.f32 $1.500000000e+00, v37;
	(v2sf) =	vpush v38, $0xF;
	_ =	sdelay $0x1  }
0x4d8: {  	[tilespmem:s18+$0xC020] =	vst v7;
	v39 =	vmul.f32 v19, v20;
	v40, _, _ =	vpop (xrf2)  }
0x4d9: {  	v41 =	vld.idx.msk [tilespmem:v4+s18+$0x30 ss:$0x1], $0xffff;
	(v2sf) =	vpush v40, $0xF  }
0x4da: {  	v5 =	vsub.f32 v5, v13;
	v42 =	vmul.f32 v12, v3;
	v11 =	vmul.f32 v39, v11;
	_ =	sdelay $0x1  }
0x4db: {  	v5 =	vmul.f32 v42, v5;
	v11 =	vmul.f32 v11, v39;
	_ =	sdelay $0x1  }
0x4dc: {  	v5 =	vadd.f32 v5, v41;
	v11 =	vsub.f32 $1.500000000e+00, v11;
	_ =	sdelay $0x1  }
0x4dd: {  	[tilespmem:s18+$0xC030] =	vst v5;
	v5 =	vmul.f32 v11, v39  }
0x4de: {  	v44 =	vmov s2;
	v43 =	vld.idx.msk [tilespmem:v4+s17+$0x0 ss:$0x1], $0xffff  }
0x4df: {  	v10 =	vsub.f32 v10, v44;
	v45 =	vmul.f32 v5, v0;
	_ =	sdelay $0x1  }
0x4e0: {  	v10 =	vmul.f32 v45, v10  }
0x4e1: {  	s20 =	spop (v2sf)  }
0x4e2: {  	v7 =	vadd.f32 v10, v43;
	s2 =	smul.f32 $1.562500000e-02, s20;
	_ =	sdelay $0x1  }
0x4e3: {  	[tilespmem:s17+$0xC000] =	vst v7;
	s29 =	spop (v2sf);
	s28 =	smul.f32 s2, s2  }
0x4e4: {  	v7 =	vld.idx.msk [tilespmem:v4+s17+$0x10 ss:$0x1], $0xffff;
	s19 =	smul.f32 $1.562500000e-02, s29  }
0x4e5: {  	v9 =	vsub.f32 v9, v44;
	v46 =	vmul.f32 v5, v1  }
0x4e6: {  	s18 =	ssub.f32 s19, s28  }
0x4e7: {  	v9 =	vmul.f32 v46, v9  }
0x4e8: {  	s18 =	sadd.f32 $9.999999740e-06, s18  }
0x4e9: {  	v7 =	vadd.f32 v9, v7  }
0x4ea: {  	v47 =	vmov s18  }
0x4eb: {  	[tilespmem:s17+$0xC010] =	vst v7;
	v48 =	vshra.s32 v47, $0x1;
	v9 =	vmul.f32 $5.000000000e-01, v47  }
0x4ec: {  	v49 =	vld.idx.msk [tilespmem:v4+s17+$0x20 ss:$0x1], $0xffff;
	v7 =	vsub.s32 $0x5F3759DF, v48  }
0x4ed: {  	v8 =	vsub.f32 v8, v44;
	v50 =	vmul.f32 v5, v2;
	v51 =	vmul.f32 v7, v9;
	_ =	sdelay $0x1  }
0x4ee: {  	v8 =	vmul.f32 v50, v8;
	v52 =	vmul.f32 v7, v51;
	_ =	sdelay $0x1  }
0x4ef: {  	v8 =	vadd.f32 v8, v49;
	v53 =	vsub.f32 $1.500000000e+00, v52;
	_ =	sdelay $0x1  }
0x4f0: {  	[tilespmem:s17+$0xC020] =	vst v8;
	v7 =	vmul.f32 v7, v53  }
0x4f1: {  	v8 =	vld.idx.msk [tilespmem:v4+s17+$0x30 ss:$0x1], $0xffff  }
0x4f2: {  	v6 =	vsub.f32 v6, v44;
	v5 =	vmul.f32 v5, v3;
	v9 =	vmul.f32 v7, v9;
	_ =	sdelay $0x1  }
0x4f3: {  	v5 =	vmul.f32 v5, v6;
	v54 =	vmul.f32 v9, v7;
	_ =	sdelay $0x1  }
0x4f4: {  	v5 =	vadd.f32 v5, v8;
	v6 =	vsub.f32 $1.500000000e+00, v54;
	_ =	sdelay $0x1  }
0x4f5: {  	[tilespmem:s17+$0xC030] =	vst v5;
	v5 =	vmul.f32 v6, v7  }
0x4f6: {  	v56 =	vmov s2;
	v55 =	vld.idx.msk [tilespmem:v4+s16+$0x0 ss:$0x1], $0xffff  }
0x4f7: {  	v57 =	vsub.f32 v14, v56;
	v58 =	vmul.f32 v5, v0;
	_ =	sdelay $0x1  }
0x4f8: {  	v8 =	vmul.f32 v58, v57;
	_ =	sdelay $0x1  }
0x4f9: {  	v6 =	vadd.f32 v8, v55;
	_ =	sdelay $0x1  }
0x4fa: {  	[tilespmem:s16+$0xC000] =	vst v6  }
0x4fb: {  	v6 =	vld.idx.msk [tilespmem:v4+s16+$0x10 ss:$0x1], $0xffff  }
0x4fc: {  	v59 =	vsub.f32 v15, v56;
	v60 =	vmul.f32 v5, v1;
	_ =	sdelay $0x1  }
0x4fd: {  	v8 =	vmul.f32 v60, v59;
	_ =	sdelay $0x1  }
0x4fe: {  	v6 =	vadd.f32 v8, v6;
	_ =	sdelay $0x1  }
0x4ff: {  	[tilespmem:s16+$0xC010] =	vst v6  }
0x500: {  	v6 =	vld.idx.msk [tilespmem:v4+s16+$0x20 ss:$0x1], $0xffff  }
0x501: {  	v61 =	vsub.f32 v16, v56;
	v62 =	vmul.f32 v5, v2;
	_ =	sdelay $0x1  }
0x502: {  	v8 =	vmul.f32 v62, v61;
	_ =	sdelay $0x1  }
0x503: {  	v6 =	vadd.f32 v8, v6;
	_ =	sdelay $0x1  }
0x504: {  	[tilespmem:s16+$0xC020] =	vst v6  }
0x505: {  	v4 =	vld.idx.msk [tilespmem:v4+s16+$0x30 ss:$0x1], $0xffff  }
0x506: {  	v63 =	vsub.f32 v17, v56;
	v5 =	vmul.f32 v5, v3;
	_ =	sdelay $0x1  }
0x507: {  	v5 =	vmul.f32 v5, v63  }
.Ltmp13:
0x508: {  	_ = 	snop;
	(pc) =	sbr.rel @p1 .LBB2_24-.Ltmp13, $4  }
0x509: {  	v4 =	vadd.f32 v5, v4  }
0x50a: {  	s30 =	sshll.u32 s15, $0xA  }
0x50b: {  	s2 =	sadd.s32 s30, s13;
	[tilespmem:s16+$0xC030] =	vst v4  }
0x50c: {  	[hbm4b:s2+s3] =	stream.linear.scatter [tilespmem:s7], [sflag:$0x6], $0x2000, $0x38;
	[tilespmem:$0x1F180] =	vst v63  }
.Ltmp14:
0x50d: {  	s2 =	sshll.u32 s14, $0x7;
	(pc) =	sbr.rel .LBB2_18-.Ltmp14, $4  }
0x50e: {  	s14 =	sadd.s32 $0x1, s14;
	s15 =	sadd.s32 $0xC0, s2  }
0x50f: {  	[tilespmem:s4], [sflag:$0x2] =	stream.indirect.gather [hbm4b:s5+s0], $0x80, s15, s0, $0xb8;
	[tilespmem:$0x1F180] =	vst v63  }
0x510: {  	s12 =	sadd.s32 $0x1, s12;
	s11 =	sadd.s32 $0x2, s11;
	s2 =	sadd.s32 $0x10C0, s2  }
0x511: {  	[tilespmem:s21], [sflag:$0x4] =	stream.indirect.gather [hbm4b:s1+s0], $0x80, s2, s0, $0xb8;
	[tilespmem:$0x1F180] =	vst v63  }
.LBB2_24:
0x512: {  	_ =	swait.ge [sflag:s8], $0x2000  }
0x513: {  	[sflag:s8] =	ssyncset.done $0x0  }
0x514: {  	[sflag:s8] =	ssyncadd.s32 $0xFFFFE000  }
0x515: {  	_ =	swait.ge [sflag:s9], $0x2000  }
0x516: {  	[sflag:s9] =	ssyncset.done $0x0  }
0x517: {  	s11 =	simm.s32 $0x0;
	s2 =	rddreg [dreg:$0x11];
	[sflag:s9] =	ssyncadd.s32 $0xFFFFE000  }
0x518: {  	[tilespmem:s11], [sflag:$0x8] =	stream.linear.gather [hbm4b:s2+s11], $0x1000, $0x38;
	[tilespmem:$0x1F180] =	vst v63  }
0x519: {  	_ =	swait.ge [sflag:s22], $0x1000  }
0x51a: {  	[sflag:s22] =	ssyncset.done $0x0  }
0x51b: {  	s20 =	rddreg [dreg:$0x12];
	[sflag:s22] =	ssyncadd.s32 $0xFFFFF000  }
0x51c: {  	[tilespmem:s31], [sflag:$0x8] =	stream.linear.gather [hbm4b:s20+s11], $0x1000, $0x38;
	[tilespmem:$0x1F180] =	vst v63  }
0x51d: {  	_ =	swait.ge [sflag:s22], $0x1000  }
0x51e: {  	[sflag:s22] =	ssyncset.done $0x0  }
0x51f: {  	s28 =	simm.s32 $0x2000;
	[sflag:s22] =	ssyncadd.s32 $0xFFFFF000  }
0x520: {  	[tilespmem:s28], [sflag:$0x1] =	stream.indirect.gather [hbm4b:s5+s0], $0x80, s11, s0, $0xb8;
	[tilespmem:$0x1F180] =	vst v63  }
0x521: {  	s29 =	simm.s32 $0x6000  }
0x522: {  	[tilespmem:s29], [sflag:$0x3] =	stream.indirect.gather [hbm4b:s1+s0], $0x80, s31, s0, $0xb8;
	[tilespmem:$0x1F180] =	vst v63  }
0x523: {  	_ = 	snop  }
0x524: {  	[tilespmem:s4], [sflag:$0x2] =	stream.indirect.gather [hbm4b:s5+s0], $0x80, s0, s0, $0xb8;
	[tilespmem:$0x1F180] =	vst v63  }
0x525: {  	s30 =	simm.s32 $0x1040;
	s12 =	simm.s32 $0x0;
	s14 =	simm.s32 $0x0  }
0x526: {  	[tilespmem:s21], [sflag:$0x4] =	stream.indirect.gather [hbm4b:s1+s0], $0x80, s30, s0, $0xb8;
	[tilespmem:$0x1F180] =	vst v63  }
.LBB2_25:
0x527: {  	_ =	swait.ge [sflag:s23], $0x2000  }
0x528: {  	[sflag:s23] =	ssyncset.done $0x0  }
0x529: {  	[sflag:s23] =	ssyncadd.s32 $0xFFFFE000  }
0x52a: {  	_ =	swait.ge [sflag:s24], $0x2000  }
0x52b: {  	p0 =	seq.s32 s14, $0x0;
	[sflag:s24] =	ssyncset.done $0x0  }
0x52c: {  	s2 =	simm.s32 @!p0 $0x5;
	[sflag:s24] =	ssyncadd.s32 $0xFFFFE000  }
0x52d: {  	_ =	swait.ge @!p0 [sflag:s2], $0x2000  }
0x52e: {  	[sflag:s2] =	ssyncset.done @!p0 $0x0  }
0x52f: {  	s18 =	simm.s32 $0x0;
	[sflag:s2] =	ssyncadd.s32 @!p0 $0xFFFFE000  }
0x530: {  	v4 =	vld [tilespmem:s18+$0x2000]  }
0x531: {  	v5 =	vld [tilespmem:s18+$0x6040]  }
0x532: {  	v6 =	vld [tilespmem:s18+$0x2010]  }
0x533: {  	v7 =	vld [tilespmem:s18+$0x6050]  }
0x534: {  	v8 =	vld [tilespmem:s18+$0x2020]  }
0x535: {  	v9 =	vld [tilespmem:s18+$0x6060]  }
0x536: {  	v10 =	vld [tilespmem:s18+$0x2030]  }
0x537: {  	v11 =	vld [tilespmem:s18+$0x6070];
	_ =	sdelay $0x3  }
0x538: {  	v4 =	vadd.f32 v5, v4;
	v5 =	vadd.f32 v7, v6  }
0x539: {  	v6 =	vadd.f32 v9, v8;
	v8 =	vadd.f32 v11, v10  }
0x53a: {  	v18 =	vmax.f32 v4, $0.0e+00;
	v11 =	vmax.f32 v5, $0.0e+00  }
0x53b: {  	v7 =	vmax.f32 v6, $0.0e+00;
	v5 =	vmax.f32 v8, $0.0e+00;
	v4 =	vadd.f32 v11, v18  }
0x53c: {  	v6 =	vadd.f32 v5, v7;
	v8 =	vmul.f32 v18, v18;
	v9 =	vmul.f32 v11, v11  }
0x53d: {  	v10 =	vmul.f32 v7, v7;
	v12 =	vmul.f32 v5, v5  }
0x53e: {  	v4 =	vadd.f32 v6, v4  }
0x53f: {  	v6 =	vadd.f32 v9, v8;
	v8 =	vadd.f32 v12, v10  }
0x540: {  	(xrf2) =	vadd.scan.msk.f32 $0xffff, v4  }
0x541: {  	v4 =	vadd.f32 v8, v6;
	_ =	sdelay $0x1  }
0x542: {  	(xrf2) =	vadd.scan.msk.f32 $0xffff, v4;
	_ =	sdelay $0x6  }
0x543: {  	v4, _, _ =	vpop (xrf2)  }
0x544: {  	(v2sf) =	vpush v4, $0xF;
	_ =	sdelay $0x1  }
0x545: {  	v4, _, _ =	vpop (xrf2)  }
0x546: {  	(v2sf) =	vpush v4, $0xF;
	_ =	sdelay $0xb  }
0x547: {  	s17 =	simm.s32 $0x80;
	s28 =	spop (v2sf)  }
0x548: {  	v13 =	vld [tilespmem:s17+$0x2030];
	s2 =	smul.f32 $1.562500000e-02, s28  }
0x549: {  	v9 =	vld [tilespmem:s17+$0x6050]  }
0x54a: {  	v10 =	vld [tilespmem:s17+$0x2020];
	s16 =	spop (v2sf);
	s15 =	smul.f32 s2, s2  }
0x54b: {  	v12 =	vld [tilespmem:s17+$0x6060];
	s16 =	smul.f32 $1.562500000e-02, s16  }
0x54c: {  	v6 =	vld [tilespmem:s17+$0x6040]  }
0x54d: {  	v4 =	vld [tilespmem:s17+$0x2000];
	s15 =	ssub.f32 s16, s15  }
0x54e: {  	v8 =	vld [tilespmem:s17+$0x2010]  }
0x54f: {  	v14 =	vld [tilespmem:s17+$0x6070];
	s15 =	sadd.f32 $9.999999740e-06, s15;
	_ =	sdelay $0x1  }
0x550: {  	v15 =	vmov s15  }
0x551: {  	v4 =	vadd.f32 v6, v4;
	v6 =	vshra.s32 v15, $0x1;
	v15 =	vmul.f32 $5.000000000e-01, v15  }
0x552: {  	v12 =	vadd.f32 v12, v10;
	v8 =	vadd.f32 v9, v8;
	v16 =	vsub.s32 $0x5F3759DF, v6  }
0x553: {  	v10 =	vmax.f32 v4, $0.0e+00;
	v6 =	vadd.f32 v14, v13;
	v4 =	vmul.f32 v16, v15  }
0x554: {  	v9 =	vmax.f32 v8, $0.0e+00;
	v8 =	vmax.f32 v12, $0.0e+00  }
0x555: {  	v17 =	vmul.f32 v8, v8;
	v6 =	vmax.f32 v6, $0.0e+00;
	v4 =	vmul.f32 v16, v4  }
0x556: {  	v12 =	vmul.f32 v10, v10;
	v14 =	vadd.f32 v9, v10;
	v20 =	vadd.f32 v6, v8  }
0x557: {  	v13 =	vmul.f32 v9, v9;
	v19 =	vmul.f32 v6, v6;
	v4 =	vsub.f32 $1.500000000e+00, v4  }
0x558: {  	v14 =	vadd.f32 v20, v14  }
0x559: {  	v12 =	vadd.f32 v13, v12;
	v13 =	vadd.f32 v19, v17;
	v16 =	vmul.f32 v16, v4  }
0x55a: {  	(xrf2) =	vadd.scan.msk.f32 $0xffff, v14  }
0x55b: {  	v12 =	vadd.f32 v13, v12;
	v13 =	vmul.f32 v16, v15;
	_ =	sdelay $0x1  }
0x55c: {  	(xrf2) =	vadd.scan.msk.f32 $0xffff, v12;
	v12 =	vmul.f32 v13, v16;
	_ =	sdelay $0x1  }
0x55d: {  	v12 =	vsub.f32 $1.500000000e+00, v12;
	_ =	sdelay $0x1  }
0x55e: {  	v12 =	vmul.f32 v12, v16;
	_ =	sdelay $0x1  }
0x55f: {  	v21 =	vmul.f32 v12, v0  }
0x560: {  	s29 =	sand.u32 $0x3, s12;
	v13 =	vmov s2;
	v23, _, _ =	vpop (xrf2)  }
0x561: {  	s15 =	sshll.u32 s29, $0xE;
	v20 =	vsub.f32 v18, v13;
	(v2sf) =	vpush v23, $0xF  }
0x562: {  	s15 =	sadd.s32 $0xE030, s15  }
0x563: {  	v4 =	vmov s15;
	v24 =	vmul.f32 v21, v20;
	v21, _, _ =	vpop (xrf2)  }
0x564: {  	s19 =	simm.s32 $0x100;
	(v2sf) =	vpush v21, $0xF  }
0x565: {  	v17 =	vld [tilespmem:s19+$0x6050]  }
0x566: {  	v19 =	vld [tilespmem:s19+$0x6060]  }
0x567: {  	v14 =	vld [tilespmem:s19+$0x2000]  }
0x568: {  	v22 =	vld.idx.msk [tilespmem:v4+s18+$0xFFFFFFD0 ss:$0x1], $0xffff  }
0x569: {  	v15 =	vld [tilespmem:s19+$0x6040]  }
0x56a: {  	v18 =	vld [tilespmem:s19+$0x2020]  }
0x56b: {  	v16 =	vld [tilespmem:s19+$0x2010]  }
0x56c: {  	s30 =	sand.u32 $0x7, s11;
	v20 =	vld [tilespmem:s19+$0x2030]  }
0x56d: {  	s15 =	sshll.u32 s14, $0x1;
	s2 =	sshll.u32 s30, $0xD;
	v22 =	vadd.f32 v24, v22;
	v21 =	vld [tilespmem:s19+$0x6070]  }
0x56e: {  	s20 =	sand.u32 $0x6, s15;
	s16 =	sor.u32 $0x10000, s2;
	s2 =	simm.s32 $0x600  }
.LBB2_26:
0x56f: {  	p1 =	sne.s32 s2, $0x7E00;
	[tilespmem:s18+$0xA000] =	vst v22  }
0x570: {  	v14 =	vadd.f32 v15, v14;
	s28 =	spop (v2sf);
	v15 =	vld.idx.msk [tilespmem:v4+s18+$0xFFFFFFE0 ss:$0x1], $0xffff  }
0x571: {  	v16 =	vadd.f32 v17, v16;
	v17 =	vadd.f32 v19, v18;
	s28 =	smul.f32 $1.562500000e-02, s28  }
0x572: {  	v19 =	vsub.f32 v11, v13;
	v11 =	vmovc v9;
	v18 =	vadd.f32 v21, v20;
	v20 =	vmul.f32 v12, v1  }
0x573: {  	v9 =	vmax.f32 v16, $0.0e+00;
	v21 =	vmax.f32 v14, $0.0e+00;
	v14 =	vmax.f32 v17, $0.0e+00;
	s29 =	smul.f32 s28, s28;
	s30 =	spop (v2sf)  }
0x574: {  	v17 =	vadd.f32 v9, v21;
	v16 =	vmax.f32 v18, $0.0e+00;
	s30 =	smul.f32 $1.562500000e-02, s30;
	v18 =	vmul.f32 v20, v19  }
0x575: {  	v22 =	vmul.f32 v9, v9;
	v20 =	vmul.f32 v21, v21;
	v19 =	vadd.f32 v16, v14  }
0x576: {  	v23 =	vmul.f32 v14, v14;
	v24 =	vmul.f32 v16, v16;
	s29 =	ssub.f32 s30, s29;
	v15 =	vadd.f32 v18, v15  }
0x577: {  	v17 =	vadd.f32 v19, v17  }
0x578: {  	v18 =	vadd.f32 v22, v20;
	v19 =	vadd.f32 v24, v23;
	s29 =	sadd.f32 $9.999999740e-06, s29;
	[tilespmem:s18+$0xA010] =	vst v15  }
0x579: {  	v15 =	vld.idx.msk [tilespmem:v4+s18+$0xFFFFFFF0 ss:$0x1], $0xffff  }
0x57a: {  	v18 =	vadd.f32 v19, v18;
	v19 =	vsub.f32 v7, v13;
	v7 =	vmovc v8;
	(xrf2) =	vadd.scan.msk.f32 $0xffff, v17;
	v17 =	vmov s29  }
0x57b: {  	v22 =	vmul.f32 v12, v2;
	v8 =	vmovc v14;
	v20 =	vshra.s32 v17, $0x1;
	v17 =	vmul.f32 $5.000000000e-01, v17  }
0x57c: {  	v14 =	vsub.s32 $0x5F3759DF, v20  }
0x57d: {  	v19 =	vmul.f32 v22, v19;
	(xrf2) =	vadd.scan.msk.f32 $0xffff, v18;
	v18 =	vmul.f32 v14, v17;
	_ =	sdelay $0x1  }
0x57e: {  	v15 =	vadd.f32 v19, v15;
	v18 =	vmul.f32 v14, v18;
	_ =	sdelay $0x1  }
0x57f: {  	v18 =	vsub.f32 $1.500000000e+00, v18;
	[tilespmem:s18+$0xA020] =	vst v15  }
0x580: {  	v15 =	vld.idx.msk [tilespmem:v4+s18+$0x0 ss:$0x1], $0xffff  }
0x581: {  	v18 =	vmul.f32 v14, v18  }
0x582: {  	v12 =	vmul.f32 v12, v3;
	v19 =	vsub.f32 v5, v13;
	v5 =	vmov v6;
	v14, _, _ =	vpop (xrf2)  }
0x583: {  	v6 =	vmov v16;
	(v2sf) =	vpush v14, $0xF;
	v14 =	vmul.f32 v18, v17  }
0x584: {  	v12 =	vmul.f32 v12, v19  }
0x585: {  	v13, _, _ =	vpop (xrf2);
	v16 =	vmul.f32 v14, v18  }
0x586: {  	s29 =	sshra.s32 s2, $0x2;
	v12 =	vadd.f32 v12, v15;
	(v2sf) =	vpush v13, $0xF  }
0x587: {  	v14 =	vld [tilespmem:s29+$0x2000];
	v13 =	vsub.f32 $1.500000000e+00, v16  }
0x588: {  	v15 =	vld [tilespmem:s29+$0x6040];
	[tilespmem:s18+$0xA030] =	vst v12;
	s18 =	smov.u32 s17;
	s17 =	smov.u32 s19;
	s19 =	smov.u32 s29  }
0x589: {  	v12 =	vmul.f32 v13, v18;
	v22 =	vld.idx.msk [tilespmem:v4+s18+$0xFFFFFFD0 ss:$0x1], $0xffff  }
0x58a: {  	v13 =	vmov s28;
	v16 =	vld [tilespmem:s19+$0x2010]  }
0x58b: {  	v20 =	vsub.f32 v10, v13;
	v10 =	vmov v21;
	v17 =	vld [tilespmem:s19+$0x6050];
	v23 =	vmul.f32 v12, v0  }
.Ltmp15:
0x58c: {  	v18 =	vld [tilespmem:s19+$0x2020];
	(pc) =	sbr.rel @p1 .LBB2_26-.Ltmp15, $4  }
0x58d: {  	v19 =	vld [tilespmem:s19+$0x6060];
	v23 =	vmul.f32 v23, v20  }
0x58e: {  	v20 =	vld [tilespmem:s19+$0x2030]  }
0x58f: {  	v21 =	vld [tilespmem:s19+$0x6070];
	v22 =	vadd.f32 v23, v22  }
0x590: {  	s2 =	sadd.s32 $0x200, s2  }
0x591: {  	_ =	sdelay $0x1  }
0x592: {  	v14 =	vadd.f32 v15, v14;
	v15 =	vadd.f32 v17, v16  }
0x593: {  	v16 =	vadd.f32 v19, v18;
	v17 =	vadd.f32 v21, v20  }
0x594: {  	s2 =	spop (v2sf);
	v14 =	vmax.f32 v14, $0.0e+00;
	v15 =	vmax.f32 v15, $0.0e+00  }
0x595: {  	s2 =	smul.f32 $1.562500000e-02, s2;
	v16 =	vmax.f32 v16, $0.0e+00;
	v18 =	vadd.f32 v15, v14;
	v17 =	vmax.f32 v17, $0.0e+00  }
0x596: {  	[tilespmem:s18+$0xA000] =	vst v22;
	v20 =	vmul.f32 v14, v14;
	v21 =	vmul.f32 v15, v15;
	v19 =	vadd.f32 v17, v16  }
0x597: {  	v22 =	vld.idx.msk [tilespmem:v4+s18+$0xFFFFFFE0 ss:$0x1], $0xffff;
	s28 =	smul.f32 s2, s2;
	s29 =	spop (v2sf);
	v23 =	vmul.f32 v16, v16;
	v24 =	vmul.f32 v17, v17  }
0x598: {  	v11 =	vsub.f32 v11, v13;
	s29 =	smul.f32 $1.562500000e-02, s29;
	v18 =	vadd.f32 v19, v18;
	v19 =	vmul.f32 v12, v1  }
0x599: {  	v20 =	vadd.f32 v21, v20;
	v21 =	vadd.f32 v24, v23  }
0x59a: {  	s28 =	ssub.f32 s29, s28;
	v11 =	vmul.f32 v19, v11;
	(xrf2) =	vadd.scan.msk.f32 $0xffff, v18  }
0x59b: {  	v18 =	vadd.f32 v21, v20  }
0x59c: {  	s28 =	sadd.f32 $9.999999740e-06, s28;
	v11 =	vadd.f32 v11, v22  }
0x59d: {  	(xrf2) =	vadd.scan.msk.f32 $0xffff, v18  }
0x59e: {  	[tilespmem:s18+$0xA010] =	vst v11;
	v11 =	vmov s28  }
0x59f: {  	v18 =	vld.idx.msk [tilespmem:v4+s18+$0xFFFFFFF0 ss:$0x1], $0xffff;
	v19 =	vshra.s32 v11, $0x1;
	v11 =	vmul.f32 $5.000000000e-01, v11  }
0x5a0: {  	v7 =	vsub.f32 v7, v13;
	v20 =	vmul.f32 v12, v2;
	v19 =	vsub.s32 $0x5F3759DF, v19  }
0x5a1: {  	v21 =	vmul.f32 v19, v11  }
0x5a2: {  	v7 =	vmul.f32 v20, v7  }
0x5a3: {  	v20 =	vmul.f32 v19, v21  }
0x5a4: {  	v7 =	vadd.f32 v7, v18;
	v18, _, _ =	vpop (xrf2)  }
0x5a5: {  	v20 =	vsub.f32 $1.500000000e+00, v20;
	(v2sf) =	vpush v18, $0xF;
	_ =	sdelay $0x1  }
0x5a6: {  	[tilespmem:s18+$0xA020] =	vst v7;
	v18, _, _ =	vpop (xrf2);
	v7 =	vmul.f32 v19, v20  }
0x5a7: {  	v19 =	vld.idx.msk [tilespmem:v4+s18+$0x0 ss:$0x1], $0xffff;
	(v2sf) =	vpush v18, $0xF  }
0x5a8: {  	v5 =	vsub.f32 v5, v13;
	v12 =	vmul.f32 v12, v3;
	v11 =	vmul.f32 v7, v11;
	_ =	sdelay $0x1  }
0x5a9: {  	v5 =	vmul.f32 v12, v5;
	v11 =	vmul.f32 v11, v7;
	_ =	sdelay $0x1  }
0x5aa: {  	v5 =	vadd.f32 v5, v19;
	v11 =	vsub.f32 $1.500000000e+00, v11;
	_ =	sdelay $0x1  }
0x5ab: {  	[tilespmem:s18+$0xA030] =	vst v5;
	v5 =	vmul.f32 v11, v7  }
0x5ac: {  	v7 =	vld.idx.msk [tilespmem:v4+s17+$0xFFFFFFD0 ss:$0x1], $0xffff;
	v11 =	vmov s2  }
0x5ad: {  	v10 =	vsub.f32 v10, v11;
	v12 =	vmul.f32 v5, v0;
	_ =	sdelay $0x1  }
0x5ae: {  	v10 =	vmul.f32 v12, v10  }
0x5af: {  	s28 =	spop (v2sf)  }
0x5b0: {  	v7 =	vadd.f32 v10, v7;
	s2 =	smul.f32 $1.562500000e-02, s28;
	_ =	sdelay $0x1  }
0x5b1: {  	s30 =	spop (v2sf);
	[tilespmem:s17+$0xA000] =	vst v7;
	s29 =	smul.f32 s2, s2  }
0x5b2: {  	s28 =	smul.f32 $1.562500000e-02, s30;
	v7 =	vld.idx.msk [tilespmem:v4+s17+$0xFFFFFFE0 ss:$0x1], $0xffff  }
0x5b3: {  	v9 =	vsub.f32 v9, v11;
	v10 =	vmul.f32 v5, v1  }
0x5b4: {  	s18 =	ssub.f32 s28, s29  }
0x5b5: {  	v9 =	vmul.f32 v10, v9  }
0x5b6: {  	s18 =	sadd.f32 $9.999999740e-06, s18  }
0x5b7: {  	v7 =	vadd.f32 v9, v7  }
0x5b8: {  	v9 =	vmov s18  }
0x5b9: {  	[tilespmem:s17+$0xA010] =	vst v7;
	v7 =	vshra.s32 v9, $0x1;
	v9 =	vmul.f32 $5.000000000e-01, v9  }
0x5ba: {  	v10 =	vld.idx.msk [tilespmem:v4+s17+$0xFFFFFFF0 ss:$0x1], $0xffff;
	v7 =	vsub.s32 $0x5F3759DF, v7  }
0x5bb: {  	v8 =	vsub.f32 v8, v11;
	v12 =	vmul.f32 v5, v2;
	v13 =	vmul.f32 v7, v9;
	_ =	sdelay $0x1  }
0x5bc: {  	v8 =	vmul.f32 v12, v8;
	v12 =	vmul.f32 v7, v13;
	_ =	sdelay $0x1  }
0x5bd: {  	v8 =	vadd.f32 v8, v10;
	v10 =	vsub.f32 $1.500000000e+00, v12;
	_ =	sdelay $0x1  }
0x5be: {  	[tilespmem:s17+$0xA020] =	vst v8;
	v7 =	vmul.f32 v7, v10  }
0x5bf: {  	v8 =	vld.idx.msk [tilespmem:v4+s17+$0x0 ss:$0x1], $0xffff  }
0x5c0: {  	v6 =	vsub.f32 v6, v11;
	v5 =	vmul.f32 v5, v3;
	v9 =	vmul.f32 v7, v9;
	_ =	sdelay $0x1  }
0x5c1: {  	v5 =	vmul.f32 v5, v6;
	v6 =	vmul.f32 v9, v7;
	_ =	sdelay $0x1  }
0x5c2: {  	v5 =	vadd.f32 v5, v8;
	v6 =	vsub.f32 $1.500000000e+00, v6;
	_ =	sdelay $0x1  }
0x5c3: {  	[tilespmem:s17+$0xA030] =	vst v5;
	v5 =	vmul.f32 v6, v7  }
0x5c4: {  	v7 =	vmov s2;
	v6 =	vld.idx.msk [tilespmem:v4+s19+$0xFFFFFFD0 ss:$0x1], $0xffff  }
0x5c5: {  	v8 =	vsub.f32 v14, v7;
	v9 =	vmul.f32 v5, v0;
	_ =	sdelay $0x1  }
0x5c6: {  	v8 =	vmul.f32 v9, v8;
	_ =	sdelay $0x1  }
0x5c7: {  	v6 =	vadd.f32 v8, v6;
	_ =	sdelay $0x1  }
0x5c8: {  	[tilespmem:s19+$0xA000] =	vst v6  }
0x5c9: {  	v6 =	vld.idx.msk [tilespmem:v4+s19+$0xFFFFFFE0 ss:$0x1], $0xffff  }
0x5ca: {  	v9 =	vmul.f32 v5, v1;
	v8 =	vsub.f32 v15, v7;
	_ =	sdelay $0x1  }
0x5cb: {  	v8 =	vmul.f32 v9, v8;
	_ =	sdelay $0x1  }
0x5cc: {  	v6 =	vadd.f32 v8, v6;
	_ =	sdelay $0x1  }
0x5cd: {  	[tilespmem:s19+$0xA010] =	vst v6  }
0x5ce: {  	v6 =	vld.idx.msk [tilespmem:v4+s19+$0xFFFFFFF0 ss:$0x1], $0xffff  }
0x5cf: {  	v9 =	vmul.f32 v5, v2;
	v8 =	vsub.f32 v16, v7;
	_ =	sdelay $0x1  }
0x5d0: {  	v8 =	vmul.f32 v9, v8;
	_ =	sdelay $0x1  }
0x5d1: {  	v6 =	vadd.f32 v8, v6;
	_ =	sdelay $0x1  }
0x5d2: {  	[tilespmem:s19+$0xA020] =	vst v6  }
0x5d3: {  	v4 =	vld.idx.msk [tilespmem:v4+s19+$0x0 ss:$0x1], $0xffff  }
0x5d4: {  	v5 =	vmul.f32 v5, v3;
	v6 =	vsub.f32 v17, v7;
	_ =	sdelay $0x1  }
0x5d5: {  	v5 =	vmul.f32 v5, v6;
	_ =	sdelay $0x1  }
0x5d6: {  	v4 =	vadd.f32 v5, v4  }
0x5d7: {  	p1 =	sne.s32 s20, $0x0;
	s2 =	sor.u32 $0xC0, s15  }
0x5d8: {  	s17 =	sshll.u32 @!p1 s2, $0x4;
	[tilespmem:s19+$0xA030] =	vst v4  }
0x5d9: {  	s17 =	sand.u32 @!p1 $0x3FFFFFF0, s17;
	v4 =	vld @!p1 [tilespmem:$0xA000]  }
0x5da: {  	v5 =	vld @!p1 [tilespmem:s17+$0x1E180];
	_ =	sdelay $0x4  }
0x5db: {  	v4 =	vadd.f32 @!p1 v5, v4;
	_ =	sdelay $0x1  }
0x5dc: {  	[tilespmem:$0xA000] =	vst @!p1 v4;
	v4 =	vld @!p1 [tilespmem:$0xA010]  }
0x5dd: {  	v5 =	vld @!p1 [tilespmem:s17+$0x1E190];
	_ =	sdelay $0x4  }
0x5de: {  	v4 =	vadd.f32 @!p1 v5, v4;
	_ =	sdelay $0x1  }
0x5df: {  	[tilespmem:$0xA010] =	vst @!p1 v4;
	v4 =	vld @!p1 [tilespmem:$0xA020]  }
0x5e0: {  	v5 =	vld @!p1 [tilespmem:s17+$0x1E1A0];
	_ =	sdelay $0x4  }
0x5e1: {  	v4 =	vadd.f32 @!p1 v5, v4;
	_ =	sdelay $0x1  }
0x5e2: {  	[tilespmem:$0xA020] =	vst @!p1 v4;
	v4 =	vld @!p1 [tilespmem:$0xA030]  }
0x5e3: {  	v5 =	vld @!p1 [tilespmem:s17+$0x1E1B0];
	_ =	sdelay $0x4  }
0x5e4: {  	v4 =	vadd.f32 @!p1 v5, v4  }
0x5e5: {  	s2 =	sshll.u32 s2, $0xA  }
0x5e6: {  	s2 =	sadd.s32 s2, s13;
	[tilespmem:$0xA030] =	vst @!p1 v4;
	p1 =	seq.s32 s14, $0x1F  }
0x5e7: {  	[hbm4b:s2+s3] =	stream.linear.scatter [tilespmem:s25], [sflag:$0x5], $0x2000, $0x38;
	[tilespmem:$0x1F180] =	vst v63  }
0x5e8: {  	s2 =	sshll.u32 @!p1 s14, $0x7  }
0x5e9: {  	s18 =	simm.s32 @!p1 $0x40;
	s19 =	simm.s32 @!p1 $0x2000;
	s17 =	sadd.s32 @!p1 $0x80, s2  }
0x5ea: {  	[tilespmem:s19], [sflag:$0x1] =	stream.indirect.gather @!p1 [hbm4b:s5+s18], $0x80, s17, s18, $0xb8;
	[tilespmem:$0x1F180] =	vst v63  }
0x5eb: {  	s2 =	sadd.s32 @!p1 $0x1080, s2;
	s17 =	simm.s32 @!p1 $0x6000  }
0x5ec: {  	[tilespmem:s17], [sflag:$0x3] =	stream.indirect.gather @!p1 [hbm4b:s1+s18], $0x80, s2, s18, $0xb8;
	[tilespmem:$0x1F180] =	vst v63  }
0x5ed: {  	_ =	swait.ge [sflag:s26], $0x2000  }
0x5ee: {  	[sflag:s26] =	ssyncset.done $0x0  }
0x5ef: {  	[sflag:s26] =	ssyncadd.s32 $0xFFFFE000  }
0x5f0: {  	_ =	swait.ge [sflag:s6], $0x2000  }
0x5f1: {  	[sflag:s6] =	ssyncset.done $0x0  }
0x5f2: {  	s2 =	simm.s32 @!p0 $0x6;
	[sflag:s6] =	ssyncadd.s32 $0xFFFFE000  }
0x5f3: {  	_ =	swait.ge @!p0 [sflag:s2], $0x2000  }
0x5f4: {  	[sflag:s2] =	ssyncset.done @!p0 $0x0  }
0x5f5: {  	s18 =	simm.s32 $0x0;
	[sflag:s2] =	ssyncadd.s32 @!p0 $0xFFFFE000  }
0x5f6: {  	v4 =	vld [tilespmem:s18+$0x4000]  }
0x5f7: {  	v5 =	vld [tilespmem:s18+$0x8040]  }
0x5f8: {  	v6 =	vld [tilespmem:s18+$0x4010]  }
0x5f9: {  	v7 =	vld [tilespmem:s18+$0x8050]  }
0x5fa: {  	v8 =	vld [tilespmem:s18+$0x4020]  }
0x5fb: {  	v9 =	vld [tilespmem:s18+$0x8060]  }
0x5fc: {  	v10 =	vld [tilespmem:s18+$0x4030]  }
0x5fd: {  	v11 =	vld [tilespmem:s18+$0x8070];
	_ =	sdelay $0x3  }
0x5fe: {  	v4 =	vadd.f32 v5, v4;
	v5 =	vadd.f32 v7, v6  }
0x5ff: {  	v6 =	vadd.f32 v9, v8;
	v8 =	vadd.f32 v11, v10  }
0x600: {  	v18 =	vmax.f32 v4, $0.0e+00;
	v11 =	vmax.f32 v5, $0.0e+00  }
0x601: {  	v7 =	vmax.f32 v6, $0.0e+00;
	v5 =	vmax.f32 v8, $0.0e+00;
	v4 =	vadd.f32 v11, v18  }
0x602: {  	v6 =	vadd.f32 v5, v7;
	v8 =	vmul.f32 v18, v18;
	v9 =	vmul.f32 v11, v11  }
0x603: {  	v10 =	vmul.f32 v7, v7;
	v12 =	vmul.f32 v5, v5  }
0x604: {  	v4 =	vadd.f32 v6, v4  }
0x605: {  	v6 =	vadd.f32 v9, v8;
	v8 =	vadd.f32 v12, v10  }
0x606: {  	(xrf2) =	vadd.scan.msk.f32 $0xffff, v4  }
0x607: {  	v4 =	vadd.f32 v8, v6;
	_ =	sdelay $0x1  }
0x608: {  	(xrf2) =	vadd.scan.msk.f32 $0xffff, v4;
	_ =	sdelay $0x6  }
0x609: {  	v4, _, _ =	vpop (xrf2)  }
0x60a: {  	(v2sf) =	vpush v4, $0xF;
	_ =	sdelay $0x1  }
0x60b: {  	v4, _, _ =	vpop (xrf2)  }
0x60c: {  	(v2sf) =	vpush v4, $0xF;
	_ =	sdelay $0xb  }
0x60d: {  	s17 =	simm.s32 $0x80;
	s28 =	spop (v2sf)  }
0x60e: {  	v13 =	vld [tilespmem:s17+$0x4030];
	s2 =	smul.f32 $1.562500000e-02, s28  }
0x60f: {  	v9 =	vld [tilespmem:s17+$0x8050]  }
0x610: {  	v10 =	vld [tilespmem:s17+$0x4020];
	s30 =	spop (v2sf);
	s29 =	smul.f32 s2, s2  }
0x611: {  	v12 =	vld [tilespmem:s17+$0x8060];
	s20 =	smul.f32 $1.562500000e-02, s30  }
0x612: {  	v6 =	vld [tilespmem:s17+$0x8040]  }
0x613: {  	v4 =	vld [tilespmem:s17+$0x4000];
	s19 =	ssub.f32 s20, s29  }
0x614: {  	v8 =	vld [tilespmem:s17+$0x4010]  }
0x615: {  	v14 =	vld [tilespmem:s17+$0x8070];
	s19 =	sadd.f32 $9.999999740e-06, s19;
	_ =	sdelay $0x1  }
0x616: {  	v15 =	vmov s19  }
0x617: {  	v4 =	vadd.f32 v6, v4;
	v6 =	vshra.s32 v15, $0x1;
	v15 =	vmul.f32 $5.000000000e-01, v15  }
0x618: {  	v12 =	vadd.f32 v12, v10;
	v8 =	vadd.f32 v9, v8;
	v16 =	vsub.s32 $0x5F3759DF, v6  }
0x619: {  	v10 =	vmax.f32 v4, $0.0e+00;
	v6 =	vadd.f32 v14, v13;
	v4 =	vmul.f32 v16, v15  }
0x61a: {  	v9 =	vmax.f32 v8, $0.0e+00;
	v8 =	vmax.f32 v12, $0.0e+00  }
0x61b: {  	v17 =	vmul.f32 v8, v8;
	v6 =	vmax.f32 v6, $0.0e+00;
	v4 =	vmul.f32 v16, v4  }
0x61c: {  	v12 =	vmul.f32 v10, v10;
	v14 =	vadd.f32 v9, v10;
	v20 =	vadd.f32 v6, v8  }
0x61d: {  	v13 =	vmul.f32 v9, v9;
	v19 =	vmul.f32 v6, v6;
	v4 =	vsub.f32 $1.500000000e+00, v4  }
0x61e: {  	v14 =	vadd.f32 v20, v14  }
0x61f: {  	v12 =	vadd.f32 v13, v12;
	v13 =	vadd.f32 v19, v17;
	v16 =	vmul.f32 v16, v4  }
0x620: {  	(xrf2) =	vadd.scan.msk.f32 $0xffff, v14  }
0x621: {  	v12 =	vadd.f32 v13, v12;
	v13 =	vmul.f32 v16, v15;
	_ =	sdelay $0x1  }
0x622: {  	(xrf2) =	vadd.scan.msk.f32 $0xffff, v12;
	v12 =	vmul.f32 v13, v16;
	_ =	sdelay $0x1  }
0x623: {  	v12 =	vsub.f32 $1.500000000e+00, v12;
	_ =	sdelay $0x1  }
0x624: {  	v12 =	vmul.f32 v12, v16;
	_ =	sdelay $0x1  }
0x625: {  	v21 =	vmul.f32 v12, v0  }
0x626: {  	v13 =	vmov s2;
	v23, _, _ =	vpop (xrf2)  }
0x627: {  	v20 =	vsub.f32 v18, v13;
	(v2sf) =	vpush v23, $0xF;
	_ =	sdelay $0x1  }
0x628: {  	v4 =	vmov s16;
	v63 =	vmul.f32 v21, v20;
	v21, _, _ =	vpop (xrf2)  }
0x629: {  	s16 =	simm.s32 $0x100;
	(v2sf) =	vpush v21, $0xF  }
0x62a: {  	v14 =	vld [tilespmem:s16+$0x4000]  }
0x62b: {  	v17 =	vld [tilespmem:s16+$0x8050]  }
0x62c: {  	v19 =	vld [tilespmem:s16+$0x8060]  }
0x62d: {  	v22 =	vld.idx.msk [tilespmem:v4+s18+$0x0 ss:$0x1], $0xffff  }
0x62e: {  	v15 =	vld [tilespmem:s16+$0x8040]  }
0x62f: {  	v18 =	vld [tilespmem:s16+$0x4020]  }
0x630: {  	v16 =	vld [tilespmem:s16+$0x4010]  }
0x631: {  	v20 =	vld [tilespmem:s16+$0x4030]  }
0x632: {  	v22 =	vadd.f32 v63, v22;
	v21 =	vld [tilespmem:s16+$0x8070]  }
0x633: {  	s15 =	sor.u32 $0xC1, s15;
	s2 =	simm.s32 $0x600  }
.LBB2_28:
0x634: {  	p0 =	sne.s32 s2, $0x7E00;
	[tilespmem:s18+$0xC000] =	vst v22  }
0x635: {  	v14 =	vadd.f32 v15, v14;
	s19 =	spop (v2sf);
	v15 =	vld.idx.msk [tilespmem:v4+s18+$0x10 ss:$0x1], $0xffff  }
0x636: {  	v16 =	vadd.f32 v17, v16;
	v17 =	vadd.f32 v19, v18;
	s19 =	smul.f32 $1.562500000e-02, s19  }
0x637: {  	v19 =	vsub.f32 v11, v13;
	v11 =	vmovc v9;
	v18 =	vadd.f32 v21, v20;
	v20 =	vmul.f32 v12, v1  }
0x638: {  	v9 =	vmax.f32 v16, $0.0e+00;
	v21 =	vmax.f32 v14, $0.0e+00;
	v14 =	vmax.f32 v17, $0.0e+00;
	s20 =	smul.f32 s19, s19;
	s28 =	spop (v2sf)  }
0x639: {  	v17 =	vadd.f32 v9, v21;
	v16 =	vmax.f32 v18, $0.0e+00;
	s28 =	smul.f32 $1.562500000e-02, s28;
	v18 =	vmul.f32 v20, v19  }
0x63a: {  	v22 =	vmul.f32 v9, v9;
	v20 =	vmul.f32 v21, v21;
	v19 =	vadd.f32 v16, v14  }
0x63b: {  	v23 =	vmul.f32 v14, v14;
	v24 =	vmul.f32 v16, v16;
	s20 =	ssub.f32 s28, s20;
	v15 =	vadd.f32 v18, v15  }
0x63c: {  	v17 =	vadd.f32 v19, v17  }
0x63d: {  	v18 =	vadd.f32 v22, v20;
	v19 =	vadd.f32 v24, v23;
	s20 =	sadd.f32 $9.999999740e-06, s20;
	[tilespmem:s18+$0xC010] =	vst v15  }
0x63e: {  	v15 =	vld.idx.msk [tilespmem:v4+s18+$0x20 ss:$0x1], $0xffff  }
0x63f: {  	v18 =	vadd.f32 v19, v18;
	v19 =	vsub.f32 v7, v13;
	v7 =	vmovc v8;
	(xrf2) =	vadd.scan.msk.f32 $0xffff, v17;
	v17 =	vmov s20  }
0x640: {  	v22 =	vmul.f32 v12, v2;
	v8 =	vmovc v14;
	v20 =	vshra.s32 v17, $0x1;
	v17 =	vmul.f32 $5.000000000e-01, v17  }
0x641: {  	v14 =	vsub.s32 $0x5F3759DF, v20  }
0x642: {  	v19 =	vmul.f32 v22, v19;
	(xrf2) =	vadd.scan.msk.f32 $0xffff, v18;
	v18 =	vmul.f32 v14, v17;
	_ =	sdelay $0x1  }
0x643: {  	v15 =	vadd.f32 v19, v15;
	v18 =	vmul.f32 v14, v18;
	_ =	sdelay $0x1  }
0x644: {  	v18 =	vsub.f32 $1.500000000e+00, v18;
	[tilespmem:s18+$0xC020] =	vst v15  }
0x645: {  	v15 =	vld.idx.msk [tilespmem:v4+s18+$0x30 ss:$0x1], $0xffff  }
0x646: {  	v18 =	vmul.f32 v14, v18  }
0x647: {  	v12 =	vmul.f32 v12, v3;
	v19 =	vsub.f32 v5, v13;
	v5 =	vmov v6;
	v14, _, _ =	vpop (xrf2)  }
0x648: {  	v6 =	vmov v16;
	(v2sf) =	vpush v14, $0xF;
	v14 =	vmul.f32 v18, v17  }
0x649: {  	v12 =	vmul.f32 v12, v19  }
0x64a: {  	v13, _, _ =	vpop (xrf2);
	v16 =	vmul.f32 v14, v18  }
0x64b: {  	s20 =	sshra.s32 s2, $0x2;
	v12 =	vadd.f32 v12, v15;
	(v2sf) =	vpush v13, $0xF  }
0x64c: {  	v14 =	vld [tilespmem:s20+$0x4000];
	v13 =	vsub.f32 $1.500000000e+00, v16  }
0x64d: {  	v15 =	vld [tilespmem:s20+$0x8040];
	[tilespmem:s18+$0xC030] =	vst v12;
	s18 =	smov.u32 s17;
	s17 =	smov.u32 s16;
	s16 =	smov.u32 s20  }
0x64e: {  	v12 =	vmul.f32 v13, v18;
	v22 =	vld.idx.msk [tilespmem:v4+s18+$0x0 ss:$0x1], $0xffff  }
0x64f: {  	v13 =	vmov s19;
	v16 =	vld [tilespmem:s16+$0x4010]  }
0x650: {  	v20 =	vsub.f32 v10, v13;
	v10 =	vmov v21;
	v17 =	vld [tilespmem:s16+$0x8050];
	v23 =	vmul.f32 v12, v0  }
.Ltmp16:
0x651: {  	v18 =	vld [tilespmem:s16+$0x4020];
	(pc) =	sbr.rel @p0 .LBB2_28-.Ltmp16, $4  }
0x652: {  	v19 =	vld [tilespmem:s16+$0x8060];
	v23 =	vmul.f32 v23, v20  }
0x653: {  	v20 =	vld [tilespmem:s16+$0x4030]  }
0x654: {  	v21 =	vld [tilespmem:s16+$0x8070];
	v22 =	vadd.f32 v23, v22  }
0x655: {  	s2 =	sadd.s32 $0x200, s2  }
0x656: {  	_ =	sdelay $0x1  }
0x657: {  	v14 =	vadd.f32 v15, v14;
	v58 =	vadd.f32 v17, v16  }
0x658: {  	v59 =	vadd.f32 v19, v18;
	v60 =	vadd.f32 v21, v20  }
0x659: {  	s2 =	spop (v2sf);
	v14 =	vmax.f32 v14, $0.0e+00;
	v15 =	vmax.f32 v58, $0.0e+00  }
0x65a: {  	s2 =	smul.f32 $1.562500000e-02, s2;
	v16 =	vmax.f32 v59, $0.0e+00;
	v61 =	vadd.f32 v15, v14;
	v17 =	vmax.f32 v60, $0.0e+00  }
0x65b: {  	[tilespmem:s18+$0xC000] =	vst v22;
	v63 =	vmul.f32 v14, v14;
	v28 =	vmul.f32 v15, v15;
	v62 =	vadd.f32 v17, v16  }
0x65c: {  	v22 =	vld.idx.msk [tilespmem:v4+s18+$0x10 ss:$0x1], $0xffff;
	s19 =	smul.f32 s2, s2;
	s20 =	spop (v2sf);
	v23 =	vmul.f32 v16, v16;
	v24 =	vmul.f32 v17, v17  }
0x65d: {  	v11 =	vsub.f32 v11, v13;
	v29 =	vmul.f32 v12, v1;
	s20 =	smul.f32 $1.562500000e-02, s20;
	v18 =	vadd.f32 v62, v61  }
0x65e: {  	v20 =	vadd.f32 v28, v63;
	v30 =	vadd.f32 v24, v23  }
0x65f: {  	v11 =	vmul.f32 v29, v11;
	s19 =	ssub.f32 s20, s19;
	(xrf2) =	vadd.scan.msk.f32 $0xffff, v18  }
0x660: {  	v31 =	vadd.f32 v30, v20  }
0x661: {  	v11 =	vadd.f32 v11, v22;
	s19 =	sadd.f32 $9.999999740e-06, s19  }
0x662: {  	(xrf2) =	vadd.scan.msk.f32 $0xffff, v31  }
0x663: {  	[tilespmem:s18+$0xC010] =	vst v11;
	v32 =	vmov s19  }
0x664: {  	v33 =	vld.idx.msk [tilespmem:v4+s18+$0x20 ss:$0x1], $0xffff;
	v34 =	vshra.s32 v32, $0x1;
	v11 =	vmul.f32 $5.000000000e-01, v32  }
0x665: {  	v7 =	vsub.f32 v7, v13;
	v35 =	vmul.f32 v12, v2;
	v19 =	vsub.s32 $0x5F3759DF, v34  }
0x666: {  	v36 =	vmul.f32 v19, v11  }
0x667: {  	v7 =	vmul.f32 v35, v7  }
0x668: {  	v37 =	vmul.f32 v19, v36  }
0x669: {  	v7 =	vadd.f32 v7, v33;
	v38, _, _ =	vpop (xrf2)  }
0x66a: {  	v20 =	vsub.f32 $1.500000000e+00, v37;
	(v2sf) =	vpush v38, $0xF;
	_ =	sdelay $0x1  }
0x66b: {  	[tilespmem:s18+$0xC020] =	vst v7;
	v39 =	vmul.f32 v19, v20;
	v40, _, _ =	vpop (xrf2)  }
0x66c: {  	v41 =	vld.idx.msk [tilespmem:v4+s18+$0x30 ss:$0x1], $0xffff;
	(v2sf) =	vpush v40, $0xF  }
0x66d: {  	v5 =	vsub.f32 v5, v13;
	v42 =	vmul.f32 v12, v3;
	v11 =	vmul.f32 v39, v11;
	_ =	sdelay $0x1  }
0x66e: {  	v5 =	vmul.f32 v42, v5;
	v11 =	vmul.f32 v11, v39;
	_ =	sdelay $0x1  }
0x66f: {  	v5 =	vadd.f32 v5, v41;
	v11 =	vsub.f32 $1.500000000e+00, v11;
	_ =	sdelay $0x1  }
0x670: {  	[tilespmem:s18+$0xC030] =	vst v5;
	v5 =	vmul.f32 v11, v39  }
0x671: {  	v44 =	vmov s2;
	v43 =	vld.idx.msk [tilespmem:v4+s17+$0x0 ss:$0x1], $0xffff  }
0x672: {  	v10 =	vsub.f32 v10, v44;
	v45 =	vmul.f32 v5, v0;
	_ =	sdelay $0x1  }
0x673: {  	v10 =	vmul.f32 v45, v10  }
0x674: {  	s20 =	spop (v2sf)  }
0x675: {  	v7 =	vadd.f32 v10, v43;
	s2 =	smul.f32 $1.562500000e-02, s20;
	_ =	sdelay $0x1  }
0x676: {  	[tilespmem:s17+$0xC000] =	vst v7;
	s29 =	spop (v2sf);
	s28 =	smul.f32 s2, s2  }
0x677: {  	v7 =	vld.idx.msk [tilespmem:v4+s17+$0x10 ss:$0x1], $0xffff;
	s19 =	smul.f32 $1.562500000e-02, s29  }
0x678: {  	v9 =	vsub.f32 v9, v44;
	v46 =	vmul.f32 v5, v1  }
0x679: {  	s18 =	ssub.f32 s19, s28  }
0x67a: {  	v9 =	vmul.f32 v46, v9  }
0x67b: {  	s18 =	sadd.f32 $9.999999740e-06, s18  }
0x67c: {  	v7 =	vadd.f32 v9, v7  }
0x67d: {  	v47 =	vmov s18  }
0x67e: {  	[tilespmem:s17+$0xC010] =	vst v7;
	v48 =	vshra.s32 v47, $0x1;
	v9 =	vmul.f32 $5.000000000e-01, v47  }
0x67f: {  	v49 =	vld.idx.msk [tilespmem:v4+s17+$0x20 ss:$0x1], $0xffff;
	v7 =	vsub.s32 $0x5F3759DF, v48  }
0x680: {  	v8 =	vsub.f32 v8, v44;
	v50 =	vmul.f32 v5, v2;
	v51 =	vmul.f32 v7, v9;
	_ =	sdelay $0x1  }
0x681: {  	v8 =	vmul.f32 v50, v8;
	v52 =	vmul.f32 v7, v51;
	_ =	sdelay $0x1  }
0x682: {  	v8 =	vadd.f32 v8, v49;
	v53 =	vsub.f32 $1.500000000e+00, v52;
	_ =	sdelay $0x1  }
0x683: {  	[tilespmem:s17+$0xC020] =	vst v8;
	v7 =	vmul.f32 v7, v53  }
0x684: {  	v8 =	vld.idx.msk [tilespmem:v4+s17+$0x30 ss:$0x1], $0xffff  }
0x685: {  	v6 =	vsub.f32 v6, v44;
	v5 =	vmul.f32 v5, v3;
	v9 =	vmul.f32 v7, v9;
	_ =	sdelay $0x1  }
0x686: {  	v5 =	vmul.f32 v5, v6;
	v54 =	vmul.f32 v9, v7;
	_ =	sdelay $0x1  }
0x687: {  	v5 =	vadd.f32 v5, v8;
	v6 =	vsub.f32 $1.500000000e+00, v54;
	_ =	sdelay $0x1  }
0x688: {  	[tilespmem:s17+$0xC030] =	vst v5;
	v5 =	vmul.f32 v6, v7  }
0x689: {  	v56 =	vmov s2;
	v55 =	vld.idx.msk [tilespmem:v4+s16+$0x0 ss:$0x1], $0xffff  }
0x68a: {  	v57 =	vsub.f32 v14, v56;
	v58 =	vmul.f32 v5, v0;
	_ =	sdelay $0x1  }
0x68b: {  	v8 =	vmul.f32 v58, v57;
	_ =	sdelay $0x1  }
0x68c: {  	v6 =	vadd.f32 v8, v55;
	_ =	sdelay $0x1  }
0x68d: {  	[tilespmem:s16+$0xC000] =	vst v6  }
0x68e: {  	v6 =	vld.idx.msk [tilespmem:v4+s16+$0x10 ss:$0x1], $0xffff  }
0x68f: {  	v59 =	vsub.f32 v15, v56;
	v60 =	vmul.f32 v5, v1;
	_ =	sdelay $0x1  }
0x690: {  	v8 =	vmul.f32 v60, v59;
	_ =	sdelay $0x1  }
0x691: {  	v6 =	vadd.f32 v8, v6;
	_ =	sdelay $0x1  }
0x692: {  	[tilespmem:s16+$0xC010] =	vst v6  }
0x693: {  	v6 =	vld.idx.msk [tilespmem:v4+s16+$0x20 ss:$0x1], $0xffff  }
0x694: {  	v61 =	vsub.f32 v16, v56;
	v62 =	vmul.f32 v5, v2;
	_ =	sdelay $0x1  }
0x695: {  	v8 =	vmul.f32 v62, v61;
	_ =	sdelay $0x1  }
0x696: {  	v6 =	vadd.f32 v8, v6;
	_ =	sdelay $0x1  }
0x697: {  	[tilespmem:s16+$0xC020] =	vst v6  }
0x698: {  	v4 =	vld.idx.msk [tilespmem:v4+s16+$0x30 ss:$0x1], $0xffff  }
0x699: {  	v63 =	vsub.f32 v17, v56;
	v5 =	vmul.f32 v5, v3;
	_ =	sdelay $0x1  }
0x69a: {  	v5 =	vmul.f32 v5, v63  }
.Ltmp17:
0x69b: {  	_ = 	snop;
	(pc) =	sbr.rel @p1 .LBB2_31-.Ltmp17, $4  }
0x69c: {  	v4 =	vadd.f32 v5, v4  }
0x69d: {  	s30 =	sshll.u32 s15, $0xA  }
0x69e: {  	s2 =	sadd.s32 s30, s13;
	[tilespmem:s16+$0xC030] =	vst v4  }
0x69f: {  	[hbm4b:s2+s3] =	stream.linear.scatter [tilespmem:s7], [sflag:$0x6], $0x2000, $0x38;
	[tilespmem:$0x1F180] =	vst v63  }
.Ltmp18:
0x6a0: {  	s2 =	sshll.u32 s14, $0x7;
	(pc) =	sbr.rel .LBB2_25-.Ltmp18, $4  }
0x6a1: {  	s14 =	sadd.s32 $0x1, s14;
	s15 =	sadd.s32 $0xC0, s2  }
0x6a2: {  	[tilespmem:s4], [sflag:$0x2] =	stream.indirect.gather [hbm4b:s5+s0], $0x80, s15, s0, $0xb8;
	[tilespmem:$0x1F180] =	vst v63  }
0x6a3: {  	s12 =	sadd.s32 $0x1, s12;
	s11 =	sadd.s32 $0x2, s11;
	s2 =	sadd.s32 $0x10C0, s2  }
0x6a4: {  	[tilespmem:s21], [sflag:$0x4] =	stream.indirect.gather [hbm4b:s1+s0], $0x80, s2, s0, $0xb8;
	[tilespmem:$0x1F180] =	vst v63  }
.LBB2_32:
0x6a5: {  	_ =	sfence.sel $0x180000  }
0x6a6: {  	[bflag:$0x0] =	sbarrier.arrive $0xFFFF  }
0x6a7: {  	_ =	strace $0x90000047  }
0x6a8: {  	s0 =	stileid.u32;
	[bflag:$0x2] =	sbarrier.arrive $0xFFFF  }
0x6a9: {  	p0 =	sne.s32 s0, $0x0;
	s0 =	rddreg [dreg:$0x5]  }
0x6aa: {  	s0 =	sadd.s32 @!p0 $0x100000, s0  }
0x6ab: {  	[sflag:s0] =	ssyncadd.tile.s32 @!p0 $0x1;
	_ =	shalt  }
.Lfunc_end2:
_tile_overlayer_lowered:
.L_overlay_start_2:
0x6ac: {  	(tag) =	ssettag $0x2  }
0x6ad: {  	s0 =	rddreg [dreg:$0x0];
	s2 =	stileid.u32  }
0x6ae: {  	s1 =	rddreg [dreg:$0x1];
	p0 =	sne.s32 s2, $0x0  }
0x6af: {  	s3 =	rddreg [dreg:$0x2];
	[bflag:$0x3] =	sbarrier.arrive $0xFFFF;
	s2 =	simm.s32 @!p0 $0x1C08  }
0x6b0: {  	[timem:s3], [sflag:s2] =	dma.local @!p0 [hbm:s0], s1  }
0x6b1: {  	s0 =	simm.s32 @!p0 $0x8  }
0x6b2: {  	_ =	swait.ge @!p0 [sflag:s0], s1  }
0x6b3: {  	s1 =	ssub.s32 @!p0 $0x0, s1;
	[sflag:s0] =	ssyncset.done @!p0 $0x0  }
0x6b4: {  	[sflag:s0] =	ssyncadd.s32 @!p0 s1  }
0x6b5: {  	[bflag:$0x3] =	sbarrier.arrive $0xFFFF  }
0x6b6: {  	_ =	shalt  }

// kernel: sparse-core-data-format-call.cloned.1.call-start
scs
called_computation_lowered:
.L_overlay_start_0:
0x0: {  	s2 =	sld [smem:$0x3FD9]  }
0x1: {  	s3 =	sld [smem:$0x3FFE];
	_ =	sdelay $0x1  }
0x2: {  	s1 =	srdreg.scid  }
0x3: {  	s0 =	sand.u32 $0x1, s1  }
0x4: {  	s18 =	sshll.u32 s0, $0xA;
	s2 =	sadd.s32 s3, s2  }
0x5: {  	s2 =	sadd.s32 s2, s18  }
0x6: {  	[smem:$0x3FBB] =	sst s2  }
0x7: {  	_ = 	snop  }
0x8: {  	s2 =	sld [smem:$0x3FD0];
	(tm) =	ssettm $0x1  }
0x9: {  	s19 =	sld [smem:$0x3FFB];
	_ =	sdelay $0x3  }
0xa: {  	_ =	strace s19  }
0xb: {  	s3 =	sld [smem:$0x3FFC];
	_ =	sdelay $0x3  }
0xc: {  	_ =	strace s3  }
0xd: {  	s3 =	sld [smem:$0x3FFD];
	_ =	sdelay $0x3  }
0xe: {  	_ =	strace s3  }
0xf: {  	_ =	strace $0x8FFFFFFF  }
0x10: {  	s20 =	sld [smem:$0x3FDB];
	_ =	sdelay $0x1  }
0x11: {  	s4 =	simm.s32 $_scs_section_size  }
0x12: {  	s5 =	simm.s32 $_size__tile_overlayer_lowered;
	s6 =	simm.s32 $_tile_overlayer_lowered  }
0x13: {  	s23 =	simm.s32 $0x1BFF;
	s22 =	sshll.u32 s6, $0x1;
	s3 =	sadd.s32 s4, s20  }
0x14: {  	s7 =	simm.s32 $0x0;
	s21 =	sshll.u32 s5, $0x1;
	s5 =	sadd.s32 s22, s3  }
0x15: {  	[timem:s7], [sflag:s23] =	dma.local [hbm:s5], s21  }
0x16: {  	_ =	swait.ge [sflag:s23], s21  }
0x17: {  	s4 =	ssub.s32 $0x0, s21;
	[sflag:s23] =	ssyncset.done $0x0  }
0x18: {  	[sflag:s23] =	ssyncadd.s32 s4;
	_ =	sdelay $0x1  }
0x19: {  	s24 =	simm.s32 $0x1B8B  }
0x1a: {  	_ =	swait.ge [sflag:s24], $0x1  }
0x1b: {  	[sflag:s24] =	ssyncset.done $0x0  }
0x1c: {  	s26 =	simm.s32 $0x1B8E;
	s25 =	sld [smem:$0x3FFE];
	[sflag:s24] =	ssyncadd.s32 $0xFFFFFFFF  }
0x1d: {  	s27 =	simm.s32 $execute0_lowered;
	[smem:$0x3FD2] =	sst s26  }
0x1e: {  	s5 =	sshll.u32 s27, $0x1;
	_ =	strace $0x80000049;
	[dreg:$0x1] =	wrdreg $0xFFFFFFFF  }
0x1f: {  	s28 =	simm.s32 $_size_execute0_lowered;
	s3 =	sadd.s32 s3, s5;
	[dreg:$0x0] =	wrdreg $0x0  }
0x20: {  	s5 =	sshll.u32 s28, $0x1;
	[dreg:$0x2] =	wrdreg s3  }
0x21: {  	[dreg:$0x3] =	wrdreg s5  }
0x22: {  	[dreg:$0x4] =	wrdreg $0xC0  }
0x23: {  	_ =	task [dreg:s7], $0x5FFFF  }
0x24: {  	[dreg:$0x1] =	wrdreg $0xFFFFFFFF  }
0x25: {  	[dreg:$0x0] =	wrdreg $0x60  }
0x26: {  	[dreg:$0x2] =	wrdreg s25  }
0x27: {  	[dreg:$0x3] =	wrdreg s2  }
0x28: {  	[dreg:$0x4] =	wrdreg $0x9  }
0x29: {  	_ =	task.clear_ibuf [dreg:s7], $0x5FFFF;
	_ =	strace $0x90000049  }
0x2a: {  	s29 =	simm.s32 $0x9;
	_ =	strace $0x8000004B  }
0x2b: {  	_ =	swait.ge [sflag:s29], $0x1  }
0x2c: {  	[sflag:s29] =	ssyncadd.s32 $0xFFFFFFFF  }
0x2d: {  	_ =	strace $0x9000004B  }
0x2e: {  	_ =	sfence  }
0x2f: {  	s30 =	sld [smem:$0x0];
	_ =	sdelay $0x2  }
0x30: {  	s31 =	sshll.u32 s1, $0xD;
	s1 =	sshrl.u32 s1, $0x2  }
0x31: {  	s3 =	sand.u32 $0x4000, s31;
	s1 =	sadd.s32 s1, s30  }
0x32: {  	s0 =	sor.u32 s3, s0;
	s1 =	sshll.u32 s1, $0x11  }
0x33: {  	s0 =	sor.u32 s1, s0  }
0x34: {  	s0 =	sadd.s32 $0x8F2B, s0  }
0x35: {  	[sflag:s0] =	ssyncadd.remote.s32 $0x1  }
0x36: {  	_ =	sfence.sel $0xFFFF  }
0x37: {  	[dreg:$0x0] =	wrdreg $0xFFFFFFFF;
	(pc) =	sbr.abs _section_cstart, $3  }
0x38: {  	[dreg:$0x1] =	wrdreg $0xFFFFFFFF  }
0x39: {  	_ =	task.clear_ibuf [dreg:s7], $0x2FFFF;
	_ =	strace $0x9FFFFFFF  }
0x3a: {  	(tm) =	ssettm $0x7FFFFFFF  }
0x3b: {  	_ =	shalt  }
tec
execute0_lowered:
.L_overlay_start_1:
0x0: {  	(tag) =	ssettag $0x1  }
0x1: {  	s0 =	srdreg.scid  }
0x2: {  	s7 =	rddreg [dreg:$0x0];
	s1 =	sshll.u32 s0, $0x4  }
0x3: {  	s3 =	rddreg [dreg:$0x1];
	s0 =	stileid.u32;
	s1 =	sand.u32 $0x10, s1  }
0x4: {  	s6 =	simm.s32 $0x1;
	s31 =	simm.s32 $0x2;
	s1 =	sor.u32 s0, s1  }
0x5: {  	s13 =	simm.s32 $0x0;
	s9 =	simm.s32 $0x1000;
	s2 =	sshll.u32 s1, $0x1  }
0x6: {  	s14 =	simm.s32 $0x0;
	s10 =	simm.s32 $0x0;
	s4 =	ssub.s32 $0x400, s2  }
0x7: {  	s12 =	simm.s32 $0x0;
	s1 =	rddreg [dreg:$0x2];
	s5 =	sand.u32 $0x3E, s4  }
.Ltmp0:
0x8: {  	_ =	strace $0x8000004A;
	p0 =	sne.s32 s5, $0x0;
	(pc) =	sbr.rel .LBB1_1-.Ltmp0, $4  }
0x9: {  	s11 =	smov.u32 s2;
	s8 =	sshrl.u32 s4, $0x6;
	s6 =	simm.s32 @!p0 $0x0  }
0xa: {  	s4 =	sadd.s32 $0x1B2200, s7;
	s5 =	simm.s32 $0x1;
	s6 =	sadd.s32 s6, s8  }
0xb: {  	s7 =	sadd.s32 $0x1B4200, s7;
	[sflag:s5] =	ssyncpa.u1 $0x0;
	s6 =	sshll.u32 s6, $0x2  }
0xc: {  	p0 =	por $0x0, $0x0;
	[sflag:s31] =	ssyncpa.u1 $0x0;
	s8 =	sor.u32 $0x1, s6  }
.LBB1_7:
0xd: {  	s15 =	sadd.s32 $0x80, s10  }
0xe: {  	s13 =	sadd.s32 $0x40, s11;
	s17 =	smov.u32 s11;
	p2 =	sgt.s32 s15, $0x1FF  }
0xf: {  	s17 =	smov.u32 @p2 s13  }
0x10: {  	s15 =	simm.s32 @p2 $0x0;
	p2 =	sgt.s32 s17, $0x3FF  }
0x11: {  	s17 =	smov.u32 @p2 s2;
	p2 =	sne.s32 s12, s8  }
.Ltmp1:
0x12: {  	p1 =	slt.u32 s12, $0x2;
	(pc) =	sbr.rel @!p2 .LBB1_8-.Ltmp1, $4  }
0x13: {  	s16 =	simm.s32 @!p1 $0x2  }
0x14: {  	s14 =	smov.u32 s11;
	p0 =	por !p0, !p0;
	_ =	swait.ge @!p1 [sflag:s16], $0x4000  }
0x15: {  	s13 =	smov.u32 s10;
	[sflag:s16] =	ssyncset.done @!p1 $0x0;
	s10 =	smov.u32 s15  }
0x16: {  	s12 =	sadd.s32 $0x1, s12;
	[sflag:s16] =	ssyncadd.s32 @!p1 $0xFFFFC000;
	s11 =	smov.u32 s17  }
.LBB1_1:
0x17: {  	p1 =	sge.u32 s12, s6  }
0x18: {  	s15 =	sxor.u32 @!p1 $0xFFFFFFFF, s12;
	s16 =	sshll.u32 @!p1 s11, $0xD  }
0x19: {  	s17 =	sshll.u32 @!p1 s10, $0x4;
	s19 =	simm.s32 @!p1 $0x40;
	s20 =	simm.s32 @!p1 $0x80  }
0x1a: {  	s15 =	sshll.u32 @!p1 s15, $0xE;
	s17 =	sand.u32 @!p1 $0x1FF0, s17;
	s18 =	sadd.s32 @!p1 s4, s16  }
0x1b: {  	s16 =	sadd.s32 @!p1 s16, s7;
	s15 =	sand.u32 @!p1 $0x4000, s15;
	s18 =	sadd.s32 @!p1 s17, s18  }
0x1c: {  	[tilespmem:s15], [sflag:$0x1] =	stream.strided.gather @!p1 [hbm4b:s18+s19], $0x2000, s20, s19, $0x38;
	[tilespmem:$0x10100] =	vst v63  }
0x1d: {  	s31 =	sadd.s32 $0xFFFFFFFF, s12;
	s16 =	sadd.s32 @!p1 s17, s16;
	s15 =	sor.u32 @!p1 $0x2000, s15  }
0x1e: {  	[tilespmem:s15], [sflag:$0x1] =	stream.strided.gather @!p1 [hbm4b:s16+s19], $0x2000, s20, s19, $0x38;
	[tilespmem:$0x10100] =	vst v63  }
0x1f: {  	p1 =	sge.u32 s31, s6  }
.Ltmp2:
0x20: {  	_ = 	snop;
	(pc) =	sbr.rel @p1 .LBB1_7-.Ltmp2, $1  }
0x21: {  	_ =	sdelay $0x3  }
0x22: {  	s15 =	simm.s32 $0x1;
	s17 =	sand.u32 $0x1, s12  }
0x23: {  	_ =	swait.ge [sflag:s5], $0x4000;
	s15 =	simm.s32 @!p0 $0x0;
	s17 =	smul.u32 $0x10200, s17  }
0x24: {  	p2 =	por $0x1, $0x1;
	[sflag:s5] =	ssyncset.done $0x0;
	s16 =	smul.u32 $0x10200, s15  }
0x25: {  	s18 =	sshll.u32 s15, $0x10;
	[sflag:s5] =	ssyncadd.s32 $0xFFFFC000;
	s30 =	sshrl.u32 s17, $0x2  }
0x26: {  	s31 =	sshrl.u32 s18, $0x2;
	s18 =	simm.s32 $0x0;
	s16 =	sshrl.u32 s16, $0x2  }
0x27: {  	s15 =	sor.u32 $0x8000, s30;
	s17 =	sadd.s32 $0x20, s31;
	s16 =	sor.u32 $0x8000, s16  }
.LBB1_3:
0x28: {  	s19 =	sshll.u32 s18, $0xD  }
0x29: {  	s19 =	sand.u32 $0x3FFFE000, s19  }
0x2a: {  	s21 =	sadd.s32 s19, s17  }
0x2b: {  	s31 =	smul.u32 $0x8100, s18;
	v3 =	vld [tilespmem:s21+$0x10]  }
0x2c: {  	v1 =	vld [tilespmem:s21+$0xFFFFFFF0]  }
0x2d: {  	s18 =	sshra.s32 s31, $0x2;
	v0 =	vld [tilespmem:s21+$0x0]  }
0x2e: {  	s18 =	sadd.s32 s18, s16;
	v2 =	vld [tilespmem:s21+$0xFFFFFFE0]  }
0x2f: {  	s19 =	sadd.s32 $0x0, s18  }
0x30: {  	p1 =	por p2, p2;
	s20 =	simm.s32 $0x4;
	s21 =	sadd.s32 $0x40, s21;
	[tilespmem:s19+$0x1830 ss:$0x81] =	vst.msk $0xffff, v3  }
.LBB1_4:
0x31: {  	v3 =	vld [tilespmem:s21+$0x10];
	p2 =	sne.s32 s20, $0x1FC;
	[tilespmem:s19+$0x810 ss:$0x81] =	vst.msk $0xffff, v1;
	s22 =	smov.u32 s20;
	s20 =	sadd.s32 $0x4, s20  }
.Ltmp3:
0x32: {  	v1 =	vld [tilespmem:s21+$0xFFFFFFF0];
	[tilespmem:s19+$0x1020 ss:$0x81] =	vst.msk $0xffff, v0;
	(pc) =	sbr.rel @p2 .LBB1_4-.Ltmp3, $4  }
0x33: {  	v0 =	vld [tilespmem:s21+$0x0];
	[tilespmem:s19+$0x0 ss:$0x81] =	vst.msk $0xffff, v2  }
0x34: {  	s19 =	sshra.s32 s22, $0x2;
	v2 =	vld [tilespmem:s21+$0xFFFFFFE0]  }
0x35: {  	s19 =	sadd.s32 s19, s18  }
0x36: {  	s21 =	sadd.s32 $0x40, s21;
	[tilespmem:s19+$0x1830 ss:$0x81] =	vst.msk $0xffff, v3  }
.Ltmp4:
0x37: {  	(pc) =	sbr.rel @p1 .LBB1_3-.Ltmp4, $4  }
0x38: {  	_ = 	snop  }
0x39: {  	[tilespmem:s19+$0x810 ss:$0x81] =	vst.msk $0xffff, v1  }
0x3a: {  	[tilespmem:s19+$0x1020 ss:$0x81] =	vst.msk $0xffff, v0  }
0x3b: {  	s18 =	simm.s32 $0x1;
	p2 =	por $0x0, $0x0;
	[tilespmem:s19+$0x0 ss:$0x81] =	vst.msk $0xffff, v2  }
.Ltmp5:
0x3c: {  	s16 =	sand.u32 $0xF80, s13;
	s14 =	sshll.u32 s14, $0xC;
	(pc) =	sbr.rel .LBB1_7-.Ltmp5, $4  }
0x3d: {  	s17 =	sshrl.u32 s13, $0x3;
	s31 =	sand.u32 $0x7, s13;
	s14 =	sadd.s32 s3, s14  }
0x3e: {  	s17 =	sand.u32 $0xF, s17;
	s13 =	sshll.u32 s31, $0x12;
	s14 =	sadd.s32 s16, s14  }
0x3f: {  	s13 =	sor.u32 $0x400, s13;
	s14 =	sadd.s32 s17, s14  }
0x40: {  	[hbm4b:s14+s13] =	stream.strided.scatter [tilespmem:s15], [sflag:$0x2], $0x4000, s9, s13, $0x20;
	[tilespmem:$0x10100] =	vst v63  }
.LBB1_8:
0x41: {  	_ =	sfence.sel $0x180000  }
0x42: {  	s2 =	simm.s32 $0x1;
	[bflag:$0x0] =	sbarrier.arrive $0xFFFF  }
0x43: {  	s31 =	simm.s32 $0x2;
	[sflag:s2] =	ssyncpa.u1 $0x1  }
0x44: {  	[sflag:s31] =	ssyncpa.u1 $0x1  }
0x45: {  	p0 =	sne.s32 s0, $0x0;
	_ =	strace $0x9000004A  }
0x46: {  	s0 =	sadd.s32 @!p0 $0x100000, s1;
	[bflag:$0x2] =	sbarrier.arrive $0xFFFF  }
0x47: {  	[sflag:s0] =	ssyncadd.tile.s32 @!p0 $0x1;
	_ =	shalt  }
.Lfunc_end1:
_tile_overlayer_lowered:
.L_overlay_start_2:
0x48: {  	(tag) =	ssettag $0x2  }
0x49: {  	s0 =	rddreg [dreg:$0x0];
	s2 =	stileid.u32  }
0x4a: {  	s1 =	rddreg [dreg:$0x1];
	p0 =	sne.s32 s2, $0x0  }
0x4b: {  	s3 =	rddreg [dreg:$0x2];
	[bflag:$0x3] =	sbarrier.arrive $0xFFFF;
	s2 =	simm.s32 @!p0 $0x1C01  }
0x4c: {  	[timem:s3], [sflag:s2] =	dma.local @!p0 [hbm:s0], s1  }
0x4d: {  	s0 =	simm.s32 @!p0 $0x1  }
0x4e: {  	_ =	swait.ge @!p0 [sflag:s0], s1  }
0x4f: {  	s1 =	ssub.s32 @!p0 $0x0, s1;
	[sflag:s0] =	ssyncset.done @!p0 $0x0  }
0x50: {  	[sflag:s0] =	ssyncadd.s32 @!p0 s1  }
0x51: {  	[bflag:$0x3] =	sbarrier.arrive $0xFFFF  }
0x52: {  	_ =	shalt  }

</sc_bundles>
